<compile_context>
chip_gen: v7x
topology: tpu7x:2x2x1
jax: 0.10.2.dev20260603
libtpu: 0.0.44.dev20260713+nightly
codegen_flags: <defaults>
</compile_context>

<pallas_src>
import functools

import jax
import jax.numpy as jnp
from jax import lax
from jax.experimental import pallas as pl
from jax.experimental.pallas import tpu as pltpu
from jax.experimental.pallas import tpu_sc as plsc

N = 10000
E = 320000
DIN = 128
DH = 64
DO = 32
G = 16

NC = 2
NS = 16
NW = NC * NS
CH = 125
EPW = E // NW
EPR = EPW // CH
KP = 4
TP = EPR // KP
KPR = 16
TPR = EPR // KPR
KD = 16
TD = EPR // KD
RPT = 624
REM = N - NS * RPT

_mesh = plsc.VectorSubcoreMesh(core_axis_name="c", subcore_axis_name="s")
_sc_params = pltpu.CompilerParams(use_tc_tiling_on_sc=False)


@functools.partial(
    pl.kernel,
    out_type=jax.ShapeDtypeStruct((NC, N, DH), jnp.float32),
    mesh=_mesh,
    compiler_params=_sc_params,
    scratch_types=[
        pltpu.VMEM((EPR, CH), jnp.int32),
        pltpu.VMEM((EPR, CH), jnp.int32),
        pltpu.VMEM((2, KP, CH, DH), jnp.float32),
        pltpu.MemorySpace.VMEM_SHARED((N, DH), jnp.float32),
        pltpu.SemaphoreType.DMA,
        pltpu.SemaphoreType.DMA,
    ],
)
def _prop64(src_hbm, dst_hbm, xs_hbm, z64_hbm, out_hbm,
            idx_s, idx_d, rows, acc, sem_g, sem_s):
    c = lax.axis_index("c")
    s = lax.axis_index("s")
    wid = c * NS + s
    row0 = wid * EPR
    pltpu.sync_copy(src_hbm.at[pl.ds(row0, EPR)], idx_s)
    pltpu.sync_copy(dst_hbm.at[pl.ds(row0, EPR)], idx_d)
    pltpu.sync_copy(z64_hbm, acc.at[pl.ds(s * RPT, RPT)])

    @pl.when(s == NS - 1)
    def _():
        pltpu.sync_copy(z64_hbm.at[pl.ds(0, REM)],
                        acc.at[pl.ds(NS * RPT, REM)])

    plsc.subcore_barrier()

    def fire_gather(t, b):
        for j in range(KP):
            pltpu.async_copy(xs_hbm.at[idx_s.at[t * KP + j]],
                             rows.at[b, j], sem_g)

    def drain_gather():
        for j in range(KP):
            pltpu.make_async_copy(xs_hbm.at[idx_s.at[0]],
                                  rows.at[0, j], sem_g).wait()

    def fire_scatter(t, b):
        for j in range(KP):
            pltpu.async_copy(rows.at[b, j], acc.at[idx_d.at[t * KP + j]],
                             sem_s, add=True)

    def drain_scatter():
        for j in range(KP):
            pltpu.make_async_copy(rows.at[0, j],
                                  acc.at[idx_d.at[0]], sem_s).wait()

    fire_gather(0, 0)

    def step(t, carry):
        b = lax.rem(t, 2)
        nb = 1 - b

        @pl.when(t >= 1)
        def _():
            drain_scatter()

        @pl.when(t < TP - 1)
        def _():
            fire_gather(t + 1, nb)

        drain_gather()
        fire_scatter(t, b)
        return carry

    lax.fori_loop(0, TP, step, 0)
    drain_scatter()
    plsc.subcore_barrier()
    pltpu.sync_copy(acc.at[pl.ds(s * RPT, RPT)],
                    out_hbm.at[c, pl.ds(s * RPT, RPT)])

    @pl.when(s == NS - 1)
    def _():
        pltpu.sync_copy(acc.at[pl.ds(NS * RPT, REM)],
                        out_hbm.at[c, pl.ds(NS * RPT, REM)])


@functools.partial(
    pl.kernel,
    out_type=jax.ShapeDtypeStruct((NC, N, G), jnp.float32),
    mesh=_mesh,
    compiler_params=_sc_params,
    scratch_types=[
        pltpu.VMEM((EPR, CH), jnp.int32),
        pltpu.VMEM((EPR, CH), jnp.int32),
        pltpu.VMEM((2, KPR, CH, G), jnp.float32),
        pltpu.MemorySpace.VMEM_SHARED((N, G), jnp.float32),
        pltpu.SemaphoreType.DMA,
        pltpu.SemaphoreType.DMA,
    ],
)
def _propr(src_hbm, dst_hbm, v_hbm, z16_hbm, out_hbm,
           idx_s, idx_d, rows, acc, sem_g, sem_s):
    c = lax.axis_index("c")
    s = lax.axis_index("s")
    wid = c * NS + s
    row0 = wid * EPR
    pltpu.sync_copy(src_hbm.at[pl.ds(row0, EPR)], idx_s)
    pltpu.sync_copy(dst_hbm.at[pl.ds(row0, EPR)], idx_d)

    @pl.when(c == 0)
    def _():
        pltpu.sync_copy(v_hbm.at[pl.ds(s * RPT, RPT)],
                        acc.at[pl.ds(s * RPT, RPT)])

    @pl.when(c != 0)
    def _():
        pltpu.sync_copy(z16_hbm, acc.at[pl.ds(s * RPT, RPT)])

    @pl.when(s == NS - 1)
    def _():
        @pl.when(c == 0)
        def _():
            pltpu.sync_copy(v_hbm.at[pl.ds(NS * RPT, REM)],
                            acc.at[pl.ds(NS * RPT, REM)])

        @pl.when(c != 0)
        def _():
            pltpu.sync_copy(z16_hbm.at[pl.ds(0, REM)],
                            acc.at[pl.ds(NS * RPT, REM)])

    plsc.subcore_barrier()

    def fire_gather(t, b):
        for j in range(KPR):
            pltpu.async_copy(v_hbm.at[idx_d.at[t * KPR + j]],
                             rows.at[b, j], sem_g)

    def drain_gather():
        for j in range(KPR):
            pltpu.make_async_copy(v_hbm.at[idx_d.at[0]],
                                  rows.at[0, j], sem_g).wait()

    def fire_scatter(t, b):
        for j in range(KPR):
            pltpu.async_copy(rows.at[b, j], acc.at[idx_s.at[t * KPR + j]],
                             sem_s, add=True)

    def drain_scatter():
        for j in range(KPR):
            pltpu.make_async_copy(rows.at[0, j],
                                  acc.at[idx_s.at[0]], sem_s).wait()

    fire_gather(0, 0)

    def step(t, carry):
        b = lax.rem(t, 2)
        nb = 1 - b

        @pl.when(t >= 1)
        def _():
            drain_scatter()

        @pl.when(t < TPR - 1)
        def _():
            fire_gather(t + 1, nb)

        drain_gather()
        fire_scatter(t, b)
        return carry

    lax.fori_loop(0, TPR, step, 0)
    drain_scatter()
    plsc.subcore_barrier()
    pltpu.sync_copy(acc.at[pl.ds(s * RPT, RPT)],
                    out_hbm.at[c, pl.ds(s * RPT, RPT)])

    @pl.when(s == NS - 1)
    def _():
        pltpu.sync_copy(acc.at[pl.ds(NS * RPT, REM)],
                        out_hbm.at[c, pl.ds(NS * RPT, REM)])


@functools.partial(
    pl.kernel,
    out_type=jax.ShapeDtypeStruct((NC, N, G), jnp.float32),
    mesh=_mesh,
    compiler_params=_sc_params,
    scratch_types=[
        pltpu.VMEM((EPR, CH), jnp.int32),
        pltpu.VMEM((CH, G), jnp.float32),
        pltpu.MemorySpace.VMEM_SHARED((N, G), jnp.float32),
        pltpu.SemaphoreType.DMA,
    ],
)
def _deg(dst_hbm, ones_hbm, zeros_hbm, out_hbm, idx_d, ones_v, acc, sem_s):
    c = lax.axis_index("c")
    s = lax.axis_index("s")
    wid = c * NS + s
    pltpu.sync_copy(ones_hbm, ones_v)
    pltpu.sync_copy(dst_hbm.at[pl.ds(wid * EPR, EPR)], idx_d)
    pltpu.sync_copy(zeros_hbm, acc.at[pl.ds(s * RPT, RPT)])

    @pl.when(s == NS - 1)
    def _():
        pltpu.sync_copy(zeros_hbm.at[pl.ds(0, REM)],
                        acc.at[pl.ds(NS * RPT, REM)])

    plsc.subcore_barrier()

    def drain():
        for j in range(KD):
            pltpu.make_async_copy(ones_v, acc.at[idx_d.at[0]], sem_s).wait()

    def step(t, carry):
        @pl.when(t >= 1)
        def _():
            drain()

        for j in range(KD):
            pltpu.async_copy(ones_v, acc.at[idx_d.at[t * KD + j]], sem_s,
                             add=True)
        return carry

    lax.fori_loop(0, TD, step, 0)
    drain()
    plsc.subcore_barrier()
    pltpu.sync_copy(acc.at[pl.ds(s * RPT, RPT)],
                    out_hbm.at[c, pl.ds(s * RPT, RPT)])

    @pl.when(s == NS - 1)
    def _():
        pltpu.sync_copy(acc.at[pl.ds(NS * RPT, REM)],
                        out_hbm.at[c, pl.ds(NS * RPT, REM)])


def _tca_body(x_ref, w1_ref, xw_ref):
    xw_ref[...] = jnp.dot(x_ref[...], w1_ref[...],
                          preferred_element_type=jnp.float32)


def _tc1_body(xw_ref, degp_ref, batch_ref, xs1_ref, dinvb_ref, v_ref,
              counts_ref):
    deg = degp_ref[0, :, 0:1] + degp_ref[1, :, 0:1] + 1.0
    dinv = lax.rsqrt(deg)
    xs1_ref[...] = xw_ref[...] * dinv
    dinvb_ref[...] = jnp.broadcast_to(dinv, (N, DH))
    gids = lax.broadcasted_iota(jnp.int32, (N, G), 1)
    onehot = (batch_ref[...] == gids).astype(jnp.float32)
    v_ref[...] = onehot * dinv
    counts_ref[...] = lax.dot_general(onehot, jnp.ones((N, 1), jnp.float32),
                                      (((0,), (0,)), ((), ())),
                                      preferred_element_type=jnp.float32)


def _tc2_body(acc1_ref, xs1_ref, dinvb_ref, m_ref, counts_ref, scal_ref,
              b1_ref, w2_ref, b2_ref, w3_ref, b3_ref, w4_ref, b4_ref,
              out_ref):
    tot = acc1_ref[0] + acc1_ref[1] + xs1_ref[...]
    h1 = jnp.maximum(dinvb_ref[...] * tot + b1_ref[...], 0.0)
    xs2 = (jnp.dot(h1, w2_ref[...], preferred_element_type=jnp.float32)
           * dinvb_ref[:, :DO])
    m = m_ref[0] + m_ref[1]
    sums = lax.dot_general(m, xs2, (((0,), (0,)), ((), ())),
                           preferred_element_type=jnp.float32)
    counts = counts_ref[...]
    pooled = (sums + counts * b2_ref[...]) / jnp.maximum(counts, 1.0)
    comb = jnp.concatenate([pooled, scal_ref[...]], axis=1)
    z = jnp.maximum(
        jnp.dot(comb, w3_ref[...], preferred_element_type=jnp.float32)
        + b3_ref[...], 0.0)
    o = jnp.dot(z, w4_ref[...], preferred_element_type=jnp.float32) + b4_ref[...]
    out_ref[...] = 1.0 / (1.0 + jnp.exp(-o))


_tca = pl.pallas_call(
    _tca_body,
    out_shape=jax.ShapeDtypeStruct((N, DH), jnp.float32),
)

_tc1 = pl.pallas_call(
    _tc1_body,
    out_shape=[jax.ShapeDtypeStruct((N, DH), jnp.float32),
               jax.ShapeDtypeStruct((N, DH), jnp.float32),
               jax.ShapeDtypeStruct((N, G), jnp.float32),
               jax.ShapeDtypeStruct((G, 1), jnp.float32)],
)

_tc2 = pl.pallas_call(
    _tc2_body,
    out_shape=jax.ShapeDtypeStruct((G, 1), jnp.float32),
)


def kernel(x, edge_index, batch, scalars, W1, b1, W2, b2, W3, b3, W4, b4):
    src2d = edge_index[0].astype(jnp.int32).reshape(E // CH, CH)
    dst2d = edge_index[1].astype(jnp.int32).reshape(E // CH, CH)
    batch2d = batch.astype(jnp.int32).reshape(N, 1)
    ones16 = jnp.ones((CH, G), jnp.float32)
    z16 = jnp.zeros((RPT, G), jnp.float32)
    z64 = jnp.zeros((RPT, DH), jnp.float32)

    xw = _tca(x, W1)
    degp = _deg(dst2d, ones16, z16)
    xs1, dinvb, v, counts = _tc1(xw, degp, batch2d)
    acc1 = _prop64(src2d, dst2d, xs1, z64)
    accr = _propr(src2d, dst2d, v, z16)
    out = _tc2(acc1, xs1, dinvb, accr, counts, scalars,
               b1.reshape(1, DH), W2, b2.reshape(1, DO),
               W3, b3.reshape(1, DH), W4, b4.reshape(1, 1))
    return out

# --- scband reference (transcript-rebuilt; emitter-appended) ---
"""Pipeline reference for scband-supra-gnnclassifier-82154134438094 (READ-ONLY COPY).

The authoritative reference and input builder live on the scoring server;
editing this copy changes nothing except your own understanding.
"""

import jax, jax.numpy as jnp
import numpy as np

N_NODES = 10000
N_EDGES = 320000
D_IN = 128
D_HID = 64
D_OUT = 32
D_SCALAR = 2
N_GRAPHS = 16


def setup_inputs(seed: int = 0) -> dict:
    key = jax.random.key(seed)
    ks = jax.random.split(key, 12)
    x = jax.random.normal(ks[0], (N_NODES, D_IN), dtype=jnp.float32)
    edge_index = jax.random.randint(ks[1], (2, N_EDGES), 0, N_NODES, dtype=jnp.int64)
    batch = jnp.sort(jax.random.randint(ks[2], (N_NODES,), 0, N_GRAPHS, dtype=jnp.int64))
    scalars = jax.random.normal(ks[3], (N_GRAPHS, D_SCALAR), dtype=jnp.float32)
    # GCNConv params (glorot-ish init)
    W1 = jax.random.normal(ks[4], (D_IN, D_HID), dtype=jnp.float32) / np.sqrt(D_IN)
    b1 = jnp.zeros((D_HID,), dtype=jnp.float32)
    W2 = jax.random.normal(ks[5], (D_HID, D_OUT), dtype=jnp.float32) / np.sqrt(D_HID)
    b2 = jnp.zeros((D_OUT,), dtype=jnp.float32)
    # MLP params
    comb = D_OUT + D_SCALAR
    W3 = jax.random.normal(ks[6], (comb, D_HID), dtype=jnp.float32) / np.sqrt(comb)
    b3 = jnp.zeros((D_HID,), dtype=jnp.float32)
    W4 = jax.random.normal(ks[7], (D_HID, 1), dtype=jnp.float32) / np.sqrt(D_HID)
    b4 = jnp.zeros((1,), dtype=jnp.float32)
    return {"x": x, "edge_index": edge_index, "batch": batch, "scalars": scalars,
            "W1": W1, "b1": b1, "W2": W2, "b2": b2, "W3": W3, "b3": b3, "W4": W4, "b4": b4}


def _gcn_conv(x, edge_index, W, b):
    n = x.shape[0]
    src = edge_index[0]
    dst = edge_index[1]
    loop = jnp.arange(n, dtype=src.dtype)
    src = jnp.concatenate([src, loop])
    dst = jnp.concatenate([dst, loop])
    deg = jnp.zeros((n,), dtype=x.dtype).at[dst].add(1.0)
    dinv = jnp.where(deg > 0, 1.0 / jnp.sqrt(deg), 0.0)
    norm = dinv[src] * dinv[dst]
    h = x @ W
    msg = h[src] * norm[:, None]
    out = jnp.zeros((n, W.shape[1]), dtype=x.dtype).at[dst].add(msg)
    return out + b


def _global_mean_pool(x, batch, num_graphs):
    sums = jax.ops.segment_sum(x, batch, num_segments=num_graphs)
    counts = jax.ops.segment_sum(jnp.ones((x.shape[0],), dtype=x.dtype), batch, num_segments=num_graphs)
    return sums / jnp.maximum(counts, 1.0)[:, None]


def reference(x, edge_index, batch, scalars, W1, b1, W2, b2, W3, b3, W4, b4):
    h = jax.nn.relu(_gcn_conv(x, edge_index, W1, b1))
    h = _gcn_conv(h, edge_index, W2, b2)
    graph_emb = _global_mean_pool(h, batch, N_GRAPHS)
    combined = jnp.concatenate([graph_emb, scalars], axis=1)
    z = jax.nn.relu(combined @ W3 + b3)
    out = jax.nn.sigmoid(z @ W4 + b4)
    return out.reshape(-1, 1)

if __name__ == "__main__":
    import jax
    _d = setup_inputs()
    print(jax.jit(kernel)(*tuple(_d.values())))

</pallas_src>

<mosaic_0001>
#map = affine_map<(d0, d1) -> (0, 0)>
#map1 = affine_map<(d0, d1) -> (0, 0, 0)>
module attributes {stable_mosaic.version = 14 : i64} {
  func.func @_deg(%arg0: i32, %arg1: i32, %arg2: memref<2560x125xi32, #tpu.memory_space<hbm>>, %arg3: memref<125x16xf32, #tpu.memory_space<hbm>>, %arg4: memref<624x16xf32, #tpu.memory_space<hbm>>, %arg5: memref<2x10000x16xf32, #tpu.memory_space<hbm>>, %arg6: memref<80x125xi32, #tpu.memory_space<vmem>>, %arg7: memref<125x16xf32, #tpu.memory_space<vmem>>, %arg8: memref<10000x16xf32, #tpu.memory_space<vmem_shared>>, %arg9: memref<!tpu.dma_semaphore, #tpu.memory_space<semaphore_mem>>) attributes {dimension_semantics = [#tpu.dimension_semantics<core_parallel>, #tpu.dimension_semantics<subcore_parallel>], iteration_bounds = array<i64: 2, 16>, scalar_prefetch = 0 : i64, scratch_operands = 4 : i64, tpu.core_type = #tpu.core_type<sc_vector_subcore>, window_params = [{transform_indices = #map}, {transform_indices = #map}, {transform_indices = #map}, {transform_indices = #map1}]} {
    %mul3A = arith.constant 16 : i32
    %mul3A_0 = arith.muli %arg0, %mul3A : i32
    %add3A = arith.addi %mul3A_0, %arg1 : i32
    "tpu.region"() ({
      %run_scoped3A = tpu.sem_alloc : memref<!tpu.dma_semaphore, #tpu.memory_space<semaphore_mem>>
      tpu.enqueue_dma source(%arg3 : memref<125x16xf32, #tpu.memory_space<hbm>>) target(%arg7 : memref<125x16xf32, #tpu.memory_space<vmem>>) target_semaphore(%run_scoped3A : memref<!tpu.dma_semaphore, #tpu.memory_space<semaphore_mem>>)
      tpu.wait_dma2 semaphore(%run_scoped3A : memref<!tpu.dma_semaphore, #tpu.memory_space<semaphore_mem>>) src(%arg3 : memref<125x16xf32, #tpu.memory_space<hbm>>) dst(%arg7 : memref<125x16xf32, #tpu.memory_space<vmem>>)
      tpu.yield
    }) : () -> ()
    %mul3A_1 = arith.constant 80 : i32
    %mul3A_2 = arith.muli %add3A, %mul3A_1 : i32
    "tpu.region"() ({
      %run_scoped3A = tpu.sem_alloc : memref<!tpu.dma_semaphore, #tpu.memory_space<semaphore_mem>>
      %dma_start3A = arith.constant 0 : i32
      %dma_start3A_133 = tpu.memref_slice %arg2[%mul3A_2, %dma_start3A] : memref<2560x125xi32, #tpu.memory_space<hbm>> -> memref<80x125xi32, #tpu.memory_space<hbm>>
      %dma_start3A_134 = arith.constant 0 : i32
      %dma_start3A_135 = tpu.memref_slice %arg2[%mul3A_2, %dma_start3A_134] : memref<2560x125xi32, #tpu.memory_space<hbm>> -> memref<80x125xi32, #tpu.memory_space<hbm>>
      tpu.enqueue_dma source(%dma_start3A_135 : memref<80x125xi32, #tpu.memory_space<hbm>>) target(%arg6 : memref<80x125xi32, #tpu.memory_space<vmem>>) target_semaphore(%run_scoped3A : memref<!tpu.dma_semaphore, #tpu.memory_space<semaphore_mem>>)
      %dma_wait3A_136 = arith.constant 0 : i32
      %dma_wait3A_137 = tpu.memref_slice %arg2[%mul3A_2, %dma_wait3A_136] : memref<2560x125xi32, #tpu.memory_space<hbm>> -> memref<80x125xi32, #tpu.memory_space<hbm>>
      %dma_wait3A_138 = arith.constant 0 : i32
      %dma_wait3A_139 = tpu.memref_slice %arg2[%mul3A_2, %dma_wait3A_138] : memref<2560x125xi32, #tpu.memory_space<hbm>> -> memref<80x125xi32, #tpu.memory_space<hbm>>
      tpu.wait_dma2 semaphore(%run_scoped3A : memref<!tpu.dma_semaphore, #tpu.memory_space<semaphore_mem>>) src(%dma_wait3A_139 : memref<80x125xi32, #tpu.memory_space<hbm>>) dst(%arg6 : memref<80x125xi32, #tpu.memory_space<vmem>>)
      tpu.yield
    }) : () -> ()
    %mul3A_3 = arith.constant 624 : i32
    %mul3A_4 = arith.muli %arg1, %mul3A_3 : i32
    "tpu.region"() ({
      %run_scoped3A = tpu.sem_alloc : memref<!tpu.dma_semaphore, #tpu.memory_space<semaphore_mem>>
      %dma_start3A = arith.constant 0 : i32
      %dma_start3A_133 = tpu.memref_slice %arg8[%mul3A_4, %dma_start3A] : memref<10000x16xf32, #tpu.memory_space<vmem_shared>> -> memref<624x16xf32, #tpu.memory_space<vmem_shared>>
      tpu.enqueue_dma source(%arg4 : memref<624x16xf32, #tpu.memory_space<hbm>>) target(%dma_start3A_133 : memref<624x16xf32, #tpu.memory_space<vmem_shared>>) target_semaphore(%run_scoped3A : memref<!tpu.dma_semaphore, #tpu.memory_space<semaphore_mem>>)
      %dma_wait3A_134 = arith.constant 0 : i32
      %dma_wait3A_135 = tpu.memref_slice %arg8[%mul3A_4, %dma_wait3A_134] : memref<10000x16xf32, #tpu.memory_space<vmem_shared>> -> memref<624x16xf32, #tpu.memory_space<vmem_shared>>
      tpu.wait_dma2 semaphore(%run_scoped3A : memref<!tpu.dma_semaphore, #tpu.memory_space<semaphore_mem>>) src(%arg4 : memref<624x16xf32, #tpu.memory_space<hbm>>) dst(%dma_wait3A_135 : memref<624x16xf32, #tpu.memory_space<vmem_shared>>)
      tpu.yield
    }) : () -> ()
    %eq3A = arith.constant 15 : i32
    %eq3A_5 = arith.cmpi eq, %arg1, %eq3A : i32
    %convert_element_type3A = arith.extui %eq3A_5 : i1 to i32
    %cond3A = arith.constant 0 : i32
    %cond3A_6 = arith.cmpi ne, %convert_element_type3A, %cond3A : i32
    scf.if %cond3A_6 {
      "tpu.region"() ({
        %run_scoped3A = tpu.sem_alloc : memref<!tpu.dma_semaphore, #tpu.memory_space<semaphore_mem>>
        %dma_start3A = arith.constant 9984 : i32
        %dma_start3A_133 = arith.constant 0 : i32
        %dma_start3A_134 = tpu.memref_slice %arg8[%dma_start3A, %dma_start3A_133] : memref<10000x16xf32, #tpu.memory_space<vmem_shared>> -> memref<16x16xf32, #tpu.memory_space<vmem_shared>>
        %dma_start3A_135 = arith.constant 0 : i32
        %dma_start3A_136 = arith.constant 0 : i32
        %dma_start3A_137 = tpu.memref_slice %arg4[%dma_start3A_135, %dma_start3A_136] : memref<624x16xf32, #tpu.memory_space<hbm>> -> memref<16x16xf32, #tpu.memory_space<hbm>>
        tpu.enqueue_dma source(%dma_start3A_137 : memref<16x16xf32, #tpu.memory_space<hbm>>) target(%dma_start3A_134 : memref<16x16xf32, #tpu.memory_space<vmem_shared>>) target_semaphore(%run_scoped3A : memref<!tpu.dma_semaphore, #tpu.memory_space<semaphore_mem>>)
        %dma_wait3A_138 = arith.constant 9984 : i32
        %dma_wait3A_139 = arith.constant 0 : i32
        %dma_wait3A_140 = tpu.memref_slice %arg8[%dma_wait3A_138, %dma_wait3A_139] : memref<10000x16xf32, #tpu.memory_space<vmem_shared>> -> memref<16x16xf32, #tpu.memory_space<vmem_shared>>
        %dma_wait3A_141 = arith.constant 0 : i32
        %dma_wait3A_142 = arith.constant 0 : i32
        %dma_wait3A_143 = tpu.memref_slice %arg4[%dma_wait3A_141, %dma_wait3A_142] : memref<624x16xf32, #tpu.memory_space<hbm>> -> memref<16x16xf32, #tpu.memory_space<hbm>>
        tpu.wait_dma2 semaphore(%run_scoped3A : memref<!tpu.dma_semaphore, #tpu.memory_space<semaphore_mem>>) src(%dma_wait3A_143 : memref<16x16xf32, #tpu.memory_space<hbm>>) dst(%dma_wait3A_140 : memref<16x16xf32, #tpu.memory_space<vmem_shared>>)
        tpu.yield
      }) : () -> ()
    } else {
    }
    %barrier3A = arith.constant 0 : index
    tpu.barrier barrier_id(%barrier3A)
    %scan3A = arith.constant 0 : i32
    %scan3A_7 = arith.constant 0 : i32
    %scan3A_8 = arith.constant 5 : i32
    %scan3A_9 = arith.addi %scan3A_7, %scan3A_8 : i32
    %scan3A_10 = arith.constant 1 : i32
    scf.for %scan3A_133 = %scan3A_7 to %scan3A_9 step %scan3A_10  : i32 {
      %ge3A = arith.constant 1 : i32
      %ge3A_134 = arith.cmpi sge, %scan3A_133, %ge3A : i32
      %convert_element_type3A_135 = arith.extui %ge3A_134 : i1 to i32
      %cond3A_136 = arith.constant 0 : i32
      %cond3A_137 = arith.cmpi ne, %convert_element_type3A_135, %cond3A_136 : i32
      scf.if %cond3A_137 {
        %dma_wait3A_297 = arith.constant 0 : i32
        %dma_wait3A_298 = arith.constant 0 : i32
        %dma_wait3A_299 = tpu.memref_slice %arg6[%dma_wait3A_297, %dma_wait3A_298] : memref<80x125xi32, #tpu.memory_space<vmem>> -> memref<1x125xi32, #tpu.memory_space<vmem>>
        %dma_wait3A_300 = tpu.memref_squeeze %dma_wait3A_299 : memref<1x125xi32, #tpu.memory_space<vmem>> -> memref<125xi32, #tpu.memory_space<vmem>>
        %dma_wait3A_301 = arith.constant 0 : i32
        %dma_wait3A_302 = arith.constant 0 : i32
        %dma_wait3A_303 = tpu.memref_slice %arg8[%dma_wait3A_301, %dma_wait3A_302] : memref<10000x16xf32, #tpu.memory_space<vmem_shared>> -> memref<10000x16xf32, #tpu.memory_space<vmem_shared>>
        tpu.wait_indirect_dma semaphore(%arg9 : memref<!tpu.dma_semaphore, #tpu.memory_space<semaphore_mem>>) src(%arg7 : memref<125x16xf32, #tpu.memory_space<vmem>>) dst(%dma_wait3A_303 : memref<10000x16xf32, #tpu.memory_space<vmem_shared>>)
        %dma_wait3A_304 = arith.constant 0 : i32
        %dma_wait3A_305 = arith.constant 0 : i32
        %dma_wait3A_306 = tpu.memref_slice %arg6[%dma_wait3A_304, %dma_wait3A_305] : memref<80x125xi32, #tpu.memory_space<vmem>> -> memref<1x125xi32, #tpu.memory_space<vmem>>
        %dma_wait3A_307 = tpu.memref_squeeze %dma_wait3A_306 : memref<1x125xi32, #tpu.memory_space<vmem>> -> memref<125xi32, #tpu.memory_space<vmem>>
        %dma_wait3A_308 = arith.constant 0 : i32
        %dma_wait3A_309 = arith.constant 0 : i32
        %dma_wait3A_310 = tpu.memref_slice %arg8[%dma_wait3A_308, %dma_wait3A_309] : memref<10000x16xf32, #tpu.memory_space<vmem_shared>> -> memref<10000x16xf32, #tpu.memory_space<vmem_shared>>
        tpu.wait_indirect_dma semaphore(%arg9 : memref<!tpu.dma_semaphore, #tpu.memory_space<semaphore_mem>>) src(%arg7 : memref<125x16xf32, #tpu.memory_space<vmem>>) dst(%dma_wait3A_310 : memref<10000x16xf32, #tpu.memory_space<vmem_shared>>)
        %dma_wait3A_311 = arith.constant 0 : i32
        %dma_wait3A_312 = arith.constant 0 : i32
        %dma_wait3A_313 = tpu.memref_slice %arg6[%dma_wait3A_311, %dma_wait3A_312] : memref<80x125xi32, #tpu.memory_space<vmem>> -> memref<1x125xi32, #tpu.memory_space<vmem>>
        %dma_wait3A_314 = tpu.memref_squeeze %dma_wait3A_313 : memref<1x125xi32, #tpu.memory_space<vmem>> -> memref<125xi32, #tpu.memory_space<vmem>>
        %dma_wait3A_315 = arith.constant 0 : i32
        %dma_wait3A_316 = arith.constant 0 : i32
        %dma_wait3A_317 = tpu.memref_slice %arg8[%dma_wait3A_315, %dma_wait3A_316] : memref<10000x16xf32, #tpu.memory_space<vmem_shared>> -> memref<10000x16xf32, #tpu.memory_space<vmem_shared>>
        tpu.wait_indirect_dma semaphore(%arg9 : memref<!tpu.dma_semaphore, #tpu.memory_space<semaphore_mem>>) src(%arg7 : memref<125x16xf32, #tpu.memory_space<vmem>>) dst(%dma_wait3A_317 : memref<10000x16xf32, #tpu.memory_space<vmem_shared>>)
        %dma_wait3A_318 = arith.constant 0 : i32
        %dma_wait3A_319 = arith.constant 0 : i32
        %dma_wait3A_320 = tpu.memref_slice %arg6[%dma_wait3A_318, %dma_wait3A_319] : memref<80x125xi32, #tpu.memory_space<vmem>> -> memref<1x125xi32, #tpu.memory_space<vmem>>
        %dma_wait3A_321 = tpu.memref_squeeze %dma_wait3A_320 : memref<1x125xi32, #tpu.memory_space<vmem>> -> memref<125xi32, #tpu.memory_space<vmem>>
        %dma_wait3A_322 = arith.constant 0 : i32
        %dma_wait3A_323 = arith.constant 0 : i32
        %dma_wait3A_324 = tpu.memref_slice %arg8[%dma_wait3A_322, %dma_wait3A_323] : memref<10000x16xf32, #tpu.memory_space<vmem_shared>> -> memref<10000x16xf32, #tpu.memory_space<vmem_shared>>
        tpu.wait_indirect_dma semaphore(%arg9 : memref<!tpu.dma_semaphore, #tpu.memory_space<semaphore_mem>>) src(%arg7 : memref<125x16xf32, #tpu.memory_space<vmem>>) dst(%dma_wait3A_324 : memref<10000x16xf32, #tpu.memory_space<vmem_shared>>)
        %dma_wait3A_325 = arith.constant 0 : i32
        %dma_wait3A_326 = arith.constant 0 : i32
        %dma_wait3A_327 = tpu.memref_slice %arg6[%dma_wait3A_325, %dma_wait3A_326] : memref<80x125xi32, #tpu.memory_space<vmem>> -> memref<1x125xi32, #tpu.memory_space<vmem>>
        %dma_wait3A_328 = tpu.memref_squeeze %dma_wait3A_327 : memref<1x125xi32, #tpu.memory_space<vmem>> -> memref<125xi32, #tpu.memory_space<vmem>>
        %dma_wait3A_329 = arith.constant 0 : i32
        %dma_wait3A_330 = arith.constant 0 : i32
        %dma_wait3A_331 = tpu.memref_slice %arg8[%dma_wait3A_329, %dma_wait3A_330] : memref<10000x16xf32, #tpu.memory_space<vmem_shared>> -> memref<10000x16xf32, #tpu.memory_space<vmem_shared>>
        tpu.wait_indirect_dma semaphore(%arg9 : memref<!tpu.dma_semaphore, #tpu.memory_space<semaphore_mem>>) src(%arg7 : memref<125x16xf32, #tpu.memory_space<vmem>>) dst(%dma_wait3A_331 : memref<10000x16xf32, #tpu.memory_space<vmem_shared>>)
        %dma_wait3A_332 = arith.constant 0 : i32
        %dma_wait3A_333 = arith.constant 0 : i32
        %dma_wait3A_334 = tpu.memref_slice %arg6[%dma_wait3A_332, %dma_wait3A_333] : memref<80x125xi32, #tpu.memory_space<vmem>> -> memref<1x125xi32, #tpu.memory_space<vmem>>
        %dma_wait3A_335 = tpu.memref_squeeze %dma_wait3A_334 : memref<1x125xi32, #tpu.memory_space<vmem>> -> memref<125xi32, #tpu.memory_space<vmem>>
        %dma_wait3A_336 = arith.constant 0 : i32
        %dma_wait3A_337 = arith.constant 0 : i32
        %dma_wait3A_338 = tpu.memref_slice %arg8[%dma_wait3A_336, %dma_wait3A_337] : memref<10000x16xf32, #tpu.memory_space<vmem_shared>> -> memref<10000x16xf32, #tpu.memory_space<vmem_shared>>
        tpu.wait_indirect_dma semaphore(%arg9 : memref<!tpu.dma_semaphore, #tpu.memory_space<semaphore_mem>>) src(%arg7 : memref<125x16xf32, #tpu.memory_space<vmem>>) dst(%dma_wait3A_338 : memref<10000x16xf32, #tpu.memory_space<vmem_shared>>)
        %dma_wait3A_339 = arith.constant 0 : i32
        %dma_wait3A_340 = arith.constant 0 : i32
        %dma_wait3A_341 = tpu.memref_slice %arg6[%dma_wait3A_339, %dma_wait3A_340] : memref<80x125xi32, #tpu.memory_space<vmem>> -> memref<1x125xi32, #tpu.memory_space<vmem>>
        %dma_wait3A_342 = tpu.memref_squeeze %dma_wait3A_341 : memref<1x125xi32, #tpu.memory_space<vmem>> -> memref<125xi32, #tpu.memory_space<vmem>>
        %dma_wait3A_343 = arith.constant 0 : i32
        %dma_wait3A_344 = arith.constant 0 : i32
        %dma_wait3A_345 = tpu.memref_slice %arg8[%dma_wait3A_343, %dma_wait3A_344] : memref<10000x16xf32, #tpu.memory_space<vmem_shared>> -> memref<10000x16xf32, #tpu.memory_space<vmem_shared>>
        tpu.wait_indirect_dma semaphore(%arg9 : memref<!tpu.dma_semaphore, #tpu.memory_space<semaphore_mem>>) src(%arg7 : memref<125x16xf32, #tpu.memory_space<vmem>>) dst(%dma_wait3A_345 : memref<10000x16xf32, #tpu.memory_space<vmem_shared>>)
        %dma_wait3A_346 = arith.constant 0 : i32
        %dma_wait3A_347 = arith.constant 0 : i32
        %dma_wait3A_348 = tpu.memref_slice %arg6[%dma_wait3A_346, %dma_wait3A_347] : memref<80x125xi32, #tpu.memory_space<vmem>> -> memref<1x125xi32, #tpu.memory_space<vmem>>
        %dma_wait3A_349 = tpu.memref_squeeze %dma_wait3A_348 : memref<1x125xi32, #tpu.memory_space<vmem>> -> memref<125xi32, #tpu.memory_space<vmem>>
        %dma_wait3A_350 = arith.constant 0 : i32
        %dma_wait3A_351 = arith.constant 0 : i32
        %dma_wait3A_352 = tpu.memref_slice %arg8[%dma_wait3A_350, %dma_wait3A_351] : memref<10000x16xf32, #tpu.memory_space<vmem_shared>> -> memref<10000x16xf32, #tpu.memory_space<vmem_shared>>
        tpu.wait_indirect_dma semaphore(%arg9 : memref<!tpu.dma_semaphore, #tpu.memory_space<semaphore_mem>>) src(%arg7 : memref<125x16xf32, #tpu.memory_space<vmem>>) dst(%dma_wait3A_352 : memref<10000x16xf32, #tpu.memory_space<vmem_shared>>)
        %dma_wait3A_353 = arith.constant 0 : i32
        %dma_wait3A_354 = arith.constant 0 : i32
        %dma_wait3A_355 = tpu.memref_slice %arg6[%dma_wait3A_353, %dma_wait3A_354] : memref<80x125xi32, #tpu.memory_space<vmem>> -> memref<1x125xi32, #tpu.memory_space<vmem>>
        %dma_wait3A_356 = tpu.memref_squeeze %dma_wait3A_355 : memref<1x125xi32, #tpu.memory_space<vmem>> -> memref<125xi32, #tpu.memory_space<vmem>>
        %dma_wait3A_357 = arith.constant 0 : i32
        %dma_wait3A_358 = arith.constant 0 : i32
        %dma_wait3A_359 = tpu.memref_slice %arg8[%dma_wait3A_357, %dma_wait3A_358] : memref<10000x16xf32, #tpu.memory_space<vmem_shared>> -> memref<10000x16xf32, #tpu.memory_space<vmem_shared>>
        tpu.wait_indirect_dma semaphore(%arg9 : memref<!tpu.dma_semaphore, #tpu.memory_space<semaphore_mem>>) src(%arg7 : memref<125x16xf32, #tpu.memory_space<vmem>>) dst(%dma_wait3A_359 : memref<10000x16xf32, #tpu.memory_space<vmem_shared>>)
        %dma_wait3A_360 = arith.constant 0 : i32
        %dma_wait3A_361 = arith.constant 0 : i32
        %dma_wait3A_362 = tpu.memref_slice %arg6[%dma_wait3A_360, %dma_wait3A_361] : memref<80x125xi32, #tpu.memory_space<vmem>> -> memref<1x125xi32, #tpu.memory_space<vmem>>
        %dma_wait3A_363 = tpu.memref_squeeze %dma_wait3A_362 : memref<1x125xi32, #tpu.memory_space<vmem>> -> memref<125xi32, #tpu.memory_space<vmem>>
        %dma_wait3A_364 = arith.constant 0 : i32
        %dma_wait3A_365 = arith.constant 0 : i32
        %dma_wait3A_366 = tpu.memref_slice %arg8[%dma_wait3A_364, %dma_wait3A_365] : memref<10000x16xf32, #tpu.memory_space<vmem_shared>> -> memref<10000x16xf32, #tpu.memory_space<vmem_shared>>
        tpu.wait_indirect_dma semaphore(%arg9 : memref<!tpu.dma_semaphore, #tpu.memory_space<semaphore_mem>>) src(%arg7 : memref<125x16xf32, #tpu.memory_space<vmem>>) dst(%dma_wait3A_366 : memref<10000x16xf32, #tpu.memory_space<vmem_shared>>)
        %dma_wait3A_367 = arith.constant 0 : i32
        %dma_wait3A_368 = arith.constant 0 : i32
        %dma_wait3A_369 = tpu.memref_slice %arg6[%dma_wait3A_367, %dma_wait3A_368] : memref<80x125xi32, #tpu.memory_space<vmem>> -> memref<1x125xi32, #tpu.memory_space<vmem>>
        %dma_wait3A_370 = tpu.memref_squeeze %dma_wait3A_369 : memref<1x125xi32, #tpu.memory_space<vmem>> -> memref<125xi32, #tpu.memory_space<vmem>>
        %dma_wait3A_371 = arith.constant 0 : i32
        %dma_wait3A_372 = arith.constant 0 : i32
        %dma_wait3A_373 = tpu.memref_slice %arg8[%dma_wait3A_371, %dma_wait3A_372] : memref<10000x16xf32, #tpu.memory_space<vmem_shared>> -> memref<10000x16xf32, #tpu.memory_space<vmem_shared>>
        tpu.wait_indirect_dma semaphore(%arg9 : memref<!tpu.dma_semaphore, #tpu.memory_space<semaphore_mem>>) src(%arg7 : memref<125x16xf32, #tpu.memory_space<vmem>>) dst(%dma_wait3A_373 : memref<10000x16xf32, #tpu.memory_space<vmem_shared>>)
        %dma_wait3A_374 = arith.constant 0 : i32
        %dma_wait3A_375 = arith.constant 0 : i32
        %dma_wait3A_376 = tpu.memref_slice %arg6[%dma_wait3A_374, %dma_wait3A_375] : memref<80x125xi32, #tpu.memory_space<vmem>> -> memref<1x125xi32, #tpu.memory_space<vmem>>
        %dma_wait3A_377 = tpu.memref_squeeze %dma_wait3A_376 : memref<1x125xi32, #tpu.memory_space<vmem>> -> memref<125xi32, #tpu.memory_space<vmem>>
        %dma_wait3A_378 = arith.constant 0 : i32
        %dma_wait3A_379 = arith.constant 0 : i32
        %dma_wait3A_380 = tpu.memref_slice %arg8[%dma_wait3A_378, %dma_wait3A_379] : memref<10000x16xf32, #tpu.memory_space<vmem_shared>> -> memref<10000x16xf32, #tpu.memory_space<vmem_shared>>
        tpu.wait_indirect_dma semaphore(%arg9 : memref<!tpu.dma_semaphore, #tpu.memory_space<semaphore_mem>>) src(%arg7 : memref<125x16xf32, #tpu.memory_space<vmem>>) dst(%dma_wait3A_380 : memref<10000x16xf32, #tpu.memory_space<vmem_shared>>)
        %dma_wait3A_381 = arith.constant 0 : i32
        %dma_wait3A_382 = arith.constant 0 : i32
        %dma_wait3A_383 = tpu.memref_slice %arg6[%dma_wait3A_381, %dma_wait3A_382] : memref<80x125xi32, #tpu.memory_space<vmem>> -> memref<1x125xi32, #tpu.memory_space<vmem>>
        %dma_wait3A_384 = tpu.memref_squeeze %dma_wait3A_383 : memref<1x125xi32, #tpu.memory_space<vmem>> -> memref<125xi32, #tpu.memory_space<vmem>>
        %dma_wait3A_385 = arith.constant 0 : i32
        %dma_wait3A_386 = arith.constant 0 : i32
        %dma_wait3A_387 = tpu.memref_slice %arg8[%dma_wait3A_385, %dma_wait3A_386] : memref<10000x16xf32, #tpu.memory_space<vmem_shared>> -> memref<10000x16xf32, #tpu.memory_space<vmem_shared>>
        tpu.wait_indirect_dma semaphore(%arg9 : memref<!tpu.dma_semaphore, #tpu.memory_space<semaphore_mem>>) src(%arg7 : memref<125x16xf32, #tpu.memory_space<vmem>>) dst(%dma_wait3A_387 : memref<10000x16xf32, #tpu.memory_space<vmem_shared>>)
        %dma_wait3A_388 = arith.constant 0 : i32
        %dma_wait3A_389 = arith.constant 0 : i32
        %dma_wait3A_390 = tpu.memref_slice %arg6[%dma_wait3A_388, %dma_wait3A_389] : memref<80x125xi32, #tpu.memory_space<vmem>> -> memref<1x125xi32, #tpu.memory_space<vmem>>
        %dma_wait3A_391 = tpu.memref_squeeze %dma_wait3A_390 : memref<1x125xi32, #tpu.memory_space<vmem>> -> memref<125xi32, #tpu.memory_space<vmem>>
        %dma_wait3A_392 = arith.constant 0 : i32
        %dma_wait3A_393 = arith.constant 0 : i32
        %dma_wait3A_394 = tpu.memref_slice %arg8[%dma_wait3A_392, %dma_wait3A_393] : memref<10000x16xf32, #tpu.memory_space<vmem_shared>> -> memref<10000x16xf32, #tpu.memory_space<vmem_shared>>
        tpu.wait_indirect_dma semaphore(%arg9 : memref<!tpu.dma_semaphore, #tpu.memory_space<semaphore_mem>>) src(%arg7 : memref<125x16xf32, #tpu.memory_space<vmem>>) dst(%dma_wait3A_394 : memref<10000x16xf32, #tpu.memory_space<vmem_shared>>)
        %dma_wait3A_395 = arith.constant 0 : i32
        %dma_wait3A_396 = arith.constant 0 : i32
        %dma_wait3A_397 = tpu.memref_slice %arg6[%dma_wait3A_395, %dma_wait3A_396] : memref<80x125xi32, #tpu.memory_space<vmem>> -> memref<1x125xi32, #tpu.memory_space<vmem>>
        %dma_wait3A_398 = tpu.memref_squeeze %dma_wait3A_397 : memref<1x125xi32, #tpu.memory_space<vmem>> -> memref<125xi32, #tpu.memory_space<vmem>>
        %dma_wait3A_399 = arith.constant 0 : i32
        %dma_wait3A_400 = arith.constant 0 : i32
        %dma_wait3A_401 = tpu.memref_slice %arg8[%dma_wait3A_399, %dma_wait3A_400] : memref<10000x16xf32, #tpu.memory_space<vmem_shared>> -> memref<10000x16xf32, #tpu.memory_space<vmem_shared>>
        tpu.wait_indirect_dma semaphore(%arg9 : memref<!tpu.dma_semaphore, #tpu.memory_space<semaphore_mem>>) src(%arg7 : memref<125x16xf32, #tpu.memory_space<vmem>>) dst(%dma_wait3A_401 : memref<10000x16xf32, #tpu.memory_space<vmem_shared>>)
        %dma_wait3A_402 = arith.constant 0 : i32
        %dma_wait3A_403 = arith.constant 0 : i32
        %dma_wait3A_404 = tpu.memref_slice %arg6[%dma_wait3A_402, %dma_wait3A_403] : memref<80x125xi32, #tpu.memory_space<vmem>> -> memref<1x125xi32, #tpu.memory_space<vmem>>
        %dma_wait3A_405 = tpu.memref_squeeze %dma_wait3A_404 : memref<1x125xi32, #tpu.memory_space<vmem>> -> memref<125xi32, #tpu.memory_space<vmem>>
        %dma_wait3A_406 = arith.constant 0 : i32
        %dma_wait3A_407 = arith.constant 0 : i32
        %dma_wait3A_408 = tpu.memref_slice %arg8[%dma_wait3A_406, %dma_wait3A_407] : memref<10000x16xf32, #tpu.memory_space<vmem_shared>> -> memref<10000x16xf32, #tpu.memory_space<vmem_shared>>
        tpu.wait_indirect_dma semaphore(%arg9 : memref<!tpu.dma_semaphore, #tpu.memory_space<semaphore_mem>>) src(%arg7 : memref<125x16xf32, #tpu.memory_space<vmem>>) dst(%dma_wait3A_408 : memref<10000x16xf32, #tpu.memory_space<vmem_shared>>)
      } else {
      }
      %mul3A_138 = arith.constant 16 : i32
      %mul3A_139 = arith.muli %scan3A_133, %mul3A_138 : i32
      %add3A_140 = arith.constant 0 : i32
      %add3A_141 = arith.addi %mul3A_139, %add3A_140 : i32
      %dma_start3A = arith.constant 0 : i32
      %dma_start3A_142 = tpu.memref_slice %arg6[%add3A_141, %dma_start3A] : memref<80x125xi32, #tpu.memory_space<vmem>> -> memref<1x125xi32, #tpu.memory_space<vmem>>
      %dma_start3A_143 = tpu.memref_squeeze %dma_start3A_142 : memref<1x125xi32, #tpu.memory_space<vmem>> -> memref<125xi32, #tpu.memory_space<vmem>>
      %dma_start3A_144 = arith.constant 0 : i32
      %dma_start3A_145 = arith.constant 0 : i32
      %dma_start3A_146 = tpu.memref_slice %arg8[%dma_start3A_144, %dma_start3A_145] : memref<10000x16xf32, #tpu.memory_space<vmem_shared>> -> memref<10000x16xf32, #tpu.memory_space<vmem_shared>>
      tpu.enqueue_indirect_dma source(%arg7 : memref<125x16xf32, #tpu.memory_space<vmem>>) target(%dma_start3A_146 : memref<10000x16xf32, #tpu.memory_space<vmem_shared>>) offsets(%dma_start3A_143 : memref<125xi32, #tpu.memory_space<vmem>>) semaphore(%arg9 : memref<!tpu.dma_semaphore, #tpu.memory_space<semaphore_mem>>) {add = true}
      %mul3A_147 = arith.constant 16 : i32
      %mul3A_148 = arith.muli %scan3A_133, %mul3A_147 : i32
      %add3A_149 = arith.constant 1 : i32
      %add3A_150 = arith.addi %mul3A_148, %add3A_149 : i32
      %dma_start3A_151 = arith.constant 0 : i32
      %dma_start3A_152 = tpu.memref_slice %arg6[%add3A_150, %dma_start3A_151] : memref<80x125xi32, #tpu.memory_space<vmem>> -> memref<1x125xi32, #tpu.memory_space<vmem>>
      %dma_start3A_153 = tpu.memref_squeeze %dma_start3A_152 : memref<1x125xi32, #tpu.memory_space<vmem>> -> memref<125xi32, #tpu.memory_space<vmem>>
      %dma_start3A_154 = arith.constant 0 : i32
      %dma_start3A_155 = arith.constant 0 : i32
      %dma_start3A_156 = tpu.memref_slice %arg8[%dma_start3A_154, %dma_start3A_155] : memref<10000x16xf32, #tpu.memory_space<vmem_shared>> -> memref<10000x16xf32, #tpu.memory_space<vmem_shared>>
      tpu.enqueue_indirect_dma source(%arg7 : memref<125x16xf32, #tpu.memory_space<vmem>>) target(%dma_start3A_156 : memref<10000x16xf32, #tpu.memory_space<vmem_shared>>) offsets(%dma_start3A_153 : memref<125xi32, #tpu.memory_space<vmem>>) semaphore(%arg9 : memref<!tpu.dma_semaphore, #tpu.memory_space<semaphore_mem>>) {add = true}
      %mul3A_157 = arith.constant 16 : i32
      %mul3A_158 = arith.muli %scan3A_133, %mul3A_157 : i32
      %add3A_159 = arith.constant 2 : i32
      %add3A_160 = arith.addi %mul3A_158, %add3A_159 : i32
      %dma_start3A_161 = arith.constant 0 : i32
      %dma_start3A_162 = tpu.memref_slice %arg6[%add3A_160, %dma_start3A_161] : memref<80x125xi32, #tpu.memory_space<vmem>> -> memref<1x125xi32, #tpu.memory_space<vmem>>
      %dma_start3A_163 = tpu.memref_squeeze %dma_start3A_162 : memref<1x125xi32, #tpu.memory_space<vmem>> -> memref<125xi32, #tpu.memory_space<vmem>>
      %dma_start3A_164 = arith.constant 0 : i32
      %dma_start3A_165 = arith.constant 0 : i32
      %dma_start3A_166 = tpu.memref_slice %arg8[%dma_start3A_164, %dma_start3A_165] : memref<10000x16xf32, #tpu.memory_space<vmem_shared>> -> memref<10000x16xf32, #tpu.memory_space<vmem_shared>>
      tpu.enqueue_indirect_dma source(%arg7 : memref<125x16xf32, #tpu.memory_space<vmem>>) target(%dma_start3A_166 : memref<10000x16xf32, #tpu.memory_space<vmem_shared>>) offsets(%dma_start3A_163 : memref<125xi32, #tpu.memory_space<vmem>>) semaphore(%arg9 : memref<!tpu.dma_semaphore, #tpu.memory_space<semaphore_mem>>) {add = true}
      %mul3A_167 = arith.constant 16 : i32
      %mul3A_168 = arith.muli %scan3A_133, %mul3A_167 : i32
      %add3A_169 = arith.constant 3 : i32
      %add3A_170 = arith.addi %mul3A_168, %add3A_169 : i32
      %dma_start3A_171 = arith.constant 0 : i32
      %dma_start3A_172 = tpu.memref_slice %arg6[%add3A_170, %dma_start3A_171] : memref<80x125xi32, #tpu.memory_space<vmem>> -> memref<1x125xi32, #tpu.memory_space<vmem>>
      %dma_start3A_173 = tpu.memref_squeeze %dma_start3A_172 : memref<1x125xi32, #tpu.memory_space<vmem>> -> memref<125xi32, #tpu.memory_space<vmem>>
      %dma_start3A_174 = arith.constant 0 : i32
      %dma_start3A_175 = arith.constant 0 : i32
      %dma_start3A_176 = tpu.memref_slice %arg8[%dma_start3A_174, %dma_start3A_175] : memref<10000x16xf32, #tpu.memory_space<vmem_shared>> -> memref<10000x16xf32, #tpu.memory_space<vmem_shared>>
      tpu.enqueue_indirect_dma source(%arg7 : memref<125x16xf32, #tpu.memory_space<vmem>>) target(%dma_start3A_176 : memref<10000x16xf32, #tpu.memory_space<vmem_shared>>) offsets(%dma_start3A_173 : memref<125xi32, #tpu.memory_space<vmem>>) semaphore(%arg9 : memref<!tpu.dma_semaphore, #tpu.memory_space<semaphore_mem>>) {add = true}
      %mul3A_177 = arith.constant 16 : i32
      %mul3A_178 = arith.muli %scan3A_133, %mul3A_177 : i32
      %add3A_179 = arith.constant 4 : i32
      %add3A_180 = arith.addi %mul3A_178, %add3A_179 : i32
      %dma_start3A_181 = arith.constant 0 : i32
      %dma_start3A_182 = tpu.memref_slice %arg6[%add3A_180, %dma_start3A_181] : memref<80x125xi32, #tpu.memory_space<vmem>> -> memref<1x125xi32, #tpu.memory_space<vmem>>
      %dma_start3A_183 = tpu.memref_squeeze %dma_start3A_182 : memref<1x125xi32, #tpu.memory_space<vmem>> -> memref<125xi32, #tpu.memory_space<vmem>>
      %dma_start3A_184 = arith.constant 0 : i32
      %dma_start3A_185 = arith.constant 0 : i32
      %dma_start3A_186 = tpu.memref_slice %arg8[%dma_start3A_184, %dma_start3A_185] : memref<10000x16xf32, #tpu.memory_space<vmem_shared>> -> memref<10000x16xf32, #tpu.memory_space<vmem_shared>>
      tpu.enqueue_indirect_dma source(%arg7 : memref<125x16xf32, #tpu.memory_space<vmem>>) target(%dma_start3A_186 : memref<10000x16xf32, #tpu.memory_space<vmem_shared>>) offsets(%dma_start3A_183 : memref<125xi32, #tpu.memory_space<vmem>>) semaphore(%arg9 : memref<!tpu.dma_semaphore, #tpu.memory_space<semaphore_mem>>) {add = true}
      %mul3A_187 = arith.constant 16 : i32
      %mul3A_188 = arith.muli %scan3A_133, %mul3A_187 : i32
      %add3A_189 = arith.constant 5 : i32
      %add3A_190 = arith.addi %mul3A_188, %add3A_189 : i32
      %dma_start3A_191 = arith.constant 0 : i32
      %dma_start3A_192 = tpu.memref_slice %arg6[%add3A_190, %dma_start3A_191] : memref<80x125xi32, #tpu.memory_space<vmem>> -> memref<1x125xi32, #tpu.memory_space<vmem>>
      %dma_start3A_193 = tpu.memref_squeeze %dma_start3A_192 : memref<1x125xi32, #tpu.memory_space<vmem>> -> memref<125xi32, #tpu.memory_space<vmem>>
      %dma_start3A_194 = arith.constant 0 : i32
      %dma_start3A_195 = arith.constant 0 : i32
      %dma_start3A_196 = tpu.memref_slice %arg8[%dma_start3A_194, %dma_start3A_195] : memref<10000x16xf32, #tpu.memory_space<vmem_shared>> -> memref<10000x16xf32, #tpu.memory_space<vmem_shared>>
      tpu.enqueue_indirect_dma source(%arg7 : memref<125x16xf32, #tpu.memory_space<vmem>>) target(%dma_start3A_196 : memref<10000x16xf32, #tpu.memory_space<vmem_shared>>) offsets(%dma_start3A_193 : memref<125xi32, #tpu.memory_space<vmem>>) semaphore(%arg9 : memref<!tpu.dma_semaphore, #tpu.memory_space<semaphore_mem>>) {add = true}
      %mul3A_197 = arith.constant 16 : i32
      %mul3A_198 = arith.muli %scan3A_133, %mul3A_197 : i32
      %add3A_199 = arith.constant 6 : i32
      %add3A_200 = arith.addi %mul3A_198, %add3A_199 : i32
      %dma_start3A_201 = arith.constant 0 : i32
      %dma_start3A_202 = tpu.memref_slice %arg6[%add3A_200, %dma_start3A_201] : memref<80x125xi32, #tpu.memory_space<vmem>> -> memref<1x125xi32, #tpu.memory_space<vmem>>
      %dma_start3A_203 = tpu.memref_squeeze %dma_start3A_202 : memref<1x125xi32, #tpu.memory_space<vmem>> -> memref<125xi32, #tpu.memory_space<vmem>>
      %dma_start3A_204 = arith.constant 0 : i32
      %dma_start3A_205 = arith.constant 0 : i32
      %dma_start3A_206 = tpu.memref_slice %arg8[%dma_start3A_204, %dma_start3A_205] : memref<10000x16xf32, #tpu.memory_space<vmem_shared>> -> memref<10000x16xf32, #tpu.memory_space<vmem_shared>>
      tpu.enqueue_indirect_dma source(%arg7 : memref<125x16xf32, #tpu.memory_space<vmem>>) target(%dma_start3A_206 : memref<10000x16xf32, #tpu.memory_space<vmem_shared>>) offsets(%dma_start3A_203 : memref<125xi32, #tpu.memory_space<vmem>>) semaphore(%arg9 : memref<!tpu.dma_semaphore, #tpu.memory_space<semaphore_mem>>) {add = true}
      %mul3A_207 = arith.constant 16 : i32
      %mul3A_208 = arith.muli %scan3A_133, %mul3A_207 : i32
      %add3A_209 = arith.constant 7 : i32
      %add3A_210 = arith.addi %mul3A_208, %add3A_209 : i32
      %dma_start3A_211 = arith.constant 0 : i32
      %dma_start3A_212 = tpu.memref_slice %arg6[%add3A_210, %dma_start3A_211] : memref<80x125xi32, #tpu.memory_space<vmem>> -> memref<1x125xi32, #tpu.memory_space<vmem>>
      %dma_start3A_213 = tpu.memref_squeeze %dma_start3A_212 : memref<1x125xi32, #tpu.memory_space<vmem>> -> memref<125xi32, #tpu.memory_space<vmem>>
      %dma_start3A_214 = arith.constant 0 : i32
      %dma_start3A_215 = arith.constant 0 : i32
      %dma_start3A_216 = tpu.memref_slice %arg8[%dma_start3A_214, %dma_start3A_215] : memref<10000x16xf32, #tpu.memory_space<vmem_shared>> -> memref<10000x16xf32, #tpu.memory_space<vmem_shared>>
      tpu.enqueue_indirect_dma source(%arg7 : memref<125x16xf32, #tpu.memory_space<vmem>>) target(%dma_start3A_216 : memref<10000x16xf32, #tpu.memory_space<vmem_shared>>) offsets(%dma_start3A_213 : memref<125xi32, #tpu.memory_space<vmem>>) semaphore(%arg9 : memref<!tpu.dma_semaphore, #tpu.memory_space<semaphore_mem>>) {add = true}
      %mul3A_217 = arith.constant 16 : i32
      %mul3A_218 = arith.muli %scan3A_133, %mul3A_217 : i32
      %add3A_219 = arith.constant 8 : i32
      %add3A_220 = arith.addi %mul3A_218, %add3A_219 : i32
      %dma_start3A_221 = arith.constant 0 : i32
      %dma_start3A_222 = tpu.memref_slice %arg6[%add3A_220, %dma_start3A_221] : memref<80x125xi32, #tpu.memory_space<vmem>> -> memref<1x125xi32, #tpu.memory_space<vmem>>
      %dma_start3A_223 = tpu.memref_squeeze %dma_start3A_222 : memref<1x125xi32, #tpu.memory_space<vmem>> -> memref<125xi32, #tpu.memory_space<vmem>>
      %dma_start3A_224 = arith.constant 0 : i32
      %dma_start3A_225 = arith.constant 0 : i32
      %dma_start3A_226 = tpu.memref_slice %arg8[%dma_start3A_224, %dma_start3A_225] : memref<10000x16xf32, #tpu.memory_space<vmem_shared>> -> memref<10000x16xf32, #tpu.memory_space<vmem_shared>>
      tpu.enqueue_indirect_dma source(%arg7 : memref<125x16xf32, #tpu.memory_space<vmem>>) target(%dma_start3A_226 : memref<10000x16xf32, #tpu.memory_space<vmem_shared>>) offsets(%dma_start3A_223 : memref<125xi32, #tpu.memory_space<vmem>>) semaphore(%arg9 : memref<!tpu.dma_semaphore, #tpu.memory_space<semaphore_mem>>) {add = true}
      %mul3A_227 = arith.constant 16 : i32
      %mul3A_228 = arith.muli %scan3A_133, %mul3A_227 : i32
      %add3A_229 = arith.constant 9 : i32
      %add3A_230 = arith.addi %mul3A_228, %add3A_229 : i32
      %dma_start3A_231 = arith.constant 0 : i32
      %dma_start3A_232 = tpu.memref_slice %arg6[%add3A_230, %dma_start3A_231] : memref<80x125xi32, #tpu.memory_space<vmem>> -> memref<1x125xi32, #tpu.memory_space<vmem>>
      %dma_start3A_233 = tpu.memref_squeeze %dma_start3A_232 : memref<1x125xi32, #tpu.memory_space<vmem>> -> memref<125xi32, #tpu.memory_space<vmem>>
      %dma_start3A_234 = arith.constant 0 : i32
      %dma_start3A_235 = arith.constant 0 : i32
      %dma_start3A_236 = tpu.memref_slice %arg8[%dma_start3A_234, %dma_start3A_235] : memref<10000x16xf32, #tpu.memory_space<vmem_shared>> -> memref<10000x16xf32, #tpu.memory_space<vmem_shared>>
      tpu.enqueue_indirect_dma source(%arg7 : memref<125x16xf32, #tpu.memory_space<vmem>>) target(%dma_start3A_236 : memref<10000x16xf32, #tpu.memory_space<vmem_shared>>) offsets(%dma_start3A_233 : memref<125xi32, #tpu.memory_space<vmem>>) semaphore(%arg9 : memref<!tpu.dma_semaphore, #tpu.memory_space<semaphore_mem>>) {add = true}
      %mul3A_237 = arith.constant 16 : i32
      %mul3A_238 = arith.muli %scan3A_133, %mul3A_237 : i32
      %add3A_239 = arith.constant 10 : i32
      %add3A_240 = arith.addi %mul3A_238, %add3A_239 : i32
      %dma_start3A_241 = arith.constant 0 : i32
      %dma_start3A_242 = tpu.memref_slice %arg6[%add3A_240, %dma_start3A_241] : memref<80x125xi32, #tpu.memory_space<vmem>> -> memref<1x125xi32, #tpu.memory_space<vmem>>
      %dma_start3A_243 = tpu.memref_squeeze %dma_start3A_242 : memref<1x125xi32, #tpu.memory_space<vmem>> -> memref<125xi32, #tpu.memory_space<vmem>>
      %dma_start3A_244 = arith.constant 0 : i32
      %dma_start3A_245 = arith.constant 0 : i32
      %dma_start3A_246 = tpu.memref_slice %arg8[%dma_start3A_244, %dma_start3A_245] : memref<10000x16xf32, #tpu.memory_space<vmem_shared>> -> memref<10000x16xf32, #tpu.memory_space<vmem_shared>>
      tpu.enqueue_indirect_dma source(%arg7 : memref<125x16xf32, #tpu.memory_space<vmem>>) target(%dma_start3A_246 : memref<10000x16xf32, #tpu.memory_space<vmem_shared>>) offsets(%dma_start3A_243 : memref<125xi32, #tpu.memory_space<vmem>>) semaphore(%arg9 : memref<!tpu.dma_semaphore, #tpu.memory_space<semaphore_mem>>) {add = true}
      %mul3A_247 = arith.constant 16 : i32
      %mul3A_248 = arith.muli %scan3A_133, %mul3A_247 : i32
      %add3A_249 = arith.constant 11 : i32
      %add3A_250 = arith.addi %mul3A_248, %add3A_249 : i32
      %dma_start3A_251 = arith.constant 0 : i32
      %dma_start3A_252 = tpu.memref_slice %arg6[%add3A_250, %dma_start3A_251] : memref<80x125xi32, #tpu.memory_space<vmem>> -> memref<1x125xi32, #tpu.memory_space<vmem>>
      %dma_start3A_253 = tpu.memref_squeeze %dma_start3A_252 : memref<1x125xi32, #tpu.memory_space<vmem>> -> memref<125xi32, #tpu.memory_space<vmem>>
      %dma_start3A_254 = arith.constant 0 : i32
      %dma_start3A_255 = arith.constant 0 : i32
      %dma_start3A_256 = tpu.memref_slice %arg8[%dma_start3A_254, %dma_start3A_255] : memref<10000x16xf32, #tpu.memory_space<vmem_shared>> -> memref<10000x16xf32, #tpu.memory_space<vmem_shared>>
      tpu.enqueue_indirect_dma source(%arg7 : memref<125x16xf32, #tpu.memory_space<vmem>>) target(%dma_start3A_256 : memref<10000x16xf32, #tpu.memory_space<vmem_shared>>) offsets(%dma_start3A_253 : memref<125xi32, #tpu.memory_space<vmem>>) semaphore(%arg9 : memref<!tpu.dma_semaphore, #tpu.memory_space<semaphore_mem>>) {add = true}
      %mul3A_257 = arith.constant 16 : i32
      %mul3A_258 = arith.muli %scan3A_133, %mul3A_257 : i32
      %add3A_259 = arith.constant 12 : i32
      %add3A_260 = arith.addi %mul3A_258, %add3A_259 : i32
      %dma_start3A_261 = arith.constant 0 : i32
      %dma_start3A_262 = tpu.memref_slice %arg6[%add3A_260, %dma_start3A_261] : memref<80x125xi32, #tpu.memory_space<vmem>> -> memref<1x125xi32, #tpu.memory_space<vmem>>
      %dma_start3A_263 = tpu.memref_squeeze %dma_start3A_262 : memref<1x125xi32, #tpu.memory_space<vmem>> -> memref<125xi32, #tpu.memory_space<vmem>>
      %dma_start3A_264 = arith.constant 0 : i32
      %dma_start3A_265 = arith.constant 0 : i32
      %dma_start3A_266 = tpu.memref_slice %arg8[%dma_start3A_264, %dma_start3A_265] : memref<10000x16xf32, #tpu.memory_space<vmem_shared>> -> memref<10000x16xf32, #tpu.memory_space<vmem_shared>>
      tpu.enqueue_indirect_dma source(%arg7 : memref<125x16xf32, #tpu.memory_space<vmem>>) target(%dma_start3A_266 : memref<10000x16xf32, #tpu.memory_space<vmem_shared>>) offsets(%dma_start3A_263 : memref<125xi32, #tpu.memory_space<vmem>>) semaphore(%arg9 : memref<!tpu.dma_semaphore, #tpu.memory_space<semaphore_mem>>) {add = true}
      %mul3A_267 = arith.constant 16 : i32
      %mul3A_268 = arith.muli %scan3A_133, %mul3A_267 : i32
      %add3A_269 = arith.constant 13 : i32
      %add3A_270 = arith.addi %mul3A_268, %add3A_269 : i32
      %dma_start3A_271 = arith.constant 0 : i32
      %dma_start3A_272 = tpu.memref_slice %arg6[%add3A_270, %dma_start3A_271] : memref<80x125xi32, #tpu.memory_space<vmem>> -> memref<1x125xi32, #tpu.memory_space<vmem>>
      %dma_start3A_273 = tpu.memref_squeeze %dma_start3A_272 : memref<1x125xi32, #tpu.memory_space<vmem>> -> memref<125xi32, #tpu.memory_space<vmem>>
      %dma_start3A_274 = arith.constant 0 : i32
      %dma_start3A_275 = arith.constant 0 : i32
      %dma_start3A_276 = tpu.memref_slice %arg8[%dma_start3A_274, %dma_start3A_275] : memref<10000x16xf32, #tpu.memory_space<vmem_shared>> -> memref<10000x16xf32, #tpu.memory_space<vmem_shared>>
      tpu.enqueue_indirect_dma source(%arg7 : memref<125x16xf32, #tpu.memory_space<vmem>>) target(%dma_start3A_276 : memref<10000x16xf32, #tpu.memory_space<vmem_shared>>) offsets(%dma_start3A_273 : memref<125xi32, #tpu.memory_space<vmem>>) semaphore(%arg9 : memref<!tpu.dma_semaphore, #tpu.memory_space<semaphore_mem>>) {add = true}
      %mul3A_277 = arith.constant 16 : i32
      %mul3A_278 = arith.muli %scan3A_133, %mul3A_277 : i32
      %add3A_279 = arith.constant 14 : i32
      %add3A_280 = arith.addi %mul3A_278, %add3A_279 : i32
      %dma_start3A_281 = arith.constant 0 : i32
      %dma_start3A_282 = tpu.memref_slice %arg6[%add3A_280, %dma_start3A_281] : memref<80x125xi32, #tpu.memory_space<vmem>> -> memref<1x125xi32, #tpu.memory_space<vmem>>
      %dma_start3A_283 = tpu.memref_squeeze %dma_start3A_282 : memref<1x125xi32, #tpu.memory_space<vmem>> -> memref<125xi32, #tpu.memory_space<vmem>>
      %dma_start3A_284 = arith.constant 0 : i32
      %dma_start3A_285 = arith.constant 0 : i32
      %dma_start3A_286 = tpu.memref_slice %arg8[%dma_start3A_284, %dma_start3A_285] : memref<10000x16xf32, #tpu.memory_space<vmem_shared>> -> memref<10000x16xf32, #tpu.memory_space<vmem_shared>>
      tpu.enqueue_indirect_dma source(%arg7 : memref<125x16xf32, #tpu.memory_space<vmem>>) target(%dma_start3A_286 : memref<10000x16xf32, #tpu.memory_space<vmem_shared>>) offsets(%dma_start3A_283 : memref<125xi32, #tpu.memory_space<vmem>>) semaphore(%arg9 : memref<!tpu.dma_semaphore, #tpu.memory_space<semaphore_mem>>) {add = true}
      %mul3A_287 = arith.constant 16 : i32
      %mul3A_288 = arith.muli %scan3A_133, %mul3A_287 : i32
      %add3A_289 = arith.constant 15 : i32
      %add3A_290 = arith.addi %mul3A_288, %add3A_289 : i32
      %dma_start3A_291 = arith.constant 0 : i32
      %dma_start3A_292 = tpu.memref_slice %arg6[%add3A_290, %dma_start3A_291] : memref<80x125xi32, #tpu.memory_space<vmem>> -> memref<1x125xi32, #tpu.memory_space<vmem>>
      %dma_start3A_293 = tpu.memref_squeeze %dma_start3A_292 : memref<1x125xi32, #tpu.memory_space<vmem>> -> memref<125xi32, #tpu.memory_space<vmem>>
      %dma_start3A_294 = arith.constant 0 : i32
      %dma_start3A_295 = arith.constant 0 : i32
      %dma_start3A_296 = tpu.memref_slice %arg8[%dma_start3A_294, %dma_start3A_295] : memref<10000x16xf32, #tpu.memory_space<vmem_shared>> -> memref<10000x16xf32, #tpu.memory_space<vmem_shared>>
      tpu.enqueue_indirect_dma source(%arg7 : memref<125x16xf32, #tpu.memory_space<vmem>>) target(%dma_start3A_296 : memref<10000x16xf32, #tpu.memory_space<vmem_shared>>) offsets(%dma_start3A_293 : memref<125xi32, #tpu.memory_space<vmem>>) semaphore(%arg9 : memref<!tpu.dma_semaphore, #tpu.memory_space<semaphore_mem>>) {add = true}
    }
    %scan3A_11 = arith.constant 5 : i32
    %dma_wait3A = arith.constant 0 : i32
    %dma_wait3A_12 = arith.constant 0 : i32
    %dma_wait3A_13 = tpu.memref_slice %arg6[%dma_wait3A, %dma_wait3A_12] : memref<80x125xi32, #tpu.memory_space<vmem>> -> memref<1x125xi32, #tpu.memory_space<vmem>>
    %dma_wait3A_14 = tpu.memref_squeeze %dma_wait3A_13 : memref<1x125xi32, #tpu.memory_space<vmem>> -> memref<125xi32, #tpu.memory_space<vmem>>
    %dma_wait3A_15 = arith.constant 0 : i32
    %dma_wait3A_16 = arith.constant 0 : i32
    %dma_wait3A_17 = tpu.memref_slice %arg8[%dma_wait3A_15, %dma_wait3A_16] : memref<10000x16xf32, #tpu.memory_space<vmem_shared>> -> memref<10000x16xf32, #tpu.memory_space<vmem_shared>>
    tpu.wait_indirect_dma semaphore(%arg9 : memref<!tpu.dma_semaphore, #tpu.memory_space<semaphore_mem>>) src(%arg7 : memref<125x16xf32, #tpu.memory_space<vmem>>) dst(%dma_wait3A_17 : memref<10000x16xf32, #tpu.memory_space<vmem_shared>>)
    %dma_wait3A_18 = arith.constant 0 : i32
    %dma_wait3A_19 = arith.constant 0 : i32
    %dma_wait3A_20 = tpu.memref_slice %arg6[%dma_wait3A_18, %dma_wait3A_19] : memref<80x125xi32, #tpu.memory_space<vmem>> -> memref<1x125xi32, #tpu.memory_space<vmem>>
    %dma_wait3A_21 = tpu.memref_squeeze %dma_wait3A_20 : memref<1x125xi32, #tpu.memory_space<vmem>> -> memref<125xi32, #tpu.memory_space<vmem>>
    %dma_wait3A_22 = arith.constant 0 : i32
    %dma_wait3A_23 = arith.constant 0 : i32
    %dma_wait3A_24 = tpu.memref_slice %arg8[%dma_wait3A_22, %dma_wait3A_23] : memref<10000x16xf32, #tpu.memory_space<vmem_shared>> -> memref<10000x16xf32, #tpu.memory_space<vmem_shared>>
    tpu.wait_indirect_dma semaphore(%arg9 : memref<!tpu.dma_semaphore, #tpu.memory_space<semaphore_mem>>) src(%arg7 : memref<125x16xf32, #tpu.memory_space<vmem>>) dst(%dma_wait3A_24 : memref<10000x16xf32, #tpu.memory_space<vmem_shared>>)
    %dma_wait3A_25 = arith.constant 0 : i32
    %dma_wait3A_26 = arith.constant 0 : i32
    %dma_wait3A_27 = tpu.memref_slice %arg6[%dma_wait3A_25, %dma_wait3A_26] : memref<80x125xi32, #tpu.memory_space<vmem>> -> memref<1x125xi32, #tpu.memory_space<vmem>>
    %dma_wait3A_28 = tpu.memref_squeeze %dma_wait3A_27 : memref<1x125xi32, #tpu.memory_space<vmem>> -> memref<125xi32, #tpu.memory_space<vmem>>
    %dma_wait3A_29 = arith.constant 0 : i32
    %dma_wait3A_30 = arith.constant 0 : i32
    %dma_wait3A_31 = tpu.memref_slice %arg8[%dma_wait3A_29, %dma_wait3A_30] : memref<10000x16xf32, #tpu.memory_space<vmem_shared>> -> memref<10000x16xf32, #tpu.memory_space<vmem_shared>>
    tpu.wait_indirect_dma semaphore(%arg9 : memref<!tpu.dma_semaphore, #tpu.memory_space<semaphore_mem>>) src(%arg7 : memref<125x16xf32, #tpu.memory_space<vmem>>) dst(%dma_wait3A_31 : memref<10000x16xf32, #tpu.memory_space<vmem_shared>>)
    %dma_wait3A_32 = arith.constant 0 : i32
    %dma_wait3A_33 = arith.constant 0 : i32
    %dma_wait3A_34 = tpu.memref_slice %arg6[%dma_wait3A_32, %dma_wait3A_33] : memref<80x125xi32, #tpu.memory_space<vmem>> -> memref<1x125xi32, #tpu.memory_space<vmem>>
    %dma_wait3A_35 = tpu.memref_squeeze %dma_wait3A_34 : memref<1x125xi32, #tpu.memory_space<vmem>> -> memref<125xi32, #tpu.memory_space<vmem>>
    %dma_wait3A_36 = arith.constant 0 : i32
    %dma_wait3A_37 = arith.constant 0 : i32
    %dma_wait3A_38 = tpu.memref_slice %arg8[%dma_wait3A_36, %dma_wait3A_37] : memref<10000x16xf32, #tpu.memory_space<vmem_shared>> -> memref<10000x16xf32, #tpu.memory_space<vmem_shared>>
    tpu.wait_indirect_dma semaphore(%arg9 : memref<!tpu.dma_semaphore, #tpu.memory_space<semaphore_mem>>) src(%arg7 : memref<125x16xf32, #tpu.memory_space<vmem>>) dst(%dma_wait3A_38 : memref<10000x16xf32, #tpu.memory_space<vmem_shared>>)
    %dma_wait3A_39 = arith.constant 0 : i32
    %dma_wait3A_40 = arith.constant 0 : i32
    %dma_wait3A_41 = tpu.memref_slice %arg6[%dma_wait3A_39, %dma_wait3A_40] : memref<80x125xi32, #tpu.memory_space<vmem>> -> memref<1x125xi32, #tpu.memory_space<vmem>>
    %dma_wait3A_42 = tpu.memref_squeeze %dma_wait3A_41 : memref<1x125xi32, #tpu.memory_space<vmem>> -> memref<125xi32, #tpu.memory_space<vmem>>
    %dma_wait3A_43 = arith.constant 0 : i32
    %dma_wait3A_44 = arith.constant 0 : i32
    %dma_wait3A_45 = tpu.memref_slice %arg8[%dma_wait3A_43, %dma_wait3A_44] : memref<10000x16xf32, #tpu.memory_space<vmem_shared>> -> memref<10000x16xf32, #tpu.memory_space<vmem_shared>>
    tpu.wait_indirect_dma semaphore(%arg9 : memref<!tpu.dma_semaphore, #tpu.memory_space<semaphore_mem>>) src(%arg7 : memref<125x16xf32, #tpu.memory_space<vmem>>) dst(%dma_wait3A_45 : memref<10000x16xf32, #tpu.memory_space<vmem_shared>>)
    %dma_wait3A_46 = arith.constant 0 : i32
    %dma_wait3A_47 = arith.constant 0 : i32
    %dma_wait3A_48 = tpu.memref_slice %arg6[%dma_wait3A_46, %dma_wait3A_47] : memref<80x125xi32, #tpu.memory_space<vmem>> -> memref<1x125xi32, #tpu.memory_space<vmem>>
    %dma_wait3A_49 = tpu.memref_squeeze %dma_wait3A_48 : memref<1x125xi32, #tpu.memory_space<vmem>> -> memref<125xi32, #tpu.memory_space<vmem>>
    %dma_wait3A_50 = arith.constant 0 : i32
    %dma_wait3A_51 = arith.constant 0 : i32
    %dma_wait3A_52 = tpu.memref_slice %arg8[%dma_wait3A_50, %dma_wait3A_51] : memref<10000x16xf32, #tpu.memory_space<vmem_shared>> -> memref<10000x16xf32, #tpu.memory_space<vmem_shared>>
    tpu.wait_indirect_dma semaphore(%arg9 : memref<!tpu.dma_semaphore, #tpu.memory_space<semaphore_mem>>) src(%arg7 : memref<125x16xf32, #tpu.memory_space<vmem>>) dst(%dma_wait3A_52 : memref<10000x16xf32, #tpu.memory_space<vmem_shared>>)
    %dma_wait3A_53 = arith.constant 0 : i32
    %dma_wait3A_54 = arith.constant 0 : i32
    %dma_wait3A_55 = tpu.memref_slice %arg6[%dma_wait3A_53, %dma_wait3A_54] : memref<80x125xi32, #tpu.memory_space<vmem>> -> memref<1x125xi32, #tpu.memory_space<vmem>>
    %dma_wait3A_56 = tpu.memref_squeeze %dma_wait3A_55 : memref<1x125xi32, #tpu.memory_space<vmem>> -> memref<125xi32, #tpu.memory_space<vmem>>
    %dma_wait3A_57 = arith.constant 0 : i32
    %dma_wait3A_58 = arith.constant 0 : i32
    %dma_wait3A_59 = tpu.memref_slice %arg8[%dma_wait3A_57, %dma_wait3A_58] : memref<10000x16xf32, #tpu.memory_space<vmem_shared>> -> memref<10000x16xf32, #tpu.memory_space<vmem_shared>>
    tpu.wait_indirect_dma semaphore(%arg9 : memref<!tpu.dma_semaphore, #tpu.memory_space<semaphore_mem>>) src(%arg7 : memref<125x16xf32, #tpu.memory_space<vmem>>) dst(%dma_wait3A_59 : memref<10000x16xf32, #tpu.memory_space<vmem_shared>>)
    %dma_wait3A_60 = arith.constant 0 : i32
    %dma_wait3A_61 = arith.constant 0 : i32
    %dma_wait3A_62 = tpu.memref_slice %arg6[%dma_wait3A_60, %dma_wait3A_61] : memref<80x125xi32, #tpu.memory_space<vmem>> -> memref<1x125xi32, #tpu.memory_space<vmem>>
    %dma_wait3A_63 = tpu.memref_squeeze %dma_wait3A_62 : memref<1x125xi32, #tpu.memory_space<vmem>> -> memref<125xi32, #tpu.memory_space<vmem>>
    %dma_wait3A_64 = arith.constant 0 : i32
    %dma_wait3A_65 = arith.constant 0 : i32
    %dma_wait3A_66 = tpu.memref_slice %arg8[%dma_wait3A_64, %dma_wait3A_65] : memref<10000x16xf32, #tpu.memory_space<vmem_shared>> -> memref<10000x16xf32, #tpu.memory_space<vmem_shared>>
    tpu.wait_indirect_dma semaphore(%arg9 : memref<!tpu.dma_semaphore, #tpu.memory_space<semaphore_mem>>) src(%arg7 : memref<125x16xf32, #tpu.memory_space<vmem>>) dst(%dma_wait3A_66 : memref<10000x16xf32, #tpu.memory_space<vmem_shared>>)
    %dma_wait3A_67 = arith.constant 0 : i32
    %dma_wait3A_68 = arith.constant 0 : i32
    %dma_wait3A_69 = tpu.memref_slice %arg6[%dma_wait3A_67, %dma_wait3A_68] : memref<80x125xi32, #tpu.memory_space<vmem>> -> memref<1x125xi32, #tpu.memory_space<vmem>>
    %dma_wait3A_70 = tpu.memref_squeeze %dma_wait3A_69 : memref<1x125xi32, #tpu.memory_space<vmem>> -> memref<125xi32, #tpu.memory_space<vmem>>
    %dma_wait3A_71 = arith.constant 0 : i32
    %dma_wait3A_72 = arith.constant 0 : i32
    %dma_wait3A_73 = tpu.memref_slice %arg8[%dma_wait3A_71, %dma_wait3A_72] : memref<10000x16xf32, #tpu.memory_space<vmem_shared>> -> memref<10000x16xf32, #tpu.memory_space<vmem_shared>>
    tpu.wait_indirect_dma semaphore(%arg9 : memref<!tpu.dma_semaphore, #tpu.memory_space<semaphore_mem>>) src(%arg7 : memref<125x16xf32, #tpu.memory_space<vmem>>) dst(%dma_wait3A_73 : memref<10000x16xf32, #tpu.memory_space<vmem_shared>>)
    %dma_wait3A_74 = arith.constant 0 : i32
    %dma_wait3A_75 = arith.constant 0 : i32
    %dma_wait3A_76 = tpu.memref_slice %arg6[%dma_wait3A_74, %dma_wait3A_75] : memref<80x125xi32, #tpu.memory_space<vmem>> -> memref<1x125xi32, #tpu.memory_space<vmem>>
    %dma_wait3A_77 = tpu.memref_squeeze %dma_wait3A_76 : memref<1x125xi32, #tpu.memory_space<vmem>> -> memref<125xi32, #tpu.memory_space<vmem>>
    %dma_wait3A_78 = arith.constant 0 : i32
    %dma_wait3A_79 = arith.constant 0 : i32
    %dma_wait3A_80 = tpu.memref_slice %arg8[%dma_wait3A_78, %dma_wait3A_79] : memref<10000x16xf32, #tpu.memory_space<vmem_shared>> -> memref<10000x16xf32, #tpu.memory_space<vmem_shared>>
    tpu.wait_indirect_dma semaphore(%arg9 : memref<!tpu.dma_semaphore, #tpu.memory_space<semaphore_mem>>) src(%arg7 : memref<125x16xf32, #tpu.memory_space<vmem>>) dst(%dma_wait3A_80 : memref<10000x16xf32, #tpu.memory_space<vmem_shared>>)
    %dma_wait3A_81 = arith.constant 0 : i32
    %dma_wait3A_82 = arith.constant 0 : i32
    %dma_wait3A_83 = tpu.memref_slice %arg6[%dma_wait3A_81, %dma_wait3A_82] : memref<80x125xi32, #tpu.memory_space<vmem>> -> memref<1x125xi32, #tpu.memory_space<vmem>>
    %dma_wait3A_84 = tpu.memref_squeeze %dma_wait3A_83 : memref<1x125xi32, #tpu.memory_space<vmem>> -> memref<125xi32, #tpu.memory_space<vmem>>
    %dma_wait3A_85 = arith.constant 0 : i32
    %dma_wait3A_86 = arith.constant 0 : i32
    %dma_wait3A_87 = tpu.memref_slice %arg8[%dma_wait3A_85, %dma_wait3A_86] : memref<10000x16xf32, #tpu.memory_space<vmem_shared>> -> memref<10000x16xf32, #tpu.memory_space<vmem_shared>>
    tpu.wait_indirect_dma semaphore(%arg9 : memref<!tpu.dma_semaphore, #tpu.memory_space<semaphore_mem>>) src(%arg7 : memref<125x16xf32, #tpu.memory_space<vmem>>) dst(%dma_wait3A_87 : memref<10000x16xf32, #tpu.memory_space<vmem_shared>>)
    %dma_wait3A_88 = arith.constant 0 : i32
    %dma_wait3A_89 = arith.constant 0 : i32
    %dma_wait3A_90 = tpu.memref_slice %arg6[%dma_wait3A_88, %dma_wait3A_89] : memref<80x125xi32, #tpu.memory_space<vmem>> -> memref<1x125xi32, #tpu.memory_space<vmem>>
    %dma_wait3A_91 = tpu.memref_squeeze %dma_wait3A_90 : memref<1x125xi32, #tpu.memory_space<vmem>> -> memref<125xi32, #tpu.memory_space<vmem>>
    %dma_wait3A_92 = arith.constant 0 : i32
    %dma_wait3A_93 = arith.constant 0 : i32
    %dma_wait3A_94 = tpu.memref_slice %arg8[%dma_wait3A_92, %dma_wait3A_93] : memref<10000x16xf32, #tpu.memory_space<vmem_shared>> -> memref<10000x16xf32, #tpu.memory_space<vmem_shared>>
    tpu.wait_indirect_dma semaphore(%arg9 : memref<!tpu.dma_semaphore, #tpu.memory_space<semaphore_mem>>) src(%arg7 : memref<125x16xf32, #tpu.memory_space<vmem>>) dst(%dma_wait3A_94 : memref<10000x16xf32, #tpu.memory_space<vmem_shared>>)
    %dma_wait3A_95 = arith.constant 0 : i32
    %dma_wait3A_96 = arith.constant 0 : i32
    %dma_wait3A_97 = tpu.memref_slice %arg6[%dma_wait3A_95, %dma_wait3A_96] : memref<80x125xi32, #tpu.memory_space<vmem>> -> memref<1x125xi32, #tpu.memory_space<vmem>>
    %dma_wait3A_98 = tpu.memref_squeeze %dma_wait3A_97 : memref<1x125xi32, #tpu.memory_space<vmem>> -> memref<125xi32, #tpu.memory_space<vmem>>
    %dma_wait3A_99 = arith.constant 0 : i32
    %dma_wait3A_100 = arith.constant 0 : i32
    %dma_wait3A_101 = tpu.memref_slice %arg8[%dma_wait3A_99, %dma_wait3A_100] : memref<10000x16xf32, #tpu.memory_space<vmem_shared>> -> memref<10000x16xf32, #tpu.memory_space<vmem_shared>>
    tpu.wait_indirect_dma semaphore(%arg9 : memref<!tpu.dma_semaphore, #tpu.memory_space<semaphore_mem>>) src(%arg7 : memref<125x16xf32, #tpu.memory_space<vmem>>) dst(%dma_wait3A_101 : memref<10000x16xf32, #tpu.memory_space<vmem_shared>>)
    %dma_wait3A_102 = arith.constant 0 : i32
    %dma_wait3A_103 = arith.constant 0 : i32
    %dma_wait3A_104 = tpu.memref_slice %arg6[%dma_wait3A_102, %dma_wait3A_103] : memref<80x125xi32, #tpu.memory_space<vmem>> -> memref<1x125xi32, #tpu.memory_space<vmem>>
    %dma_wait3A_105 = tpu.memref_squeeze %dma_wait3A_104 : memref<1x125xi32, #tpu.memory_space<vmem>> -> memref<125xi32, #tpu.memory_space<vmem>>
    %dma_wait3A_106 = arith.constant 0 : i32
    %dma_wait3A_107 = arith.constant 0 : i32
    %dma_wait3A_108 = tpu.memref_slice %arg8[%dma_wait3A_106, %dma_wait3A_107] : memref<10000x16xf32, #tpu.memory_space<vmem_shared>> -> memref<10000x16xf32, #tpu.memory_space<vmem_shared>>
    tpu.wait_indirect_dma semaphore(%arg9 : memref<!tpu.dma_semaphore, #tpu.memory_space<semaphore_mem>>) src(%arg7 : memref<125x16xf32, #tpu.memory_space<vmem>>) dst(%dma_wait3A_108 : memref<10000x16xf32, #tpu.memory_space<vmem_shared>>)
    %dma_wait3A_109 = arith.constant 0 : i32
    %dma_wait3A_110 = arith.constant 0 : i32
    %dma_wait3A_111 = tpu.memref_slice %arg6[%dma_wait3A_109, %dma_wait3A_110] : memref<80x125xi32, #tpu.memory_space<vmem>> -> memref<1x125xi32, #tpu.memory_space<vmem>>
    %dma_wait3A_112 = tpu.memref_squeeze %dma_wait3A_111 : memref<1x125xi32, #tpu.memory_space<vmem>> -> memref<125xi32, #tpu.memory_space<vmem>>
    %dma_wait3A_113 = arith.constant 0 : i32
    %dma_wait3A_114 = arith.constant 0 : i32
    %dma_wait3A_115 = tpu.memref_slice %arg8[%dma_wait3A_113, %dma_wait3A_114] : memref<10000x16xf32, #tpu.memory_space<vmem_shared>> -> memref<10000x16xf32, #tpu.memory_space<vmem_shared>>
    tpu.wait_indirect_dma semaphore(%arg9 : memref<!tpu.dma_semaphore, #tpu.memory_space<semaphore_mem>>) src(%arg7 : memref<125x16xf32, #tpu.memory_space<vmem>>) dst(%dma_wait3A_115 : memref<10000x16xf32, #tpu.memory_space<vmem_shared>>)
    %dma_wait3A_116 = arith.constant 0 : i32
    %dma_wait3A_117 = arith.constant 0 : i32
    %dma_wait3A_118 = tpu.memref_slice %arg6[%dma_wait3A_116, %dma_wait3A_117] : memref<80x125xi32, #tpu.memory_space<vmem>> -> memref<1x125xi32, #tpu.memory_space<vmem>>
    %dma_wait3A_119 = tpu.memref_squeeze %dma_wait3A_118 : memref<1x125xi32, #tpu.memory_space<vmem>> -> memref<125xi32, #tpu.memory_space<vmem>>
    %dma_wait3A_120 = arith.constant 0 : i32
    %dma_wait3A_121 = arith.constant 0 : i32
    %dma_wait3A_122 = tpu.memref_slice %arg8[%dma_wait3A_120, %dma_wait3A_121] : memref<10000x16xf32, #tpu.memory_space<vmem_shared>> -> memref<10000x16xf32, #tpu.memory_space<vmem_shared>>
    tpu.wait_indirect_dma semaphore(%arg9 : memref<!tpu.dma_semaphore, #tpu.memory_space<semaphore_mem>>) src(%arg7 : memref<125x16xf32, #tpu.memory_space<vmem>>) dst(%dma_wait3A_122 : memref<10000x16xf32, #tpu.memory_space<vmem_shared>>)
    %barrier3A_123 = arith.constant 0 : index
    tpu.barrier barrier_id(%barrier3A_123)
    %mul3A_124 = arith.constant 624 : i32
    %mul3A_125 = arith.muli %arg1, %mul3A_124 : i32
    %mul3A_126 = arith.constant 624 : i32
    %mul3A_127 = arith.muli %arg1, %mul3A_126 : i32
    "tpu.region"() ({
      %run_scoped3A = tpu.sem_alloc : memref<!tpu.dma_semaphore, #tpu.memory_space<semaphore_mem>>
      %dma_start3A = arith.constant 0 : i32
      %dma_start3A_133 = tpu.memref_slice %arg5[%arg0, %mul3A_127, %dma_start3A] : memref<2x10000x16xf32, #tpu.memory_space<hbm>> -> memref<1x624x16xf32, #tpu.memory_space<hbm>>
      %dma_start3A_134 = tpu.memref_squeeze %dma_start3A_133 : memref<1x624x16xf32, #tpu.memory_space<hbm>> -> memref<624x16xf32, #tpu.memory_space<hbm>>
      %dma_start3A_135 = arith.constant 0 : i32
      %dma_start3A_136 = tpu.memref_slice %arg8[%mul3A_125, %dma_start3A_135] : memref<10000x16xf32, #tpu.memory_space<vmem_shared>> -> memref<624x16xf32, #tpu.memory_space<vmem_shared>>
      tpu.enqueue_dma source(%dma_start3A_136 : memref<624x16xf32, #tpu.memory_space<vmem_shared>>) target(%dma_start3A_134 : memref<624x16xf32, #tpu.memory_space<hbm>>) target_semaphore(%run_scoped3A : memref<!tpu.dma_semaphore, #tpu.memory_space<semaphore_mem>>)
      %dma_wait3A_137 = arith.constant 0 : i32
      %dma_wait3A_138 = tpu.memref_slice %arg5[%arg0, %mul3A_127, %dma_wait3A_137] : memref<2x10000x16xf32, #tpu.memory_space<hbm>> -> memref<1x624x16xf32, #tpu.memory_space<hbm>>
      %dma_wait3A_139 = tpu.memref_squeeze %dma_wait3A_138 : memref<1x624x16xf32, #tpu.memory_space<hbm>> -> memref<624x16xf32, #tpu.memory_space<hbm>>
      %dma_wait3A_140 = arith.constant 0 : i32
      %dma_wait3A_141 = tpu.memref_slice %arg8[%mul3A_125, %dma_wait3A_140] : memref<10000x16xf32, #tpu.memory_space<vmem_shared>> -> memref<624x16xf32, #tpu.memory_space<vmem_shared>>
      tpu.wait_dma2 semaphore(%run_scoped3A : memref<!tpu.dma_semaphore, #tpu.memory_space<semaphore_mem>>) src(%dma_wait3A_141 : memref<624x16xf32, #tpu.memory_space<vmem_shared>>) dst(%dma_wait3A_139 : memref<624x16xf32, #tpu.memory_space<hbm>>)
      tpu.yield
    }) : () -> ()
    %eq3A_128 = arith.constant 15 : i32
    %eq3A_129 = arith.cmpi eq, %arg1, %eq3A_128 : i32
    %convert_element_type3A_130 = arith.extui %eq3A_129 : i1 to i32
    %cond3A_131 = arith.constant 0 : i32
    %cond3A_132 = arith.cmpi ne, %convert_element_type3A_130, %cond3A_131 : i32
    scf.if %cond3A_132 {
      "tpu.region"() ({
        %run_scoped3A = tpu.sem_alloc : memref<!tpu.dma_semaphore, #tpu.memory_space<semaphore_mem>>
        %dma_start3A = arith.constant 9984 : i32
        %dma_start3A_133 = arith.constant 0 : i32
        %dma_start3A_134 = tpu.memref_slice %arg5[%arg0, %dma_start3A, %dma_start3A_133] : memref<2x10000x16xf32, #tpu.memory_space<hbm>> -> memref<1x16x16xf32, #tpu.memory_space<hbm>>
        %dma_start3A_135 = tpu.memref_squeeze %dma_start3A_134 : memref<1x16x16xf32, #tpu.memory_space<hbm>> -> memref<16x16xf32, #tpu.memory_space<hbm>>
        %dma_start3A_136 = arith.constant 9984 : i32
        %dma_start3A_137 = arith.constant 0 : i32
        %dma_start3A_138 = tpu.memref_slice %arg8[%dma_start3A_136, %dma_start3A_137] : memref<10000x16xf32, #tpu.memory_space<vmem_shared>> -> memref<16x16xf32, #tpu.memory_space<vmem_shared>>
        tpu.enqueue_dma source(%dma_start3A_138 : memref<16x16xf32, #tpu.memory_space<vmem_shared>>) target(%dma_start3A_135 : memref<16x16xf32, #tpu.memory_space<hbm>>) target_semaphore(%run_scoped3A : memref<!tpu.dma_semaphore, #tpu.memory_space<semaphore_mem>>)
        %dma_wait3A_139 = arith.constant 9984 : i32
        %dma_wait3A_140 = arith.constant 0 : i32
        %dma_wait3A_141 = tpu.memref_slice %arg5[%arg0, %dma_wait3A_139, %dma_wait3A_140] : memref<2x10000x16xf32, #tpu.memory_space<hbm>> -> memref<1x16x16xf32, #tpu.memory_space<hbm>>
        %dma_wait3A_142 = tpu.memref_squeeze %dma_wait3A_141 : memref<1x16x16xf32, #tpu.memory_space<hbm>> -> memref<16x16xf32, #tpu.memory_space<hbm>>
        %dma_wait3A_143 = arith.constant 9984 : i32
        %dma_wait3A_144 = arith.constant 0 : i32
        %dma_wait3A_145 = tpu.memref_slice %arg8[%dma_wait3A_143, %dma_wait3A_144] : memref<10000x16xf32, #tpu.memory_space<vmem_shared>> -> memref<16x16xf32, #tpu.memory_space<vmem_shared>>
        tpu.wait_dma2 semaphore(%run_scoped3A : memref<!tpu.dma_semaphore, #tpu.memory_space<semaphore_mem>>) src(%dma_wait3A_145 : memref<16x16xf32, #tpu.memory_space<vmem_shared>>) dst(%dma_wait3A_142 : memref<16x16xf32, #tpu.memory_space<hbm>>)
        tpu.yield
      }) : () -> ()
    } else {
    }
    return
  }
}

#map = affine_map<(d0, d1) -> (0, 0)>
#map1 = affine_map<(d0, d1) -> (0, 0, 0)>
module attributes {stable_mosaic.version = 14 : i64} {
  func.func @_prop64(%arg0: i32, %arg1: i32, %arg2: memref<2560x125xi32, #tpu.memory_space<hbm>>, %arg3: memref<2560x125xi32, #tpu.memory_space<hbm>>, %arg4: memref<10000x64xf32, #tpu.memory_space<hbm>>, %arg5: memref<624x64xf32, #tpu.memory_space<hbm>>, %arg6: memref<2x10000x64xf32, #tpu.memory_space<hbm>>, %arg7: memref<80x125xi32, #tpu.memory_space<vmem>>, %arg8: memref<80x125xi32, #tpu.memory_space<vmem>>, %arg9: memref<2x4x125x64xf32, #tpu.memory_space<vmem>>, %arg10: memref<10000x64xf32, #tpu.memory_space<vmem_shared>>, %arg11: memref<!tpu.dma_semaphore, #tpu.memory_space<semaphore_mem>>, %arg12: memref<!tpu.dma_semaphore, #tpu.memory_space<semaphore_mem>>) attributes {dimension_semantics = [#tpu.dimension_semantics<core_parallel>, #tpu.dimension_semantics<subcore_parallel>], iteration_bounds = array<i64: 2, 16>, scalar_prefetch = 0 : i64, scratch_operands = 6 : i64, tpu.core_type = #tpu.core_type<sc_vector_subcore>, window_params = [{transform_indices = #map}, {transform_indices = #map}, {transform_indices = #map}, {transform_indices = #map}, {transform_indices = #map1}]} {
    %mul3A = arith.constant 16 : i32
    %mul3A_0 = arith.muli %arg0, %mul3A : i32
    %add3A = arith.addi %mul3A_0, %arg1 : i32
    %mul3A_1 = arith.constant 80 : i32
    %mul3A_2 = arith.muli %add3A, %mul3A_1 : i32
    "tpu.region"() ({
      %run_scoped3A = tpu.sem_alloc : memref<!tpu.dma_semaphore, #tpu.memory_space<semaphore_mem>>
      %dma_start3A_124 = arith.constant 0 : i32
      %dma_start3A_125 = tpu.memref_slice %arg2[%mul3A_2, %dma_start3A_124] : memref<2560x125xi32, #tpu.memory_space<hbm>> -> memref<80x125xi32, #tpu.memory_space<hbm>>
      %dma_start3A_126 = arith.constant 0 : i32
      %dma_start3A_127 = tpu.memref_slice %arg2[%mul3A_2, %dma_start3A_126] : memref<2560x125xi32, #tpu.memory_space<hbm>> -> memref<80x125xi32, #tpu.memory_space<hbm>>
      tpu.enqueue_dma source(%dma_start3A_127 : memref<80x125xi32, #tpu.memory_space<hbm>>) target(%arg7 : memref<80x125xi32, #tpu.memory_space<vmem>>) target_semaphore(%run_scoped3A : memref<!tpu.dma_semaphore, #tpu.memory_space<semaphore_mem>>)
      %dma_wait3A_128 = arith.constant 0 : i32
      %dma_wait3A_129 = tpu.memref_slice %arg2[%mul3A_2, %dma_wait3A_128] : memref<2560x125xi32, #tpu.memory_space<hbm>> -> memref<80x125xi32, #tpu.memory_space<hbm>>
      %dma_wait3A_130 = arith.constant 0 : i32
      %dma_wait3A_131 = tpu.memref_slice %arg2[%mul3A_2, %dma_wait3A_130] : memref<2560x125xi32, #tpu.memory_space<hbm>> -> memref<80x125xi32, #tpu.memory_space<hbm>>
      tpu.wait_dma2 semaphore(%run_scoped3A : memref<!tpu.dma_semaphore, #tpu.memory_space<semaphore_mem>>) src(%dma_wait3A_131 : memref<80x125xi32, #tpu.memory_space<hbm>>) dst(%arg7 : memref<80x125xi32, #tpu.memory_space<vmem>>)
      tpu.yield
    }) : () -> ()
    "tpu.region"() ({
      %run_scoped3A = tpu.sem_alloc : memref<!tpu.dma_semaphore, #tpu.memory_space<semaphore_mem>>
      %dma_start3A_124 = arith.constant 0 : i32
      %dma_start3A_125 = tpu.memref_slice %arg3[%mul3A_2, %dma_start3A_124] : memref<2560x125xi32, #tpu.memory_space<hbm>> -> memref<80x125xi32, #tpu.memory_space<hbm>>
      %dma_start3A_126 = arith.constant 0 : i32
      %dma_start3A_127 = tpu.memref_slice %arg3[%mul3A_2, %dma_start3A_126] : memref<2560x125xi32, #tpu.memory_space<hbm>> -> memref<80x125xi32, #tpu.memory_space<hbm>>
      tpu.enqueue_dma source(%dma_start3A_127 : memref<80x125xi32, #tpu.memory_space<hbm>>) target(%arg8 : memref<80x125xi32, #tpu.memory_space<vmem>>) target_semaphore(%run_scoped3A : memref<!tpu.dma_semaphore, #tpu.memory_space<semaphore_mem>>)
      %dma_wait3A_128 = arith.constant 0 : i32
      %dma_wait3A_129 = tpu.memref_slice %arg3[%mul3A_2, %dma_wait3A_128] : memref<2560x125xi32, #tpu.memory_space<hbm>> -> memref<80x125xi32, #tpu.memory_space<hbm>>
      %dma_wait3A_130 = arith.constant 0 : i32
      %dma_wait3A_131 = tpu.memref_slice %arg3[%mul3A_2, %dma_wait3A_130] : memref<2560x125xi32, #tpu.memory_space<hbm>> -> memref<80x125xi32, #tpu.memory_space<hbm>>
      tpu.wait_dma2 semaphore(%run_scoped3A : memref<!tpu.dma_semaphore, #tpu.memory_space<semaphore_mem>>) src(%dma_wait3A_131 : memref<80x125xi32, #tpu.memory_space<hbm>>) dst(%arg8 : memref<80x125xi32, #tpu.memory_space<vmem>>)
      tpu.yield
    }) : () -> ()
    %mul3A_3 = arith.constant 624 : i32
    %mul3A_4 = arith.muli %arg1, %mul3A_3 : i32
    "tpu.region"() ({
      %run_scoped3A = tpu.sem_alloc : memref<!tpu.dma_semaphore, #tpu.memory_space<semaphore_mem>>
      %dma_start3A_124 = arith.constant 0 : i32
      %dma_start3A_125 = tpu.memref_slice %arg10[%mul3A_4, %dma_start3A_124] : memref<10000x64xf32, #tpu.memory_space<vmem_shared>> -> memref<624x64xf32, #tpu.memory_space<vmem_shared>>
      tpu.enqueue_dma source(%arg5 : memref<624x64xf32, #tpu.memory_space<hbm>>) target(%dma_start3A_125 : memref<624x64xf32, #tpu.memory_space<vmem_shared>>) target_semaphore(%run_scoped3A : memref<!tpu.dma_semaphore, #tpu.memory_space<semaphore_mem>>)
      %dma_wait3A_126 = arith.constant 0 : i32
      %dma_wait3A_127 = tpu.memref_slice %arg10[%mul3A_4, %dma_wait3A_126] : memref<10000x64xf32, #tpu.memory_space<vmem_shared>> -> memref<624x64xf32, #tpu.memory_space<vmem_shared>>
      tpu.wait_dma2 semaphore(%run_scoped3A : memref<!tpu.dma_semaphore, #tpu.memory_space<semaphore_mem>>) src(%arg5 : memref<624x64xf32, #tpu.memory_space<hbm>>) dst(%dma_wait3A_127 : memref<624x64xf32, #tpu.memory_space<vmem_shared>>)
      tpu.yield
    }) : () -> ()
    %eq3A = arith.constant 15 : i32
    %eq3A_5 = arith.cmpi eq, %arg1, %eq3A : i32
    %convert_element_type3A = arith.extui %eq3A_5 : i1 to i32
    %cond3A = arith.constant 0 : i32
    %cond3A_6 = arith.cmpi ne, %convert_element_type3A, %cond3A : i32
    scf.if %cond3A_6 {
      "tpu.region"() ({
        %run_scoped3A = tpu.sem_alloc : memref<!tpu.dma_semaphore, #tpu.memory_space<semaphore_mem>>
        %dma_start3A_124 = arith.constant 9984 : i32
        %dma_start3A_125 = arith.constant 0 : i32
        %dma_start3A_126 = tpu.memref_slice %arg10[%dma_start3A_124, %dma_start3A_125] : memref<10000x64xf32, #tpu.memory_space<vmem_shared>> -> memref<16x64xf32, #tpu.memory_space<vmem_shared>>
        %dma_start3A_127 = arith.constant 0 : i32
        %dma_start3A_128 = arith.constant 0 : i32
        %dma_start3A_129 = tpu.memref_slice %arg5[%dma_start3A_127, %dma_start3A_128] : memref<624x64xf32, #tpu.memory_space<hbm>> -> memref<16x64xf32, #tpu.memory_space<hbm>>
        tpu.enqueue_dma source(%dma_start3A_129 : memref<16x64xf32, #tpu.memory_space<hbm>>) target(%dma_start3A_126 : memref<16x64xf32, #tpu.memory_space<vmem_shared>>) target_semaphore(%run_scoped3A : memref<!tpu.dma_semaphore, #tpu.memory_space<semaphore_mem>>)
        %dma_wait3A_130 = arith.constant 9984 : i32
        %dma_wait3A_131 = arith.constant 0 : i32
        %dma_wait3A_132 = tpu.memref_slice %arg10[%dma_wait3A_130, %dma_wait3A_131] : memref<10000x64xf32, #tpu.memory_space<vmem_shared>> -> memref<16x64xf32, #tpu.memory_space<vmem_shared>>
        %dma_wait3A_133 = arith.constant 0 : i32
        %dma_wait3A_134 = arith.constant 0 : i32
        %dma_wait3A_135 = tpu.memref_slice %arg5[%dma_wait3A_133, %dma_wait3A_134] : memref<624x64xf32, #tpu.memory_space<hbm>> -> memref<16x64xf32, #tpu.memory_space<hbm>>
        tpu.wait_dma2 semaphore(%run_scoped3A : memref<!tpu.dma_semaphore, #tpu.memory_space<semaphore_mem>>) src(%dma_wait3A_135 : memref<16x64xf32, #tpu.memory_space<hbm>>) dst(%dma_wait3A_132 : memref<16x64xf32, #tpu.memory_space<vmem_shared>>)
        tpu.yield
      }) : () -> ()
    } else {
    }
    %barrier3A = arith.constant 0 : index
    tpu.barrier barrier_id(%barrier3A)
    %dma_start3A = arith.constant 0 : i32
    %dma_start3A_7 = arith.constant 0 : i32
    %dma_start3A_8 = arith.constant 0 : i32
    %dma_start3A_9 = arith.constant 0 : i32
    %dma_start3A_10 = arith.constant 0 : i32
    %dma_start3A_11 = tpu.memref_slice %arg9[%dma_start3A_7, %dma_start3A_8, %dma_start3A_9, %dma_start3A_10] : memref<2x4x125x64xf32, #tpu.memory_space<vmem>> -> memref<1x1x125x64xf32, #tpu.memory_space<vmem>>
    %dma_start3A_12 = tpu.memref_squeeze %dma_start3A_11 : memref<1x1x125x64xf32, #tpu.memory_space<vmem>> -> memref<125x64xf32, #tpu.memory_space<vmem>>
    %dma_start3A_13 = arith.constant 0 : i32
    %dma_start3A_14 = tpu.memref_slice %arg7[%dma_start3A, %dma_start3A_13] : memref<80x125xi32, #tpu.memory_space<vmem>> -> memref<1x125xi32, #tpu.memory_space<vmem>>
    %dma_start3A_15 = tpu.memref_squeeze %dma_start3A_14 : memref<1x125xi32, #tpu.memory_space<vmem>> -> memref<125xi32, #tpu.memory_space<vmem>>
    %dma_start3A_16 = arith.constant 0 : i32
    %dma_start3A_17 = arith.constant 0 : i32
    %dma_start3A_18 = tpu.memref_slice %arg4[%dma_start3A_16, %dma_start3A_17] : memref<10000x64xf32, #tpu.memory_space<hbm>> -> memref<10000x64xf32, #tpu.memory_space<hbm>>
    tpu.enqueue_indirect_dma source(%dma_start3A_18 : memref<10000x64xf32, #tpu.memory_space<hbm>>) target(%dma_start3A_12 : memref<125x64xf32, #tpu.memory_space<vmem>>) offsets(%dma_start3A_15 : memref<125xi32, #tpu.memory_space<vmem>>) semaphore(%arg11 : memref<!tpu.dma_semaphore, #tpu.memory_space<semaphore_mem>>)
    %dma_start3A_19 = arith.constant 1 : i32
    %dma_start3A_20 = arith.constant 0 : i32
    %dma_start3A_21 = arith.constant 1 : i32
    %dma_start3A_22 = arith.constant 0 : i32
    %dma_start3A_23 = arith.constant 0 : i32
    %dma_start3A_24 = tpu.memref_slice %arg9[%dma_start3A_20, %dma_start3A_21, %dma_start3A_22, %dma_start3A_23] : memref<2x4x125x64xf32, #tpu.memory_space<vmem>> -> memref<1x1x125x64xf32, #tpu.memory_space<vmem>>
    %dma_start3A_25 = tpu.memref_squeeze %dma_start3A_24 : memref<1x1x125x64xf32, #tpu.memory_space<vmem>> -> memref<125x64xf32, #tpu.memory_space<vmem>>
    %dma_start3A_26 = arith.constant 0 : i32
    %dma_start3A_27 = tpu.memref_slice %arg7[%dma_start3A_19, %dma_start3A_26] : memref<80x125xi32, #tpu.memory_space<vmem>> -> memref<1x125xi32, #tpu.memory_space<vmem>>
    %dma_start3A_28 = tpu.memref_squeeze %dma_start3A_27 : memref<1x125xi32, #tpu.memory_space<vmem>> -> memref<125xi32, #tpu.memory_space<vmem>>
    %dma_start3A_29 = arith.constant 0 : i32
    %dma_start3A_30 = arith.constant 0 : i32
    %dma_start3A_31 = tpu.memref_slice %arg4[%dma_start3A_29, %dma_start3A_30] : memref<10000x64xf32, #tpu.memory_space<hbm>> -> memref<10000x64xf32, #tpu.memory_space<hbm>>
    tpu.enqueue_indirect_dma source(%dma_start3A_31 : memref<10000x64xf32, #tpu.memory_space<hbm>>) target(%dma_start3A_25 : memref<125x64xf32, #tpu.memory_space<vmem>>) offsets(%dma_start3A_28 : memref<125xi32, #tpu.memory_space<vmem>>) semaphore(%arg11 : memref<!tpu.dma_semaphore, #tpu.memory_space<semaphore_mem>>)
    %dma_start3A_32 = arith.constant 2 : i32
    %dma_start3A_33 = arith.constant 0 : i32
    %dma_start3A_34 = arith.constant 2 : i32
    %dma_start3A_35 = arith.constant 0 : i32
    %dma_start3A_36 = arith.constant 0 : i32
    %dma_start3A_37 = tpu.memref_slice %arg9[%dma_start3A_33, %dma_start3A_34, %dma_start3A_35, %dma_start3A_36] : memref<2x4x125x64xf32, #tpu.memory_space<vmem>> -> memref<1x1x125x64xf32, #tpu.memory_space<vmem>>
    %dma_start3A_38 = tpu.memref_squeeze %dma_start3A_37 : memref<1x1x125x64xf32, #tpu.memory_space<vmem>> -> memref<125x64xf32, #tpu.memory_space<vmem>>
    %dma_start3A_39 = arith.constant 0 : i32
    %dma_start3A_40 = tpu.memref_slice %arg7[%dma_start3A_32, %dma_start3A_39] : memref<80x125xi32, #tpu.memory_space<vmem>> -> memref<1x125xi32, #tpu.memory_space<vmem>>
    %dma_start3A_41 = tpu.memref_squeeze %dma_start3A_40 : memref<1x125xi32, #tpu.memory_space<vmem>> -> memref<125xi32, #tpu.memory_space<vmem>>
    %dma_start3A_42 = arith.constant 0 : i32
    %dma_start3A_43 = arith.constant 0 : i32
    %dma_start3A_44 = tpu.memref_slice %arg4[%dma_start3A_42, %dma_start3A_43] : memref<10000x64xf32, #tpu.memory_space<hbm>> -> memref<10000x64xf32, #tpu.memory_space<hbm>>
    tpu.enqueue_indirect_dma source(%dma_start3A_44 : memref<10000x64xf32, #tpu.memory_space<hbm>>) target(%dma_start3A_38 : memref<125x64xf32, #tpu.memory_space<vmem>>) offsets(%dma_start3A_41 : memref<125xi32, #tpu.memory_space<vmem>>) semaphore(%arg11 : memref<!tpu.dma_semaphore, #tpu.memory_space<semaphore_mem>>)
    %dma_start3A_45 = arith.constant 3 : i32
    %dma_start3A_46 = arith.constant 0 : i32
    %dma_start3A_47 = arith.constant 3 : i32
    %dma_start3A_48 = arith.constant 0 : i32
    %dma_start3A_49 = arith.constant 0 : i32
    %dma_start3A_50 = tpu.memref_slice %arg9[%dma_start3A_46, %dma_start3A_47, %dma_start3A_48, %dma_start3A_49] : memref<2x4x125x64xf32, #tpu.memory_space<vmem>> -> memref<1x1x125x64xf32, #tpu.memory_space<vmem>>
    %dma_start3A_51 = tpu.memref_squeeze %dma_start3A_50 : memref<1x1x125x64xf32, #tpu.memory_space<vmem>> -> memref<125x64xf32, #tpu.memory_space<vmem>>
    %dma_start3A_52 = arith.constant 0 : i32
    %dma_start3A_53 = tpu.memref_slice %arg7[%dma_start3A_45, %dma_start3A_52] : memref<80x125xi32, #tpu.memory_space<vmem>> -> memref<1x125xi32, #tpu.memory_space<vmem>>
    %dma_start3A_54 = tpu.memref_squeeze %dma_start3A_53 : memref<1x125xi32, #tpu.memory_space<vmem>> -> memref<125xi32, #tpu.memory_space<vmem>>
    %dma_start3A_55 = arith.constant 0 : i32
    %dma_start3A_56 = arith.constant 0 : i32
    %dma_start3A_57 = tpu.memref_slice %arg4[%dma_start3A_55, %dma_start3A_56] : memref<10000x64xf32, #tpu.memory_space<hbm>> -> memref<10000x64xf32, #tpu.memory_space<hbm>>
    tpu.enqueue_indirect_dma source(%dma_start3A_57 : memref<10000x64xf32, #tpu.memory_space<hbm>>) target(%dma_start3A_51 : memref<125x64xf32, #tpu.memory_space<vmem>>) offsets(%dma_start3A_54 : memref<125xi32, #tpu.memory_space<vmem>>) semaphore(%arg11 : memref<!tpu.dma_semaphore, #tpu.memory_space<semaphore_mem>>)
    %scan3A = arith.constant 0 : i32
    %scan3A_58 = arith.constant 0 : i32
    %scan3A_59 = arith.constant 20 : i32
    %scan3A_60 = arith.addi %scan3A_58, %scan3A_59 : i32
    %scan3A_61 = arith.constant 1 : i32
    scf.for %scan3A_124 = %scan3A_58 to %scan3A_60 step %scan3A_61  : i32 {
      %rem3A = arith.constant 2 : i32
      %rem3A_125 = arith.remsi %scan3A_124, %rem3A : i32
      %sub3A = arith.constant 1 : i32
      %sub3A_126 = arith.subi %sub3A, %rem3A_125 : i32
      %ge3A = arith.constant 1 : i32
      %ge3A_127 = arith.cmpi sge, %scan3A_124, %ge3A : i32
      %convert_element_type3A_128 = arith.extui %ge3A_127 : i1 to i32
      %cond3A_129 = arith.constant 0 : i32
      %cond3A_130 = arith.cmpi ne, %convert_element_type3A_128, %cond3A_129 : i32
      scf.if %cond3A_130 {
        %dma_wait3A_247 = arith.constant 0 : i32
        %dma_wait3A_248 = arith.constant 0 : i32
        %dma_wait3A_249 = arith.constant 0 : i32
        %dma_wait3A_250 = arith.constant 0 : i32
        %dma_wait3A_251 = arith.constant 0 : i32
        %dma_wait3A_252 = tpu.memref_slice %arg9[%dma_wait3A_247, %dma_wait3A_248, %dma_wait3A_250, %dma_wait3A_251] : memref<2x4x125x64xf32, #tpu.memory_space<vmem>> -> memref<1x1x125x64xf32, #tpu.memory_space<vmem>>
        %dma_wait3A_253 = tpu.memref_squeeze %dma_wait3A_252 : memref<1x1x125x64xf32, #tpu.memory_space<vmem>> -> memref<125x64xf32, #tpu.memory_space<vmem>>
        %dma_wait3A_254 = arith.constant 0 : i32
        %dma_wait3A_255 = tpu.memref_slice %arg8[%dma_wait3A_249, %dma_wait3A_254] : memref<80x125xi32, #tpu.memory_space<vmem>> -> memref<1x125xi32, #tpu.memory_space<vmem>>
        %dma_wait3A_256 = tpu.memref_squeeze %dma_wait3A_255 : memref<1x125xi32, #tpu.memory_space<vmem>> -> memref<125xi32, #tpu.memory_space<vmem>>
        %dma_wait3A_257 = arith.constant 0 : i32
        %dma_wait3A_258 = arith.constant 0 : i32
        %dma_wait3A_259 = tpu.memref_slice %arg10[%dma_wait3A_257, %dma_wait3A_258] : memref<10000x64xf32, #tpu.memory_space<vmem_shared>> -> memref<10000x64xf32, #tpu.memory_space<vmem_shared>>
        tpu.wait_indirect_dma semaphore(%arg12 : memref<!tpu.dma_semaphore, #tpu.memory_space<semaphore_mem>>) src(%dma_wait3A_253 : memref<125x64xf32, #tpu.memory_space<vmem>>) dst(%dma_wait3A_259 : memref<10000x64xf32, #tpu.memory_space<vmem_shared>>)
        %dma_wait3A_260 = arith.constant 0 : i32
        %dma_wait3A_261 = arith.constant 1 : i32
        %dma_wait3A_262 = arith.constant 0 : i32
        %dma_wait3A_263 = arith.constant 0 : i32
        %dma_wait3A_264 = arith.constant 0 : i32
        %dma_wait3A_265 = tpu.memref_slice %arg9[%dma_wait3A_260, %dma_wait3A_261, %dma_wait3A_263, %dma_wait3A_264] : memref<2x4x125x64xf32, #tpu.memory_space<vmem>> -> memref<1x1x125x64xf32, #tpu.memory_space<vmem>>
        %dma_wait3A_266 = tpu.memref_squeeze %dma_wait3A_265 : memref<1x1x125x64xf32, #tpu.memory_space<vmem>> -> memref<125x64xf32, #tpu.memory_space<vmem>>
        %dma_wait3A_267 = arith.constant 0 : i32
        %dma_wait3A_268 = tpu.memref_slice %arg8[%dma_wait3A_262, %dma_wait3A_267] : memref<80x125xi32, #tpu.memory_space<vmem>> -> memref<1x125xi32, #tpu.memory_space<vmem>>
        %dma_wait3A_269 = tpu.memref_squeeze %dma_wait3A_268 : memref<1x125xi32, #tpu.memory_space<vmem>> -> memref<125xi32, #tpu.memory_space<vmem>>
        %dma_wait3A_270 = arith.constant 0 : i32
        %dma_wait3A_271 = arith.constant 0 : i32
        %dma_wait3A_272 = tpu.memref_slice %arg10[%dma_wait3A_270, %dma_wait3A_271] : memref<10000x64xf32, #tpu.memory_space<vmem_shared>> -> memref<10000x64xf32, #tpu.memory_space<vmem_shared>>
        tpu.wait_indirect_dma semaphore(%arg12 : memref<!tpu.dma_semaphore, #tpu.memory_space<semaphore_mem>>) src(%dma_wait3A_266 : memref<125x64xf32, #tpu.memory_space<vmem>>) dst(%dma_wait3A_272 : memref<10000x64xf32, #tpu.memory_space<vmem_shared>>)
        %dma_wait3A_273 = arith.constant 0 : i32
        %dma_wait3A_274 = arith.constant 2 : i32
        %dma_wait3A_275 = arith.constant 0 : i32
        %dma_wait3A_276 = arith.constant 0 : i32
        %dma_wait3A_277 = arith.constant 0 : i32
        %dma_wait3A_278 = tpu.memref_slice %arg9[%dma_wait3A_273, %dma_wait3A_274, %dma_wait3A_276, %dma_wait3A_277] : memref<2x4x125x64xf32, #tpu.memory_space<vmem>> -> memref<1x1x125x64xf32, #tpu.memory_space<vmem>>
        %dma_wait3A_279 = tpu.memref_squeeze %dma_wait3A_278 : memref<1x1x125x64xf32, #tpu.memory_space<vmem>> -> memref<125x64xf32, #tpu.memory_space<vmem>>
        %dma_wait3A_280 = arith.constant 0 : i32
        %dma_wait3A_281 = tpu.memref_slice %arg8[%dma_wait3A_275, %dma_wait3A_280] : memref<80x125xi32, #tpu.memory_space<vmem>> -> memref<1x125xi32, #tpu.memory_space<vmem>>
        %dma_wait3A_282 = tpu.memref_squeeze %dma_wait3A_281 : memref<1x125xi32, #tpu.memory_space<vmem>> -> memref<125xi32, #tpu.memory_space<vmem>>
        %dma_wait3A_283 = arith.constant 0 : i32
        %dma_wait3A_284 = arith.constant 0 : i32
        %dma_wait3A_285 = tpu.memref_slice %arg10[%dma_wait3A_283, %dma_wait3A_284] : memref<10000x64xf32, #tpu.memory_space<vmem_shared>> -> memref<10000x64xf32, #tpu.memory_space<vmem_shared>>
        tpu.wait_indirect_dma semaphore(%arg12 : memref<!tpu.dma_semaphore, #tpu.memory_space<semaphore_mem>>) src(%dma_wait3A_279 : memref<125x64xf32, #tpu.memory_space<vmem>>) dst(%dma_wait3A_285 : memref<10000x64xf32, #tpu.memory_space<vmem_shared>>)
        %dma_wait3A_286 = arith.constant 0 : i32
        %dma_wait3A_287 = arith.constant 3 : i32
        %dma_wait3A_288 = arith.constant 0 : i32
        %dma_wait3A_289 = arith.constant 0 : i32
        %dma_wait3A_290 = arith.constant 0 : i32
        %dma_wait3A_291 = tpu.memref_slice %arg9[%dma_wait3A_286, %dma_wait3A_287, %dma_wait3A_289, %dma_wait3A_290] : memref<2x4x125x64xf32, #tpu.memory_space<vmem>> -> memref<1x1x125x64xf32, #tpu.memory_space<vmem>>
        %dma_wait3A_292 = tpu.memref_squeeze %dma_wait3A_291 : memref<1x1x125x64xf32, #tpu.memory_space<vmem>> -> memref<125x64xf32, #tpu.memory_space<vmem>>
        %dma_wait3A_293 = arith.constant 0 : i32
        %dma_wait3A_294 = tpu.memref_slice %arg8[%dma_wait3A_288, %dma_wait3A_293] : memref<80x125xi32, #tpu.memory_space<vmem>> -> memref<1x125xi32, #tpu.memory_space<vmem>>
        %dma_wait3A_295 = tpu.memref_squeeze %dma_wait3A_294 : memref<1x125xi32, #tpu.memory_space<vmem>> -> memref<125xi32, #tpu.memory_space<vmem>>
        %dma_wait3A_296 = arith.constant 0 : i32
        %dma_wait3A_297 = arith.constant 0 : i32
        %dma_wait3A_298 = tpu.memref_slice %arg10[%dma_wait3A_296, %dma_wait3A_297] : memref<10000x64xf32, #tpu.memory_space<vmem_shared>> -> memref<10000x64xf32, #tpu.memory_space<vmem_shared>>
        tpu.wait_indirect_dma semaphore(%arg12 : memref<!tpu.dma_semaphore, #tpu.memory_space<semaphore_mem>>) src(%dma_wait3A_292 : memref<125x64xf32, #tpu.memory_space<vmem>>) dst(%dma_wait3A_298 : memref<10000x64xf32, #tpu.memory_space<vmem_shared>>)
      } else {
      }
      %lt3A = arith.constant 19 : i32
      %lt3A_131 = arith.cmpi slt, %scan3A_124, %lt3A : i32
      %convert_element_type3A_132 = arith.extui %lt3A_131 : i1 to i32
      %cond3A_133 = arith.constant 0 : i32
      %cond3A_134 = arith.cmpi ne, %convert_element_type3A_132, %cond3A_133 : i32
      scf.if %cond3A_134 {
        %add3A_247 = arith.constant 1 : i32
        %add3A_248 = arith.addi %scan3A_124, %add3A_247 : i32
        %mul3A_249 = arith.constant 4 : i32
        %mul3A_250 = arith.muli %add3A_248, %mul3A_249 : i32
        %add3A_251 = arith.constant 0 : i32
        %add3A_252 = arith.addi %mul3A_250, %add3A_251 : i32
        %dma_start3A_253 = arith.constant 0 : i32
        %dma_start3A_254 = arith.constant 0 : i32
        %dma_start3A_255 = arith.constant 0 : i32
        %dma_start3A_256 = tpu.memref_slice %arg9[%sub3A_126, %dma_start3A_253, %dma_start3A_254, %dma_start3A_255] : memref<2x4x125x64xf32, #tpu.memory_space<vmem>> -> memref<1x1x125x64xf32, #tpu.memory_space<vmem>>
        %dma_start3A_257 = tpu.memref_squeeze %dma_start3A_256 : memref<1x1x125x64xf32, #tpu.memory_space<vmem>> -> memref<125x64xf32, #tpu.memory_space<vmem>>
        %dma_start3A_258 = arith.constant 0 : i32
        %dma_start3A_259 = tpu.memref_slice %arg7[%add3A_252, %dma_start3A_258] : memref<80x125xi32, #tpu.memory_space<vmem>> -> memref<1x125xi32, #tpu.memory_space<vmem>>
        %dma_start3A_260 = tpu.memref_squeeze %dma_start3A_259 : memref<1x125xi32, #tpu.memory_space<vmem>> -> memref<125xi32, #tpu.memory_space<vmem>>
        %dma_start3A_261 = arith.constant 0 : i32
        %dma_start3A_262 = arith.constant 0 : i32
        %dma_start3A_263 = tpu.memref_slice %arg4[%dma_start3A_261, %dma_start3A_262] : memref<10000x64xf32, #tpu.memory_space<hbm>> -> memref<10000x64xf32, #tpu.memory_space<hbm>>
        tpu.enqueue_indirect_dma source(%dma_start3A_263 : memref<10000x64xf32, #tpu.memory_space<hbm>>) target(%dma_start3A_257 : memref<125x64xf32, #tpu.memory_space<vmem>>) offsets(%dma_start3A_260 : memref<125xi32, #tpu.memory_space<vmem>>) semaphore(%arg11 : memref<!tpu.dma_semaphore, #tpu.memory_space<semaphore_mem>>)
        %mul3A_264 = arith.constant 4 : i32
        %mul3A_265 = arith.muli %add3A_248, %mul3A_264 : i32
        %add3A_266 = arith.constant 1 : i32
        %add3A_267 = arith.addi %mul3A_265, %add3A_266 : i32
        %dma_start3A_268 = arith.constant 1 : i32
        %dma_start3A_269 = arith.constant 0 : i32
        %dma_start3A_270 = arith.constant 0 : i32
        %dma_start3A_271 = tpu.memref_slice %arg9[%sub3A_126, %dma_start3A_268, %dma_start3A_269, %dma_start3A_270] : memref<2x4x125x64xf32, #tpu.memory_space<vmem>> -> memref<1x1x125x64xf32, #tpu.memory_space<vmem>>
        %dma_start3A_272 = tpu.memref_squeeze %dma_start3A_271 : memref<1x1x125x64xf32, #tpu.memory_space<vmem>> -> memref<125x64xf32, #tpu.memory_space<vmem>>
        %dma_start3A_273 = arith.constant 0 : i32
        %dma_start3A_274 = tpu.memref_slice %arg7[%add3A_267, %dma_start3A_273] : memref<80x125xi32, #tpu.memory_space<vmem>> -> memref<1x125xi32, #tpu.memory_space<vmem>>
        %dma_start3A_275 = tpu.memref_squeeze %dma_start3A_274 : memref<1x125xi32, #tpu.memory_space<vmem>> -> memref<125xi32, #tpu.memory_space<vmem>>
        %dma_start3A_276 = arith.constant 0 : i32
        %dma_start3A_277 = arith.constant 0 : i32
        %dma_start3A_278 = tpu.memref_slice %arg4[%dma_start3A_276, %dma_start3A_277] : memref<10000x64xf32, #tpu.memory_space<hbm>> -> memref<10000x64xf32, #tpu.memory_space<hbm>>
        tpu.enqueue_indirect_dma source(%dma_start3A_278 : memref<10000x64xf32, #tpu.memory_space<hbm>>) target(%dma_start3A_272 : memref<125x64xf32, #tpu.memory_space<vmem>>) offsets(%dma_start3A_275 : memref<125xi32, #tpu.memory_space<vmem>>) semaphore(%arg11 : memref<!tpu.dma_semaphore, #tpu.memory_space<semaphore_mem>>)
        %mul3A_279 = arith.constant 4 : i32
        %mul3A_280 = arith.muli %add3A_248, %mul3A_279 : i32
        %add3A_281 = arith.constant 2 : i32
        %add3A_282 = arith.addi %mul3A_280, %add3A_281 : i32
        %dma_start3A_283 = arith.constant 2 : i32
        %dma_start3A_284 = arith.constant 0 : i32
        %dma_start3A_285 = arith.constant 0 : i32
        %dma_start3A_286 = tpu.memref_slice %arg9[%sub3A_126, %dma_start3A_283, %dma_start3A_284, %dma_start3A_285] : memref<2x4x125x64xf32, #tpu.memory_space<vmem>> -> memref<1x1x125x64xf32, #tpu.memory_space<vmem>>
        %dma_start3A_287 = tpu.memref_squeeze %dma_start3A_286 : memref<1x1x125x64xf32, #tpu.memory_space<vmem>> -> memref<125x64xf32, #tpu.memory_space<vmem>>
        %dma_start3A_288 = arith.constant 0 : i32
        %dma_start3A_289 = tpu.memref_slice %arg7[%add3A_282, %dma_start3A_288] : memref<80x125xi32, #tpu.memory_space<vmem>> -> memref<1x125xi32, #tpu.memory_space<vmem>>
        %dma_start3A_290 = tpu.memref_squeeze %dma_start3A_289 : memref<1x125xi32, #tpu.memory_space<vmem>> -> memref<125xi32, #tpu.memory_space<vmem>>
        %dma_start3A_291 = arith.constant 0 : i32
        %dma_start3A_292 = arith.constant 0 : i32
        %dma_start3A_293 = tpu.memref_slice %arg4[%dma_start3A_291, %dma_start3A_292] : memref<10000x64xf32, #tpu.memory_space<hbm>> -> memref<10000x64xf32, #tpu.memory_space<hbm>>
        tpu.enqueue_indirect_dma source(%dma_start3A_293 : memref<10000x64xf32, #tpu.memory_space<hbm>>) target(%dma_start3A_287 : memref<125x64xf32, #tpu.memory_space<vmem>>) offsets(%dma_start3A_290 : memref<125xi32, #tpu.memory_space<vmem>>) semaphore(%arg11 : memref<!tpu.dma_semaphore, #tpu.memory_space<semaphore_mem>>)
        %mul3A_294 = arith.constant 4 : i32
        %mul3A_295 = arith.muli %add3A_248, %mul3A_294 : i32
        %add3A_296 = arith.constant 3 : i32
        %add3A_297 = arith.addi %mul3A_295, %add3A_296 : i32
        %dma_start3A_298 = arith.constant 3 : i32
        %dma_start3A_299 = arith.constant 0 : i32
        %dma_start3A_300 = arith.constant 0 : i32
        %dma_start3A_301 = tpu.memref_slice %arg9[%sub3A_126, %dma_start3A_298, %dma_start3A_299, %dma_start3A_300] : memref<2x4x125x64xf32, #tpu.memory_space<vmem>> -> memref<1x1x125x64xf32, #tpu.memory_space<vmem>>
        %dma_start3A_302 = tpu.memref_squeeze %dma_start3A_301 : memref<1x1x125x64xf32, #tpu.memory_space<vmem>> -> memref<125x64xf32, #tpu.memory_space<vmem>>
        %dma_start3A_303 = arith.constant 0 : i32
        %dma_start3A_304 = tpu.memref_slice %arg7[%add3A_297, %dma_start3A_303] : memref<80x125xi32, #tpu.memory_space<vmem>> -> memref<1x125xi32, #tpu.memory_space<vmem>>
        %dma_start3A_305 = tpu.memref_squeeze %dma_start3A_304 : memref<1x125xi32, #tpu.memory_space<vmem>> -> memref<125xi32, #tpu.memory_space<vmem>>
        %dma_start3A_306 = arith.constant 0 : i32
        %dma_start3A_307 = arith.constant 0 : i32
        %dma_start3A_308 = tpu.memref_slice %arg4[%dma_start3A_306, %dma_start3A_307] : memref<10000x64xf32, #tpu.memory_space<hbm>> -> memref<10000x64xf32, #tpu.memory_space<hbm>>
        tpu.enqueue_indirect_dma source(%dma_start3A_308 : memref<10000x64xf32, #tpu.memory_space<hbm>>) target(%dma_start3A_302 : memref<125x64xf32, #tpu.memory_space<vmem>>) offsets(%dma_start3A_305 : memref<125xi32, #tpu.memory_space<vmem>>) semaphore(%arg11 : memref<!tpu.dma_semaphore, #tpu.memory_space<semaphore_mem>>)
      } else {
      }
      %dma_wait3A_135 = arith.constant 0 : i32
      %dma_wait3A_136 = arith.constant 0 : i32
      %dma_wait3A_137 = arith.constant 0 : i32
      %dma_wait3A_138 = arith.constant 0 : i32
      %dma_wait3A_139 = arith.constant 0 : i32
      %dma_wait3A_140 = tpu.memref_slice %arg9[%dma_wait3A_136, %dma_wait3A_137, %dma_wait3A_138, %dma_wait3A_139] : memref<2x4x125x64xf32, #tpu.memory_space<vmem>> -> memref<1x1x125x64xf32, #tpu.memory_space<vmem>>
      %dma_wait3A_141 = tpu.memref_squeeze %dma_wait3A_140 : memref<1x1x125x64xf32, #tpu.memory_space<vmem>> -> memref<125x64xf32, #tpu.memory_space<vmem>>
      %dma_wait3A_142 = arith.constant 0 : i32
      %dma_wait3A_143 = tpu.memref_slice %arg7[%dma_wait3A_135, %dma_wait3A_142] : memref<80x125xi32, #tpu.memory_space<vmem>> -> memref<1x125xi32, #tpu.memory_space<vmem>>
      %dma_wait3A_144 = tpu.memref_squeeze %dma_wait3A_143 : memref<1x125xi32, #tpu.memory_space<vmem>> -> memref<125xi32, #tpu.memory_space<vmem>>
      %dma_wait3A_145 = arith.constant 0 : i32
      %dma_wait3A_146 = arith.constant 0 : i32
      %dma_wait3A_147 = tpu.memref_slice %arg4[%dma_wait3A_145, %dma_wait3A_146] : memref<10000x64xf32, #tpu.memory_space<hbm>> -> memref<10000x64xf32, #tpu.memory_space<hbm>>
      tpu.wait_indirect_dma semaphore(%arg11 : memref<!tpu.dma_semaphore, #tpu.memory_space<semaphore_mem>>) src(%dma_wait3A_147 : memref<10000x64xf32, #tpu.memory_space<hbm>>) dst(%dma_wait3A_141 : memref<125x64xf32, #tpu.memory_space<vmem>>)
      %dma_wait3A_148 = arith.constant 0 : i32
      %dma_wait3A_149 = arith.constant 0 : i32
      %dma_wait3A_150 = arith.constant 1 : i32
      %dma_wait3A_151 = arith.constant 0 : i32
      %dma_wait3A_152 = arith.constant 0 : i32
      %dma_wait3A_153 = tpu.memref_slice %arg9[%dma_wait3A_149, %dma_wait3A_150, %dma_wait3A_151, %dma_wait3A_152] : memref<2x4x125x64xf32, #tpu.memory_space<vmem>> -> memref<1x1x125x64xf32, #tpu.memory_space<vmem>>
      %dma_wait3A_154 = tpu.memref_squeeze %dma_wait3A_153 : memref<1x1x125x64xf32, #tpu.memory_space<vmem>> -> memref<125x64xf32, #tpu.memory_space<vmem>>
      %dma_wait3A_155 = arith.constant 0 : i32
      %dma_wait3A_156 = tpu.memref_slice %arg7[%dma_wait3A_148, %dma_wait3A_155] : memref<80x125xi32, #tpu.memory_space<vmem>> -> memref<1x125xi32, #tpu.memory_space<vmem>>
      %dma_wait3A_157 = tpu.memref_squeeze %dma_wait3A_156 : memref<1x125xi32, #tpu.memory_space<vmem>> -> memref<125xi32, #tpu.memory_space<vmem>>
      %dma_wait3A_158 = arith.constant 0 : i32
      %dma_wait3A_159 = arith.constant 0 : i32
      %dma_wait3A_160 = tpu.memref_slice %arg4[%dma_wait3A_158, %dma_wait3A_159] : memref<10000x64xf32, #tpu.memory_space<hbm>> -> memref<10000x64xf32, #tpu.memory_space<hbm>>
      tpu.wait_indirect_dma semaphore(%arg11 : memref<!tpu.dma_semaphore, #tpu.memory_space<semaphore_mem>>) src(%dma_wait3A_160 : memref<10000x64xf32, #tpu.memory_space<hbm>>) dst(%dma_wait3A_154 : memref<125x64xf32, #tpu.memory_space<vmem>>)
      %dma_wait3A_161 = arith.constant 0 : i32
      %dma_wait3A_162 = arith.constant 0 : i32
      %dma_wait3A_163 = arith.constant 2 : i32
      %dma_wait3A_164 = arith.constant 0 : i32
      %dma_wait3A_165 = arith.constant 0 : i32
      %dma_wait3A_166 = tpu.memref_slice %arg9[%dma_wait3A_162, %dma_wait3A_163, %dma_wait3A_164, %dma_wait3A_165] : memref<2x4x125x64xf32, #tpu.memory_space<vmem>> -> memref<1x1x125x64xf32, #tpu.memory_space<vmem>>
      %dma_wait3A_167 = tpu.memref_squeeze %dma_wait3A_166 : memref<1x1x125x64xf32, #tpu.memory_space<vmem>> -> memref<125x64xf32, #tpu.memory_space<vmem>>
      %dma_wait3A_168 = arith.constant 0 : i32
      %dma_wait3A_169 = tpu.memref_slice %arg7[%dma_wait3A_161, %dma_wait3A_168] : memref<80x125xi32, #tpu.memory_space<vmem>> -> memref<1x125xi32, #tpu.memory_space<vmem>>
      %dma_wait3A_170 = tpu.memref_squeeze %dma_wait3A_169 : memref<1x125xi32, #tpu.memory_space<vmem>> -> memref<125xi32, #tpu.memory_space<vmem>>
      %dma_wait3A_171 = arith.constant 0 : i32
      %dma_wait3A_172 = arith.constant 0 : i32
      %dma_wait3A_173 = tpu.memref_slice %arg4[%dma_wait3A_171, %dma_wait3A_172] : memref<10000x64xf32, #tpu.memory_space<hbm>> -> memref<10000x64xf32, #tpu.memory_space<hbm>>
      tpu.wait_indirect_dma semaphore(%arg11 : memref<!tpu.dma_semaphore, #tpu.memory_space<semaphore_mem>>) src(%dma_wait3A_173 : memref<10000x64xf32, #tpu.memory_space<hbm>>) dst(%dma_wait3A_167 : memref<125x64xf32, #tpu.memory_space<vmem>>)
      %dma_wait3A_174 = arith.constant 0 : i32
      %dma_wait3A_175 = arith.constant 0 : i32
      %dma_wait3A_176 = arith.constant 3 : i32
      %dma_wait3A_177 = arith.constant 0 : i32
      %dma_wait3A_178 = arith.constant 0 : i32
      %dma_wait3A_179 = tpu.memref_slice %arg9[%dma_wait3A_175, %dma_wait3A_176, %dma_wait3A_177, %dma_wait3A_178] : memref<2x4x125x64xf32, #tpu.memory_space<vmem>> -> memref<1x1x125x64xf32, #tpu.memory_space<vmem>>
      %dma_wait3A_180 = tpu.memref_squeeze %dma_wait3A_179 : memref<1x1x125x64xf32, #tpu.memory_space<vmem>> -> memref<125x64xf32, #tpu.memory_space<vmem>>
      %dma_wait3A_181 = arith.constant 0 : i32
      %dma_wait3A_182 = tpu.memref_slice %arg7[%dma_wait3A_174, %dma_wait3A_181] : memref<80x125xi32, #tpu.memory_space<vmem>> -> memref<1x125xi32, #tpu.memory_space<vmem>>
      %dma_wait3A_183 = tpu.memref_squeeze %dma_wait3A_182 : memref<1x125xi32, #tpu.memory_space<vmem>> -> memref<125xi32, #tpu.memory_space<vmem>>
      %dma_wait3A_184 = arith.constant 0 : i32
      %dma_wait3A_185 = arith.constant 0 : i32
      %dma_wait3A_186 = tpu.memref_slice %arg4[%dma_wait3A_184, %dma_wait3A_185] : memref<10000x64xf32, #tpu.memory_space<hbm>> -> memref<10000x64xf32, #tpu.memory_space<hbm>>
      tpu.wait_indirect_dma semaphore(%arg11 : memref<!tpu.dma_semaphore, #tpu.memory_space<semaphore_mem>>) src(%dma_wait3A_186 : memref<10000x64xf32, #tpu.memory_space<hbm>>) dst(%dma_wait3A_180 : memref<125x64xf32, #tpu.memory_space<vmem>>)
      %mul3A_187 = arith.constant 4 : i32
      %mul3A_188 = arith.muli %scan3A_124, %mul3A_187 : i32
      %add3A_189 = arith.constant 0 : i32
      %add3A_190 = arith.addi %mul3A_188, %add3A_189 : i32
      %dma_start3A_191 = arith.constant 0 : i32
      %dma_start3A_192 = arith.constant 0 : i32
      %dma_start3A_193 = arith.constant 0 : i32
      %dma_start3A_194 = tpu.memref_slice %arg9[%rem3A_125, %dma_start3A_191, %dma_start3A_192, %dma_start3A_193] : memref<2x4x125x64xf32, #tpu.memory_space<vmem>> -> memref<1x1x125x64xf32, #tpu.memory_space<vmem>>
      %dma_start3A_195 = tpu.memref_squeeze %dma_start3A_194 : memref<1x1x125x64xf32, #tpu.memory_space<vmem>> -> memref<125x64xf32, #tpu.memory_space<vmem>>
      %dma_start3A_196 = arith.constant 0 : i32
      %dma_start3A_197 = tpu.memref_slice %arg8[%add3A_190, %dma_start3A_196] : memref<80x125xi32, #tpu.memory_space<vmem>> -> memref<1x125xi32, #tpu.memory_space<vmem>>
      %dma_start3A_198 = tpu.memref_squeeze %dma_start3A_197 : memref<1x125xi32, #tpu.memory_space<vmem>> -> memref<125xi32, #tpu.memory_space<vmem>>
      %dma_start3A_199 = arith.constant 0 : i32
      %dma_start3A_200 = arith.constant 0 : i32
      %dma_start3A_201 = tpu.memref_slice %arg10[%dma_start3A_199, %dma_start3A_200] : memref<10000x64xf32, #tpu.memory_space<vmem_shared>> -> memref<10000x64xf32, #tpu.memory_space<vmem_shared>>
      tpu.enqueue_indirect_dma source(%dma_start3A_195 : memref<125x64xf32, #tpu.memory_space<vmem>>) target(%dma_start3A_201 : memref<10000x64xf32, #tpu.memory_space<vmem_shared>>) offsets(%dma_start3A_198 : memref<125xi32, #tpu.memory_space<vmem>>) semaphore(%arg12 : memref<!tpu.dma_semaphore, #tpu.memory_space<semaphore_mem>>) {add = true}
      %mul3A_202 = arith.constant 4 : i32
      %mul3A_203 = arith.muli %scan3A_124, %mul3A_202 : i32
      %add3A_204 = arith.constant 1 : i32
      %add3A_205 = arith.addi %mul3A_203, %add3A_204 : i32
      %dma_start3A_206 = arith.constant 1 : i32
      %dma_start3A_207 = arith.constant 0 : i32
      %dma_start3A_208 = arith.constant 0 : i32
      %dma_start3A_209 = tpu.memref_slice %arg9[%rem3A_125, %dma_start3A_206, %dma_start3A_207, %dma_start3A_208] : memref<2x4x125x64xf32, #tpu.memory_space<vmem>> -> memref<1x1x125x64xf32, #tpu.memory_space<vmem>>
      %dma_start3A_210 = tpu.memref_squeeze %dma_start3A_209 : memref<1x1x125x64xf32, #tpu.memory_space<vmem>> -> memref<125x64xf32, #tpu.memory_space<vmem>>
      %dma_start3A_211 = arith.constant 0 : i32
      %dma_start3A_212 = tpu.memref_slice %arg8[%add3A_205, %dma_start3A_211] : memref<80x125xi32, #tpu.memory_space<vmem>> -> memref<1x125xi32, #tpu.memory_space<vmem>>
      %dma_start3A_213 = tpu.memref_squeeze %dma_start3A_212 : memref<1x125xi32, #tpu.memory_space<vmem>> -> memref<125xi32, #tpu.memory_space<vmem>>
      %dma_start3A_214 = arith.constant 0 : i32
      %dma_start3A_215 = arith.constant 0 : i32
      %dma_start3A_216 = tpu.memref_slice %arg10[%dma_start3A_214, %dma_start3A_215] : memref<10000x64xf32, #tpu.memory_space<vmem_shared>> -> memref<10000x64xf32, #tpu.memory_space<vmem_shared>>
      tpu.enqueue_indirect_dma source(%dma_start3A_210 : memref<125x64xf32, #tpu.memory_space<vmem>>) target(%dma_start3A_216 : memref<10000x64xf32, #tpu.memory_space<vmem_shared>>) offsets(%dma_start3A_213 : memref<125xi32, #tpu.memory_space<vmem>>) semaphore(%arg12 : memref<!tpu.dma_semaphore, #tpu.memory_space<semaphore_mem>>) {add = true}
      %mul3A_217 = arith.constant 4 : i32
      %mul3A_218 = arith.muli %scan3A_124, %mul3A_217 : i32
      %add3A_219 = arith.constant 2 : i32
      %add3A_220 = arith.addi %mul3A_218, %add3A_219 : i32
      %dma_start3A_221 = arith.constant 2 : i32
      %dma_start3A_222 = arith.constant 0 : i32
      %dma_start3A_223 = arith.constant 0 : i32
      %dma_start3A_224 = tpu.memref_slice %arg9[%rem3A_125, %dma_start3A_221, %dma_start3A_222, %dma_start3A_223] : memref<2x4x125x64xf32, #tpu.memory_space<vmem>> -> memref<1x1x125x64xf32, #tpu.memory_space<vmem>>
      %dma_start3A_225 = tpu.memref_squeeze %dma_start3A_224 : memref<1x1x125x64xf32, #tpu.memory_space<vmem>> -> memref<125x64xf32, #tpu.memory_space<vmem>>
      %dma_start3A_226 = arith.constant 0 : i32
      %dma_start3A_227 = tpu.memref_slice %arg8[%add3A_220, %dma_start3A_226] : memref<80x125xi32, #tpu.memory_space<vmem>> -> memref<1x125xi32, #tpu.memory_space<vmem>>
      %dma_start3A_228 = tpu.memref_squeeze %dma_start3A_227 : memref<1x125xi32, #tpu.memory_space<vmem>> -> memref<125xi32, #tpu.memory_space<vmem>>
      %dma_start3A_229 = arith.constant 0 : i32
      %dma_start3A_230 = arith.constant 0 : i32
      %dma_start3A_231 = tpu.memref_slice %arg10[%dma_start3A_229, %dma_start3A_230] : memref<10000x64xf32, #tpu.memory_space<vmem_shared>> -> memref<10000x64xf32, #tpu.memory_space<vmem_shared>>
      tpu.enqueue_indirect_dma source(%dma_start3A_225 : memref<125x64xf32, #tpu.memory_space<vmem>>) target(%dma_start3A_231 : memref<10000x64xf32, #tpu.memory_space<vmem_shared>>) offsets(%dma_start3A_228 : memref<125xi32, #tpu.memory_space<vmem>>) semaphore(%arg12 : memref<!tpu.dma_semaphore, #tpu.memory_space<semaphore_mem>>) {add = true}
      %mul3A_232 = arith.constant 4 : i32
      %mul3A_233 = arith.muli %scan3A_124, %mul3A_232 : i32
      %add3A_234 = arith.constant 3 : i32
      %add3A_235 = arith.addi %mul3A_233, %add3A_234 : i32
      %dma_start3A_236 = arith.constant 3 : i32
      %dma_start3A_237 = arith.constant 0 : i32
      %dma_start3A_238 = arith.constant 0 : i32
      %dma_start3A_239 = tpu.memref_slice %arg9[%rem3A_125, %dma_start3A_236, %dma_start3A_237, %dma_start3A_238] : memref<2x4x125x64xf32, #tpu.memory_space<vmem>> -> memref<1x1x125x64xf32, #tpu.memory_space<vmem>>
      %dma_start3A_240 = tpu.memref_squeeze %dma_start3A_239 : memref<1x1x125x64xf32, #tpu.memory_space<vmem>> -> memref<125x64xf32, #tpu.memory_space<vmem>>
      %dma_start3A_241 = arith.constant 0 : i32
      %dma_start3A_242 = tpu.memref_slice %arg8[%add3A_235, %dma_start3A_241] : memref<80x125xi32, #tpu.memory_space<vmem>> -> memref<1x125xi32, #tpu.memory_space<vmem>>
      %dma_start3A_243 = tpu.memref_squeeze %dma_start3A_242 : memref<1x125xi32, #tpu.memory_space<vmem>> -> memref<125xi32, #tpu.memory_space<vmem>>
      %dma_start3A_244 = arith.constant 0 : i32
      %dma_start3A_245 = arith.constant 0 : i32
      %dma_start3A_246 = tpu.memref_slice %arg10[%dma_start3A_244, %dma_start3A_245] : memref<10000x64xf32, #tpu.memory_space<vmem_shared>> -> memref<10000x64xf32, #tpu.memory_space<vmem_shared>>
      tpu.enqueue_indirect_dma source(%dma_start3A_240 : memref<125x64xf32, #tpu.memory_space<vmem>>) target(%dma_start3A_246 : memref<10000x64xf32, #tpu.memory_space<vmem_shared>>) offsets(%dma_start3A_243 : memref<125xi32, #tpu.memory_space<vmem>>) semaphore(%arg12 : memref<!tpu.dma_semaphore, #tpu.memory_space<semaphore_mem>>) {add = true}
    }
    %scan3A_62 = arith.constant 20 : i32
    %dma_wait3A = arith.constant 0 : i32
    %dma_wait3A_63 = arith.constant 0 : i32
    %dma_wait3A_64 = arith.constant 0 : i32
    %dma_wait3A_65 = arith.constant 0 : i32
    %dma_wait3A_66 = arith.constant 0 : i32
    %dma_wait3A_67 = tpu.memref_slice %arg9[%dma_wait3A, %dma_wait3A_63, %dma_wait3A_65, %dma_wait3A_66] : memref<2x4x125x64xf32, #tpu.memory_space<vmem>> -> memref<1x1x125x64xf32, #tpu.memory_space<vmem>>
    %dma_wait3A_68 = tpu.memref_squeeze %dma_wait3A_67 : memref<1x1x125x64xf32, #tpu.memory_space<vmem>> -> memref<125x64xf32, #tpu.memory_space<vmem>>
    %dma_wait3A_69 = arith.constant 0 : i32
    %dma_wait3A_70 = tpu.memref_slice %arg8[%dma_wait3A_64, %dma_wait3A_69] : memref<80x125xi32, #tpu.memory_space<vmem>> -> memref<1x125xi32, #tpu.memory_space<vmem>>
    %dma_wait3A_71 = tpu.memref_squeeze %dma_wait3A_70 : memref<1x125xi32, #tpu.memory_space<vmem>> -> memref<125xi32, #tpu.memory_space<vmem>>
    %dma_wait3A_72 = arith.constant 0 : i32
    %dma_wait3A_73 = arith.constant 0 : i32
    %dma_wait3A_74 = tpu.memref_slice %arg10[%dma_wait3A_72, %dma_wait3A_73] : memref<10000x64xf32, #tpu.memory_space<vmem_shared>> -> memref<10000x64xf32, #tpu.memory_space<vmem_shared>>
    tpu.wait_indirect_dma semaphore(%arg12 : memref<!tpu.dma_semaphore, #tpu.memory_space<semaphore_mem>>) src(%dma_wait3A_68 : memref<125x64xf32, #tpu.memory_space<vmem>>) dst(%dma_wait3A_74 : memref<10000x64xf32, #tpu.memory_space<vmem_shared>>)
    %dma_wait3A_75 = arith.constant 0 : i32
    %dma_wait3A_76 = arith.constant 1 : i32
    %dma_wait3A_77 = arith.constant 0 : i32
    %dma_wait3A_78 = arith.constant 0 : i32
    %dma_wait3A_79 = arith.constant 0 : i32
    %dma_wait3A_80 = tpu.memref_slice %arg9[%dma_wait3A_75, %dma_wait3A_76, %dma_wait3A_78, %dma_wait3A_79] : memref<2x4x125x64xf32, #tpu.memory_space<vmem>> -> memref<1x1x125x64xf32, #tpu.memory_space<vmem>>
    %dma_wait3A_81 = tpu.memref_squeeze %dma_wait3A_80 : memref<1x1x125x64xf32, #tpu.memory_space<vmem>> -> memref<125x64xf32, #tpu.memory_space<vmem>>
    %dma_wait3A_82 = arith.constant 0 : i32
    %dma_wait3A_83 = tpu.memref_slice %arg8[%dma_wait3A_77, %dma_wait3A_82] : memref<80x125xi32, #tpu.memory_space<vmem>> -> memref<1x125xi32, #tpu.memory_space<vmem>>
    %dma_wait3A_84 = tpu.memref_squeeze %dma_wait3A_83 : memref<1x125xi32, #tpu.memory_space<vmem>> -> memref<125xi32, #tpu.memory_space<vmem>>
    %dma_wait3A_85 = arith.constant 0 : i32
    %dma_wait3A_86 = arith.constant 0 : i32
    %dma_wait3A_87 = tpu.memref_slice %arg10[%dma_wait3A_85, %dma_wait3A_86] : memref<10000x64xf32, #tpu.memory_space<vmem_shared>> -> memref<10000x64xf32, #tpu.memory_space<vmem_shared>>
    tpu.wait_indirect_dma semaphore(%arg12 : memref<!tpu.dma_semaphore, #tpu.memory_space<semaphore_mem>>) src(%dma_wait3A_81 : memref<125x64xf32, #tpu.memory_space<vmem>>) dst(%dma_wait3A_87 : memref<10000x64xf32, #tpu.memory_space<vmem_shared>>)
    %dma_wait3A_88 = arith.constant 0 : i32
    %dma_wait3A_89 = arith.constant 2 : i32
    %dma_wait3A_90 = arith.constant 0 : i32
    %dma_wait3A_91 = arith.constant 0 : i32
    %dma_wait3A_92 = arith.constant 0 : i32
    %dma_wait3A_93 = tpu.memref_slice %arg9[%dma_wait3A_88, %dma_wait3A_89, %dma_wait3A_91, %dma_wait3A_92] : memref<2x4x125x64xf32, #tpu.memory_space<vmem>> -> memref<1x1x125x64xf32, #tpu.memory_space<vmem>>
    %dma_wait3A_94 = tpu.memref_squeeze %dma_wait3A_93 : memref<1x1x125x64xf32, #tpu.memory_space<vmem>> -> memref<125x64xf32, #tpu.memory_space<vmem>>
    %dma_wait3A_95 = arith.constant 0 : i32
    %dma_wait3A_96 = tpu.memref_slice %arg8[%dma_wait3A_90, %dma_wait3A_95] : memref<80x125xi32, #tpu.memory_space<vmem>> -> memref<1x125xi32, #tpu.memory_space<vmem>>
    %dma_wait3A_97 = tpu.memref_squeeze %dma_wait3A_96 : memref<1x125xi32, #tpu.memory_space<vmem>> -> memref<125xi32, #tpu.memory_space<vmem>>
    %dma_wait3A_98 = arith.constant 0 : i32
    %dma_wait3A_99 = arith.constant 0 : i32
    %dma_wait3A_100 = tpu.memref_slice %arg10[%dma_wait3A_98, %dma_wait3A_99] : memref<10000x64xf32, #tpu.memory_space<vmem_shared>> -> memref<10000x64xf32, #tpu.memory_space<vmem_shared>>
    tpu.wait_indirect_dma semaphore(%arg12 : memref<!tpu.dma_semaphore, #tpu.memory_space<semaphore_mem>>) src(%dma_wait3A_94 : memref<125x64xf32, #tpu.memory_space<vmem>>) dst(%dma_wait3A_100 : memref<10000x64xf32, #tpu.memory_space<vmem_shared>>)
    %dma_wait3A_101 = arith.constant 0 : i32
    %dma_wait3A_102 = arith.constant 3 : i32
    %dma_wait3A_103 = arith.constant 0 : i32
    %dma_wait3A_104 = arith.constant 0 : i32
    %dma_wait3A_105 = arith.constant 0 : i32
    %dma_wait3A_106 = tpu.memref_slice %arg9[%dma_wait3A_101, %dma_wait3A_102, %dma_wait3A_104, %dma_wait3A_105] : memref<2x4x125x64xf32, #tpu.memory_space<vmem>> -> memref<1x1x125x64xf32, #tpu.memory_space<vmem>>
    %dma_wait3A_107 = tpu.memref_squeeze %dma_wait3A_106 : memref<1x1x125x64xf32, #tpu.memory_space<vmem>> -> memref<125x64xf32, #tpu.memory_space<vmem>>
    %dma_wait3A_108 = arith.constant 0 : i32
    %dma_wait3A_109 = tpu.memref_slice %arg8[%dma_wait3A_103, %dma_wait3A_108] : memref<80x125xi32, #tpu.memory_space<vmem>> -> memref<1x125xi32, #tpu.memory_space<vmem>>
    %dma_wait3A_110 = tpu.memref_squeeze %dma_wait3A_109 : memref<1x125xi32, #tpu.memory_space<vmem>> -> memref<125xi32, #tpu.memory_space<vmem>>
    %dma_wait3A_111 = arith.constant 0 : i32
    %dma_wait3A_112 = arith.constant 0 : i32
    %dma_wait3A_113 = tpu.memref_slice %arg10[%dma_wait3A_111, %dma_wait3A_112] : memref<10000x64xf32, #tpu.memory_space<vmem_shared>> -> memref<10000x64xf32, #tpu.memory_space<vmem_shared>>
    tpu.wait_indirect_dma semaphore(%arg12 : memref<!tpu.dma_semaphore, #tpu.memory_space<semaphore_mem>>) src(%dma_wait3A_107 : memref<125x64xf32, #tpu.memory_space<vmem>>) dst(%dma_wait3A_113 : memref<10000x64xf32, #tpu.memory_space<vmem_shared>>)
    %barrier3A_114 = arith.constant 0 : index
    tpu.barrier barrier_id(%barrier3A_114)
    %mul3A_115 = arith.constant 624 : i32
    %mul3A_116 = arith.muli %arg1, %mul3A_115 : i32
    %mul3A_117 = arith.constant 624 : i32
    %mul3A_118 = arith.muli %arg1, %mul3A_117 : i32
    "tpu.region"() ({
      %run_scoped3A = tpu.sem_alloc : memref<!tpu.dma_semaphore, #tpu.memory_space<semaphore_mem>>
      %dma_start3A_124 = arith.constant 0 : i32
      %dma_start3A_125 = tpu.memref_slice %arg6[%arg0, %mul3A_118, %dma_start3A_124] : memref<2x10000x64xf32, #tpu.memory_space<hbm>> -> memref<1x624x64xf32, #tpu.memory_space<hbm>>
      %dma_start3A_126 = tpu.memref_squeeze %dma_start3A_125 : memref<1x624x64xf32, #tpu.memory_space<hbm>> -> memref<624x64xf32, #tpu.memory_space<hbm>>
      %dma_start3A_127 = arith.constant 0 : i32
      %dma_start3A_128 = tpu.memref_slice %arg10[%mul3A_116, %dma_start3A_127] : memref<10000x64xf32, #tpu.memory_space<vmem_shared>> -> memref<624x64xf32, #tpu.memory_space<vmem_shared>>
      tpu.enqueue_dma source(%dma_start3A_128 : memref<624x64xf32, #tpu.memory_space<vmem_shared>>) target(%dma_start3A_126 : memref<624x64xf32, #tpu.memory_space<hbm>>) target_semaphore(%run_scoped3A : memref<!tpu.dma_semaphore, #tpu.memory_space<semaphore_mem>>)
      %dma_wait3A_129 = arith.constant 0 : i32
      %dma_wait3A_130 = tpu.memref_slice %arg6[%arg0, %mul3A_118, %dma_wait3A_129] : memref<2x10000x64xf32, #tpu.memory_space<hbm>> -> memref<1x624x64xf32, #tpu.memory_space<hbm>>
      %dma_wait3A_131 = tpu.memref_squeeze %dma_wait3A_130 : memref<1x624x64xf32, #tpu.memory_space<hbm>> -> memref<624x64xf32, #tpu.memory_space<hbm>>
      %dma_wait3A_132 = arith.constant 0 : i32
      %dma_wait3A_133 = tpu.memref_slice %arg10[%mul3A_116, %dma_wait3A_132] : memref<10000x64xf32, #tpu.memory_space<vmem_shared>> -> memref<624x64xf32, #tpu.memory_space<vmem_shared>>
      tpu.wait_dma2 semaphore(%run_scoped3A : memref<!tpu.dma_semaphore, #tpu.memory_space<semaphore_mem>>) src(%dma_wait3A_133 : memref<624x64xf32, #tpu.memory_space<vmem_shared>>) dst(%dma_wait3A_131 : memref<624x64xf32, #tpu.memory_space<hbm>>)
      tpu.yield
    }) : () -> ()
    %eq3A_119 = arith.constant 15 : i32
    %eq3A_120 = arith.cmpi eq, %arg1, %eq3A_119 : i32
    %convert_element_type3A_121 = arith.extui %eq3A_120 : i1 to i32
    %cond3A_122 = arith.constant 0 : i32
    %cond3A_123 = arith.cmpi ne, %convert_element_type3A_121, %cond3A_122 : i32
    scf.if %cond3A_123 {
      "tpu.region"() ({
        %run_scoped3A = tpu.sem_alloc : memref<!tpu.dma_semaphore, #tpu.memory_space<semaphore_mem>>
        %dma_start3A_124 = arith.constant 9984 : i32
        %dma_start3A_125 = arith.constant 0 : i32
        %dma_start3A_126 = tpu.memref_slice %arg6[%arg0, %dma_start3A_124, %dma_start3A_125] : memref<2x10000x64xf32, #tpu.memory_space<hbm>> -> memref<1x16x64xf32, #tpu.memory_space<hbm>>
        %dma_start3A_127 = tpu.memref_squeeze %dma_start3A_126 : memref<1x16x64xf32, #tpu.memory_space<hbm>> -> memref<16x64xf32, #tpu.memory_space<hbm>>
        %dma_start3A_128 = arith.constant 9984 : i32
        %dma_start3A_129 = arith.constant 0 : i32
        %dma_start3A_130 = tpu.memref_slice %arg10[%dma_start3A_128, %dma_start3A_129] : memref<10000x64xf32, #tpu.memory_space<vmem_shared>> -> memref<16x64xf32, #tpu.memory_space<vmem_shared>>
        tpu.enqueue_dma source(%dma_start3A_130 : memref<16x64xf32, #tpu.memory_space<vmem_shared>>) target(%dma_start3A_127 : memref<16x64xf32, #tpu.memory_space<hbm>>) target_semaphore(%run_scoped3A : memref<!tpu.dma_semaphore, #tpu.memory_space<semaphore_mem>>)
        %dma_wait3A_131 = arith.constant 9984 : i32
        %dma_wait3A_132 = arith.constant 0 : i32
        %dma_wait3A_133 = tpu.memref_slice %arg6[%arg0, %dma_wait3A_131, %dma_wait3A_132] : memref<2x10000x64xf32, #tpu.memory_space<hbm>> -> memref<1x16x64xf32, #tpu.memory_space<hbm>>
        %dma_wait3A_134 = tpu.memref_squeeze %dma_wait3A_133 : memref<1x16x64xf32, #tpu.memory_space<hbm>> -> memref<16x64xf32, #tpu.memory_space<hbm>>
        %dma_wait3A_135 = arith.constant 9984 : i32
        %dma_wait3A_136 = arith.constant 0 : i32
        %dma_wait3A_137 = tpu.memref_slice %arg10[%dma_wait3A_135, %dma_wait3A_136] : memref<10000x64xf32, #tpu.memory_space<vmem_shared>> -> memref<16x64xf32, #tpu.memory_space<vmem_shared>>
        tpu.wait_dma2 semaphore(%run_scoped3A : memref<!tpu.dma_semaphore, #tpu.memory_space<semaphore_mem>>) src(%dma_wait3A_137 : memref<16x64xf32, #tpu.memory_space<vmem_shared>>) dst(%dma_wait3A_134 : memref<16x64xf32, #tpu.memory_space<hbm>>)
        tpu.yield
      }) : () -> ()
    } else {
    }
    return
  }
}

#map = affine_map<(d0, d1) -> (0, 0)>
#map1 = affine_map<(d0, d1) -> (0, 0, 0)>
module attributes {stable_mosaic.version = 14 : i64} {
  func.func @_propr(%arg0: i32, %arg1: i32, %arg2: memref<2560x125xi32, #tpu.memory_space<hbm>>, %arg3: memref<2560x125xi32, #tpu.memory_space<hbm>>, %arg4: memref<10000x16xf32, #tpu.memory_space<hbm>>, %arg5: memref<624x16xf32, #tpu.memory_space<hbm>>, %arg6: memref<2x10000x16xf32, #tpu.memory_space<hbm>>, %arg7: memref<80x125xi32, #tpu.memory_space<vmem>>, %arg8: memref<80x125xi32, #tpu.memory_space<vmem>>, %arg9: memref<2x16x125x16xf32, #tpu.memory_space<vmem>>, %arg10: memref<10000x16xf32, #tpu.memory_space<vmem_shared>>, %arg11: memref<!tpu.dma_semaphore, #tpu.memory_space<semaphore_mem>>, %arg12: memref<!tpu.dma_semaphore, #tpu.memory_space<semaphore_mem>>) attributes {dimension_semantics = [#tpu.dimension_semantics<core_parallel>, #tpu.dimension_semantics<subcore_parallel>], iteration_bounds = array<i64: 2, 16>, scalar_prefetch = 0 : i64, scratch_operands = 6 : i64, tpu.core_type = #tpu.core_type<sc_vector_subcore>, window_params = [{transform_indices = #map}, {transform_indices = #map}, {transform_indices = #map}, {transform_indices = #map}, {transform_indices = #map1}]} {
    %mul3A = arith.constant 16 : i32
    %mul3A_0 = arith.muli %arg0, %mul3A : i32
    %add3A = arith.addi %mul3A_0, %arg1 : i32
    %mul3A_1 = arith.constant 80 : i32
    %mul3A_2 = arith.muli %add3A, %mul3A_1 : i32
    "tpu.region"() ({
      %run_scoped3A = tpu.sem_alloc : memref<!tpu.dma_semaphore, #tpu.memory_space<semaphore_mem>>
      %dma_start3A_443 = arith.constant 0 : i32
      %dma_start3A_444 = tpu.memref_slice %arg2[%mul3A_2, %dma_start3A_443] : memref<2560x125xi32, #tpu.memory_space<hbm>> -> memref<80x125xi32, #tpu.memory_space<hbm>>
      %dma_start3A_445 = arith.constant 0 : i32
      %dma_start3A_446 = tpu.memref_slice %arg2[%mul3A_2, %dma_start3A_445] : memref<2560x125xi32, #tpu.memory_space<hbm>> -> memref<80x125xi32, #tpu.memory_space<hbm>>
      tpu.enqueue_dma source(%dma_start3A_446 : memref<80x125xi32, #tpu.memory_space<hbm>>) target(%arg7 : memref<80x125xi32, #tpu.memory_space<vmem>>) target_semaphore(%run_scoped3A : memref<!tpu.dma_semaphore, #tpu.memory_space<semaphore_mem>>)
      %dma_wait3A_447 = arith.constant 0 : i32
      %dma_wait3A_448 = tpu.memref_slice %arg2[%mul3A_2, %dma_wait3A_447] : memref<2560x125xi32, #tpu.memory_space<hbm>> -> memref<80x125xi32, #tpu.memory_space<hbm>>
      %dma_wait3A_449 = arith.constant 0 : i32
      %dma_wait3A_450 = tpu.memref_slice %arg2[%mul3A_2, %dma_wait3A_449] : memref<2560x125xi32, #tpu.memory_space<hbm>> -> memref<80x125xi32, #tpu.memory_space<hbm>>
      tpu.wait_dma2 semaphore(%run_scoped3A : memref<!tpu.dma_semaphore, #tpu.memory_space<semaphore_mem>>) src(%dma_wait3A_450 : memref<80x125xi32, #tpu.memory_space<hbm>>) dst(%arg7 : memref<80x125xi32, #tpu.memory_space<vmem>>)
      tpu.yield
    }) : () -> ()
    "tpu.region"() ({
      %run_scoped3A = tpu.sem_alloc : memref<!tpu.dma_semaphore, #tpu.memory_space<semaphore_mem>>
      %dma_start3A_443 = arith.constant 0 : i32
      %dma_start3A_444 = tpu.memref_slice %arg3[%mul3A_2, %dma_start3A_443] : memref<2560x125xi32, #tpu.memory_space<hbm>> -> memref<80x125xi32, #tpu.memory_space<hbm>>
      %dma_start3A_445 = arith.constant 0 : i32
      %dma_start3A_446 = tpu.memref_slice %arg3[%mul3A_2, %dma_start3A_445] : memref<2560x125xi32, #tpu.memory_space<hbm>> -> memref<80x125xi32, #tpu.memory_space<hbm>>
      tpu.enqueue_dma source(%dma_start3A_446 : memref<80x125xi32, #tpu.memory_space<hbm>>) target(%arg8 : memref<80x125xi32, #tpu.memory_space<vmem>>) target_semaphore(%run_scoped3A : memref<!tpu.dma_semaphore, #tpu.memory_space<semaphore_mem>>)
      %dma_wait3A_447 = arith.constant 0 : i32
      %dma_wait3A_448 = tpu.memref_slice %arg3[%mul3A_2, %dma_wait3A_447] : memref<2560x125xi32, #tpu.memory_space<hbm>> -> memref<80x125xi32, #tpu.memory_space<hbm>>
      %dma_wait3A_449 = arith.constant 0 : i32
      %dma_wait3A_450 = tpu.memref_slice %arg3[%mul3A_2, %dma_wait3A_449] : memref<2560x125xi32, #tpu.memory_space<hbm>> -> memref<80x125xi32, #tpu.memory_space<hbm>>
      tpu.wait_dma2 semaphore(%run_scoped3A : memref<!tpu.dma_semaphore, #tpu.memory_space<semaphore_mem>>) src(%dma_wait3A_450 : memref<80x125xi32, #tpu.memory_space<hbm>>) dst(%arg8 : memref<80x125xi32, #tpu.memory_space<vmem>>)
      tpu.yield
    }) : () -> ()
    %eq3A = arith.constant 0 : i32
    %eq3A_3 = arith.cmpi eq, %arg0, %eq3A : i32
    %convert_element_type3A = arith.extui %eq3A_3 : i1 to i32
    %cond3A = arith.constant 0 : i32
    %cond3A_4 = arith.cmpi ne, %convert_element_type3A, %cond3A : i32
    scf.if %cond3A_4 {
      %mul3A_443 = arith.constant 624 : i32
      %mul3A_444 = arith.muli %arg1, %mul3A_443 : i32
      %mul3A_445 = arith.constant 624 : i32
      %mul3A_446 = arith.muli %arg1, %mul3A_445 : i32
      "tpu.region"() ({
        %run_scoped3A = tpu.sem_alloc : memref<!tpu.dma_semaphore, #tpu.memory_space<semaphore_mem>>
        %dma_start3A_447 = arith.constant 0 : i32
        %dma_start3A_448 = tpu.memref_slice %arg10[%mul3A_446, %dma_start3A_447] : memref<10000x16xf32, #tpu.memory_space<vmem_shared>> -> memref<624x16xf32, #tpu.memory_space<vmem_shared>>
        %dma_start3A_449 = arith.constant 0 : i32
        %dma_start3A_450 = tpu.memref_slice %arg4[%mul3A_444, %dma_start3A_449] : memref<10000x16xf32, #tpu.memory_space<hbm>> -> memref<624x16xf32, #tpu.memory_space<hbm>>
        tpu.enqueue_dma source(%dma_start3A_450 : memref<624x16xf32, #tpu.memory_space<hbm>>) target(%dma_start3A_448 : memref<624x16xf32, #tpu.memory_space<vmem_shared>>) target_semaphore(%run_scoped3A : memref<!tpu.dma_semaphore, #tpu.memory_space<semaphore_mem>>)
        %dma_wait3A_451 = arith.constant 0 : i32
        %dma_wait3A_452 = tpu.memref_slice %arg10[%mul3A_446, %dma_wait3A_451] : memref<10000x16xf32, #tpu.memory_space<vmem_shared>> -> memref<624x16xf32, #tpu.memory_space<vmem_shared>>
        %dma_wait3A_453 = arith.constant 0 : i32
        %dma_wait3A_454 = tpu.memref_slice %arg4[%mul3A_444, %dma_wait3A_453] : memref<10000x16xf32, #tpu.memory_space<hbm>> -> memref<624x16xf32, #tpu.memory_space<hbm>>
        tpu.wait_dma2 semaphore(%run_scoped3A : memref<!tpu.dma_semaphore, #tpu.memory_space<semaphore_mem>>) src(%dma_wait3A_454 : memref<624x16xf32, #tpu.memory_space<hbm>>) dst(%dma_wait3A_452 : memref<624x16xf32, #tpu.memory_space<vmem_shared>>)
        tpu.yield
      }) : () -> ()
    } else {
    }
    %ne3A = arith.constant 0 : i32
    %ne3A_5 = arith.cmpi ne, %arg0, %ne3A : i32
    %convert_element_type3A_6 = arith.extui %ne3A_5 : i1 to i32
    %cond3A_7 = arith.constant 0 : i32
    %cond3A_8 = arith.cmpi ne, %convert_element_type3A_6, %cond3A_7 : i32
    scf.if %cond3A_8 {
      %mul3A_443 = arith.constant 624 : i32
      %mul3A_444 = arith.muli %arg1, %mul3A_443 : i32
      "tpu.region"() ({
        %run_scoped3A = tpu.sem_alloc : memref<!tpu.dma_semaphore, #tpu.memory_space<semaphore_mem>>
        %dma_start3A_445 = arith.constant 0 : i32
        %dma_start3A_446 = tpu.memref_slice %arg10[%mul3A_444, %dma_start3A_445] : memref<10000x16xf32, #tpu.memory_space<vmem_shared>> -> memref<624x16xf32, #tpu.memory_space<vmem_shared>>
        tpu.enqueue_dma source(%arg5 : memref<624x16xf32, #tpu.memory_space<hbm>>) target(%dma_start3A_446 : memref<624x16xf32, #tpu.memory_space<vmem_shared>>) target_semaphore(%run_scoped3A : memref<!tpu.dma_semaphore, #tpu.memory_space<semaphore_mem>>)
        %dma_wait3A_447 = arith.constant 0 : i32
        %dma_wait3A_448 = tpu.memref_slice %arg10[%mul3A_444, %dma_wait3A_447] : memref<10000x16xf32, #tpu.memory_space<vmem_shared>> -> memref<624x16xf32, #tpu.memory_space<vmem_shared>>
        tpu.wait_dma2 semaphore(%run_scoped3A : memref<!tpu.dma_semaphore, #tpu.memory_space<semaphore_mem>>) src(%arg5 : memref<624x16xf32, #tpu.memory_space<hbm>>) dst(%dma_wait3A_448 : memref<624x16xf32, #tpu.memory_space<vmem_shared>>)
        tpu.yield
      }) : () -> ()
    } else {
    }
    %eq3A_9 = arith.constant 15 : i32
    %eq3A_10 = arith.cmpi eq, %arg1, %eq3A_9 : i32
    %convert_element_type3A_11 = arith.extui %eq3A_10 : i1 to i32
    %cond3A_12 = arith.constant 0 : i32
    %cond3A_13 = arith.cmpi ne, %convert_element_type3A_11, %cond3A_12 : i32
    scf.if %cond3A_13 {
      %eq3A_443 = arith.constant 0 : i32
      %eq3A_444 = arith.cmpi eq, %arg0, %eq3A_443 : i32
      %convert_element_type3A_445 = arith.extui %eq3A_444 : i1 to i32
      %cond3A_446 = arith.constant 0 : i32
      %cond3A_447 = arith.cmpi ne, %convert_element_type3A_445, %cond3A_446 : i32
      scf.if %cond3A_447 {
        "tpu.region"() ({
          %run_scoped3A = tpu.sem_alloc : memref<!tpu.dma_semaphore, #tpu.memory_space<semaphore_mem>>
          %dma_start3A_453 = arith.constant 9984 : i32
          %dma_start3A_454 = arith.constant 0 : i32
          %dma_start3A_455 = tpu.memref_slice %arg10[%dma_start3A_453, %dma_start3A_454] : memref<10000x16xf32, #tpu.memory_space<vmem_shared>> -> memref<16x16xf32, #tpu.memory_space<vmem_shared>>
          %dma_start3A_456 = arith.constant 9984 : i32
          %dma_start3A_457 = arith.constant 0 : i32
          %dma_start3A_458 = tpu.memref_slice %arg4[%dma_start3A_456, %dma_start3A_457] : memref<10000x16xf32, #tpu.memory_space<hbm>> -> memref<16x16xf32, #tpu.memory_space<hbm>>
          tpu.enqueue_dma source(%dma_start3A_458 : memref<16x16xf32, #tpu.memory_space<hbm>>) target(%dma_start3A_455 : memref<16x16xf32, #tpu.memory_space<vmem_shared>>) target_semaphore(%run_scoped3A : memref<!tpu.dma_semaphore, #tpu.memory_space<semaphore_mem>>)
          %dma_wait3A_459 = arith.constant 9984 : i32
          %dma_wait3A_460 = arith.constant 0 : i32
          %dma_wait3A_461 = tpu.memref_slice %arg10[%dma_wait3A_459, %dma_wait3A_460] : memref<10000x16xf32, #tpu.memory_space<vmem_shared>> -> memref<16x16xf32, #tpu.memory_space<vmem_shared>>
          %dma_wait3A_462 = arith.constant 9984 : i32
          %dma_wait3A_463 = arith.constant 0 : i32
          %dma_wait3A_464 = tpu.memref_slice %arg4[%dma_wait3A_462, %dma_wait3A_463] : memref<10000x16xf32, #tpu.memory_space<hbm>> -> memref<16x16xf32, #tpu.memory_space<hbm>>
          tpu.wait_dma2 semaphore(%run_scoped3A : memref<!tpu.dma_semaphore, #tpu.memory_space<semaphore_mem>>) src(%dma_wait3A_464 : memref<16x16xf32, #tpu.memory_space<hbm>>) dst(%dma_wait3A_461 : memref<16x16xf32, #tpu.memory_space<vmem_shared>>)
          tpu.yield
        }) : () -> ()
      } else {
      }
      %ne3A_448 = arith.constant 0 : i32
      %ne3A_449 = arith.cmpi ne, %arg0, %ne3A_448 : i32
      %convert_element_type3A_450 = arith.extui %ne3A_449 : i1 to i32
      %cond3A_451 = arith.constant 0 : i32
      %cond3A_452 = arith.cmpi ne, %convert_element_type3A_450, %cond3A_451 : i32
      scf.if %cond3A_452 {
        "tpu.region"() ({
          %run_scoped3A = tpu.sem_alloc : memref<!tpu.dma_semaphore, #tpu.memory_space<semaphore_mem>>
          %dma_start3A_453 = arith.constant 9984 : i32
          %dma_start3A_454 = arith.constant 0 : i32
          %dma_start3A_455 = tpu.memref_slice %arg10[%dma_start3A_453, %dma_start3A_454] : memref<10000x16xf32, #tpu.memory_space<vmem_shared>> -> memref<16x16xf32, #tpu.memory_space<vmem_shared>>
          %dma_start3A_456 = arith.constant 0 : i32
          %dma_start3A_457 = arith.constant 0 : i32
          %dma_start3A_458 = tpu.memref_slice %arg5[%dma_start3A_456, %dma_start3A_457] : memref<624x16xf32, #tpu.memory_space<hbm>> -> memref<16x16xf32, #tpu.memory_space<hbm>>
          tpu.enqueue_dma source(%dma_start3A_458 : memref<16x16xf32, #tpu.memory_space<hbm>>) target(%dma_start3A_455 : memref<16x16xf32, #tpu.memory_space<vmem_shared>>) target_semaphore(%run_scoped3A : memref<!tpu.dma_semaphore, #tpu.memory_space<semaphore_mem>>)
          %dma_wait3A_459 = arith.constant 9984 : i32
          %dma_wait3A_460 = arith.constant 0 : i32
          %dma_wait3A_461 = tpu.memref_slice %arg10[%dma_wait3A_459, %dma_wait3A_460] : memref<10000x16xf32, #tpu.memory_space<vmem_shared>> -> memref<16x16xf32, #tpu.memory_space<vmem_shared>>
          %dma_wait3A_462 = arith.constant 0 : i32
          %dma_wait3A_463 = arith.constant 0 : i32
          %dma_wait3A_464 = tpu.memref_slice %arg5[%dma_wait3A_462, %dma_wait3A_463] : memref<624x16xf32, #tpu.memory_space<hbm>> -> memref<16x16xf32, #tpu.memory_space<hbm>>
          tpu.wait_dma2 semaphore(%run_scoped3A : memref<!tpu.dma_semaphore, #tpu.memory_space<semaphore_mem>>) src(%dma_wait3A_464 : memref<16x16xf32, #tpu.memory_space<hbm>>) dst(%dma_wait3A_461 : memref<16x16xf32, #tpu.memory_space<vmem_shared>>)
          tpu.yield
        }) : () -> ()
      } else {
      }
    } else {
    }
    %barrier3A = arith.constant 0 : index
    tpu.barrier barrier_id(%barrier3A)
    %dma_start3A = arith.constant 0 : i32
    %dma_start3A_14 = arith.constant 0 : i32
    %dma_start3A_15 = arith.constant 0 : i32
    %dma_start3A_16 = arith.constant 0 : i32
    %dma_start3A_17 = arith.constant 0 : i32
    %dma_start3A_18 = tpu.memref_slice %arg9[%dma_start3A_14, %dma_start3A_15, %dma_start3A_16, %dma_start3A_17] : memref<2x16x125x16xf32, #tpu.memory_space<vmem>> -> memref<1x1x125x16xf32, #tpu.memory_space<vmem>>
    %dma_start3A_19 = tpu.memref_squeeze %dma_start3A_18 : memref<1x1x125x16xf32, #tpu.memory_space<vmem>> -> memref<125x16xf32, #tpu.memory_space<vmem>>
    %dma_start3A_20 = arith.constant 0 : i32
    %dma_start3A_21 = tpu.memref_slice %arg8[%dma_start3A, %dma_start3A_20] : memref<80x125xi32, #tpu.memory_space<vmem>> -> memref<1x125xi32, #tpu.memory_space<vmem>>
    %dma_start3A_22 = tpu.memref_squeeze %dma_start3A_21 : memref<1x125xi32, #tpu.memory_space<vmem>> -> memref<125xi32, #tpu.memory_space<vmem>>
    %dma_start3A_23 = arith.constant 0 : i32
    %dma_start3A_24 = arith.constant 0 : i32
    %dma_start3A_25 = tpu.memref_slice %arg4[%dma_start3A_23, %dma_start3A_24] : memref<10000x16xf32, #tpu.memory_space<hbm>> -> memref<10000x16xf32, #tpu.memory_space<hbm>>
    tpu.enqueue_indirect_dma source(%dma_start3A_25 : memref<10000x16xf32, #tpu.memory_space<hbm>>) target(%dma_start3A_19 : memref<125x16xf32, #tpu.memory_space<vmem>>) offsets(%dma_start3A_22 : memref<125xi32, #tpu.memory_space<vmem>>) semaphore(%arg11 : memref<!tpu.dma_semaphore, #tpu.memory_space<semaphore_mem>>)
    %dma_start3A_26 = arith.constant 1 : i32
    %dma_start3A_27 = arith.constant 0 : i32
    %dma_start3A_28 = arith.constant 1 : i32
    %dma_start3A_29 = arith.constant 0 : i32
    %dma_start3A_30 = arith.constant 0 : i32
    %dma_start3A_31 = tpu.memref_slice %arg9[%dma_start3A_27, %dma_start3A_28, %dma_start3A_29, %dma_start3A_30] : memref<2x16x125x16xf32, #tpu.memory_space<vmem>> -> memref<1x1x125x16xf32, #tpu.memory_space<vmem>>
    %dma_start3A_32 = tpu.memref_squeeze %dma_start3A_31 : memref<1x1x125x16xf32, #tpu.memory_space<vmem>> -> memref<125x16xf32, #tpu.memory_space<vmem>>
    %dma_start3A_33 = arith.constant 0 : i32
    %dma_start3A_34 = tpu.memref_slice %arg8[%dma_start3A_26, %dma_start3A_33] : memref<80x125xi32, #tpu.memory_space<vmem>> -> memref<1x125xi32, #tpu.memory_space<vmem>>
    %dma_start3A_35 = tpu.memref_squeeze %dma_start3A_34 : memref<1x125xi32, #tpu.memory_space<vmem>> -> memref<125xi32, #tpu.memory_space<vmem>>
    %dma_start3A_36 = arith.constant 0 : i32
    %dma_start3A_37 = arith.constant 0 : i32
    %dma_start3A_38 = tpu.memref_slice %arg4[%dma_start3A_36, %dma_start3A_37] : memref<10000x16xf32, #tpu.memory_space<hbm>> -> memref<10000x16xf32, #tpu.memory_space<hbm>>
    tpu.enqueue_indirect_dma source(%dma_start3A_38 : memref<10000x16xf32, #tpu.memory_space<hbm>>) target(%dma_start3A_32 : memref<125x16xf32, #tpu.memory_space<vmem>>) offsets(%dma_start3A_35 : memref<125xi32, #tpu.memory_space<vmem>>) semaphore(%arg11 : memref<!tpu.dma_semaphore, #tpu.memory_space<semaphore_mem>>)
    %dma_start3A_39 = arith.constant 2 : i32
    %dma_start3A_40 = arith.constant 0 : i32
    %dma_start3A_41 = arith.constant 2 : i32
    %dma_start3A_42 = arith.constant 0 : i32
    %dma_start3A_43 = arith.constant 0 : i32
    %dma_start3A_44 = tpu.memref_slice %arg9[%dma_start3A_40, %dma_start3A_41, %dma_start3A_42, %dma_start3A_43] : memref<2x16x125x16xf32, #tpu.memory_space<vmem>> -> memref<1x1x125x16xf32, #tpu.memory_space<vmem>>
    %dma_start3A_45 = tpu.memref_squeeze %dma_start3A_44 : memref<1x1x125x16xf32, #tpu.memory_space<vmem>> -> memref<125x16xf32, #tpu.memory_space<vmem>>
    %dma_start3A_46 = arith.constant 0 : i32
    %dma_start3A_47 = tpu.memref_slice %arg8[%dma_start3A_39, %dma_start3A_46] : memref<80x125xi32, #tpu.memory_space<vmem>> -> memref<1x125xi32, #tpu.memory_space<vmem>>
    %dma_start3A_48 = tpu.memref_squeeze %dma_start3A_47 : memref<1x125xi32, #tpu.memory_space<vmem>> -> memref<125xi32, #tpu.memory_space<vmem>>
    %dma_start3A_49 = arith.constant 0 : i32
    %dma_start3A_50 = arith.constant 0 : i32
    %dma_start3A_51 = tpu.memref_slice %arg4[%dma_start3A_49, %dma_start3A_50] : memref<10000x16xf32, #tpu.memory_space<hbm>> -> memref<10000x16xf32, #tpu.memory_space<hbm>>
    tpu.enqueue_indirect_dma source(%dma_start3A_51 : memref<10000x16xf32, #tpu.memory_space<hbm>>) target(%dma_start3A_45 : memref<125x16xf32, #tpu.memory_space<vmem>>) offsets(%dma_start3A_48 : memref<125xi32, #tpu.memory_space<vmem>>) semaphore(%arg11 : memref<!tpu.dma_semaphore, #tpu.memory_space<semaphore_mem>>)
    %dma_start3A_52 = arith.constant 3 : i32
    %dma_start3A_53 = arith.constant 0 : i32
    %dma_start3A_54 = arith.constant 3 : i32
    %dma_start3A_55 = arith.constant 0 : i32
    %dma_start3A_56 = arith.constant 0 : i32
    %dma_start3A_57 = tpu.memref_slice %arg9[%dma_start3A_53, %dma_start3A_54, %dma_start3A_55, %dma_start3A_56] : memref<2x16x125x16xf32, #tpu.memory_space<vmem>> -> memref<1x1x125x16xf32, #tpu.memory_space<vmem>>
    %dma_start3A_58 = tpu.memref_squeeze %dma_start3A_57 : memref<1x1x125x16xf32, #tpu.memory_space<vmem>> -> memref<125x16xf32, #tpu.memory_space<vmem>>
    %dma_start3A_59 = arith.constant 0 : i32
    %dma_start3A_60 = tpu.memref_slice %arg8[%dma_start3A_52, %dma_start3A_59] : memref<80x125xi32, #tpu.memory_space<vmem>> -> memref<1x125xi32, #tpu.memory_space<vmem>>
    %dma_start3A_61 = tpu.memref_squeeze %dma_start3A_60 : memref<1x125xi32, #tpu.memory_space<vmem>> -> memref<125xi32, #tpu.memory_space<vmem>>
    %dma_start3A_62 = arith.constant 0 : i32
    %dma_start3A_63 = arith.constant 0 : i32
    %dma_start3A_64 = tpu.memref_slice %arg4[%dma_start3A_62, %dma_start3A_63] : memref<10000x16xf32, #tpu.memory_space<hbm>> -> memref<10000x16xf32, #tpu.memory_space<hbm>>
    tpu.enqueue_indirect_dma source(%dma_start3A_64 : memref<10000x16xf32, #tpu.memory_space<hbm>>) target(%dma_start3A_58 : memref<125x16xf32, #tpu.memory_space<vmem>>) offsets(%dma_start3A_61 : memref<125xi32, #tpu.memory_space<vmem>>) semaphore(%arg11 : memref<!tpu.dma_semaphore, #tpu.memory_space<semaphore_mem>>)
    %dma_start3A_65 = arith.constant 4 : i32
    %dma_start3A_66 = arith.constant 0 : i32
    %dma_start3A_67 = arith.constant 4 : i32
    %dma_start3A_68 = arith.constant 0 : i32
    %dma_start3A_69 = arith.constant 0 : i32
    %dma_start3A_70 = tpu.memref_slice %arg9[%dma_start3A_66, %dma_start3A_67, %dma_start3A_68, %dma_start3A_69] : memref<2x16x125x16xf32, #tpu.memory_space<vmem>> -> memref<1x1x125x16xf32, #tpu.memory_space<vmem>>
    %dma_start3A_71 = tpu.memref_squeeze %dma_start3A_70 : memref<1x1x125x16xf32, #tpu.memory_space<vmem>> -> memref<125x16xf32, #tpu.memory_space<vmem>>
    %dma_start3A_72 = arith.constant 0 : i32
    %dma_start3A_73 = tpu.memref_slice %arg8[%dma_start3A_65, %dma_start3A_72] : memref<80x125xi32, #tpu.memory_space<vmem>> -> memref<1x125xi32, #tpu.memory_space<vmem>>
    %dma_start3A_74 = tpu.memref_squeeze %dma_start3A_73 : memref<1x125xi32, #tpu.memory_space<vmem>> -> memref<125xi32, #tpu.memory_space<vmem>>
    %dma_start3A_75 = arith.constant 0 : i32
    %dma_start3A_76 = arith.constant 0 : i32
    %dma_start3A_77 = tpu.memref_slice %arg4[%dma_start3A_75, %dma_start3A_76] : memref<10000x16xf32, #tpu.memory_space<hbm>> -> memref<10000x16xf32, #tpu.memory_space<hbm>>
    tpu.enqueue_indirect_dma source(%dma_start3A_77 : memref<10000x16xf32, #tpu.memory_space<hbm>>) target(%dma_start3A_71 : memref<125x16xf32, #tpu.memory_space<vmem>>) offsets(%dma_start3A_74 : memref<125xi32, #tpu.memory_space<vmem>>) semaphore(%arg11 : memref<!tpu.dma_semaphore, #tpu.memory_space<semaphore_mem>>)
    %dma_start3A_78 = arith.constant 5 : i32
    %dma_start3A_79 = arith.constant 0 : i32
    %dma_start3A_80 = arith.constant 5 : i32
    %dma_start3A_81 = arith.constant 0 : i32
    %dma_start3A_82 = arith.constant 0 : i32
    %dma_start3A_83 = tpu.memref_slice %arg9[%dma_start3A_79, %dma_start3A_80, %dma_start3A_81, %dma_start3A_82] : memref<2x16x125x16xf32, #tpu.memory_space<vmem>> -> memref<1x1x125x16xf32, #tpu.memory_space<vmem>>
    %dma_start3A_84 = tpu.memref_squeeze %dma_start3A_83 : memref<1x1x125x16xf32, #tpu.memory_space<vmem>> -> memref<125x16xf32, #tpu.memory_space<vmem>>
    %dma_start3A_85 = arith.constant 0 : i32
    %dma_start3A_86 = tpu.memref_slice %arg8[%dma_start3A_78, %dma_start3A_85] : memref<80x125xi32, #tpu.memory_space<vmem>> -> memref<1x125xi32, #tpu.memory_space<vmem>>
    %dma_start3A_87 = tpu.memref_squeeze %dma_start3A_86 : memref<1x125xi32, #tpu.memory_space<vmem>> -> memref<125xi32, #tpu.memory_space<vmem>>
    %dma_start3A_88 = arith.constant 0 : i32
    %dma_start3A_89 = arith.constant 0 : i32
    %dma_start3A_90 = tpu.memref_slice %arg4[%dma_start3A_88, %dma_start3A_89] : memref<10000x16xf32, #tpu.memory_space<hbm>> -> memref<10000x16xf32, #tpu.memory_space<hbm>>
    tpu.enqueue_indirect_dma source(%dma_start3A_90 : memref<10000x16xf32, #tpu.memory_space<hbm>>) target(%dma_start3A_84 : memref<125x16xf32, #tpu.memory_space<vmem>>) offsets(%dma_start3A_87 : memref<125xi32, #tpu.memory_space<vmem>>) semaphore(%arg11 : memref<!tpu.dma_semaphore, #tpu.memory_space<semaphore_mem>>)
    %dma_start3A_91 = arith.constant 6 : i32
    %dma_start3A_92 = arith.constant 0 : i32
    %dma_start3A_93 = arith.constant 6 : i32
    %dma_start3A_94 = arith.constant 0 : i32
    %dma_start3A_95 = arith.constant 0 : i32
    %dma_start3A_96 = tpu.memref_slice %arg9[%dma_start3A_92, %dma_start3A_93, %dma_start3A_94, %dma_start3A_95] : memref<2x16x125x16xf32, #tpu.memory_space<vmem>> -> memref<1x1x125x16xf32, #tpu.memory_space<vmem>>
    %dma_start3A_97 = tpu.memref_squeeze %dma_start3A_96 : memref<1x1x125x16xf32, #tpu.memory_space<vmem>> -> memref<125x16xf32, #tpu.memory_space<vmem>>
    %dma_start3A_98 = arith.constant 0 : i32
    %dma_start3A_99 = tpu.memref_slice %arg8[%dma_start3A_91, %dma_start3A_98] : memref<80x125xi32, #tpu.memory_space<vmem>> -> memref<1x125xi32, #tpu.memory_space<vmem>>
    %dma_start3A_100 = tpu.memref_squeeze %dma_start3A_99 : memref<1x125xi32, #tpu.memory_space<vmem>> -> memref<125xi32, #tpu.memory_space<vmem>>
    %dma_start3A_101 = arith.constant 0 : i32
    %dma_start3A_102 = arith.constant 0 : i32
    %dma_start3A_103 = tpu.memref_slice %arg4[%dma_start3A_101, %dma_start3A_102] : memref<10000x16xf32, #tpu.memory_space<hbm>> -> memref<10000x16xf32, #tpu.memory_space<hbm>>
    tpu.enqueue_indirect_dma source(%dma_start3A_103 : memref<10000x16xf32, #tpu.memory_space<hbm>>) target(%dma_start3A_97 : memref<125x16xf32, #tpu.memory_space<vmem>>) offsets(%dma_start3A_100 : memref<125xi32, #tpu.memory_space<vmem>>) semaphore(%arg11 : memref<!tpu.dma_semaphore, #tpu.memory_space<semaphore_mem>>)
    %dma_start3A_104 = arith.constant 7 : i32
    %dma_start3A_105 = arith.constant 0 : i32
    %dma_start3A_106 = arith.constant 7 : i32
    %dma_start3A_107 = arith.constant 0 : i32
    %dma_start3A_108 = arith.constant 0 : i32
    %dma_start3A_109 = tpu.memref_slice %arg9[%dma_start3A_105, %dma_start3A_106, %dma_start3A_107, %dma_start3A_108] : memref<2x16x125x16xf32, #tpu.memory_space<vmem>> -> memref<1x1x125x16xf32, #tpu.memory_space<vmem>>
    %dma_start3A_110 = tpu.memref_squeeze %dma_start3A_109 : memref<1x1x125x16xf32, #tpu.memory_space<vmem>> -> memref<125x16xf32, #tpu.memory_space<vmem>>
    %dma_start3A_111 = arith.constant 0 : i32
    %dma_start3A_112 = tpu.memref_slice %arg8[%dma_start3A_104, %dma_start3A_111] : memref<80x125xi32, #tpu.memory_space<vmem>> -> memref<1x125xi32, #tpu.memory_space<vmem>>
    %dma_start3A_113 = tpu.memref_squeeze %dma_start3A_112 : memref<1x125xi32, #tpu.memory_space<vmem>> -> memref<125xi32, #tpu.memory_space<vmem>>
    %dma_start3A_114 = arith.constant 0 : i32
    %dma_start3A_115 = arith.constant 0 : i32
    %dma_start3A_116 = tpu.memref_slice %arg4[%dma_start3A_114, %dma_start3A_115] : memref<10000x16xf32, #tpu.memory_space<hbm>> -> memref<10000x16xf32, #tpu.memory_space<hbm>>
    tpu.enqueue_indirect_dma source(%dma_start3A_116 : memref<10000x16xf32, #tpu.memory_space<hbm>>) target(%dma_start3A_110 : memref<125x16xf32, #tpu.memory_space<vmem>>) offsets(%dma_start3A_113 : memref<125xi32, #tpu.memory_space<vmem>>) semaphore(%arg11 : memref<!tpu.dma_semaphore, #tpu.memory_space<semaphore_mem>>)
    %dma_start3A_117 = arith.constant 8 : i32
    %dma_start3A_118 = arith.constant 0 : i32
    %dma_start3A_119 = arith.constant 8 : i32
    %dma_start3A_120 = arith.constant 0 : i32
    %dma_start3A_121 = arith.constant 0 : i32
    %dma_start3A_122 = tpu.memref_slice %arg9[%dma_start3A_118, %dma_start3A_119, %dma_start3A_120, %dma_start3A_121] : memref<2x16x125x16xf32, #tpu.memory_space<vmem>> -> memref<1x1x125x16xf32, #tpu.memory_space<vmem>>
    %dma_start3A_123 = tpu.memref_squeeze %dma_start3A_122 : memref<1x1x125x16xf32, #tpu.memory_space<vmem>> -> memref<125x16xf32, #tpu.memory_space<vmem>>
    %dma_start3A_124 = arith.constant 0 : i32
    %dma_start3A_125 = tpu.memref_slice %arg8[%dma_start3A_117, %dma_start3A_124] : memref<80x125xi32, #tpu.memory_space<vmem>> -> memref<1x125xi32, #tpu.memory_space<vmem>>
    %dma_start3A_126 = tpu.memref_squeeze %dma_start3A_125 : memref<1x125xi32, #tpu.memory_space<vmem>> -> memref<125xi32, #tpu.memory_space<vmem>>
    %dma_start3A_127 = arith.constant 0 : i32
    %dma_start3A_128 = arith.constant 0 : i32
    %dma_start3A_129 = tpu.memref_slice %arg4[%dma_start3A_127, %dma_start3A_128] : memref<10000x16xf32, #tpu.memory_space<hbm>> -> memref<10000x16xf32, #tpu.memory_space<hbm>>
    tpu.enqueue_indirect_dma source(%dma_start3A_129 : memref<10000x16xf32, #tpu.memory_space<hbm>>) target(%dma_start3A_123 : memref<125x16xf32, #tpu.memory_space<vmem>>) offsets(%dma_start3A_126 : memref<125xi32, #tpu.memory_space<vmem>>) semaphore(%arg11 : memref<!tpu.dma_semaphore, #tpu.memory_space<semaphore_mem>>)
    %dma_start3A_130 = arith.constant 9 : i32
    %dma_start3A_131 = arith.constant 0 : i32
    %dma_start3A_132 = arith.constant 9 : i32
    %dma_start3A_133 = arith.constant 0 : i32
    %dma_start3A_134 = arith.constant 0 : i32
    %dma_start3A_135 = tpu.memref_slice %arg9[%dma_start3A_131, %dma_start3A_132, %dma_start3A_133, %dma_start3A_134] : memref<2x16x125x16xf32, #tpu.memory_space<vmem>> -> memref<1x1x125x16xf32, #tpu.memory_space<vmem>>
    %dma_start3A_136 = tpu.memref_squeeze %dma_start3A_135 : memref<1x1x125x16xf32, #tpu.memory_space<vmem>> -> memref<125x16xf32, #tpu.memory_space<vmem>>
    %dma_start3A_137 = arith.constant 0 : i32
    %dma_start3A_138 = tpu.memref_slice %arg8[%dma_start3A_130, %dma_start3A_137] : memref<80x125xi32, #tpu.memory_space<vmem>> -> memref<1x125xi32, #tpu.memory_space<vmem>>
    %dma_start3A_139 = tpu.memref_squeeze %dma_start3A_138 : memref<1x125xi32, #tpu.memory_space<vmem>> -> memref<125xi32, #tpu.memory_space<vmem>>
    %dma_start3A_140 = arith.constant 0 : i32
    %dma_start3A_141 = arith.constant 0 : i32
    %dma_start3A_142 = tpu.memref_slice %arg4[%dma_start3A_140, %dma_start3A_141] : memref<10000x16xf32, #tpu.memory_space<hbm>> -> memref<10000x16xf32, #tpu.memory_space<hbm>>
    tpu.enqueue_indirect_dma source(%dma_start3A_142 : memref<10000x16xf32, #tpu.memory_space<hbm>>) target(%dma_start3A_136 : memref<125x16xf32, #tpu.memory_space<vmem>>) offsets(%dma_start3A_139 : memref<125xi32, #tpu.memory_space<vmem>>) semaphore(%arg11 : memref<!tpu.dma_semaphore, #tpu.memory_space<semaphore_mem>>)
    %dma_start3A_143 = arith.constant 10 : i32
    %dma_start3A_144 = arith.constant 0 : i32
    %dma_start3A_145 = arith.constant 10 : i32
    %dma_start3A_146 = arith.constant 0 : i32
    %dma_start3A_147 = arith.constant 0 : i32
    %dma_start3A_148 = tpu.memref_slice %arg9[%dma_start3A_144, %dma_start3A_145, %dma_start3A_146, %dma_start3A_147] : memref<2x16x125x16xf32, #tpu.memory_space<vmem>> -> memref<1x1x125x16xf32, #tpu.memory_space<vmem>>
    %dma_start3A_149 = tpu.memref_squeeze %dma_start3A_148 : memref<1x1x125x16xf32, #tpu.memory_space<vmem>> -> memref<125x16xf32, #tpu.memory_space<vmem>>
    %dma_start3A_150 = arith.constant 0 : i32
    %dma_start3A_151 = tpu.memref_slice %arg8[%dma_start3A_143, %dma_start3A_150] : memref<80x125xi32, #tpu.memory_space<vmem>> -> memref<1x125xi32, #tpu.memory_space<vmem>>
    %dma_start3A_152 = tpu.memref_squeeze %dma_start3A_151 : memref<1x125xi32, #tpu.memory_space<vmem>> -> memref<125xi32, #tpu.memory_space<vmem>>
    %dma_start3A_153 = arith.constant 0 : i32
    %dma_start3A_154 = arith.constant 0 : i32
    %dma_start3A_155 = tpu.memref_slice %arg4[%dma_start3A_153, %dma_start3A_154] : memref<10000x16xf32, #tpu.memory_space<hbm>> -> memref<10000x16xf32, #tpu.memory_space<hbm>>
    tpu.enqueue_indirect_dma source(%dma_start3A_155 : memref<10000x16xf32, #tpu.memory_space<hbm>>) target(%dma_start3A_149 : memref<125x16xf32, #tpu.memory_space<vmem>>) offsets(%dma_start3A_152 : memref<125xi32, #tpu.memory_space<vmem>>) semaphore(%arg11 : memref<!tpu.dma_semaphore, #tpu.memory_space<semaphore_mem>>)
    %dma_start3A_156 = arith.constant 11 : i32
    %dma_start3A_157 = arith.constant 0 : i32
    %dma_start3A_158 = arith.constant 11 : i32
    %dma_start3A_159 = arith.constant 0 : i32
    %dma_start3A_160 = arith.constant 0 : i32
    %dma_start3A_161 = tpu.memref_slice %arg9[%dma_start3A_157, %dma_start3A_158, %dma_start3A_159, %dma_start3A_160] : memref<2x16x125x16xf32, #tpu.memory_space<vmem>> -> memref<1x1x125x16xf32, #tpu.memory_space<vmem>>
    %dma_start3A_162 = tpu.memref_squeeze %dma_start3A_161 : memref<1x1x125x16xf32, #tpu.memory_space<vmem>> -> memref<125x16xf32, #tpu.memory_space<vmem>>
    %dma_start3A_163 = arith.constant 0 : i32
    %dma_start3A_164 = tpu.memref_slice %arg8[%dma_start3A_156, %dma_start3A_163] : memref<80x125xi32, #tpu.memory_space<vmem>> -> memref<1x125xi32, #tpu.memory_space<vmem>>
    %dma_start3A_165 = tpu.memref_squeeze %dma_start3A_164 : memref<1x125xi32, #tpu.memory_space<vmem>> -> memref<125xi32, #tpu.memory_space<vmem>>
    %dma_start3A_166 = arith.constant 0 : i32
    %dma_start3A_167 = arith.constant 0 : i32
    %dma_start3A_168 = tpu.memref_slice %arg4[%dma_start3A_166, %dma_start3A_167] : memref<10000x16xf32, #tpu.memory_space<hbm>> -> memref<10000x16xf32, #tpu.memory_space<hbm>>
    tpu.enqueue_indirect_dma source(%dma_start3A_168 : memref<10000x16xf32, #tpu.memory_space<hbm>>) target(%dma_start3A_162 : memref<125x16xf32, #tpu.memory_space<vmem>>) offsets(%dma_start3A_165 : memref<125xi32, #tpu.memory_space<vmem>>) semaphore(%arg11 : memref<!tpu.dma_semaphore, #tpu.memory_space<semaphore_mem>>)
    %dma_start3A_169 = arith.constant 12 : i32
    %dma_start3A_170 = arith.constant 0 : i32
    %dma_start3A_171 = arith.constant 12 : i32
    %dma_start3A_172 = arith.constant 0 : i32
    %dma_start3A_173 = arith.constant 0 : i32
    %dma_start3A_174 = tpu.memref_slice %arg9[%dma_start3A_170, %dma_start3A_171, %dma_start3A_172, %dma_start3A_173] : memref<2x16x125x16xf32, #tpu.memory_space<vmem>> -> memref<1x1x125x16xf32, #tpu.memory_space<vmem>>
    %dma_start3A_175 = tpu.memref_squeeze %dma_start3A_174 : memref<1x1x125x16xf32, #tpu.memory_space<vmem>> -> memref<125x16xf32, #tpu.memory_space<vmem>>
    %dma_start3A_176 = arith.constant 0 : i32
    %dma_start3A_177 = tpu.memref_slice %arg8[%dma_start3A_169, %dma_start3A_176] : memref<80x125xi32, #tpu.memory_space<vmem>> -> memref<1x125xi32, #tpu.memory_space<vmem>>
    %dma_start3A_178 = tpu.memref_squeeze %dma_start3A_177 : memref<1x125xi32, #tpu.memory_space<vmem>> -> memref<125xi32, #tpu.memory_space<vmem>>
    %dma_start3A_179 = arith.constant 0 : i32
    %dma_start3A_180 = arith.constant 0 : i32
    %dma_start3A_181 = tpu.memref_slice %arg4[%dma_start3A_179, %dma_start3A_180] : memref<10000x16xf32, #tpu.memory_space<hbm>> -> memref<10000x16xf32, #tpu.memory_space<hbm>>
    tpu.enqueue_indirect_dma source(%dma_start3A_181 : memref<10000x16xf32, #tpu.memory_space<hbm>>) target(%dma_start3A_175 : memref<125x16xf32, #tpu.memory_space<vmem>>) offsets(%dma_start3A_178 : memref<125xi32, #tpu.memory_space<vmem>>) semaphore(%arg11 : memref<!tpu.dma_semaphore, #tpu.memory_space<semaphore_mem>>)
    %dma_start3A_182 = arith.constant 13 : i32
    %dma_start3A_183 = arith.constant 0 : i32
    %dma_start3A_184 = arith.constant 13 : i32
    %dma_start3A_185 = arith.constant 0 : i32
    %dma_start3A_186 = arith.constant 0 : i32
    %dma_start3A_187 = tpu.memref_slice %arg9[%dma_start3A_183, %dma_start3A_184, %dma_start3A_185, %dma_start3A_186] : memref<2x16x125x16xf32, #tpu.memory_space<vmem>> -> memref<1x1x125x16xf32, #tpu.memory_space<vmem>>
    %dma_start3A_188 = tpu.memref_squeeze %dma_start3A_187 : memref<1x1x125x16xf32, #tpu.memory_space<vmem>> -> memref<125x16xf32, #tpu.memory_space<vmem>>
    %dma_start3A_189 = arith.constant 0 : i32
    %dma_start3A_190 = tpu.memref_slice %arg8[%dma_start3A_182, %dma_start3A_189] : memref<80x125xi32, #tpu.memory_space<vmem>> -> memref<1x125xi32, #tpu.memory_space<vmem>>
    %dma_start3A_191 = tpu.memref_squeeze %dma_start3A_190 : memref<1x125xi32, #tpu.memory_space<vmem>> -> memref<125xi32, #tpu.memory_space<vmem>>
    %dma_start3A_192 = arith.constant 0 : i32
    %dma_start3A_193 = arith.constant 0 : i32
    %dma_start3A_194 = tpu.memref_slice %arg4[%dma_start3A_192, %dma_start3A_193] : memref<10000x16xf32, #tpu.memory_space<hbm>> -> memref<10000x16xf32, #tpu.memory_space<hbm>>
    tpu.enqueue_indirect_dma source(%dma_start3A_194 : memref<10000x16xf32, #tpu.memory_space<hbm>>) target(%dma_start3A_188 : memref<125x16xf32, #tpu.memory_space<vmem>>) offsets(%dma_start3A_191 : memref<125xi32, #tpu.memory_space<vmem>>) semaphore(%arg11 : memref<!tpu.dma_semaphore, #tpu.memory_space<semaphore_mem>>)
    %dma_start3A_195 = arith.constant 14 : i32
    %dma_start3A_196 = arith.constant 0 : i32
    %dma_start3A_197 = arith.constant 14 : i32
    %dma_start3A_198 = arith.constant 0 : i32
    %dma_start3A_199 = arith.constant 0 : i32
    %dma_start3A_200 = tpu.memref_slice %arg9[%dma_start3A_196, %dma_start3A_197, %dma_start3A_198, %dma_start3A_199] : memref<2x16x125x16xf32, #tpu.memory_space<vmem>> -> memref<1x1x125x16xf32, #tpu.memory_space<vmem>>
    %dma_start3A_201 = tpu.memref_squeeze %dma_start3A_200 : memref<1x1x125x16xf32, #tpu.memory_space<vmem>> -> memref<125x16xf32, #tpu.memory_space<vmem>>
    %dma_start3A_202 = arith.constant 0 : i32
    %dma_start3A_203 = tpu.memref_slice %arg8[%dma_start3A_195, %dma_start3A_202] : memref<80x125xi32, #tpu.memory_space<vmem>> -> memref<1x125xi32, #tpu.memory_space<vmem>>
    %dma_start3A_204 = tpu.memref_squeeze %dma_start3A_203 : memref<1x125xi32, #tpu.memory_space<vmem>> -> memref<125xi32, #tpu.memory_space<vmem>>
    %dma_start3A_205 = arith.constant 0 : i32
    %dma_start3A_206 = arith.constant 0 : i32
    %dma_start3A_207 = tpu.memref_slice %arg4[%dma_start3A_205, %dma_start3A_206] : memref<10000x16xf32, #tpu.memory_space<hbm>> -> memref<10000x16xf32, #tpu.memory_space<hbm>>
    tpu.enqueue_indirect_dma source(%dma_start3A_207 : memref<10000x16xf32, #tpu.memory_space<hbm>>) target(%dma_start3A_201 : memref<125x16xf32, #tpu.memory_space<vmem>>) offsets(%dma_start3A_204 : memref<125xi32, #tpu.memory_space<vmem>>) semaphore(%arg11 : memref<!tpu.dma_semaphore, #tpu.memory_space<semaphore_mem>>)
    %dma_start3A_208 = arith.constant 15 : i32
    %dma_start3A_209 = arith.constant 0 : i32
    %dma_start3A_210 = arith.constant 15 : i32
    %dma_start3A_211 = arith.constant 0 : i32
    %dma_start3A_212 = arith.constant 0 : i32
    %dma_start3A_213 = tpu.memref_slice %arg9[%dma_start3A_209, %dma_start3A_210, %dma_start3A_211, %dma_start3A_212] : memref<2x16x125x16xf32, #tpu.memory_space<vmem>> -> memref<1x1x125x16xf32, #tpu.memory_space<vmem>>
    %dma_start3A_214 = tpu.memref_squeeze %dma_start3A_213 : memref<1x1x125x16xf32, #tpu.memory_space<vmem>> -> memref<125x16xf32, #tpu.memory_space<vmem>>
    %dma_start3A_215 = arith.constant 0 : i32
    %dma_start3A_216 = tpu.memref_slice %arg8[%dma_start3A_208, %dma_start3A_215] : memref<80x125xi32, #tpu.memory_space<vmem>> -> memref<1x125xi32, #tpu.memory_space<vmem>>
    %dma_start3A_217 = tpu.memref_squeeze %dma_start3A_216 : memref<1x125xi32, #tpu.memory_space<vmem>> -> memref<125xi32, #tpu.memory_space<vmem>>
    %dma_start3A_218 = arith.constant 0 : i32
    %dma_start3A_219 = arith.constant 0 : i32
    %dma_start3A_220 = tpu.memref_slice %arg4[%dma_start3A_218, %dma_start3A_219] : memref<10000x16xf32, #tpu.memory_space<hbm>> -> memref<10000x16xf32, #tpu.memory_space<hbm>>
    tpu.enqueue_indirect_dma source(%dma_start3A_220 : memref<10000x16xf32, #tpu.memory_space<hbm>>) target(%dma_start3A_214 : memref<125x16xf32, #tpu.memory_space<vmem>>) offsets(%dma_start3A_217 : memref<125xi32, #tpu.memory_space<vmem>>) semaphore(%arg11 : memref<!tpu.dma_semaphore, #tpu.memory_space<semaphore_mem>>)
    %scan3A = arith.constant 0 : i32
    %scan3A_221 = arith.constant 0 : i32
    %scan3A_222 = arith.constant 5 : i32
    %scan3A_223 = arith.addi %scan3A_221, %scan3A_222 : i32
    %scan3A_224 = arith.constant 1 : i32
    scf.for %scan3A_443 = %scan3A_221 to %scan3A_223 step %scan3A_224  : i32 {
      %rem3A = arith.constant 2 : i32
      %rem3A_444 = arith.remsi %scan3A_443, %rem3A : i32
      %sub3A = arith.constant 1 : i32
      %sub3A_445 = arith.subi %sub3A, %rem3A_444 : i32
      %ge3A = arith.constant 1 : i32
      %ge3A_446 = arith.cmpi sge, %scan3A_443, %ge3A : i32
      %convert_element_type3A_447 = arith.extui %ge3A_446 : i1 to i32
      %cond3A_448 = arith.constant 0 : i32
      %cond3A_449 = arith.cmpi ne, %convert_element_type3A_447, %cond3A_448 : i32
      scf.if %cond3A_449 {
        %dma_wait3A_902 = arith.constant 0 : i32
        %dma_wait3A_903 = arith.constant 0 : i32
        %dma_wait3A_904 = arith.constant 0 : i32
        %dma_wait3A_905 = arith.constant 0 : i32
        %dma_wait3A_906 = arith.constant 0 : i32
        %dma_wait3A_907 = tpu.memref_slice %arg9[%dma_wait3A_902, %dma_wait3A_903, %dma_wait3A_905, %dma_wait3A_906] : memref<2x16x125x16xf32, #tpu.memory_space<vmem>> -> memref<1x1x125x16xf32, #tpu.memory_space<vmem>>
        %dma_wait3A_908 = tpu.memref_squeeze %dma_wait3A_907 : memref<1x1x125x16xf32, #tpu.memory_space<vmem>> -> memref<125x16xf32, #tpu.memory_space<vmem>>
        %dma_wait3A_909 = arith.constant 0 : i32
        %dma_wait3A_910 = tpu.memref_slice %arg7[%dma_wait3A_904, %dma_wait3A_909] : memref<80x125xi32, #tpu.memory_space<vmem>> -> memref<1x125xi32, #tpu.memory_space<vmem>>
        %dma_wait3A_911 = tpu.memref_squeeze %dma_wait3A_910 : memref<1x125xi32, #tpu.memory_space<vmem>> -> memref<125xi32, #tpu.memory_space<vmem>>
        %dma_wait3A_912 = arith.constant 0 : i32
        %dma_wait3A_913 = arith.constant 0 : i32
        %dma_wait3A_914 = tpu.memref_slice %arg10[%dma_wait3A_912, %dma_wait3A_913] : memref<10000x16xf32, #tpu.memory_space<vmem_shared>> -> memref<10000x16xf32, #tpu.memory_space<vmem_shared>>
        tpu.wait_indirect_dma semaphore(%arg12 : memref<!tpu.dma_semaphore, #tpu.memory_space<semaphore_mem>>) src(%dma_wait3A_908 : memref<125x16xf32, #tpu.memory_space<vmem>>) dst(%dma_wait3A_914 : memref<10000x16xf32, #tpu.memory_space<vmem_shared>>)
        %dma_wait3A_915 = arith.constant 0 : i32
        %dma_wait3A_916 = arith.constant 1 : i32
        %dma_wait3A_917 = arith.constant 0 : i32
        %dma_wait3A_918 = arith.constant 0 : i32
        %dma_wait3A_919 = arith.constant 0 : i32
        %dma_wait3A_920 = tpu.memref_slice %arg9[%dma_wait3A_915, %dma_wait3A_916, %dma_wait3A_918, %dma_wait3A_919] : memref<2x16x125x16xf32, #tpu.memory_space<vmem>> -> memref<1x1x125x16xf32, #tpu.memory_space<vmem>>
        %dma_wait3A_921 = tpu.memref_squeeze %dma_wait3A_920 : memref<1x1x125x16xf32, #tpu.memory_space<vmem>> -> memref<125x16xf32, #tpu.memory_space<vmem>>
        %dma_wait3A_922 = arith.constant 0 : i32
        %dma_wait3A_923 = tpu.memref_slice %arg7[%dma_wait3A_917, %dma_wait3A_922] : memref<80x125xi32, #tpu.memory_space<vmem>> -> memref<1x125xi32, #tpu.memory_space<vmem>>
        %dma_wait3A_924 = tpu.memref_squeeze %dma_wait3A_923 : memref<1x125xi32, #tpu.memory_space<vmem>> -> memref<125xi32, #tpu.memory_space<vmem>>
        %dma_wait3A_925 = arith.constant 0 : i32
        %dma_wait3A_926 = arith.constant 0 : i32
        %dma_wait3A_927 = tpu.memref_slice %arg10[%dma_wait3A_925, %dma_wait3A_926] : memref<10000x16xf32, #tpu.memory_space<vmem_shared>> -> memref<10000x16xf32, #tpu.memory_space<vmem_shared>>
        tpu.wait_indirect_dma semaphore(%arg12 : memref<!tpu.dma_semaphore, #tpu.memory_space<semaphore_mem>>) src(%dma_wait3A_921 : memref<125x16xf32, #tpu.memory_space<vmem>>) dst(%dma_wait3A_927 : memref<10000x16xf32, #tpu.memory_space<vmem_shared>>)
        %dma_wait3A_928 = arith.constant 0 : i32
        %dma_wait3A_929 = arith.constant 2 : i32
        %dma_wait3A_930 = arith.constant 0 : i32
        %dma_wait3A_931 = arith.constant 0 : i32
        %dma_wait3A_932 = arith.constant 0 : i32
        %dma_wait3A_933 = tpu.memref_slice %arg9[%dma_wait3A_928, %dma_wait3A_929, %dma_wait3A_931, %dma_wait3A_932] : memref<2x16x125x16xf32, #tpu.memory_space<vmem>> -> memref<1x1x125x16xf32, #tpu.memory_space<vmem>>
        %dma_wait3A_934 = tpu.memref_squeeze %dma_wait3A_933 : memref<1x1x125x16xf32, #tpu.memory_space<vmem>> -> memref<125x16xf32, #tpu.memory_space<vmem>>
        %dma_wait3A_935 = arith.constant 0 : i32
        %dma_wait3A_936 = tpu.memref_slice %arg7[%dma_wait3A_930, %dma_wait3A_935] : memref<80x125xi32, #tpu.memory_space<vmem>> -> memref<1x125xi32, #tpu.memory_space<vmem>>
        %dma_wait3A_937 = tpu.memref_squeeze %dma_wait3A_936 : memref<1x125xi32, #tpu.memory_space<vmem>> -> memref<125xi32, #tpu.memory_space<vmem>>
        %dma_wait3A_938 = arith.constant 0 : i32
        %dma_wait3A_939 = arith.constant 0 : i32
        %dma_wait3A_940 = tpu.memref_slice %arg10[%dma_wait3A_938, %dma_wait3A_939] : memref<10000x16xf32, #tpu.memory_space<vmem_shared>> -> memref<10000x16xf32, #tpu.memory_space<vmem_shared>>
        tpu.wait_indirect_dma semaphore(%arg12 : memref<!tpu.dma_semaphore, #tpu.memory_space<semaphore_mem>>) src(%dma_wait3A_934 : memref<125x16xf32, #tpu.memory_space<vmem>>) dst(%dma_wait3A_940 : memref<10000x16xf32, #tpu.memory_space<vmem_shared>>)
        %dma_wait3A_941 = arith.constant 0 : i32
        %dma_wait3A_942 = arith.constant 3 : i32
        %dma_wait3A_943 = arith.constant 0 : i32
        %dma_wait3A_944 = arith.constant 0 : i32
        %dma_wait3A_945 = arith.constant 0 : i32
        %dma_wait3A_946 = tpu.memref_slice %arg9[%dma_wait3A_941, %dma_wait3A_942, %dma_wait3A_944, %dma_wait3A_945] : memref<2x16x125x16xf32, #tpu.memory_space<vmem>> -> memref<1x1x125x16xf32, #tpu.memory_space<vmem>>
        %dma_wait3A_947 = tpu.memref_squeeze %dma_wait3A_946 : memref<1x1x125x16xf32, #tpu.memory_space<vmem>> -> memref<125x16xf32, #tpu.memory_space<vmem>>
        %dma_wait3A_948 = arith.constant 0 : i32
        %dma_wait3A_949 = tpu.memref_slice %arg7[%dma_wait3A_943, %dma_wait3A_948] : memref<80x125xi32, #tpu.memory_space<vmem>> -> memref<1x125xi32, #tpu.memory_space<vmem>>
        %dma_wait3A_950 = tpu.memref_squeeze %dma_wait3A_949 : memref<1x125xi32, #tpu.memory_space<vmem>> -> memref<125xi32, #tpu.memory_space<vmem>>
        %dma_wait3A_951 = arith.constant 0 : i32
        %dma_wait3A_952 = arith.constant 0 : i32
        %dma_wait3A_953 = tpu.memref_slice %arg10[%dma_wait3A_951, %dma_wait3A_952] : memref<10000x16xf32, #tpu.memory_space<vmem_shared>> -> memref<10000x16xf32, #tpu.memory_space<vmem_shared>>
        tpu.wait_indirect_dma semaphore(%arg12 : memref<!tpu.dma_semaphore, #tpu.memory_space<semaphore_mem>>) src(%dma_wait3A_947 : memref<125x16xf32, #tpu.memory_space<vmem>>) dst(%dma_wait3A_953 : memref<10000x16xf32, #tpu.memory_space<vmem_shared>>)
        %dma_wait3A_954 = arith.constant 0 : i32
        %dma_wait3A_955 = arith.constant 4 : i32
        %dma_wait3A_956 = arith.constant 0 : i32
        %dma_wait3A_957 = arith.constant 0 : i32
        %dma_wait3A_958 = arith.constant 0 : i32
        %dma_wait3A_959 = tpu.memref_slice %arg9[%dma_wait3A_954, %dma_wait3A_955, %dma_wait3A_957, %dma_wait3A_958] : memref<2x16x125x16xf32, #tpu.memory_space<vmem>> -> memref<1x1x125x16xf32, #tpu.memory_space<vmem>>
        %dma_wait3A_960 = tpu.memref_squeeze %dma_wait3A_959 : memref<1x1x125x16xf32, #tpu.memory_space<vmem>> -> memref<125x16xf32, #tpu.memory_space<vmem>>
        %dma_wait3A_961 = arith.constant 0 : i32
        %dma_wait3A_962 = tpu.memref_slice %arg7[%dma_wait3A_956, %dma_wait3A_961] : memref<80x125xi32, #tpu.memory_space<vmem>> -> memref<1x125xi32, #tpu.memory_space<vmem>>
        %dma_wait3A_963 = tpu.memref_squeeze %dma_wait3A_962 : memref<1x125xi32, #tpu.memory_space<vmem>> -> memref<125xi32, #tpu.memory_space<vmem>>
        %dma_wait3A_964 = arith.constant 0 : i32
        %dma_wait3A_965 = arith.constant 0 : i32
        %dma_wait3A_966 = tpu.memref_slice %arg10[%dma_wait3A_964, %dma_wait3A_965] : memref<10000x16xf32, #tpu.memory_space<vmem_shared>> -> memref<10000x16xf32, #tpu.memory_space<vmem_shared>>
        tpu.wait_indirect_dma semaphore(%arg12 : memref<!tpu.dma_semaphore, #tpu.memory_space<semaphore_mem>>) src(%dma_wait3A_960 : memref<125x16xf32, #tpu.memory_space<vmem>>) dst(%dma_wait3A_966 : memref<10000x16xf32, #tpu.memory_space<vmem_shared>>)
        %dma_wait3A_967 = arith.constant 0 : i32
        %dma_wait3A_968 = arith.constant 5 : i32
        %dma_wait3A_969 = arith.constant 0 : i32
        %dma_wait3A_970 = arith.constant 0 : i32
        %dma_wait3A_971 = arith.constant 0 : i32
        %dma_wait3A_972 = tpu.memref_slice %arg9[%dma_wait3A_967, %dma_wait3A_968, %dma_wait3A_970, %dma_wait3A_971] : memref<2x16x125x16xf32, #tpu.memory_space<vmem>> -> memref<1x1x125x16xf32, #tpu.memory_space<vmem>>
        %dma_wait3A_973 = tpu.memref_squeeze %dma_wait3A_972 : memref<1x1x125x16xf32, #tpu.memory_space<vmem>> -> memref<125x16xf32, #tpu.memory_space<vmem>>
        %dma_wait3A_974 = arith.constant 0 : i32
        %dma_wait3A_975 = tpu.memref_slice %arg7[%dma_wait3A_969, %dma_wait3A_974] : memref<80x125xi32, #tpu.memory_space<vmem>> -> memref<1x125xi32, #tpu.memory_space<vmem>>
        %dma_wait3A_976 = tpu.memref_squeeze %dma_wait3A_975 : memref<1x125xi32, #tpu.memory_space<vmem>> -> memref<125xi32, #tpu.memory_space<vmem>>
        %dma_wait3A_977 = arith.constant 0 : i32
        %dma_wait3A_978 = arith.constant 0 : i32
        %dma_wait3A_979 = tpu.memref_slice %arg10[%dma_wait3A_977, %dma_wait3A_978] : memref<10000x16xf32, #tpu.memory_space<vmem_shared>> -> memref<10000x16xf32, #tpu.memory_space<vmem_shared>>
        tpu.wait_indirect_dma semaphore(%arg12 : memref<!tpu.dma_semaphore, #tpu.memory_space<semaphore_mem>>) src(%dma_wait3A_973 : memref<125x16xf32, #tpu.memory_space<vmem>>) dst(%dma_wait3A_979 : memref<10000x16xf32, #tpu.memory_space<vmem_shared>>)
        %dma_wait3A_980 = arith.constant 0 : i32
        %dma_wait3A_981 = arith.constant 6 : i32
        %dma_wait3A_982 = arith.constant 0 : i32
        %dma_wait3A_983 = arith.constant 0 : i32
        %dma_wait3A_984 = arith.constant 0 : i32
        %dma_wait3A_985 = tpu.memref_slice %arg9[%dma_wait3A_980, %dma_wait3A_981, %dma_wait3A_983, %dma_wait3A_984] : memref<2x16x125x16xf32, #tpu.memory_space<vmem>> -> memref<1x1x125x16xf32, #tpu.memory_space<vmem>>
        %dma_wait3A_986 = tpu.memref_squeeze %dma_wait3A_985 : memref<1x1x125x16xf32, #tpu.memory_space<vmem>> -> memref<125x16xf32, #tpu.memory_space<vmem>>
        %dma_wait3A_987 = arith.constant 0 : i32
        %dma_wait3A_988 = tpu.memref_slice %arg7[%dma_wait3A_982, %dma_wait3A_987] : memref<80x125xi32, #tpu.memory_space<vmem>> -> memref<1x125xi32, #tpu.memory_space<vmem>>
        %dma_wait3A_989 = tpu.memref_squeeze %dma_wait3A_988 : memref<1x125xi32, #tpu.memory_space<vmem>> -> memref<125xi32, #tpu.memory_space<vmem>>
        %dma_wait3A_990 = arith.constant 0 : i32
        %dma_wait3A_991 = arith.constant 0 : i32
        %dma_wait3A_992 = tpu.memref_slice %arg10[%dma_wait3A_990, %dma_wait3A_991] : memref<10000x16xf32, #tpu.memory_space<vmem_shared>> -> memref<10000x16xf32, #tpu.memory_space<vmem_shared>>
        tpu.wait_indirect_dma semaphore(%arg12 : memref<!tpu.dma_semaphore, #tpu.memory_space<semaphore_mem>>) src(%dma_wait3A_986 : memref<125x16xf32, #tpu.memory_space<vmem>>) dst(%dma_wait3A_992 : memref<10000x16xf32, #tpu.memory_space<vmem_shared>>)
        %dma_wait3A_993 = arith.constant 0 : i32
        %dma_wait3A_994 = arith.constant 7 : i32
        %dma_wait3A_995 = arith.constant 0 : i32
        %dma_wait3A_996 = arith.constant 0 : i32
        %dma_wait3A_997 = arith.constant 0 : i32
        %dma_wait3A_998 = tpu.memref_slice %arg9[%dma_wait3A_993, %dma_wait3A_994, %dma_wait3A_996, %dma_wait3A_997] : memref<2x16x125x16xf32, #tpu.memory_space<vmem>> -> memref<1x1x125x16xf32, #tpu.memory_space<vmem>>
        %dma_wait3A_999 = tpu.memref_squeeze %dma_wait3A_998 : memref<1x1x125x16xf32, #tpu.memory_space<vmem>> -> memref<125x16xf32, #tpu.memory_space<vmem>>
        %dma_wait3A_1000 = arith.constant 0 : i32
        %dma_wait3A_1001 = tpu.memref_slice %arg7[%dma_wait3A_995, %dma_wait3A_1000] : memref<80x125xi32, #tpu.memory_space<vmem>> -> memref<1x125xi32, #tpu.memory_space<vmem>>
        %dma_wait3A_1002 = tpu.memref_squeeze %dma_wait3A_1001 : memref<1x125xi32, #tpu.memory_space<vmem>> -> memref<125xi32, #tpu.memory_space<vmem>>
        %dma_wait3A_1003 = arith.constant 0 : i32
        %dma_wait3A_1004 = arith.constant 0 : i32
        %dma_wait3A_1005 = tpu.memref_slice %arg10[%dma_wait3A_1003, %dma_wait3A_1004] : memref<10000x16xf32, #tpu.memory_space<vmem_shared>> -> memref<10000x16xf32, #tpu.memory_space<vmem_shared>>
        tpu.wait_indirect_dma semaphore(%arg12 : memref<!tpu.dma_semaphore, #tpu.memory_space<semaphore_mem>>) src(%dma_wait3A_999 : memref<125x16xf32, #tpu.memory_space<vmem>>) dst(%dma_wait3A_1005 : memref<10000x16xf32, #tpu.memory_space<vmem_shared>>)
        %dma_wait3A_1006 = arith.constant 0 : i32
        %dma_wait3A_1007 = arith.constant 8 : i32
        %dma_wait3A_1008 = arith.constant 0 : i32
        %dma_wait3A_1009 = arith.constant 0 : i32
        %dma_wait3A_1010 = arith.constant 0 : i32
        %dma_wait3A_1011 = tpu.memref_slice %arg9[%dma_wait3A_1006, %dma_wait3A_1007, %dma_wait3A_1009, %dma_wait3A_1010] : memref<2x16x125x16xf32, #tpu.memory_space<vmem>> -> memref<1x1x125x16xf32, #tpu.memory_space<vmem>>
        %dma_wait3A_1012 = tpu.memref_squeeze %dma_wait3A_1011 : memref<1x1x125x16xf32, #tpu.memory_space<vmem>> -> memref<125x16xf32, #tpu.memory_space<vmem>>
        %dma_wait3A_1013 = arith.constant 0 : i32
        %dma_wait3A_1014 = tpu.memref_slice %arg7[%dma_wait3A_1008, %dma_wait3A_1013] : memref<80x125xi32, #tpu.memory_space<vmem>> -> memref<1x125xi32, #tpu.memory_space<vmem>>
        %dma_wait3A_1015 = tpu.memref_squeeze %dma_wait3A_1014 : memref<1x125xi32, #tpu.memory_space<vmem>> -> memref<125xi32, #tpu.memory_space<vmem>>
        %dma_wait3A_1016 = arith.constant 0 : i32
        %dma_wait3A_1017 = arith.constant 0 : i32
        %dma_wait3A_1018 = tpu.memref_slice %arg10[%dma_wait3A_1016, %dma_wait3A_1017] : memref<10000x16xf32, #tpu.memory_space<vmem_shared>> -> memref<10000x16xf32, #tpu.memory_space<vmem_shared>>
        tpu.wait_indirect_dma semaphore(%arg12 : memref<!tpu.dma_semaphore, #tpu.memory_space<semaphore_mem>>) src(%dma_wait3A_1012 : memref<125x16xf32, #tpu.memory_space<vmem>>) dst(%dma_wait3A_1018 : memref<10000x16xf32, #tpu.memory_space<vmem_shared>>)
        %dma_wait3A_1019 = arith.constant 0 : i32
        %dma_wait3A_1020 = arith.constant 9 : i32
        %dma_wait3A_1021 = arith.constant 0 : i32
        %dma_wait3A_1022 = arith.constant 0 : i32
        %dma_wait3A_1023 = arith.constant 0 : i32
        %dma_wait3A_1024 = tpu.memref_slice %arg9[%dma_wait3A_1019, %dma_wait3A_1020, %dma_wait3A_1022, %dma_wait3A_1023] : memref<2x16x125x16xf32, #tpu.memory_space<vmem>> -> memref<1x1x125x16xf32, #tpu.memory_space<vmem>>
        %dma_wait3A_1025 = tpu.memref_squeeze %dma_wait3A_1024 : memref<1x1x125x16xf32, #tpu.memory_space<vmem>> -> memref<125x16xf32, #tpu.memory_space<vmem>>
        %dma_wait3A_1026 = arith.constant 0 : i32
        %dma_wait3A_1027 = tpu.memref_slice %arg7[%dma_wait3A_1021, %dma_wait3A_1026] : memref<80x125xi32, #tpu.memory_space<vmem>> -> memref<1x125xi32, #tpu.memory_space<vmem>>
        %dma_wait3A_1028 = tpu.memref_squeeze %dma_wait3A_1027 : memref<1x125xi32, #tpu.memory_space<vmem>> -> memref<125xi32, #tpu.memory_space<vmem>>
        %dma_wait3A_1029 = arith.constant 0 : i32
        %dma_wait3A_1030 = arith.constant 0 : i32
        %dma_wait3A_1031 = tpu.memref_slice %arg10[%dma_wait3A_1029, %dma_wait3A_1030] : memref<10000x16xf32, #tpu.memory_space<vmem_shared>> -> memref<10000x16xf32, #tpu.memory_space<vmem_shared>>
        tpu.wait_indirect_dma semaphore(%arg12 : memref<!tpu.dma_semaphore, #tpu.memory_space<semaphore_mem>>) src(%dma_wait3A_1025 : memref<125x16xf32, #tpu.memory_space<vmem>>) dst(%dma_wait3A_1031 : memref<10000x16xf32, #tpu.memory_space<vmem_shared>>)
        %dma_wait3A_1032 = arith.constant 0 : i32
        %dma_wait3A_1033 = arith.constant 10 : i32
        %dma_wait3A_1034 = arith.constant 0 : i32
        %dma_wait3A_1035 = arith.constant 0 : i32
        %dma_wait3A_1036 = arith.constant 0 : i32
        %dma_wait3A_1037 = tpu.memref_slice %arg9[%dma_wait3A_1032, %dma_wait3A_1033, %dma_wait3A_1035, %dma_wait3A_1036] : memref<2x16x125x16xf32, #tpu.memory_space<vmem>> -> memref<1x1x125x16xf32, #tpu.memory_space<vmem>>
        %dma_wait3A_1038 = tpu.memref_squeeze %dma_wait3A_1037 : memref<1x1x125x16xf32, #tpu.memory_space<vmem>> -> memref<125x16xf32, #tpu.memory_space<vmem>>
        %dma_wait3A_1039 = arith.constant 0 : i32
        %dma_wait3A_1040 = tpu.memref_slice %arg7[%dma_wait3A_1034, %dma_wait3A_1039] : memref<80x125xi32, #tpu.memory_space<vmem>> -> memref<1x125xi32, #tpu.memory_space<vmem>>
        %dma_wait3A_1041 = tpu.memref_squeeze %dma_wait3A_1040 : memref<1x125xi32, #tpu.memory_space<vmem>> -> memref<125xi32, #tpu.memory_space<vmem>>
        %dma_wait3A_1042 = arith.constant 0 : i32
        %dma_wait3A_1043 = arith.constant 0 : i32
        %dma_wait3A_1044 = tpu.memref_slice %arg10[%dma_wait3A_1042, %dma_wait3A_1043] : memref<10000x16xf32, #tpu.memory_space<vmem_shared>> -> memref<10000x16xf32, #tpu.memory_space<vmem_shared>>
        tpu.wait_indirect_dma semaphore(%arg12 : memref<!tpu.dma_semaphore, #tpu.memory_space<semaphore_mem>>) src(%dma_wait3A_1038 : memref<125x16xf32, #tpu.memory_space<vmem>>) dst(%dma_wait3A_1044 : memref<10000x16xf32, #tpu.memory_space<vmem_shared>>)
        %dma_wait3A_1045 = arith.constant 0 : i32
        %dma_wait3A_1046 = arith.constant 11 : i32
        %dma_wait3A_1047 = arith.constant 0 : i32
        %dma_wait3A_1048 = arith.constant 0 : i32
        %dma_wait3A_1049 = arith.constant 0 : i32
        %dma_wait3A_1050 = tpu.memref_slice %arg9[%dma_wait3A_1045, %dma_wait3A_1046, %dma_wait3A_1048, %dma_wait3A_1049] : memref<2x16x125x16xf32, #tpu.memory_space<vmem>> -> memref<1x1x125x16xf32, #tpu.memory_space<vmem>>
        %dma_wait3A_1051 = tpu.memref_squeeze %dma_wait3A_1050 : memref<1x1x125x16xf32, #tpu.memory_space<vmem>> -> memref<125x16xf32, #tpu.memory_space<vmem>>
        %dma_wait3A_1052 = arith.constant 0 : i32
        %dma_wait3A_1053 = tpu.memref_slice %arg7[%dma_wait3A_1047, %dma_wait3A_1052] : memref<80x125xi32, #tpu.memory_space<vmem>> -> memref<1x125xi32, #tpu.memory_space<vmem>>
        %dma_wait3A_1054 = tpu.memref_squeeze %dma_wait3A_1053 : memref<1x125xi32, #tpu.memory_space<vmem>> -> memref<125xi32, #tpu.memory_space<vmem>>
        %dma_wait3A_1055 = arith.constant 0 : i32
        %dma_wait3A_1056 = arith.constant 0 : i32
        %dma_wait3A_1057 = tpu.memref_slice %arg10[%dma_wait3A_1055, %dma_wait3A_1056] : memref<10000x16xf32, #tpu.memory_space<vmem_shared>> -> memref<10000x16xf32, #tpu.memory_space<vmem_shared>>
        tpu.wait_indirect_dma semaphore(%arg12 : memref<!tpu.dma_semaphore, #tpu.memory_space<semaphore_mem>>) src(%dma_wait3A_1051 : memref<125x16xf32, #tpu.memory_space<vmem>>) dst(%dma_wait3A_1057 : memref<10000x16xf32, #tpu.memory_space<vmem_shared>>)
        %dma_wait3A_1058 = arith.constant 0 : i32
        %dma_wait3A_1059 = arith.constant 12 : i32
        %dma_wait3A_1060 = arith.constant 0 : i32
        %dma_wait3A_1061 = arith.constant 0 : i32
        %dma_wait3A_1062 = arith.constant 0 : i32
        %dma_wait3A_1063 = tpu.memref_slice %arg9[%dma_wait3A_1058, %dma_wait3A_1059, %dma_wait3A_1061, %dma_wait3A_1062] : memref<2x16x125x16xf32, #tpu.memory_space<vmem>> -> memref<1x1x125x16xf32, #tpu.memory_space<vmem>>
        %dma_wait3A_1064 = tpu.memref_squeeze %dma_wait3A_1063 : memref<1x1x125x16xf32, #tpu.memory_space<vmem>> -> memref<125x16xf32, #tpu.memory_space<vmem>>
        %dma_wait3A_1065 = arith.constant 0 : i32
        %dma_wait3A_1066 = tpu.memref_slice %arg7[%dma_wait3A_1060, %dma_wait3A_1065] : memref<80x125xi32, #tpu.memory_space<vmem>> -> memref<1x125xi32, #tpu.memory_space<vmem>>
        %dma_wait3A_1067 = tpu.memref_squeeze %dma_wait3A_1066 : memref<1x125xi32, #tpu.memory_space<vmem>> -> memref<125xi32, #tpu.memory_space<vmem>>
        %dma_wait3A_1068 = arith.constant 0 : i32
        %dma_wait3A_1069 = arith.constant 0 : i32
        %dma_wait3A_1070 = tpu.memref_slice %arg10[%dma_wait3A_1068, %dma_wait3A_1069] : memref<10000x16xf32, #tpu.memory_space<vmem_shared>> -> memref<10000x16xf32, #tpu.memory_space<vmem_shared>>
        tpu.wait_indirect_dma semaphore(%arg12 : memref<!tpu.dma_semaphore, #tpu.memory_space<semaphore_mem>>) src(%dma_wait3A_1064 : memref<125x16xf32, #tpu.memory_space<vmem>>) dst(%dma_wait3A_1070 : memref<10000x16xf32, #tpu.memory_space<vmem_shared>>)
        %dma_wait3A_1071 = arith.constant 0 : i32
        %dma_wait3A_1072 = arith.constant 13 : i32
        %dma_wait3A_1073 = arith.constant 0 : i32
        %dma_wait3A_1074 = arith.constant 0 : i32
        %dma_wait3A_1075 = arith.constant 0 : i32
        %dma_wait3A_1076 = tpu.memref_slice %arg9[%dma_wait3A_1071, %dma_wait3A_1072, %dma_wait3A_1074, %dma_wait3A_1075] : memref<2x16x125x16xf32, #tpu.memory_space<vmem>> -> memref<1x1x125x16xf32, #tpu.memory_space<vmem>>
        %dma_wait3A_1077 = tpu.memref_squeeze %dma_wait3A_1076 : memref<1x1x125x16xf32, #tpu.memory_space<vmem>> -> memref<125x16xf32, #tpu.memory_space<vmem>>
        %dma_wait3A_1078 = arith.constant 0 : i32
        %dma_wait3A_1079 = tpu.memref_slice %arg7[%dma_wait3A_1073, %dma_wait3A_1078] : memref<80x125xi32, #tpu.memory_space<vmem>> -> memref<1x125xi32, #tpu.memory_space<vmem>>
        %dma_wait3A_1080 = tpu.memref_squeeze %dma_wait3A_1079 : memref<1x125xi32, #tpu.memory_space<vmem>> -> memref<125xi32, #tpu.memory_space<vmem>>
        %dma_wait3A_1081 = arith.constant 0 : i32
        %dma_wait3A_1082 = arith.constant 0 : i32
        %dma_wait3A_1083 = tpu.memref_slice %arg10[%dma_wait3A_1081, %dma_wait3A_1082] : memref<10000x16xf32, #tpu.memory_space<vmem_shared>> -> memref<10000x16xf32, #tpu.memory_space<vmem_shared>>
        tpu.wait_indirect_dma semaphore(%arg12 : memref<!tpu.dma_semaphore, #tpu.memory_space<semaphore_mem>>) src(%dma_wait3A_1077 : memref<125x16xf32, #tpu.memory_space<vmem>>) dst(%dma_wait3A_1083 : memref<10000x16xf32, #tpu.memory_space<vmem_shared>>)
        %dma_wait3A_1084 = arith.constant 0 : i32
        %dma_wait3A_1085 = arith.constant 14 : i32
        %dma_wait3A_1086 = arith.constant 0 : i32
        %dma_wait3A_1087 = arith.constant 0 : i32
        %dma_wait3A_1088 = arith.constant 0 : i32
        %dma_wait3A_1089 = tpu.memref_slice %arg9[%dma_wait3A_1084, %dma_wait3A_1085, %dma_wait3A_1087, %dma_wait3A_1088] : memref<2x16x125x16xf32, #tpu.memory_space<vmem>> -> memref<1x1x125x16xf32, #tpu.memory_space<vmem>>
        %dma_wait3A_1090 = tpu.memref_squeeze %dma_wait3A_1089 : memref<1x1x125x16xf32, #tpu.memory_space<vmem>> -> memref<125x16xf32, #tpu.memory_space<vmem>>
        %dma_wait3A_1091 = arith.constant 0 : i32
        %dma_wait3A_1092 = tpu.memref_slice %arg7[%dma_wait3A_1086, %dma_wait3A_1091] : memref<80x125xi32, #tpu.memory_space<vmem>> -> memref<1x125xi32, #tpu.memory_space<vmem>>
        %dma_wait3A_1093 = tpu.memref_squeeze %dma_wait3A_1092 : memref<1x125xi32, #tpu.memory_space<vmem>> -> memref<125xi32, #tpu.memory_space<vmem>>
        %dma_wait3A_1094 = arith.constant 0 : i32
        %dma_wait3A_1095 = arith.constant 0 : i32
        %dma_wait3A_1096 = tpu.memref_slice %arg10[%dma_wait3A_1094, %dma_wait3A_1095] : memref<10000x16xf32, #tpu.memory_space<vmem_shared>> -> memref<10000x16xf32, #tpu.memory_space<vmem_shared>>
        tpu.wait_indirect_dma semaphore(%arg12 : memref<!tpu.dma_semaphore, #tpu.memory_space<semaphore_mem>>) src(%dma_wait3A_1090 : memref<125x16xf32, #tpu.memory_space<vmem>>) dst(%dma_wait3A_1096 : memref<10000x16xf32, #tpu.memory_space<vmem_shared>>)
        %dma_wait3A_1097 = arith.constant 0 : i32
        %dma_wait3A_1098 = arith.constant 15 : i32
        %dma_wait3A_1099 = arith.constant 0 : i32
        %dma_wait3A_1100 = arith.constant 0 : i32
        %dma_wait3A_1101 = arith.constant 0 : i32
        %dma_wait3A_1102 = tpu.memref_slice %arg9[%dma_wait3A_1097, %dma_wait3A_1098, %dma_wait3A_1100, %dma_wait3A_1101] : memref<2x16x125x16xf32, #tpu.memory_space<vmem>> -> memref<1x1x125x16xf32, #tpu.memory_space<vmem>>
        %dma_wait3A_1103 = tpu.memref_squeeze %dma_wait3A_1102 : memref<1x1x125x16xf32, #tpu.memory_space<vmem>> -> memref<125x16xf32, #tpu.memory_space<vmem>>
        %dma_wait3A_1104 = arith.constant 0 : i32
        %dma_wait3A_1105 = tpu.memref_slice %arg7[%dma_wait3A_1099, %dma_wait3A_1104] : memref<80x125xi32, #tpu.memory_space<vmem>> -> memref<1x125xi32, #tpu.memory_space<vmem>>
        %dma_wait3A_1106 = tpu.memref_squeeze %dma_wait3A_1105 : memref<1x125xi32, #tpu.memory_space<vmem>> -> memref<125xi32, #tpu.memory_space<vmem>>
        %dma_wait3A_1107 = arith.constant 0 : i32
        %dma_wait3A_1108 = arith.constant 0 : i32
        %dma_wait3A_1109 = tpu.memref_slice %arg10[%dma_wait3A_1107, %dma_wait3A_1108] : memref<10000x16xf32, #tpu.memory_space<vmem_shared>> -> memref<10000x16xf32, #tpu.memory_space<vmem_shared>>
        tpu.wait_indirect_dma semaphore(%arg12 : memref<!tpu.dma_semaphore, #tpu.memory_space<semaphore_mem>>) src(%dma_wait3A_1103 : memref<125x16xf32, #tpu.memory_space<vmem>>) dst(%dma_wait3A_1109 : memref<10000x16xf32, #tpu.memory_space<vmem_shared>>)
      } else {
      }
      %lt3A = arith.constant 4 : i32
      %lt3A_450 = arith.cmpi slt, %scan3A_443, %lt3A : i32
      %convert_element_type3A_451 = arith.extui %lt3A_450 : i1 to i32
      %cond3A_452 = arith.constant 0 : i32
      %cond3A_453 = arith.cmpi ne, %convert_element_type3A_451, %cond3A_452 : i32
      scf.if %cond3A_453 {
        %add3A_902 = arith.constant 1 : i32
        %add3A_903 = arith.addi %scan3A_443, %add3A_902 : i32
        %mul3A_904 = arith.constant 16 : i32
        %mul3A_905 = arith.muli %add3A_903, %mul3A_904 : i32
        %add3A_906 = arith.constant 0 : i32
        %add3A_907 = arith.addi %mul3A_905, %add3A_906 : i32
        %dma_start3A_908 = arith.constant 0 : i32
        %dma_start3A_909 = arith.constant 0 : i32
        %dma_start3A_910 = arith.constant 0 : i32
        %dma_start3A_911 = tpu.memref_slice %arg9[%sub3A_445, %dma_start3A_908, %dma_start3A_909, %dma_start3A_910] : memref<2x16x125x16xf32, #tpu.memory_space<vmem>> -> memref<1x1x125x16xf32, #tpu.memory_space<vmem>>
        %dma_start3A_912 = tpu.memref_squeeze %dma_start3A_911 : memref<1x1x125x16xf32, #tpu.memory_space<vmem>> -> memref<125x16xf32, #tpu.memory_space<vmem>>
        %dma_start3A_913 = arith.constant 0 : i32
        %dma_start3A_914 = tpu.memref_slice %arg8[%add3A_907, %dma_start3A_913] : memref<80x125xi32, #tpu.memory_space<vmem>> -> memref<1x125xi32, #tpu.memory_space<vmem>>
        %dma_start3A_915 = tpu.memref_squeeze %dma_start3A_914 : memref<1x125xi32, #tpu.memory_space<vmem>> -> memref<125xi32, #tpu.memory_space<vmem>>
        %dma_start3A_916 = arith.constant 0 : i32
        %dma_start3A_917 = arith.constant 0 : i32
        %dma_start3A_918 = tpu.memref_slice %arg4[%dma_start3A_916, %dma_start3A_917] : memref<10000x16xf32, #tpu.memory_space<hbm>> -> memref<10000x16xf32, #tpu.memory_space<hbm>>
        tpu.enqueue_indirect_dma source(%dma_start3A_918 : memref<10000x16xf32, #tpu.memory_space<hbm>>) target(%dma_start3A_912 : memref<125x16xf32, #tpu.memory_space<vmem>>) offsets(%dma_start3A_915 : memref<125xi32, #tpu.memory_space<vmem>>) semaphore(%arg11 : memref<!tpu.dma_semaphore, #tpu.memory_space<semaphore_mem>>)
        %mul3A_919 = arith.constant 16 : i32
        %mul3A_920 = arith.muli %add3A_903, %mul3A_919 : i32
        %add3A_921 = arith.constant 1 : i32
        %add3A_922 = arith.addi %mul3A_920, %add3A_921 : i32
        %dma_start3A_923 = arith.constant 1 : i32
        %dma_start3A_924 = arith.constant 0 : i32
        %dma_start3A_925 = arith.constant 0 : i32
        %dma_start3A_926 = tpu.memref_slice %arg9[%sub3A_445, %dma_start3A_923, %dma_start3A_924, %dma_start3A_925] : memref<2x16x125x16xf32, #tpu.memory_space<vmem>> -> memref<1x1x125x16xf32, #tpu.memory_space<vmem>>
        %dma_start3A_927 = tpu.memref_squeeze %dma_start3A_926 : memref<1x1x125x16xf32, #tpu.memory_space<vmem>> -> memref<125x16xf32, #tpu.memory_space<vmem>>
        %dma_start3A_928 = arith.constant 0 : i32
        %dma_start3A_929 = tpu.memref_slice %arg8[%add3A_922, %dma_start3A_928] : memref<80x125xi32, #tpu.memory_space<vmem>> -> memref<1x125xi32, #tpu.memory_space<vmem>>
        %dma_start3A_930 = tpu.memref_squeeze %dma_start3A_929 : memref<1x125xi32, #tpu.memory_space<vmem>> -> memref<125xi32, #tpu.memory_space<vmem>>
        %dma_start3A_931 = arith.constant 0 : i32
        %dma_start3A_932 = arith.constant 0 : i32
        %dma_start3A_933 = tpu.memref_slice %arg4[%dma_start3A_931, %dma_start3A_932] : memref<10000x16xf32, #tpu.memory_space<hbm>> -> memref<10000x16xf32, #tpu.memory_space<hbm>>
        tpu.enqueue_indirect_dma source(%dma_start3A_933 : memref<10000x16xf32, #tpu.memory_space<hbm>>) target(%dma_start3A_927 : memref<125x16xf32, #tpu.memory_space<vmem>>) offsets(%dma_start3A_930 : memref<125xi32, #tpu.memory_space<vmem>>) semaphore(%arg11 : memref<!tpu.dma_semaphore, #tpu.memory_space<semaphore_mem>>)
        %mul3A_934 = arith.constant 16 : i32
        %mul3A_935 = arith.muli %add3A_903, %mul3A_934 : i32
        %add3A_936 = arith.constant 2 : i32
        %add3A_937 = arith.addi %mul3A_935, %add3A_936 : i32
        %dma_start3A_938 = arith.constant 2 : i32
        %dma_start3A_939 = arith.constant 0 : i32
        %dma_start3A_940 = arith.constant 0 : i32
        %dma_start3A_941 = tpu.memref_slice %arg9[%sub3A_445, %dma_start3A_938, %dma_start3A_939, %dma_start3A_940] : memref<2x16x125x16xf32, #tpu.memory_space<vmem>> -> memref<1x1x125x16xf32, #tpu.memory_space<vmem>>
        %dma_start3A_942 = tpu.memref_squeeze %dma_start3A_941 : memref<1x1x125x16xf32, #tpu.memory_space<vmem>> -> memref<125x16xf32, #tpu.memory_space<vmem>>
        %dma_start3A_943 = arith.constant 0 : i32
        %dma_start3A_944 = tpu.memref_slice %arg8[%add3A_937, %dma_start3A_943] : memref<80x125xi32, #tpu.memory_space<vmem>> -> memref<1x125xi32, #tpu.memory_space<vmem>>
        %dma_start3A_945 = tpu.memref_squeeze %dma_start3A_944 : memref<1x125xi32, #tpu.memory_space<vmem>> -> memref<125xi32, #tpu.memory_space<vmem>>
        %dma_start3A_946 = arith.constant 0 : i32
        %dma_start3A_947 = arith.constant 0 : i32
        %dma_start3A_948 = tpu.memref_slice %arg4[%dma_start3A_946, %dma_start3A_947] : memref<10000x16xf32, #tpu.memory_space<hbm>> -> memref<10000x16xf32, #tpu.memory_space<hbm>>
        tpu.enqueue_indirect_dma source(%dma_start3A_948 : memref<10000x16xf32, #tpu.memory_space<hbm>>) target(%dma_start3A_942 : memref<125x16xf32, #tpu.memory_space<vmem>>) offsets(%dma_start3A_945 : memref<125xi32, #tpu.memory_space<vmem>>) semaphore(%arg11 : memref<!tpu.dma_semaphore, #tpu.memory_space<semaphore_mem>>)
        %mul3A_949 = arith.constant 16 : i32
        %mul3A_950 = arith.muli %add3A_903, %mul3A_949 : i32
        %add3A_951 = arith.constant 3 : i32
        %add3A_952 = arith.addi %mul3A_950, %add3A_951 : i32
        %dma_start3A_953 = arith.constant 3 : i32
        %dma_start3A_954 = arith.constant 0 : i32
        %dma_start3A_955 = arith.constant 0 : i32
        %dma_start3A_956 = tpu.memref_slice %arg9[%sub3A_445, %dma_start3A_953, %dma_start3A_954, %dma_start3A_955] : memref<2x16x125x16xf32, #tpu.memory_space<vmem>> -> memref<1x1x125x16xf32, #tpu.memory_space<vmem>>
        %dma_start3A_957 = tpu.memref_squeeze %dma_start3A_956 : memref<1x1x125x16xf32, #tpu.memory_space<vmem>> -> memref<125x16xf32, #tpu.memory_space<vmem>>
        %dma_start3A_958 = arith.constant 0 : i32
        %dma_start3A_959 = tpu.memref_slice %arg8[%add3A_952, %dma_start3A_958] : memref<80x125xi32, #tpu.memory_space<vmem>> -> memref<1x125xi32, #tpu.memory_space<vmem>>
        %dma_start3A_960 = tpu.memref_squeeze %dma_start3A_959 : memref<1x125xi32, #tpu.memory_space<vmem>> -> memref<125xi32, #tpu.memory_space<vmem>>
        %dma_start3A_961 = arith.constant 0 : i32
        %dma_start3A_962 = arith.constant 0 : i32
        %dma_start3A_963 = tpu.memref_slice %arg4[%dma_start3A_961, %dma_start3A_962] : memref<10000x16xf32, #tpu.memory_space<hbm>> -> memref<10000x16xf32, #tpu.memory_space<hbm>>
        tpu.enqueue_indirect_dma source(%dma_start3A_963 : memref<10000x16xf32, #tpu.memory_space<hbm>>) target(%dma_start3A_957 : memref<125x16xf32, #tpu.memory_space<vmem>>) offsets(%dma_start3A_960 : memref<125xi32, #tpu.memory_space<vmem>>) semaphore(%arg11 : memref<!tpu.dma_semaphore, #tpu.memory_space<semaphore_mem>>)
        %mul3A_964 = arith.constant 16 : i32
        %mul3A_965 = arith.muli %add3A_903, %mul3A_964 : i32
        %add3A_966 = arith.constant 4 : i32
        %add3A_967 = arith.addi %mul3A_965, %add3A_966 : i32
        %dma_start3A_968 = arith.constant 4 : i32
        %dma_start3A_969 = arith.constant 0 : i32
        %dma_start3A_970 = arith.constant 0 : i32
        %dma_start3A_971 = tpu.memref_slice %arg9[%sub3A_445, %dma_start3A_968, %dma_start3A_969, %dma_start3A_970] : memref<2x16x125x16xf32, #tpu.memory_space<vmem>> -> memref<1x1x125x16xf32, #tpu.memory_space<vmem>>
        %dma_start3A_972 = tpu.memref_squeeze %dma_start3A_971 : memref<1x1x125x16xf32, #tpu.memory_space<vmem>> -> memref<125x16xf32, #tpu.memory_space<vmem>>
        %dma_start3A_973 = arith.constant 0 : i32
        %dma_start3A_974 = tpu.memref_slice %arg8[%add3A_967, %dma_start3A_973] : memref<80x125xi32, #tpu.memory_space<vmem>> -> memref<1x125xi32, #tpu.memory_space<vmem>>
        %dma_start3A_975 = tpu.memref_squeeze %dma_start3A_974 : memref<1x125xi32, #tpu.memory_space<vmem>> -> memref<125xi32, #tpu.memory_space<vmem>>
        %dma_start3A_976 = arith.constant 0 : i32
        %dma_start3A_977 = arith.constant 0 : i32
        %dma_start3A_978 = tpu.memref_slice %arg4[%dma_start3A_976, %dma_start3A_977] : memref<10000x16xf32, #tpu.memory_space<hbm>> -> memref<10000x16xf32, #tpu.memory_space<hbm>>
        tpu.enqueue_indirect_dma source(%dma_start3A_978 : memref<10000x16xf32, #tpu.memory_space<hbm>>) target(%dma_start3A_972 : memref<125x16xf32, #tpu.memory_space<vmem>>) offsets(%dma_start3A_975 : memref<125xi32, #tpu.memory_space<vmem>>) semaphore(%arg11 : memref<!tpu.dma_semaphore, #tpu.memory_space<semaphore_mem>>)
        %mul3A_979 = arith.constant 16 : i32
        %mul3A_980 = arith.muli %add3A_903, %mul3A_979 : i32
        %add3A_981 = arith.constant 5 : i32
        %add3A_982 = arith.addi %mul3A_980, %add3A_981 : i32
        %dma_start3A_983 = arith.constant 5 : i32
        %dma_start3A_984 = arith.constant 0 : i32
        %dma_start3A_985 = arith.constant 0 : i32
        %dma_start3A_986 = tpu.memref_slice %arg9[%sub3A_445, %dma_start3A_983, %dma_start3A_984, %dma_start3A_985] : memref<2x16x125x16xf32, #tpu.memory_space<vmem>> -> memref<1x1x125x16xf32, #tpu.memory_space<vmem>>
        %dma_start3A_987 = tpu.memref_squeeze %dma_start3A_986 : memref<1x1x125x16xf32, #tpu.memory_space<vmem>> -> memref<125x16xf32, #tpu.memory_space<vmem>>
        %dma_start3A_988 = arith.constant 0 : i32
        %dma_start3A_989 = tpu.memref_slice %arg8[%add3A_982, %dma_start3A_988] : memref<80x125xi32, #tpu.memory_space<vmem>> -> memref<1x125xi32, #tpu.memory_space<vmem>>
        %dma_start3A_990 = tpu.memref_squeeze %dma_start3A_989 : memref<1x125xi32, #tpu.memory_space<vmem>> -> memref<125xi32, #tpu.memory_space<vmem>>
        %dma_start3A_991 = arith.constant 0 : i32
        %dma_start3A_992 = arith.constant 0 : i32
        %dma_start3A_993 = tpu.memref_slice %arg4[%dma_start3A_991, %dma_start3A_992] : memref<10000x16xf32, #tpu.memory_space<hbm>> -> memref<10000x16xf32, #tpu.memory_space<hbm>>
        tpu.enqueue_indirect_dma source(%dma_start3A_993 : memref<10000x16xf32, #tpu.memory_space<hbm>>) target(%dma_start3A_987 : memref<125x16xf32, #tpu.memory_space<vmem>>) offsets(%dma_start3A_990 : memref<125xi32, #tpu.memory_space<vmem>>) semaphore(%arg11 : memref<!tpu.dma_semaphore, #tpu.memory_space<semaphore_mem>>)
        %mul3A_994 = arith.constant 16 : i32
        %mul3A_995 = arith.muli %add3A_903, %mul3A_994 : i32
        %add3A_996 = arith.constant 6 : i32
        %add3A_997 = arith.addi %mul3A_995, %add3A_996 : i32
        %dma_start3A_998 = arith.constant 6 : i32
        %dma_start3A_999 = arith.constant 0 : i32
        %dma_start3A_1000 = arith.constant 0 : i32
        %dma_start3A_1001 = tpu.memref_slice %arg9[%sub3A_445, %dma_start3A_998, %dma_start3A_999, %dma_start3A_1000] : memref<2x16x125x16xf32, #tpu.memory_space<vmem>> -> memref<1x1x125x16xf32, #tpu.memory_space<vmem>>
        %dma_start3A_1002 = tpu.memref_squeeze %dma_start3A_1001 : memref<1x1x125x16xf32, #tpu.memory_space<vmem>> -> memref<125x16xf32, #tpu.memory_space<vmem>>
        %dma_start3A_1003 = arith.constant 0 : i32
        %dma_start3A_1004 = tpu.memref_slice %arg8[%add3A_997, %dma_start3A_1003] : memref<80x125xi32, #tpu.memory_space<vmem>> -> memref<1x125xi32, #tpu.memory_space<vmem>>
        %dma_start3A_1005 = tpu.memref_squeeze %dma_start3A_1004 : memref<1x125xi32, #tpu.memory_space<vmem>> -> memref<125xi32, #tpu.memory_space<vmem>>
        %dma_start3A_1006 = arith.constant 0 : i32
        %dma_start3A_1007 = arith.constant 0 : i32
        %dma_start3A_1008 = tpu.memref_slice %arg4[%dma_start3A_1006, %dma_start3A_1007] : memref<10000x16xf32, #tpu.memory_space<hbm>> -> memref<10000x16xf32, #tpu.memory_space<hbm>>
        tpu.enqueue_indirect_dma source(%dma_start3A_1008 : memref<10000x16xf32, #tpu.memory_space<hbm>>) target(%dma_start3A_1002 : memref<125x16xf32, #tpu.memory_space<vmem>>) offsets(%dma_start3A_1005 : memref<125xi32, #tpu.memory_space<vmem>>) semaphore(%arg11 : memref<!tpu.dma_semaphore, #tpu.memory_space<semaphore_mem>>)
        %mul3A_1009 = arith.constant 16 : i32
        %mul3A_1010 = arith.muli %add3A_903, %mul3A_1009 : i32
        %add3A_1011 = arith.constant 7 : i32
        %add3A_1012 = arith.addi %mul3A_1010, %add3A_1011 : i32
        %dma_start3A_1013 = arith.constant 7 : i32
        %dma_start3A_1014 = arith.constant 0 : i32
        %dma_start3A_1015 = arith.constant 0 : i32
        %dma_start3A_1016 = tpu.memref_slice %arg9[%sub3A_445, %dma_start3A_1013, %dma_start3A_1014, %dma_start3A_1015] : memref<2x16x125x16xf32, #tpu.memory_space<vmem>> -> memref<1x1x125x16xf32, #tpu.memory_space<vmem>>
        %dma_start3A_1017 = tpu.memref_squeeze %dma_start3A_1016 : memref<1x1x125x16xf32, #tpu.memory_space<vmem>> -> memref<125x16xf32, #tpu.memory_space<vmem>>
        %dma_start3A_1018 = arith.constant 0 : i32
        %dma_start3A_1019 = tpu.memref_slice %arg8[%add3A_1012, %dma_start3A_1018] : memref<80x125xi32, #tpu.memory_space<vmem>> -> memref<1x125xi32, #tpu.memory_space<vmem>>
        %dma_start3A_1020 = tpu.memref_squeeze %dma_start3A_1019 : memref<1x125xi32, #tpu.memory_space<vmem>> -> memref<125xi32, #tpu.memory_space<vmem>>
        %dma_start3A_1021 = arith.constant 0 : i32
        %dma_start3A_1022 = arith.constant 0 : i32
        %dma_start3A_1023 = tpu.memref_slice %arg4[%dma_start3A_1021, %dma_start3A_1022] : memref<10000x16xf32, #tpu.memory_space<hbm>> -> memref<10000x16xf32, #tpu.memory_space<hbm>>
        tpu.enqueue_indirect_dma source(%dma_start3A_1023 : memref<10000x16xf32, #tpu.memory_space<hbm>>) target(%dma_start3A_1017 : memref<125x16xf32, #tpu.memory_space<vmem>>) offsets(%dma_start3A_1020 : memref<125xi32, #tpu.memory_space<vmem>>) semaphore(%arg11 : memref<!tpu.dma_semaphore, #tpu.memory_space<semaphore_mem>>)
        %mul3A_1024 = arith.constant 16 : i32
        %mul3A_1025 = arith.muli %add3A_903, %mul3A_1024 : i32
        %add3A_1026 = arith.constant 8 : i32
        %add3A_1027 = arith.addi %mul3A_1025, %add3A_1026 : i32
        %dma_start3A_1028 = arith.constant 8 : i32
        %dma_start3A_1029 = arith.constant 0 : i32
        %dma_start3A_1030 = arith.constant 0 : i32
        %dma_start3A_1031 = tpu.memref_slice %arg9[%sub3A_445, %dma_start3A_1028, %dma_start3A_1029, %dma_start3A_1030] : memref<2x16x125x16xf32, #tpu.memory_space<vmem>> -> memref<1x1x125x16xf32, #tpu.memory_space<vmem>>
        %dma_start3A_1032 = tpu.memref_squeeze %dma_start3A_1031 : memref<1x1x125x16xf32, #tpu.memory_space<vmem>> -> memref<125x16xf32, #tpu.memory_space<vmem>>
        %dma_start3A_1033 = arith.constant 0 : i32
        %dma_start3A_1034 = tpu.memref_slice %arg8[%add3A_1027, %dma_start3A_1033] : memref<80x125xi32, #tpu.memory_space<vmem>> -> memref<1x125xi32, #tpu.memory_space<vmem>>
        %dma_start3A_1035 = tpu.memref_squeeze %dma_start3A_1034 : memref<1x125xi32, #tpu.memory_space<vmem>> -> memref<125xi32, #tpu.memory_space<vmem>>
        %dma_start3A_1036 = arith.constant 0 : i32
        %dma_start3A_1037 = arith.constant 0 : i32
        %dma_start3A_1038 = tpu.memref_slice %arg4[%dma_start3A_1036, %dma_start3A_1037] : memref<10000x16xf32, #tpu.memory_space<hbm>> -> memref<10000x16xf32, #tpu.memory_space<hbm>>
        tpu.enqueue_indirect_dma source(%dma_start3A_1038 : memref<10000x16xf32, #tpu.memory_space<hbm>>) target(%dma_start3A_1032 : memref<125x16xf32, #tpu.memory_space<vmem>>) offsets(%dma_start3A_1035 : memref<125xi32, #tpu.memory_space<vmem>>) semaphore(%arg11 : memref<!tpu.dma_semaphore, #tpu.memory_space<semaphore_mem>>)
        %mul3A_1039 = arith.constant 16 : i32
        %mul3A_1040 = arith.muli %add3A_903, %mul3A_1039 : i32
        %add3A_1041 = arith.constant 9 : i32
        %add3A_1042 = arith.addi %mul3A_1040, %add3A_1041 : i32
        %dma_start3A_1043 = arith.constant 9 : i32
        %dma_start3A_1044 = arith.constant 0 : i32
        %dma_start3A_1045 = arith.constant 0 : i32
        %dma_start3A_1046 = tpu.memref_slice %arg9[%sub3A_445, %dma_start3A_1043, %dma_start3A_1044, %dma_start3A_1045] : memref<2x16x125x16xf32, #tpu.memory_space<vmem>> -> memref<1x1x125x16xf32, #tpu.memory_space<vmem>>
        %dma_start3A_1047 = tpu.memref_squeeze %dma_start3A_1046 : memref<1x1x125x16xf32, #tpu.memory_space<vmem>> -> memref<125x16xf32, #tpu.memory_space<vmem>>
        %dma_start3A_1048 = arith.constant 0 : i32
        %dma_start3A_1049 = tpu.memref_slice %arg8[%add3A_1042, %dma_start3A_1048] : memref<80x125xi32, #tpu.memory_space<vmem>> -> memref<1x125xi32, #tpu.memory_space<vmem>>
        %dma_start3A_1050 = tpu.memref_squeeze %dma_start3A_1049 : memref<1x125xi32, #tpu.memory_space<vmem>> -> memref<125xi32, #tpu.memory_space<vmem>>
        %dma_start3A_1051 = arith.constant 0 : i32
        %dma_start3A_1052 = arith.constant 0 : i32
        %dma_start3A_1053 = tpu.memref_slice %arg4[%dma_start3A_1051, %dma_start3A_1052] : memref<10000x16xf32, #tpu.memory_space<hbm>> -> memref<10000x16xf32, #tpu.memory_space<hbm>>
        tpu.enqueue_indirect_dma source(%dma_start3A_1053 : memref<10000x16xf32, #tpu.memory_space<hbm>>) target(%dma_start3A_1047 : memref<125x16xf32, #tpu.memory_space<vmem>>) offsets(%dma_start3A_1050 : memref<125xi32, #tpu.memory_space<vmem>>) semaphore(%arg11 : memref<!tpu.dma_semaphore, #tpu.memory_space<semaphore_mem>>)
        %mul3A_1054 = arith.constant 16 : i32
        %mul3A_1055 = arith.muli %add3A_903, %mul3A_1054 : i32
        %add3A_1056 = arith.constant 10 : i32
        %add3A_1057 = arith.addi %mul3A_1055, %add3A_1056 : i32
        %dma_start3A_1058 = arith.constant 10 : i32
        %dma_start3A_1059 = arith.constant 0 : i32
        %dma_start3A_1060 = arith.constant 0 : i32
        %dma_start3A_1061 = tpu.memref_slice %arg9[%sub3A_445, %dma_start3A_1058, %dma_start3A_1059, %dma_start3A_1060] : memref<2x16x125x16xf32, #tpu.memory_space<vmem>> -> memref<1x1x125x16xf32, #tpu.memory_space<vmem>>
        %dma_start3A_1062 = tpu.memref_squeeze %dma_start3A_1061 : memref<1x1x125x16xf32, #tpu.memory_space<vmem>> -> memref<125x16xf32, #tpu.memory_space<vmem>>
        %dma_start3A_1063 = arith.constant 0 : i32
        %dma_start3A_1064 = tpu.memref_slice %arg8[%add3A_1057, %dma_start3A_1063] : memref<80x125xi32, #tpu.memory_space<vmem>> -> memref<1x125xi32, #tpu.memory_space<vmem>>
        %dma_start3A_1065 = tpu.memref_squeeze %dma_start3A_1064 : memref<1x125xi32, #tpu.memory_space<vmem>> -> memref<125xi32, #tpu.memory_space<vmem>>
        %dma_start3A_1066 = arith.constant 0 : i32
        %dma_start3A_1067 = arith.constant 0 : i32
        %dma_start3A_1068 = tpu.memref_slice %arg4[%dma_start3A_1066, %dma_start3A_1067] : memref<10000x16xf32, #tpu.memory_space<hbm>> -> memref<10000x16xf32, #tpu.memory_space<hbm>>
        tpu.enqueue_indirect_dma source(%dma_start3A_1068 : memref<10000x16xf32, #tpu.memory_space<hbm>>) target(%dma_start3A_1062 : memref<125x16xf32, #tpu.memory_space<vmem>>) offsets(%dma_start3A_1065 : memref<125xi32, #tpu.memory_space<vmem>>) semaphore(%arg11 : memref<!tpu.dma_semaphore, #tpu.memory_space<semaphore_mem>>)
        %mul3A_1069 = arith.constant 16 : i32
        %mul3A_1070 = arith.muli %add3A_903, %mul3A_1069 : i32
        %add3A_1071 = arith.constant 11 : i32
        %add3A_1072 = arith.addi %mul3A_1070, %add3A_1071 : i32
        %dma_start3A_1073 = arith.constant 11 : i32
        %dma_start3A_1074 = arith.constant 0 : i32
        %dma_start3A_1075 = arith.constant 0 : i32
        %dma_start3A_1076 = tpu.memref_slice %arg9[%sub3A_445, %dma_start3A_1073, %dma_start3A_1074, %dma_start3A_1075] : memref<2x16x125x16xf32, #tpu.memory_space<vmem>> -> memref<1x1x125x16xf32, #tpu.memory_space<vmem>>
        %dma_start3A_1077 = tpu.memref_squeeze %dma_start3A_1076 : memref<1x1x125x16xf32, #tpu.memory_space<vmem>> -> memref<125x16xf32, #tpu.memory_space<vmem>>
        %dma_start3A_1078 = arith.constant 0 : i32
        %dma_start3A_1079 = tpu.memref_slice %arg8[%add3A_1072, %dma_start3A_1078] : memref<80x125xi32, #tpu.memory_space<vmem>> -> memref<1x125xi32, #tpu.memory_space<vmem>>
        %dma_start3A_1080 = tpu.memref_squeeze %dma_start3A_1079 : memref<1x125xi32, #tpu.memory_space<vmem>> -> memref<125xi32, #tpu.memory_space<vmem>>
        %dma_start3A_1081 = arith.constant 0 : i32
        %dma_start3A_1082 = arith.constant 0 : i32
        %dma_start3A_1083 = tpu.memref_slice %arg4[%dma_start3A_1081, %dma_start3A_1082] : memref<10000x16xf32, #tpu.memory_space<hbm>> -> memref<10000x16xf32, #tpu.memory_space<hbm>>
        tpu.enqueue_indirect_dma source(%dma_start3A_1083 : memref<10000x16xf32, #tpu.memory_space<hbm>>) target(%dma_start3A_1077 : memref<125x16xf32, #tpu.memory_space<vmem>>) offsets(%dma_start3A_1080 : memref<125xi32, #tpu.memory_space<vmem>>) semaphore(%arg11 : memref<!tpu.dma_semaphore, #tpu.memory_space<semaphore_mem>>)
        %mul3A_1084 = arith.constant 16 : i32
        %mul3A_1085 = arith.muli %add3A_903, %mul3A_1084 : i32
        %add3A_1086 = arith.constant 12 : i32
        %add3A_1087 = arith.addi %mul3A_1085, %add3A_1086 : i32
        %dma_start3A_1088 = arith.constant 12 : i32
        %dma_start3A_1089 = arith.constant 0 : i32
        %dma_start3A_1090 = arith.constant 0 : i32
        %dma_start3A_1091 = tpu.memref_slice %arg9[%sub3A_445, %dma_start3A_1088, %dma_start3A_1089, %dma_start3A_1090] : memref<2x16x125x16xf32, #tpu.memory_space<vmem>> -> memref<1x1x125x16xf32, #tpu.memory_space<vmem>>
        %dma_start3A_1092 = tpu.memref_squeeze %dma_start3A_1091 : memref<1x1x125x16xf32, #tpu.memory_space<vmem>> -> memref<125x16xf32, #tpu.memory_space<vmem>>
        %dma_start3A_1093 = arith.constant 0 : i32
        %dma_start3A_1094 = tpu.memref_slice %arg8[%add3A_1087, %dma_start3A_1093] : memref<80x125xi32, #tpu.memory_space<vmem>> -> memref<1x125xi32, #tpu.memory_space<vmem>>
        %dma_start3A_1095 = tpu.memref_squeeze %dma_start3A_1094 : memref<1x125xi32, #tpu.memory_space<vmem>> -> memref<125xi32, #tpu.memory_space<vmem>>
        %dma_start3A_1096 = arith.constant 0 : i32
        %dma_start3A_1097 = arith.constant 0 : i32
        %dma_start3A_1098 = tpu.memref_slice %arg4[%dma_start3A_1096, %dma_start3A_1097] : memref<10000x16xf32, #tpu.memory_space<hbm>> -> memref<10000x16xf32, #tpu.memory_space<hbm>>
        tpu.enqueue_indirect_dma source(%dma_start3A_1098 : memref<10000x16xf32, #tpu.memory_space<hbm>>) target(%dma_start3A_1092 : memref<125x16xf32, #tpu.memory_space<vmem>>) offsets(%dma_start3A_1095 : memref<125xi32, #tpu.memory_space<vmem>>) semaphore(%arg11 : memref<!tpu.dma_semaphore, #tpu.memory_space<semaphore_mem>>)
        %mul3A_1099 = arith.constant 16 : i32
        %mul3A_1100 = arith.muli %add3A_903, %mul3A_1099 : i32
        %add3A_1101 = arith.constant 13 : i32
        %add3A_1102 = arith.addi %mul3A_1100, %add3A_1101 : i32
        %dma_start3A_1103 = arith.constant 13 : i32
        %dma_start3A_1104 = arith.constant 0 : i32
        %dma_start3A_1105 = arith.constant 0 : i32
        %dma_start3A_1106 = tpu.memref_slice %arg9[%sub3A_445, %dma_start3A_1103, %dma_start3A_1104, %dma_start3A_1105] : memref<2x16x125x16xf32, #tpu.memory_space<vmem>> -> memref<1x1x125x16xf32, #tpu.memory_space<vmem>>
        %dma_start3A_1107 = tpu.memref_squeeze %dma_start3A_1106 : memref<1x1x125x16xf32, #tpu.memory_space<vmem>> -> memref<125x16xf32, #tpu.memory_space<vmem>>
        %dma_start3A_1108 = arith.constant 0 : i32
        %dma_start3A_1109 = tpu.memref_slice %arg8[%add3A_1102, %dma_start3A_1108] : memref<80x125xi32, #tpu.memory_space<vmem>> -> memref<1x125xi32, #tpu.memory_space<vmem>>
        %dma_start3A_1110 = tpu.memref_squeeze %dma_start3A_1109 : memref<1x125xi32, #tpu.memory_space<vmem>> -> memref<125xi32, #tpu.memory_space<vmem>>
        %dma_start3A_1111 = arith.constant 0 : i32
        %dma_start3A_1112 = arith.constant 0 : i32
        %dma_start3A_1113 = tpu.memref_slice %arg4[%dma_start3A_1111, %dma_start3A_1112] : memref<10000x16xf32, #tpu.memory_space<hbm>> -> memref<10000x16xf32, #tpu.memory_space<hbm>>
        tpu.enqueue_indirect_dma source(%dma_start3A_1113 : memref<10000x16xf32, #tpu.memory_space<hbm>>) target(%dma_start3A_1107 : memref<125x16xf32, #tpu.memory_space<vmem>>) offsets(%dma_start3A_1110 : memref<125xi32, #tpu.memory_space<vmem>>) semaphore(%arg11 : memref<!tpu.dma_semaphore, #tpu.memory_space<semaphore_mem>>)
        %mul3A_1114 = arith.constant 16 : i32
        %mul3A_1115 = arith.muli %add3A_903, %mul3A_1114 : i32
        %add3A_1116 = arith.constant 14 : i32
        %add3A_1117 = arith.addi %mul3A_1115, %add3A_1116 : i32
        %dma_start3A_1118 = arith.constant 14 : i32
        %dma_start3A_1119 = arith.constant 0 : i32
        %dma_start3A_1120 = arith.constant 0 : i32
        %dma_start3A_1121 = tpu.memref_slice %arg9[%sub3A_445, %dma_start3A_1118, %dma_start3A_1119, %dma_start3A_1120] : memref<2x16x125x16xf32, #tpu.memory_space<vmem>> -> memref<1x1x125x16xf32, #tpu.memory_space<vmem>>
        %dma_start3A_1122 = tpu.memref_squeeze %dma_start3A_1121 : memref<1x1x125x16xf32, #tpu.memory_space<vmem>> -> memref<125x16xf32, #tpu.memory_space<vmem>>
        %dma_start3A_1123 = arith.constant 0 : i32
        %dma_start3A_1124 = tpu.memref_slice %arg8[%add3A_1117, %dma_start3A_1123] : memref<80x125xi32, #tpu.memory_space<vmem>> -> memref<1x125xi32, #tpu.memory_space<vmem>>
        %dma_start3A_1125 = tpu.memref_squeeze %dma_start3A_1124 : memref<1x125xi32, #tpu.memory_space<vmem>> -> memref<125xi32, #tpu.memory_space<vmem>>
        %dma_start3A_1126 = arith.constant 0 : i32
        %dma_start3A_1127 = arith.constant 0 : i32
        %dma_start3A_1128 = tpu.memref_slice %arg4[%dma_start3A_1126, %dma_start3A_1127] : memref<10000x16xf32, #tpu.memory_space<hbm>> -> memref<10000x16xf32, #tpu.memory_space<hbm>>
        tpu.enqueue_indirect_dma source(%dma_start3A_1128 : memref<10000x16xf32, #tpu.memory_space<hbm>>) target(%dma_start3A_1122 : memref<125x16xf32, #tpu.memory_space<vmem>>) offsets(%dma_start3A_1125 : memref<125xi32, #tpu.memory_space<vmem>>) semaphore(%arg11 : memref<!tpu.dma_semaphore, #tpu.memory_space<semaphore_mem>>)
        %mul3A_1129 = arith.constant 16 : i32
        %mul3A_1130 = arith.muli %add3A_903, %mul3A_1129 : i32
        %add3A_1131 = arith.constant 15 : i32
        %add3A_1132 = arith.addi %mul3A_1130, %add3A_1131 : i32
        %dma_start3A_1133 = arith.constant 15 : i32
        %dma_start3A_1134 = arith.constant 0 : i32
        %dma_start3A_1135 = arith.constant 0 : i32
        %dma_start3A_1136 = tpu.memref_slice %arg9[%sub3A_445, %dma_start3A_1133, %dma_start3A_1134, %dma_start3A_1135] : memref<2x16x125x16xf32, #tpu.memory_space<vmem>> -> memref<1x1x125x16xf32, #tpu.memory_space<vmem>>
        %dma_start3A_1137 = tpu.memref_squeeze %dma_start3A_1136 : memref<1x1x125x16xf32, #tpu.memory_space<vmem>> -> memref<125x16xf32, #tpu.memory_space<vmem>>
        %dma_start3A_1138 = arith.constant 0 : i32
        %dma_start3A_1139 = tpu.memref_slice %arg8[%add3A_1132, %dma_start3A_1138] : memref<80x125xi32, #tpu.memory_space<vmem>> -> memref<1x125xi32, #tpu.memory_space<vmem>>
        %dma_start3A_1140 = tpu.memref_squeeze %dma_start3A_1139 : memref<1x125xi32, #tpu.memory_space<vmem>> -> memref<125xi32, #tpu.memory_space<vmem>>
        %dma_start3A_1141 = arith.constant 0 : i32
        %dma_start3A_1142 = arith.constant 0 : i32
        %dma_start3A_1143 = tpu.memref_slice %arg4[%dma_start3A_1141, %dma_start3A_1142] : memref<10000x16xf32, #tpu.memory_space<hbm>> -> memref<10000x16xf32, #tpu.memory_space<hbm>>
        tpu.enqueue_indirect_dma source(%dma_start3A_1143 : memref<10000x16xf32, #tpu.memory_space<hbm>>) target(%dma_start3A_1137 : memref<125x16xf32, #tpu.memory_space<vmem>>) offsets(%dma_start3A_1140 : memref<125xi32, #tpu.memory_space<vmem>>) semaphore(%arg11 : memref<!tpu.dma_semaphore, #tpu.memory_space<semaphore_mem>>)
      } else {
      }
      %dma_wait3A_454 = arith.constant 0 : i32
      %dma_wait3A_455 = arith.constant 0 : i32
      %dma_wait3A_456 = arith.constant 0 : i32
      %dma_wait3A_457 = arith.constant 0 : i32
      %dma_wait3A_458 = arith.constant 0 : i32
      %dma_wait3A_459 = tpu.memref_slice %arg9[%dma_wait3A_455, %dma_wait3A_456, %dma_wait3A_457, %dma_wait3A_458] : memref<2x16x125x16xf32, #tpu.memory_space<vmem>> -> memref<1x1x125x16xf32, #tpu.memory_space<vmem>>
      %dma_wait3A_460 = tpu.memref_squeeze %dma_wait3A_459 : memref<1x1x125x16xf32, #tpu.memory_space<vmem>> -> memref<125x16xf32, #tpu.memory_space<vmem>>
      %dma_wait3A_461 = arith.constant 0 : i32
      %dma_wait3A_462 = tpu.memref_slice %arg8[%dma_wait3A_454, %dma_wait3A_461] : memref<80x125xi32, #tpu.memory_space<vmem>> -> memref<1x125xi32, #tpu.memory_space<vmem>>
      %dma_wait3A_463 = tpu.memref_squeeze %dma_wait3A_462 : memref<1x125xi32, #tpu.memory_space<vmem>> -> memref<125xi32, #tpu.memory_space<vmem>>
      %dma_wait3A_464 = arith.constant 0 : i32
      %dma_wait3A_465 = arith.constant 0 : i32
      %dma_wait3A_466 = tpu.memref_slice %arg4[%dma_wait3A_464, %dma_wait3A_465] : memref<10000x16xf32, #tpu.memory_space<hbm>> -> memref<10000x16xf32, #tpu.memory_space<hbm>>
      tpu.wait_indirect_dma semaphore(%arg11 : memref<!tpu.dma_semaphore, #tpu.memory_space<semaphore_mem>>) src(%dma_wait3A_466 : memref<10000x16xf32, #tpu.memory_space<hbm>>) dst(%dma_wait3A_460 : memref<125x16xf32, #tpu.memory_space<vmem>>)
      %dma_wait3A_467 = arith.constant 0 : i32
      %dma_wait3A_468 = arith.constant 0 : i32
      %dma_wait3A_469 = arith.constant 1 : i32
      %dma_wait3A_470 = arith.constant 0 : i32
      %dma_wait3A_471 = arith.constant 0 : i32
      %dma_wait3A_472 = tpu.memref_slice %arg9[%dma_wait3A_468, %dma_wait3A_469, %dma_wait3A_470, %dma_wait3A_471] : memref<2x16x125x16xf32, #tpu.memory_space<vmem>> -> memref<1x1x125x16xf32, #tpu.memory_space<vmem>>
      %dma_wait3A_473 = tpu.memref_squeeze %dma_wait3A_472 : memref<1x1x125x16xf32, #tpu.memory_space<vmem>> -> memref<125x16xf32, #tpu.memory_space<vmem>>
      %dma_wait3A_474 = arith.constant 0 : i32
      %dma_wait3A_475 = tpu.memref_slice %arg8[%dma_wait3A_467, %dma_wait3A_474] : memref<80x125xi32, #tpu.memory_space<vmem>> -> memref<1x125xi32, #tpu.memory_space<vmem>>
      %dma_wait3A_476 = tpu.memref_squeeze %dma_wait3A_475 : memref<1x125xi32, #tpu.memory_space<vmem>> -> memref<125xi32, #tpu.memory_space<vmem>>
      %dma_wait3A_477 = arith.constant 0 : i32
      %dma_wait3A_478 = arith.constant 0 : i32
      %dma_wait3A_479 = tpu.memref_slice %arg4[%dma_wait3A_477, %dma_wait3A_478] : memref<10000x16xf32, #tpu.memory_space<hbm>> -> memref<10000x16xf32, #tpu.memory_space<hbm>>
      tpu.wait_indirect_dma semaphore(%arg11 : memref<!tpu.dma_semaphore, #tpu.memory_space<semaphore_mem>>) src(%dma_wait3A_479 : memref<10000x16xf32, #tpu.memory_space<hbm>>) dst(%dma_wait3A_473 : memref<125x16xf32, #tpu.memory_space<vmem>>)
      %dma_wait3A_480 = arith.constant 0 : i32
      %dma_wait3A_481 = arith.constant 0 : i32
      %dma_wait3A_482 = arith.constant 2 : i32
      %dma_wait3A_483 = arith.constant 0 : i32
      %dma_wait3A_484 = arith.constant 0 : i32
      %dma_wait3A_485 = tpu.memref_slice %arg9[%dma_wait3A_481, %dma_wait3A_482, %dma_wait3A_483, %dma_wait3A_484] : memref<2x16x125x16xf32, #tpu.memory_space<vmem>> -> memref<1x1x125x16xf32, #tpu.memory_space<vmem>>
      %dma_wait3A_486 = tpu.memref_squeeze %dma_wait3A_485 : memref<1x1x125x16xf32, #tpu.memory_space<vmem>> -> memref<125x16xf32, #tpu.memory_space<vmem>>
      %dma_wait3A_487 = arith.constant 0 : i32
      %dma_wait3A_488 = tpu.memref_slice %arg8[%dma_wait3A_480, %dma_wait3A_487] : memref<80x125xi32, #tpu.memory_space<vmem>> -> memref<1x125xi32, #tpu.memory_space<vmem>>
      %dma_wait3A_489 = tpu.memref_squeeze %dma_wait3A_488 : memref<1x125xi32, #tpu.memory_space<vmem>> -> memref<125xi32, #tpu.memory_space<vmem>>
      %dma_wait3A_490 = arith.constant 0 : i32
      %dma_wait3A_491 = arith.constant 0 : i32
      %dma_wait3A_492 = tpu.memref_slice %arg4[%dma_wait3A_490, %dma_wait3A_491] : memref<10000x16xf32, #tpu.memory_space<hbm>> -> memref<10000x16xf32, #tpu.memory_space<hbm>>
      tpu.wait_indirect_dma semaphore(%arg11 : memref<!tpu.dma_semaphore, #tpu.memory_space<semaphore_mem>>) src(%dma_wait3A_492 : memref<10000x16xf32, #tpu.memory_space<hbm>>) dst(%dma_wait3A_486 : memref<125x16xf32, #tpu.memory_space<vmem>>)
      %dma_wait3A_493 = arith.constant 0 : i32
      %dma_wait3A_494 = arith.constant 0 : i32
      %dma_wait3A_495 = arith.constant 3 : i32
      %dma_wait3A_496 = arith.constant 0 : i32
      %dma_wait3A_497 = arith.constant 0 : i32
      %dma_wait3A_498 = tpu.memref_slice %arg9[%dma_wait3A_494, %dma_wait3A_495, %dma_wait3A_496, %dma_wait3A_497] : memref<2x16x125x16xf32, #tpu.memory_space<vmem>> -> memref<1x1x125x16xf32, #tpu.memory_space<vmem>>
      %dma_wait3A_499 = tpu.memref_squeeze %dma_wait3A_498 : memref<1x1x125x16xf32, #tpu.memory_space<vmem>> -> memref<125x16xf32, #tpu.memory_space<vmem>>
      %dma_wait3A_500 = arith.constant 0 : i32
      %dma_wait3A_501 = tpu.memref_slice %arg8[%dma_wait3A_493, %dma_wait3A_500] : memref<80x125xi32, #tpu.memory_space<vmem>> -> memref<1x125xi32, #tpu.memory_space<vmem>>
      %dma_wait3A_502 = tpu.memref_squeeze %dma_wait3A_501 : memref<1x125xi32, #tpu.memory_space<vmem>> -> memref<125xi32, #tpu.memory_space<vmem>>
      %dma_wait3A_503 = arith.constant 0 : i32
      %dma_wait3A_504 = arith.constant 0 : i32
      %dma_wait3A_505 = tpu.memref_slice %arg4[%dma_wait3A_503, %dma_wait3A_504] : memref<10000x16xf32, #tpu.memory_space<hbm>> -> memref<10000x16xf32, #tpu.memory_space<hbm>>
      tpu.wait_indirect_dma semaphore(%arg11 : memref<!tpu.dma_semaphore, #tpu.memory_space<semaphore_mem>>) src(%dma_wait3A_505 : memref<10000x16xf32, #tpu.memory_space<hbm>>) dst(%dma_wait3A_499 : memref<125x16xf32, #tpu.memory_space<vmem>>)
      %dma_wait3A_506 = arith.constant 0 : i32
      %dma_wait3A_507 = arith.constant 0 : i32
      %dma_wait3A_508 = arith.constant 4 : i32
      %dma_wait3A_509 = arith.constant 0 : i32
      %dma_wait3A_510 = arith.constant 0 : i32
      %dma_wait3A_511 = tpu.memref_slice %arg9[%dma_wait3A_507, %dma_wait3A_508, %dma_wait3A_509, %dma_wait3A_510] : memref<2x16x125x16xf32, #tpu.memory_space<vmem>> -> memref<1x1x125x16xf32, #tpu.memory_space<vmem>>
      %dma_wait3A_512 = tpu.memref_squeeze %dma_wait3A_511 : memref<1x1x125x16xf32, #tpu.memory_space<vmem>> -> memref<125x16xf32, #tpu.memory_space<vmem>>
      %dma_wait3A_513 = arith.constant 0 : i32
      %dma_wait3A_514 = tpu.memref_slice %arg8[%dma_wait3A_506, %dma_wait3A_513] : memref<80x125xi32, #tpu.memory_space<vmem>> -> memref<1x125xi32, #tpu.memory_space<vmem>>
      %dma_wait3A_515 = tpu.memref_squeeze %dma_wait3A_514 : memref<1x125xi32, #tpu.memory_space<vmem>> -> memref<125xi32, #tpu.memory_space<vmem>>
      %dma_wait3A_516 = arith.constant 0 : i32
      %dma_wait3A_517 = arith.constant 0 : i32
      %dma_wait3A_518 = tpu.memref_slice %arg4[%dma_wait3A_516, %dma_wait3A_517] : memref<10000x16xf32, #tpu.memory_space<hbm>> -> memref<10000x16xf32, #tpu.memory_space<hbm>>
      tpu.wait_indirect_dma semaphore(%arg11 : memref<!tpu.dma_semaphore, #tpu.memory_space<semaphore_mem>>) src(%dma_wait3A_518 : memref<10000x16xf32, #tpu.memory_space<hbm>>) dst(%dma_wait3A_512 : memref<125x16xf32, #tpu.memory_space<vmem>>)
      %dma_wait3A_519 = arith.constant 0 : i32
      %dma_wait3A_520 = arith.constant 0 : i32
      %dma_wait3A_521 = arith.constant 5 : i32
      %dma_wait3A_522 = arith.constant 0 : i32
      %dma_wait3A_523 = arith.constant 0 : i32
      %dma_wait3A_524 = tpu.memref_slice %arg9[%dma_wait3A_520, %dma_wait3A_521, %dma_wait3A_522, %dma_wait3A_523] : memref<2x16x125x16xf32, #tpu.memory_space<vmem>> -> memref<1x1x125x16xf32, #tpu.memory_space<vmem>>
      %dma_wait3A_525 = tpu.memref_squeeze %dma_wait3A_524 : memref<1x1x125x16xf32, #tpu.memory_space<vmem>> -> memref<125x16xf32, #tpu.memory_space<vmem>>
      %dma_wait3A_526 = arith.constant 0 : i32
      %dma_wait3A_527 = tpu.memref_slice %arg8[%dma_wait3A_519, %dma_wait3A_526] : memref<80x125xi32, #tpu.memory_space<vmem>> -> memref<1x125xi32, #tpu.memory_space<vmem>>
      %dma_wait3A_528 = tpu.memref_squeeze %dma_wait3A_527 : memref<1x125xi32, #tpu.memory_space<vmem>> -> memref<125xi32, #tpu.memory_space<vmem>>
      %dma_wait3A_529 = arith.constant 0 : i32
      %dma_wait3A_530 = arith.constant 0 : i32
      %dma_wait3A_531 = tpu.memref_slice %arg4[%dma_wait3A_529, %dma_wait3A_530] : memref<10000x16xf32, #tpu.memory_space<hbm>> -> memref<10000x16xf32, #tpu.memory_space<hbm>>
      tpu.wait_indirect_dma semaphore(%arg11 : memref<!tpu.dma_semaphore, #tpu.memory_space<semaphore_mem>>) src(%dma_wait3A_531 : memref<10000x16xf32, #tpu.memory_space<hbm>>) dst(%dma_wait3A_525 : memref<125x16xf32, #tpu.memory_space<vmem>>)
      %dma_wait3A_532 = arith.constant 0 : i32
      %dma_wait3A_533 = arith.constant 0 : i32
      %dma_wait3A_534 = arith.constant 6 : i32
      %dma_wait3A_535 = arith.constant 0 : i32
      %dma_wait3A_536 = arith.constant 0 : i32
      %dma_wait3A_537 = tpu.memref_slice %arg9[%dma_wait3A_533, %dma_wait3A_534, %dma_wait3A_535, %dma_wait3A_536] : memref<2x16x125x16xf32, #tpu.memory_space<vmem>> -> memref<1x1x125x16xf32, #tpu.memory_space<vmem>>
      %dma_wait3A_538 = tpu.memref_squeeze %dma_wait3A_537 : memref<1x1x125x16xf32, #tpu.memory_space<vmem>> -> memref<125x16xf32, #tpu.memory_space<vmem>>
      %dma_wait3A_539 = arith.constant 0 : i32
      %dma_wait3A_540 = tpu.memref_slice %arg8[%dma_wait3A_532, %dma_wait3A_539] : memref<80x125xi32, #tpu.memory_space<vmem>> -> memref<1x125xi32, #tpu.memory_space<vmem>>
      %dma_wait3A_541 = tpu.memref_squeeze %dma_wait3A_540 : memref<1x125xi32, #tpu.memory_space<vmem>> -> memref<125xi32, #tpu.memory_space<vmem>>
      %dma_wait3A_542 = arith.constant 0 : i32
      %dma_wait3A_543 = arith.constant 0 : i32
      %dma_wait3A_544 = tpu.memref_slice %arg4[%dma_wait3A_542, %dma_wait3A_543] : memref<10000x16xf32, #tpu.memory_space<hbm>> -> memref<10000x16xf32, #tpu.memory_space<hbm>>
      tpu.wait_indirect_dma semaphore(%arg11 : memref<!tpu.dma_semaphore, #tpu.memory_space<semaphore_mem>>) src(%dma_wait3A_544 : memref<10000x16xf32, #tpu.memory_space<hbm>>) dst(%dma_wait3A_538 : memref<125x16xf32, #tpu.memory_space<vmem>>)
      %dma_wait3A_545 = arith.constant 0 : i32
      %dma_wait3A_546 = arith.constant 0 : i32
      %dma_wait3A_547 = arith.constant 7 : i32
      %dma_wait3A_548 = arith.constant 0 : i32
      %dma_wait3A_549 = arith.constant 0 : i32
      %dma_wait3A_550 = tpu.memref_slice %arg9[%dma_wait3A_546, %dma_wait3A_547, %dma_wait3A_548, %dma_wait3A_549] : memref<2x16x125x16xf32, #tpu.memory_space<vmem>> -> memref<1x1x125x16xf32, #tpu.memory_space<vmem>>
      %dma_wait3A_551 = tpu.memref_squeeze %dma_wait3A_550 : memref<1x1x125x16xf32, #tpu.memory_space<vmem>> -> memref<125x16xf32, #tpu.memory_space<vmem>>
      %dma_wait3A_552 = arith.constant 0 : i32
      %dma_wait3A_553 = tpu.memref_slice %arg8[%dma_wait3A_545, %dma_wait3A_552] : memref<80x125xi32, #tpu.memory_space<vmem>> -> memref<1x125xi32, #tpu.memory_space<vmem>>
      %dma_wait3A_554 = tpu.memref_squeeze %dma_wait3A_553 : memref<1x125xi32, #tpu.memory_space<vmem>> -> memref<125xi32, #tpu.memory_space<vmem>>
      %dma_wait3A_555 = arith.constant 0 : i32
      %dma_wait3A_556 = arith.constant 0 : i32
      %dma_wait3A_557 = tpu.memref_slice %arg4[%dma_wait3A_555, %dma_wait3A_556] : memref<10000x16xf32, #tpu.memory_space<hbm>> -> memref<10000x16xf32, #tpu.memory_space<hbm>>
      tpu.wait_indirect_dma semaphore(%arg11 : memref<!tpu.dma_semaphore, #tpu.memory_space<semaphore_mem>>) src(%dma_wait3A_557 : memref<10000x16xf32, #tpu.memory_space<hbm>>) dst(%dma_wait3A_551 : memref<125x16xf32, #tpu.memory_space<vmem>>)
      %dma_wait3A_558 = arith.constant 0 : i32
      %dma_wait3A_559 = arith.constant 0 : i32
      %dma_wait3A_560 = arith.constant 8 : i32
      %dma_wait3A_561 = arith.constant 0 : i32
      %dma_wait3A_562 = arith.constant 0 : i32
      %dma_wait3A_563 = tpu.memref_slice %arg9[%dma_wait3A_559, %dma_wait3A_560, %dma_wait3A_561, %dma_wait3A_562] : memref<2x16x125x16xf32, #tpu.memory_space<vmem>> -> memref<1x1x125x16xf32, #tpu.memory_space<vmem>>
      %dma_wait3A_564 = tpu.memref_squeeze %dma_wait3A_563 : memref<1x1x125x16xf32, #tpu.memory_space<vmem>> -> memref<125x16xf32, #tpu.memory_space<vmem>>
      %dma_wait3A_565 = arith.constant 0 : i32
      %dma_wait3A_566 = tpu.memref_slice %arg8[%dma_wait3A_558, %dma_wait3A_565] : memref<80x125xi32, #tpu.memory_space<vmem>> -> memref<1x125xi32, #tpu.memory_space<vmem>>
      %dma_wait3A_567 = tpu.memref_squeeze %dma_wait3A_566 : memref<1x125xi32, #tpu.memory_space<vmem>> -> memref<125xi32, #tpu.memory_space<vmem>>
      %dma_wait3A_568 = arith.constant 0 : i32
      %dma_wait3A_569 = arith.constant 0 : i32
      %dma_wait3A_570 = tpu.memref_slice %arg4[%dma_wait3A_568, %dma_wait3A_569] : memref<10000x16xf32, #tpu.memory_space<hbm>> -> memref<10000x16xf32, #tpu.memory_space<hbm>>
      tpu.wait_indirect_dma semaphore(%arg11 : memref<!tpu.dma_semaphore, #tpu.memory_space<semaphore_mem>>) src(%dma_wait3A_570 : memref<10000x16xf32, #tpu.memory_space<hbm>>) dst(%dma_wait3A_564 : memref<125x16xf32, #tpu.memory_space<vmem>>)
      %dma_wait3A_571 = arith.constant 0 : i32
      %dma_wait3A_572 = arith.constant 0 : i32
      %dma_wait3A_573 = arith.constant 9 : i32
      %dma_wait3A_574 = arith.constant 0 : i32
      %dma_wait3A_575 = arith.constant 0 : i32
      %dma_wait3A_576 = tpu.memref_slice %arg9[%dma_wait3A_572, %dma_wait3A_573, %dma_wait3A_574, %dma_wait3A_575] : memref<2x16x125x16xf32, #tpu.memory_space<vmem>> -> memref<1x1x125x16xf32, #tpu.memory_space<vmem>>
      %dma_wait3A_577 = tpu.memref_squeeze %dma_wait3A_576 : memref<1x1x125x16xf32, #tpu.memory_space<vmem>> -> memref<125x16xf32, #tpu.memory_space<vmem>>
      %dma_wait3A_578 = arith.constant 0 : i32
      %dma_wait3A_579 = tpu.memref_slice %arg8[%dma_wait3A_571, %dma_wait3A_578] : memref<80x125xi32, #tpu.memory_space<vmem>> -> memref<1x125xi32, #tpu.memory_space<vmem>>
      %dma_wait3A_580 = tpu.memref_squeeze %dma_wait3A_579 : memref<1x125xi32, #tpu.memory_space<vmem>> -> memref<125xi32, #tpu.memory_space<vmem>>
      %dma_wait3A_581 = arith.constant 0 : i32
      %dma_wait3A_582 = arith.constant 0 : i32
      %dma_wait3A_583 = tpu.memref_slice %arg4[%dma_wait3A_581, %dma_wait3A_582] : memref<10000x16xf32, #tpu.memory_space<hbm>> -> memref<10000x16xf32, #tpu.memory_space<hbm>>
      tpu.wait_indirect_dma semaphore(%arg11 : memref<!tpu.dma_semaphore, #tpu.memory_space<semaphore_mem>>) src(%dma_wait3A_583 : memref<10000x16xf32, #tpu.memory_space<hbm>>) dst(%dma_wait3A_577 : memref<125x16xf32, #tpu.memory_space<vmem>>)
      %dma_wait3A_584 = arith.constant 0 : i32
      %dma_wait3A_585 = arith.constant 0 : i32
      %dma_wait3A_586 = arith.constant 10 : i32
      %dma_wait3A_587 = arith.constant 0 : i32
      %dma_wait3A_588 = arith.constant 0 : i32
      %dma_wait3A_589 = tpu.memref_slice %arg9[%dma_wait3A_585, %dma_wait3A_586, %dma_wait3A_587, %dma_wait3A_588] : memref<2x16x125x16xf32, #tpu.memory_space<vmem>> -> memref<1x1x125x16xf32, #tpu.memory_space<vmem>>
      %dma_wait3A_590 = tpu.memref_squeeze %dma_wait3A_589 : memref<1x1x125x16xf32, #tpu.memory_space<vmem>> -> memref<125x16xf32, #tpu.memory_space<vmem>>
      %dma_wait3A_591 = arith.constant 0 : i32
      %dma_wait3A_592 = tpu.memref_slice %arg8[%dma_wait3A_584, %dma_wait3A_591] : memref<80x125xi32, #tpu.memory_space<vmem>> -> memref<1x125xi32, #tpu.memory_space<vmem>>
      %dma_wait3A_593 = tpu.memref_squeeze %dma_wait3A_592 : memref<1x125xi32, #tpu.memory_space<vmem>> -> memref<125xi32, #tpu.memory_space<vmem>>
      %dma_wait3A_594 = arith.constant 0 : i32
      %dma_wait3A_595 = arith.constant 0 : i32
      %dma_wait3A_596 = tpu.memref_slice %arg4[%dma_wait3A_594, %dma_wait3A_595] : memref<10000x16xf32, #tpu.memory_space<hbm>> -> memref<10000x16xf32, #tpu.memory_space<hbm>>
      tpu.wait_indirect_dma semaphore(%arg11 : memref<!tpu.dma_semaphore, #tpu.memory_space<semaphore_mem>>) src(%dma_wait3A_596 : memref<10000x16xf32, #tpu.memory_space<hbm>>) dst(%dma_wait3A_590 : memref<125x16xf32, #tpu.memory_space<vmem>>)
      %dma_wait3A_597 = arith.constant 0 : i32
      %dma_wait3A_598 = arith.constant 0 : i32
      %dma_wait3A_599 = arith.constant 11 : i32
      %dma_wait3A_600 = arith.constant 0 : i32
      %dma_wait3A_601 = arith.constant 0 : i32
      %dma_wait3A_602 = tpu.memref_slice %arg9[%dma_wait3A_598, %dma_wait3A_599, %dma_wait3A_600, %dma_wait3A_601] : memref<2x16x125x16xf32, #tpu.memory_space<vmem>> -> memref<1x1x125x16xf32, #tpu.memory_space<vmem>>
      %dma_wait3A_603 = tpu.memref_squeeze %dma_wait3A_602 : memref<1x1x125x16xf32, #tpu.memory_space<vmem>> -> memref<125x16xf32, #tpu.memory_space<vmem>>
      %dma_wait3A_604 = arith.constant 0 : i32
      %dma_wait3A_605 = tpu.memref_slice %arg8[%dma_wait3A_597, %dma_wait3A_604] : memref<80x125xi32, #tpu.memory_space<vmem>> -> memref<1x125xi32, #tpu.memory_space<vmem>>
      %dma_wait3A_606 = tpu.memref_squeeze %dma_wait3A_605 : memref<1x125xi32, #tpu.memory_space<vmem>> -> memref<125xi32, #tpu.memory_space<vmem>>
      %dma_wait3A_607 = arith.constant 0 : i32
      %dma_wait3A_608 = arith.constant 0 : i32
      %dma_wait3A_609 = tpu.memref_slice %arg4[%dma_wait3A_607, %dma_wait3A_608] : memref<10000x16xf32, #tpu.memory_space<hbm>> -> memref<10000x16xf32, #tpu.memory_space<hbm>>
      tpu.wait_indirect_dma semaphore(%arg11 : memref<!tpu.dma_semaphore, #tpu.memory_space<semaphore_mem>>) src(%dma_wait3A_609 : memref<10000x16xf32, #tpu.memory_space<hbm>>) dst(%dma_wait3A_603 : memref<125x16xf32, #tpu.memory_space<vmem>>)
      %dma_wait3A_610 = arith.constant 0 : i32
      %dma_wait3A_611 = arith.constant 0 : i32
      %dma_wait3A_612 = arith.constant 12 : i32
      %dma_wait3A_613 = arith.constant 0 : i32
      %dma_wait3A_614 = arith.constant 0 : i32
      %dma_wait3A_615 = tpu.memref_slice %arg9[%dma_wait3A_611, %dma_wait3A_612, %dma_wait3A_613, %dma_wait3A_614] : memref<2x16x125x16xf32, #tpu.memory_space<vmem>> -> memref<1x1x125x16xf32, #tpu.memory_space<vmem>>
      %dma_wait3A_616 = tpu.memref_squeeze %dma_wait3A_615 : memref<1x1x125x16xf32, #tpu.memory_space<vmem>> -> memref<125x16xf32, #tpu.memory_space<vmem>>
      %dma_wait3A_617 = arith.constant 0 : i32
      %dma_wait3A_618 = tpu.memref_slice %arg8[%dma_wait3A_610, %dma_wait3A_617] : memref<80x125xi32, #tpu.memory_space<vmem>> -> memref<1x125xi32, #tpu.memory_space<vmem>>
      %dma_wait3A_619 = tpu.memref_squeeze %dma_wait3A_618 : memref<1x125xi32, #tpu.memory_space<vmem>> -> memref<125xi32, #tpu.memory_space<vmem>>
      %dma_wait3A_620 = arith.constant 0 : i32
      %dma_wait3A_621 = arith.constant 0 : i32
      %dma_wait3A_622 = tpu.memref_slice %arg4[%dma_wait3A_620, %dma_wait3A_621] : memref<10000x16xf32, #tpu.memory_space<hbm>> -> memref<10000x16xf32, #tpu.memory_space<hbm>>
      tpu.wait_indirect_dma semaphore(%arg11 : memref<!tpu.dma_semaphore, #tpu.memory_space<semaphore_mem>>) src(%dma_wait3A_622 : memref<10000x16xf32, #tpu.memory_space<hbm>>) dst(%dma_wait3A_616 : memref<125x16xf32, #tpu.memory_space<vmem>>)
      %dma_wait3A_623 = arith.constant 0 : i32
      %dma_wait3A_624 = arith.constant 0 : i32
      %dma_wait3A_625 = arith.constant 13 : i32
      %dma_wait3A_626 = arith.constant 0 : i32
      %dma_wait3A_627 = arith.constant 0 : i32
      %dma_wait3A_628 = tpu.memref_slice %arg9[%dma_wait3A_624, %dma_wait3A_625, %dma_wait3A_626, %dma_wait3A_627] : memref<2x16x125x16xf32, #tpu.memory_space<vmem>> -> memref<1x1x125x16xf32, #tpu.memory_space<vmem>>
      %dma_wait3A_629 = tpu.memref_squeeze %dma_wait3A_628 : memref<1x1x125x16xf32, #tpu.memory_space<vmem>> -> memref<125x16xf32, #tpu.memory_space<vmem>>
      %dma_wait3A_630 = arith.constant 0 : i32
      %dma_wait3A_631 = tpu.memref_slice %arg8[%dma_wait3A_623, %dma_wait3A_630] : memref<80x125xi32, #tpu.memory_space<vmem>> -> memref<1x125xi32, #tpu.memory_space<vmem>>
      %dma_wait3A_632 = tpu.memref_squeeze %dma_wait3A_631 : memref<1x125xi32, #tpu.memory_space<vmem>> -> memref<125xi32, #tpu.memory_space<vmem>>
      %dma_wait3A_633 = arith.constant 0 : i32
      %dma_wait3A_634 = arith.constant 0 : i32
      %dma_wait3A_635 = tpu.memref_slice %arg4[%dma_wait3A_633, %dma_wait3A_634] : memref<10000x16xf32, #tpu.memory_space<hbm>> -> memref<10000x16xf32, #tpu.memory_space<hbm>>
      tpu.wait_indirect_dma semaphore(%arg11 : memref<!tpu.dma_semaphore, #tpu.memory_space<semaphore_mem>>) src(%dma_wait3A_635 : memref<10000x16xf32, #tpu.memory_space<hbm>>) dst(%dma_wait3A_629 : memref<125x16xf32, #tpu.memory_space<vmem>>)
      %dma_wait3A_636 = arith.constant 0 : i32
      %dma_wait3A_637 = arith.constant 0 : i32
      %dma_wait3A_638 = arith.constant 14 : i32
      %dma_wait3A_639 = arith.constant 0 : i32
      %dma_wait3A_640 = arith.constant 0 : i32
      %dma_wait3A_641 = tpu.memref_slice %arg9[%dma_wait3A_637, %dma_wait3A_638, %dma_wait3A_639, %dma_wait3A_640] : memref<2x16x125x16xf32, #tpu.memory_space<vmem>> -> memref<1x1x125x16xf32, #tpu.memory_space<vmem>>
      %dma_wait3A_642 = tpu.memref_squeeze %dma_wait3A_641 : memref<1x1x125x16xf32, #tpu.memory_space<vmem>> -> memref<125x16xf32, #tpu.memory_space<vmem>>
      %dma_wait3A_643 = arith.constant 0 : i32
      %dma_wait3A_644 = tpu.memref_slice %arg8[%dma_wait3A_636, %dma_wait3A_643] : memref<80x125xi32, #tpu.memory_space<vmem>> -> memref<1x125xi32, #tpu.memory_space<vmem>>
      %dma_wait3A_645 = tpu.memref_squeeze %dma_wait3A_644 : memref<1x125xi32, #tpu.memory_space<vmem>> -> memref<125xi32, #tpu.memory_space<vmem>>
      %dma_wait3A_646 = arith.constant 0 : i32
      %dma_wait3A_647 = arith.constant 0 : i32
      %dma_wait3A_648 = tpu.memref_slice %arg4[%dma_wait3A_646, %dma_wait3A_647] : memref<10000x16xf32, #tpu.memory_space<hbm>> -> memref<10000x16xf32, #tpu.memory_space<hbm>>
      tpu.wait_indirect_dma semaphore(%arg11 : memref<!tpu.dma_semaphore, #tpu.memory_space<semaphore_mem>>) src(%dma_wait3A_648 : memref<10000x16xf32, #tpu.memory_space<hbm>>) dst(%dma_wait3A_642 : memref<125x16xf32, #tpu.memory_space<vmem>>)
      %dma_wait3A_649 = arith.constant 0 : i32
      %dma_wait3A_650 = arith.constant 0 : i32
      %dma_wait3A_651 = arith.constant 15 : i32
      %dma_wait3A_652 = arith.constant 0 : i32
      %dma_wait3A_653 = arith.constant 0 : i32
      %dma_wait3A_654 = tpu.memref_slice %arg9[%dma_wait3A_650, %dma_wait3A_651, %dma_wait3A_652, %dma_wait3A_653] : memref<2x16x125x16xf32, #tpu.memory_space<vmem>> -> memref<1x1x125x16xf32, #tpu.memory_space<vmem>>
      %dma_wait3A_655 = tpu.memref_squeeze %dma_wait3A_654 : memref<1x1x125x16xf32, #tpu.memory_space<vmem>> -> memref<125x16xf32, #tpu.memory_space<vmem>>
      %dma_wait3A_656 = arith.constant 0 : i32
      %dma_wait3A_657 = tpu.memref_slice %arg8[%dma_wait3A_649, %dma_wait3A_656] : memref<80x125xi32, #tpu.memory_space<vmem>> -> memref<1x125xi32, #tpu.memory_space<vmem>>
      %dma_wait3A_658 = tpu.memref_squeeze %dma_wait3A_657 : memref<1x125xi32, #tpu.memory_space<vmem>> -> memref<125xi32, #tpu.memory_space<vmem>>
      %dma_wait3A_659 = arith.constant 0 : i32
      %dma_wait3A_660 = arith.constant 0 : i32
      %dma_wait3A_661 = tpu.memref_slice %arg4[%dma_wait3A_659, %dma_wait3A_660] : memref<10000x16xf32, #tpu.memory_space<hbm>> -> memref<10000x16xf32, #tpu.memory_space<hbm>>
      tpu.wait_indirect_dma semaphore(%arg11 : memref<!tpu.dma_semaphore, #tpu.memory_space<semaphore_mem>>) src(%dma_wait3A_661 : memref<10000x16xf32, #tpu.memory_space<hbm>>) dst(%dma_wait3A_655 : memref<125x16xf32, #tpu.memory_space<vmem>>)
      %mul3A_662 = arith.constant 16 : i32
      %mul3A_663 = arith.muli %scan3A_443, %mul3A_662 : i32
      %add3A_664 = arith.constant 0 : i32
      %add3A_665 = arith.addi %mul3A_663, %add3A_664 : i32
      %dma_start3A_666 = arith.constant 0 : i32
      %dma_start3A_667 = arith.constant 0 : i32
      %dma_start3A_668 = arith.constant 0 : i32
      %dma_start3A_669 = tpu.memref_slice %arg9[%rem3A_444, %dma_start3A_666, %dma_start3A_667, %dma_start3A_668] : memref<2x16x125x16xf32, #tpu.memory_space<vmem>> -> memref<1x1x125x16xf32, #tpu.memory_space<vmem>>
      %dma_start3A_670 = tpu.memref_squeeze %dma_start3A_669 : memref<1x1x125x16xf32, #tpu.memory_space<vmem>> -> memref<125x16xf32, #tpu.memory_space<vmem>>
      %dma_start3A_671 = arith.constant 0 : i32
      %dma_start3A_672 = tpu.memref_slice %arg7[%add3A_665, %dma_start3A_671] : memref<80x125xi32, #tpu.memory_space<vmem>> -> memref<1x125xi32, #tpu.memory_space<vmem>>
      %dma_start3A_673 = tpu.memref_squeeze %dma_start3A_672 : memref<1x125xi32, #tpu.memory_space<vmem>> -> memref<125xi32, #tpu.memory_space<vmem>>
      %dma_start3A_674 = arith.constant 0 : i32
      %dma_start3A_675 = arith.constant 0 : i32
      %dma_start3A_676 = tpu.memref_slice %arg10[%dma_start3A_674, %dma_start3A_675] : memref<10000x16xf32, #tpu.memory_space<vmem_shared>> -> memref<10000x16xf32, #tpu.memory_space<vmem_shared>>
      tpu.enqueue_indirect_dma source(%dma_start3A_670 : memref<125x16xf32, #tpu.memory_space<vmem>>) target(%dma_start3A_676 : memref<10000x16xf32, #tpu.memory_space<vmem_shared>>) offsets(%dma_start3A_673 : memref<125xi32, #tpu.memory_space<vmem>>) semaphore(%arg12 : memref<!tpu.dma_semaphore, #tpu.memory_space<semaphore_mem>>) {add = true}
      %mul3A_677 = arith.constant 16 : i32
      %mul3A_678 = arith.muli %scan3A_443, %mul3A_677 : i32
      %add3A_679 = arith.constant 1 : i32
      %add3A_680 = arith.addi %mul3A_678, %add3A_679 : i32
      %dma_start3A_681 = arith.constant 1 : i32
      %dma_start3A_682 = arith.constant 0 : i32
      %dma_start3A_683 = arith.constant 0 : i32
      %dma_start3A_684 = tpu.memref_slice %arg9[%rem3A_444, %dma_start3A_681, %dma_start3A_682, %dma_start3A_683] : memref<2x16x125x16xf32, #tpu.memory_space<vmem>> -> memref<1x1x125x16xf32, #tpu.memory_space<vmem>>
      %dma_start3A_685 = tpu.memref_squeeze %dma_start3A_684 : memref<1x1x125x16xf32, #tpu.memory_space<vmem>> -> memref<125x16xf32, #tpu.memory_space<vmem>>
      %dma_start3A_686 = arith.constant 0 : i32
      %dma_start3A_687 = tpu.memref_slice %arg7[%add3A_680, %dma_start3A_686] : memref<80x125xi32, #tpu.memory_space<vmem>> -> memref<1x125xi32, #tpu.memory_space<vmem>>
      %dma_start3A_688 = tpu.memref_squeeze %dma_start3A_687 : memref<1x125xi32, #tpu.memory_space<vmem>> -> memref<125xi32, #tpu.memory_space<vmem>>
      %dma_start3A_689 = arith.constant 0 : i32
      %dma_start3A_690 = arith.constant 0 : i32
      %dma_start3A_691 = tpu.memref_slice %arg10[%dma_start3A_689, %dma_start3A_690] : memref<10000x16xf32, #tpu.memory_space<vmem_shared>> -> memref<10000x16xf32, #tpu.memory_space<vmem_shared>>
      tpu.enqueue_indirect_dma source(%dma_start3A_685 : memref<125x16xf32, #tpu.memory_space<vmem>>) target(%dma_start3A_691 : memref<10000x16xf32, #tpu.memory_space<vmem_shared>>) offsets(%dma_start3A_688 : memref<125xi32, #tpu.memory_space<vmem>>) semaphore(%arg12 : memref<!tpu.dma_semaphore, #tpu.memory_space<semaphore_mem>>) {add = true}
      %mul3A_692 = arith.constant 16 : i32
      %mul3A_693 = arith.muli %scan3A_443, %mul3A_692 : i32
      %add3A_694 = arith.constant 2 : i32
      %add3A_695 = arith.addi %mul3A_693, %add3A_694 : i32
      %dma_start3A_696 = arith.constant 2 : i32
      %dma_start3A_697 = arith.constant 0 : i32
      %dma_start3A_698 = arith.constant 0 : i32
      %dma_start3A_699 = tpu.memref_slice %arg9[%rem3A_444, %dma_start3A_696, %dma_start3A_697, %dma_start3A_698] : memref<2x16x125x16xf32, #tpu.memory_space<vmem>> -> memref<1x1x125x16xf32, #tpu.memory_space<vmem>>
      %dma_start3A_700 = tpu.memref_squeeze %dma_start3A_699 : memref<1x1x125x16xf32, #tpu.memory_space<vmem>> -> memref<125x16xf32, #tpu.memory_space<vmem>>
      %dma_start3A_701 = arith.constant 0 : i32
      %dma_start3A_702 = tpu.memref_slice %arg7[%add3A_695, %dma_start3A_701] : memref<80x125xi32, #tpu.memory_space<vmem>> -> memref<1x125xi32, #tpu.memory_space<vmem>>
      %dma_start3A_703 = tpu.memref_squeeze %dma_start3A_702 : memref<1x125xi32, #tpu.memory_space<vmem>> -> memref<125xi32, #tpu.memory_space<vmem>>
      %dma_start3A_704 = arith.constant 0 : i32
      %dma_start3A_705 = arith.constant 0 : i32
      %dma_start3A_706 = tpu.memref_slice %arg10[%dma_start3A_704, %dma_start3A_705] : memref<10000x16xf32, #tpu.memory_space<vmem_shared>> -> memref<10000x16xf32, #tpu.memory_space<vmem_shared>>
      tpu.enqueue_indirect_dma source(%dma_start3A_700 : memref<125x16xf32, #tpu.memory_space<vmem>>) target(%dma_start3A_706 : memref<10000x16xf32, #tpu.memory_space<vmem_shared>>) offsets(%dma_start3A_703 : memref<125xi32, #tpu.memory_space<vmem>>) semaphore(%arg12 : memref<!tpu.dma_semaphore, #tpu.memory_space<semaphore_mem>>) {add = true}
      %mul3A_707 = arith.constant 16 : i32
      %mul3A_708 = arith.muli %scan3A_443, %mul3A_707 : i32
      %add3A_709 = arith.constant 3 : i32
      %add3A_710 = arith.addi %mul3A_708, %add3A_709 : i32
      %dma_start3A_711 = arith.constant 3 : i32
      %dma_start3A_712 = arith.constant 0 : i32
      %dma_start3A_713 = arith.constant 0 : i32
      %dma_start3A_714 = tpu.memref_slice %arg9[%rem3A_444, %dma_start3A_711, %dma_start3A_712, %dma_start3A_713] : memref<2x16x125x16xf32, #tpu.memory_space<vmem>> -> memref<1x1x125x16xf32, #tpu.memory_space<vmem>>
      %dma_start3A_715 = tpu.memref_squeeze %dma_start3A_714 : memref<1x1x125x16xf32, #tpu.memory_space<vmem>> -> memref<125x16xf32, #tpu.memory_space<vmem>>
      %dma_start3A_716 = arith.constant 0 : i32
      %dma_start3A_717 = tpu.memref_slice %arg7[%add3A_710, %dma_start3A_716] : memref<80x125xi32, #tpu.memory_space<vmem>> -> memref<1x125xi32, #tpu.memory_space<vmem>>
      %dma_start3A_718 = tpu.memref_squeeze %dma_start3A_717 : memref<1x125xi32, #tpu.memory_space<vmem>> -> memref<125xi32, #tpu.memory_space<vmem>>
      %dma_start3A_719 = arith.constant 0 : i32
      %dma_start3A_720 = arith.constant 0 : i32
      %dma_start3A_721 = tpu.memref_slice %arg10[%dma_start3A_719, %dma_start3A_720] : memref<10000x16xf32, #tpu.memory_space<vmem_shared>> -> memref<10000x16xf32, #tpu.memory_space<vmem_shared>>
      tpu.enqueue_indirect_dma source(%dma_start3A_715 : memref<125x16xf32, #tpu.memory_space<vmem>>) target(%dma_start3A_721 : memref<10000x16xf32, #tpu.memory_space<vmem_shared>>) offsets(%dma_start3A_718 : memref<125xi32, #tpu.memory_space<vmem>>) semaphore(%arg12 : memref<!tpu.dma_semaphore, #tpu.memory_space<semaphore_mem>>) {add = true}
      %mul3A_722 = arith.constant 16 : i32
      %mul3A_723 = arith.muli %scan3A_443, %mul3A_722 : i32
      %add3A_724 = arith.constant 4 : i32
      %add3A_725 = arith.addi %mul3A_723, %add3A_724 : i32
      %dma_start3A_726 = arith.constant 4 : i32
      %dma_start3A_727 = arith.constant 0 : i32
      %dma_start3A_728 = arith.constant 0 : i32
      %dma_start3A_729 = tpu.memref_slice %arg9[%rem3A_444, %dma_start3A_726, %dma_start3A_727, %dma_start3A_728] : memref<2x16x125x16xf32, #tpu.memory_space<vmem>> -> memref<1x1x125x16xf32, #tpu.memory_space<vmem>>
      %dma_start3A_730 = tpu.memref_squeeze %dma_start3A_729 : memref<1x1x125x16xf32, #tpu.memory_space<vmem>> -> memref<125x16xf32, #tpu.memory_space<vmem>>
      %dma_start3A_731 = arith.constant 0 : i32
      %dma_start3A_732 = tpu.memref_slice %arg7[%add3A_725, %dma_start3A_731] : memref<80x125xi32, #tpu.memory_space<vmem>> -> memref<1x125xi32, #tpu.memory_space<vmem>>
      %dma_start3A_733 = tpu.memref_squeeze %dma_start3A_732 : memref<1x125xi32, #tpu.memory_space<vmem>> -> memref<125xi32, #tpu.memory_space<vmem>>
      %dma_start3A_734 = arith.constant 0 : i32
      %dma_start3A_735 = arith.constant 0 : i32
      %dma_start3A_736 = tpu.memref_slice %arg10[%dma_start3A_734, %dma_start3A_735] : memref<10000x16xf32, #tpu.memory_space<vmem_shared>> -> memref<10000x16xf32, #tpu.memory_space<vmem_shared>>
      tpu.enqueue_indirect_dma source(%dma_start3A_730 : memref<125x16xf32, #tpu.memory_space<vmem>>) target(%dma_start3A_736 : memref<10000x16xf32, #tpu.memory_space<vmem_shared>>) offsets(%dma_start3A_733 : memref<125xi32, #tpu.memory_space<vmem>>) semaphore(%arg12 : memref<!tpu.dma_semaphore, #tpu.memory_space<semaphore_mem>>) {add = true}
      %mul3A_737 = arith.constant 16 : i32
      %mul3A_738 = arith.muli %scan3A_443, %mul3A_737 : i32
      %add3A_739 = arith.constant 5 : i32
      %add3A_740 = arith.addi %mul3A_738, %add3A_739 : i32
      %dma_start3A_741 = arith.constant 5 : i32
      %dma_start3A_742 = arith.constant 0 : i32
      %dma_start3A_743 = arith.constant 0 : i32
      %dma_start3A_744 = tpu.memref_slice %arg9[%rem3A_444, %dma_start3A_741, %dma_start3A_742, %dma_start3A_743] : memref<2x16x125x16xf32, #tpu.memory_space<vmem>> -> memref<1x1x125x16xf32, #tpu.memory_space<vmem>>
      %dma_start3A_745 = tpu.memref_squeeze %dma_start3A_744 : memref<1x1x125x16xf32, #tpu.memory_space<vmem>> -> memref<125x16xf32, #tpu.memory_space<vmem>>
      %dma_start3A_746 = arith.constant 0 : i32
      %dma_start3A_747 = tpu.memref_slice %arg7[%add3A_740, %dma_start3A_746] : memref<80x125xi32, #tpu.memory_space<vmem>> -> memref<1x125xi32, #tpu.memory_space<vmem>>
      %dma_start3A_748 = tpu.memref_squeeze %dma_start3A_747 : memref<1x125xi32, #tpu.memory_space<vmem>> -> memref<125xi32, #tpu.memory_space<vmem>>
      %dma_start3A_749 = arith.constant 0 : i32
      %dma_start3A_750 = arith.constant 0 : i32
      %dma_start3A_751 = tpu.memref_slice %arg10[%dma_start3A_749, %dma_start3A_750] : memref<10000x16xf32, #tpu.memory_space<vmem_shared>> -> memref<10000x16xf32, #tpu.memory_space<vmem_shared>>
      tpu.enqueue_indirect_dma source(%dma_start3A_745 : memref<125x16xf32, #tpu.memory_space<vmem>>) target(%dma_start3A_751 : memref<10000x16xf32, #tpu.memory_space<vmem_shared>>) offsets(%dma_start3A_748 : memref<125xi32, #tpu.memory_space<vmem>>) semaphore(%arg12 : memref<!tpu.dma_semaphore, #tpu.memory_space<semaphore_mem>>) {add = true}
      %mul3A_752 = arith.constant 16 : i32
      %mul3A_753 = arith.muli %scan3A_443, %mul3A_752 : i32
      %add3A_754 = arith.constant 6 : i32
      %add3A_755 = arith.addi %mul3A_753, %add3A_754 : i32
      %dma_start3A_756 = arith.constant 6 : i32
      %dma_start3A_757 = arith.constant 0 : i32
      %dma_start3A_758 = arith.constant 0 : i32
      %dma_start3A_759 = tpu.memref_slice %arg9[%rem3A_444, %dma_start3A_756, %dma_start3A_757, %dma_start3A_758] : memref<2x16x125x16xf32, #tpu.memory_space<vmem>> -> memref<1x1x125x16xf32, #tpu.memory_space<vmem>>
      %dma_start3A_760 = tpu.memref_squeeze %dma_start3A_759 : memref<1x1x125x16xf32, #tpu.memory_space<vmem>> -> memref<125x16xf32, #tpu.memory_space<vmem>>
      %dma_start3A_761 = arith.constant 0 : i32
      %dma_start3A_762 = tpu.memref_slice %arg7[%add3A_755, %dma_start3A_761] : memref<80x125xi32, #tpu.memory_space<vmem>> -> memref<1x125xi32, #tpu.memory_space<vmem>>
      %dma_start3A_763 = tpu.memref_squeeze %dma_start3A_762 : memref<1x125xi32, #tpu.memory_space<vmem>> -> memref<125xi32, #tpu.memory_space<vmem>>
      %dma_start3A_764 = arith.constant 0 : i32
      %dma_start3A_765 = arith.constant 0 : i32
      %dma_start3A_766 = tpu.memref_slice %arg10[%dma_start3A_764, %dma_start3A_765] : memref<10000x16xf32, #tpu.memory_space<vmem_shared>> -> memref<10000x16xf32, #tpu.memory_space<vmem_shared>>
      tpu.enqueue_indirect_dma source(%dma_start3A_760 : memref<125x16xf32, #tpu.memory_space<vmem>>) target(%dma_start3A_766 : memref<10000x16xf32, #tpu.memory_space<vmem_shared>>) offsets(%dma_start3A_763 : memref<125xi32, #tpu.memory_space<vmem>>) semaphore(%arg12 : memref<!tpu.dma_semaphore, #tpu.memory_space<semaphore_mem>>) {add = true}
      %mul3A_767 = arith.constant 16 : i32
      %mul3A_768 = arith.muli %scan3A_443, %mul3A_767 : i32
      %add3A_769 = arith.constant 7 : i32
      %add3A_770 = arith.addi %mul3A_768, %add3A_769 : i32
      %dma_start3A_771 = arith.constant 7 : i32
      %dma_start3A_772 = arith.constant 0 : i32
      %dma_start3A_773 = arith.constant 0 : i32
      %dma_start3A_774 = tpu.memref_slice %arg9[%rem3A_444, %dma_start3A_771, %dma_start3A_772, %dma_start3A_773] : memref<2x16x125x16xf32, #tpu.memory_space<vmem>> -> memref<1x1x125x16xf32, #tpu.memory_space<vmem>>
      %dma_start3A_775 = tpu.memref_squeeze %dma_start3A_774 : memref<1x1x125x16xf32, #tpu.memory_space<vmem>> -> memref<125x16xf32, #tpu.memory_space<vmem>>
      %dma_start3A_776 = arith.constant 0 : i32
      %dma_start3A_777 = tpu.memref_slice %arg7[%add3A_770, %dma_start3A_776] : memref<80x125xi32, #tpu.memory_space<vmem>> -> memref<1x125xi32, #tpu.memory_space<vmem>>
      %dma_start3A_778 = tpu.memref_squeeze %dma_start3A_777 : memref<1x125xi32, #tpu.memory_space<vmem>> -> memref<125xi32, #tpu.memory_space<vmem>>
      %dma_start3A_779 = arith.constant 0 : i32
      %dma_start3A_780 = arith.constant 0 : i32
      %dma_start3A_781 = tpu.memref_slice %arg10[%dma_start3A_779, %dma_start3A_780] : memref<10000x16xf32, #tpu.memory_space<vmem_shared>> -> memref<10000x16xf32, #tpu.memory_space<vmem_shared>>
      tpu.enqueue_indirect_dma source(%dma_start3A_775 : memref<125x16xf32, #tpu.memory_space<vmem>>) target(%dma_start3A_781 : memref<10000x16xf32, #tpu.memory_space<vmem_shared>>) offsets(%dma_start3A_778 : memref<125xi32, #tpu.memory_space<vmem>>) semaphore(%arg12 : memref<!tpu.dma_semaphore, #tpu.memory_space<semaphore_mem>>) {add = true}
      %mul3A_782 = arith.constant 16 : i32
      %mul3A_783 = arith.muli %scan3A_443, %mul3A_782 : i32
      %add3A_784 = arith.constant 8 : i32
      %add3A_785 = arith.addi %mul3A_783, %add3A_784 : i32
      %dma_start3A_786 = arith.constant 8 : i32
      %dma_start3A_787 = arith.constant 0 : i32
      %dma_start3A_788 = arith.constant 0 : i32
      %dma_start3A_789 = tpu.memref_slice %arg9[%rem3A_444, %dma_start3A_786, %dma_start3A_787, %dma_start3A_788] : memref<2x16x125x16xf32, #tpu.memory_space<vmem>> -> memref<1x1x125x16xf32, #tpu.memory_space<vmem>>
      %dma_start3A_790 = tpu.memref_squeeze %dma_start3A_789 : memref<1x1x125x16xf32, #tpu.memory_space<vmem>> -> memref<125x16xf32, #tpu.memory_space<vmem>>
      %dma_start3A_791 = arith.constant 0 : i32
      %dma_start3A_792 = tpu.memref_slice %arg7[%add3A_785, %dma_start3A_791] : memref<80x125xi32, #tpu.memory_space<vmem>> -> memref<1x125xi32, #tpu.memory_space<vmem>>
      %dma_start3A_793 = tpu.memref_squeeze %dma_start3A_792 : memref<1x125xi32, #tpu.memory_space<vmem>> -> memref<125xi32, #tpu.memory_space<vmem>>
      %dma_start3A_794 = arith.constant 0 : i32
      %dma_start3A_795 = arith.constant 0 : i32
      %dma_start3A_796 = tpu.memref_slice %arg10[%dma_start3A_794, %dma_start3A_795] : memref<10000x16xf32, #tpu.memory_space<vmem_shared>> -> memref<10000x16xf32, #tpu.memory_space<vmem_shared>>
      tpu.enqueue_indirect_dma source(%dma_start3A_790 : memref<125x16xf32, #tpu.memory_space<vmem>>) target(%dma_start3A_796 : memref<10000x16xf32, #tpu.memory_space<vmem_shared>>) offsets(%dma_start3A_793 : memref<125xi32, #tpu.memory_space<vmem>>) semaphore(%arg12 : memref<!tpu.dma_semaphore, #tpu.memory_space<semaphore_mem>>) {add = true}
      %mul3A_797 = arith.constant 16 : i32
      %mul3A_798 = arith.muli %scan3A_443, %mul3A_797 : i32
      %add3A_799 = arith.constant 9 : i32
      %add3A_800 = arith.addi %mul3A_798, %add3A_799 : i32
      %dma_start3A_801 = arith.constant 9 : i32
      %dma_start3A_802 = arith.constant 0 : i32
      %dma_start3A_803 = arith.constant 0 : i32
      %dma_start3A_804 = tpu.memref_slice %arg9[%rem3A_444, %dma_start3A_801, %dma_start3A_802, %dma_start3A_803] : memref<2x16x125x16xf32, #tpu.memory_space<vmem>> -> memref<1x1x125x16xf32, #tpu.memory_space<vmem>>
      %dma_start3A_805 = tpu.memref_squeeze %dma_start3A_804 : memref<1x1x125x16xf32, #tpu.memory_space<vmem>> -> memref<125x16xf32, #tpu.memory_space<vmem>>
      %dma_start3A_806 = arith.constant 0 : i32
      %dma_start3A_807 = tpu.memref_slice %arg7[%add3A_800, %dma_start3A_806] : memref<80x125xi32, #tpu.memory_space<vmem>> -> memref<1x125xi32, #tpu.memory_space<vmem>>
      %dma_start3A_808 = tpu.memref_squeeze %dma_start3A_807 : memref<1x125xi32, #tpu.memory_space<vmem>> -> memref<125xi32, #tpu.memory_space<vmem>>
      %dma_start3A_809 = arith.constant 0 : i32
      %dma_start3A_810 = arith.constant 0 : i32
      %dma_start3A_811 = tpu.memref_slice %arg10[%dma_start3A_809, %dma_start3A_810] : memref<10000x16xf32, #tpu.memory_space<vmem_shared>> -> memref<10000x16xf32, #tpu.memory_space<vmem_shared>>
      tpu.enqueue_indirect_dma source(%dma_start3A_805 : memref<125x16xf32, #tpu.memory_space<vmem>>) target(%dma_start3A_811 : memref<10000x16xf32, #tpu.memory_space<vmem_shared>>) offsets(%dma_start3A_808 : memref<125xi32, #tpu.memory_space<vmem>>) semaphore(%arg12 : memref<!tpu.dma_semaphore, #tpu.memory_space<semaphore_mem>>) {add = true}
      %mul3A_812 = arith.constant 16 : i32
      %mul3A_813 = arith.muli %scan3A_443, %mul3A_812 : i32
      %add3A_814 = arith.constant 10 : i32
      %add3A_815 = arith.addi %mul3A_813, %add3A_814 : i32
      %dma_start3A_816 = arith.constant 10 : i32
      %dma_start3A_817 = arith.constant 0 : i32
      %dma_start3A_818 = arith.constant 0 : i32
      %dma_start3A_819 = tpu.memref_slice %arg9[%rem3A_444, %dma_start3A_816, %dma_start3A_817, %dma_start3A_818] : memref<2x16x125x16xf32, #tpu.memory_space<vmem>> -> memref<1x1x125x16xf32, #tpu.memory_space<vmem>>
      %dma_start3A_820 = tpu.memref_squeeze %dma_start3A_819 : memref<1x1x125x16xf32, #tpu.memory_space<vmem>> -> memref<125x16xf32, #tpu.memory_space<vmem>>
      %dma_start3A_821 = arith.constant 0 : i32
      %dma_start3A_822 = tpu.memref_slice %arg7[%add3A_815, %dma_start3A_821] : memref<80x125xi32, #tpu.memory_space<vmem>> -> memref<1x125xi32, #tpu.memory_space<vmem>>
      %dma_start3A_823 = tpu.memref_squeeze %dma_start3A_822 : memref<1x125xi32, #tpu.memory_space<vmem>> -> memref<125xi32, #tpu.memory_space<vmem>>
      %dma_start3A_824 = arith.constant 0 : i32
      %dma_start3A_825 = arith.constant 0 : i32
      %dma_start3A_826 = tpu.memref_slice %arg10[%dma_start3A_824, %dma_start3A_825] : memref<10000x16xf32, #tpu.memory_space<vmem_shared>> -> memref<10000x16xf32, #tpu.memory_space<vmem_shared>>
      tpu.enqueue_indirect_dma source(%dma_start3A_820 : memref<125x16xf32, #tpu.memory_space<vmem>>) target(%dma_start3A_826 : memref<10000x16xf32, #tpu.memory_space<vmem_shared>>) offsets(%dma_start3A_823 : memref<125xi32, #tpu.memory_space<vmem>>) semaphore(%arg12 : memref<!tpu.dma_semaphore, #tpu.memory_space<semaphore_mem>>) {add = true}
      %mul3A_827 = arith.constant 16 : i32
      %mul3A_828 = arith.muli %scan3A_443, %mul3A_827 : i32
      %add3A_829 = arith.constant 11 : i32
      %add3A_830 = arith.addi %mul3A_828, %add3A_829 : i32
      %dma_start3A_831 = arith.constant 11 : i32
      %dma_start3A_832 = arith.constant 0 : i32
      %dma_start3A_833 = arith.constant 0 : i32
      %dma_start3A_834 = tpu.memref_slice %arg9[%rem3A_444, %dma_start3A_831, %dma_start3A_832, %dma_start3A_833] : memref<2x16x125x16xf32, #tpu.memory_space<vmem>> -> memref<1x1x125x16xf32, #tpu.memory_space<vmem>>
      %dma_start3A_835 = tpu.memref_squeeze %dma_start3A_834 : memref<1x1x125x16xf32, #tpu.memory_space<vmem>> -> memref<125x16xf32, #tpu.memory_space<vmem>>
      %dma_start3A_836 = arith.constant 0 : i32
      %dma_start3A_837 = tpu.memref_slice %arg7[%add3A_830, %dma_start3A_836] : memref<80x125xi32, #tpu.memory_space<vmem>> -> memref<1x125xi32, #tpu.memory_space<vmem>>
      %dma_start3A_838 = tpu.memref_squeeze %dma_start3A_837 : memref<1x125xi32, #tpu.memory_space<vmem>> -> memref<125xi32, #tpu.memory_space<vmem>>
      %dma_start3A_839 = arith.constant 0 : i32
      %dma_start3A_840 = arith.constant 0 : i32
      %dma_start3A_841 = tpu.memref_slice %arg10[%dma_start3A_839, %dma_start3A_840] : memref<10000x16xf32, #tpu.memory_space<vmem_shared>> -> memref<10000x16xf32, #tpu.memory_space<vmem_shared>>
      tpu.enqueue_indirect_dma source(%dma_start3A_835 : memref<125x16xf32, #tpu.memory_space<vmem>>) target(%dma_start3A_841 : memref<10000x16xf32, #tpu.memory_space<vmem_shared>>) offsets(%dma_start3A_838 : memref<125xi32, #tpu.memory_space<vmem>>) semaphore(%arg12 : memref<!tpu.dma_semaphore, #tpu.memory_space<semaphore_mem>>) {add = true}
      %mul3A_842 = arith.constant 16 : i32
      %mul3A_843 = arith.muli %scan3A_443, %mul3A_842 : i32
      %add3A_844 = arith.constant 12 : i32
      %add3A_845 = arith.addi %mul3A_843, %add3A_844 : i32
      %dma_start3A_846 = arith.constant 12 : i32
      %dma_start3A_847 = arith.constant 0 : i32
      %dma_start3A_848 = arith.constant 0 : i32
      %dma_start3A_849 = tpu.memref_slice %arg9[%rem3A_444, %dma_start3A_846, %dma_start3A_847, %dma_start3A_848] : memref<2x16x125x16xf32, #tpu.memory_space<vmem>> -> memref<1x1x125x16xf32, #tpu.memory_space<vmem>>
      %dma_start3A_850 = tpu.memref_squeeze %dma_start3A_849 : memref<1x1x125x16xf32, #tpu.memory_space<vmem>> -> memref<125x16xf32, #tpu.memory_space<vmem>>
      %dma_start3A_851 = arith.constant 0 : i32
      %dma_start3A_852 = tpu.memref_slice %arg7[%add3A_845, %dma_start3A_851] : memref<80x125xi32, #tpu.memory_space<vmem>> -> memref<1x125xi32, #tpu.memory_space<vmem>>
      %dma_start3A_853 = tpu.memref_squeeze %dma_start3A_852 : memref<1x125xi32, #tpu.memory_space<vmem>> -> memref<125xi32, #tpu.memory_space<vmem>>
      %dma_start3A_854 = arith.constant 0 : i32
      %dma_start3A_855 = arith.constant 0 : i32
      %dma_start3A_856 = tpu.memref_slice %arg10[%dma_start3A_854, %dma_start3A_855] : memref<10000x16xf32, #tpu.memory_space<vmem_shared>> -> memref<10000x16xf32, #tpu.memory_space<vmem_shared>>
      tpu.enqueue_indirect_dma source(%dma_start3A_850 : memref<125x16xf32, #tpu.memory_space<vmem>>) target(%dma_start3A_856 : memref<10000x16xf32, #tpu.memory_space<vmem_shared>>) offsets(%dma_start3A_853 : memref<125xi32, #tpu.memory_space<vmem>>) semaphore(%arg12 : memref<!tpu.dma_semaphore, #tpu.memory_space<semaphore_mem>>) {add = true}
      %mul3A_857 = arith.constant 16 : i32
      %mul3A_858 = arith.muli %scan3A_443, %mul3A_857 : i32
      %add3A_859 = arith.constant 13 : i32
      %add3A_860 = arith.addi %mul3A_858, %add3A_859 : i32
      %dma_start3A_861 = arith.constant 13 : i32
      %dma_start3A_862 = arith.constant 0 : i32
      %dma_start3A_863 = arith.constant 0 : i32
      %dma_start3A_864 = tpu.memref_slice %arg9[%rem3A_444, %dma_start3A_861, %dma_start3A_862, %dma_start3A_863] : memref<2x16x125x16xf32, #tpu.memory_space<vmem>> -> memref<1x1x125x16xf32, #tpu.memory_space<vmem>>
      %dma_start3A_865 = tpu.memref_squeeze %dma_start3A_864 : memref<1x1x125x16xf32, #tpu.memory_space<vmem>> -> memref<125x16xf32, #tpu.memory_space<vmem>>
      %dma_start3A_866 = arith.constant 0 : i32
      %dma_start3A_867 = tpu.memref_slice %arg7[%add3A_860, %dma_start3A_866] : memref<80x125xi32, #tpu.memory_space<vmem>> -> memref<1x125xi32, #tpu.memory_space<vmem>>
      %dma_start3A_868 = tpu.memref_squeeze %dma_start3A_867 : memref<1x125xi32, #tpu.memory_space<vmem>> -> memref<125xi32, #tpu.memory_space<vmem>>
      %dma_start3A_869 = arith.constant 0 : i32
      %dma_start3A_870 = arith.constant 0 : i32
      %dma_start3A_871 = tpu.memref_slice %arg10[%dma_start3A_869, %dma_start3A_870] : memref<10000x16xf32, #tpu.memory_space<vmem_shared>> -> memref<10000x16xf32, #tpu.memory_space<vmem_shared>>
      tpu.enqueue_indirect_dma source(%dma_start3A_865 : memref<125x16xf32, #tpu.memory_space<vmem>>) target(%dma_start3A_871 : memref<10000x16xf32, #tpu.memory_space<vmem_shared>>) offsets(%dma_start3A_868 : memref<125xi32, #tpu.memory_space<vmem>>) semaphore(%arg12 : memref<!tpu.dma_semaphore, #tpu.memory_space<semaphore_mem>>) {add = true}
      %mul3A_872 = arith.constant 16 : i32
      %mul3A_873 = arith.muli %scan3A_443, %mul3A_872 : i32
      %add3A_874 = arith.constant 14 : i32
      %add3A_875 = arith.addi %mul3A_873, %add3A_874 : i32
      %dma_start3A_876 = arith.constant 14 : i32
      %dma_start3A_877 = arith.constant 0 : i32
      %dma_start3A_878 = arith.constant 0 : i32
      %dma_start3A_879 = tpu.memref_slice %arg9[%rem3A_444, %dma_start3A_876, %dma_start3A_877, %dma_start3A_878] : memref<2x16x125x16xf32, #tpu.memory_space<vmem>> -> memref<1x1x125x16xf32, #tpu.memory_space<vmem>>
      %dma_start3A_880 = tpu.memref_squeeze %dma_start3A_879 : memref<1x1x125x16xf32, #tpu.memory_space<vmem>> -> memref<125x16xf32, #tpu.memory_space<vmem>>
      %dma_start3A_881 = arith.constant 0 : i32
      %dma_start3A_882 = tpu.memref_slice %arg7[%add3A_875, %dma_start3A_881] : memref<80x125xi32, #tpu.memory_space<vmem>> -> memref<1x125xi32, #tpu.memory_space<vmem>>
      %dma_start3A_883 = tpu.memref_squeeze %dma_start3A_882 : memref<1x125xi32, #tpu.memory_space<vmem>> -> memref<125xi32, #tpu.memory_space<vmem>>
      %dma_start3A_884 = arith.constant 0 : i32
      %dma_start3A_885 = arith.constant 0 : i32
      %dma_start3A_886 = tpu.memref_slice %arg10[%dma_start3A_884, %dma_start3A_885] : memref<10000x16xf32, #tpu.memory_space<vmem_shared>> -> memref<10000x16xf32, #tpu.memory_space<vmem_shared>>
      tpu.enqueue_indirect_dma source(%dma_start3A_880 : memref<125x16xf32, #tpu.memory_space<vmem>>) target(%dma_start3A_886 : memref<10000x16xf32, #tpu.memory_space<vmem_shared>>) offsets(%dma_start3A_883 : memref<125xi32, #tpu.memory_space<vmem>>) semaphore(%arg12 : memref<!tpu.dma_semaphore, #tpu.memory_space<semaphore_mem>>) {add = true}
      %mul3A_887 = arith.constant 16 : i32
      %mul3A_888 = arith.muli %scan3A_443, %mul3A_887 : i32
      %add3A_889 = arith.constant 15 : i32
      %add3A_890 = arith.addi %mul3A_888, %add3A_889 : i32
      %dma_start3A_891 = arith.constant 15 : i32
      %dma_start3A_892 = arith.constant 0 : i32
      %dma_start3A_893 = arith.constant 0 : i32
      %dma_start3A_894 = tpu.memref_slice %arg9[%rem3A_444, %dma_start3A_891, %dma_start3A_892, %dma_start3A_893] : memref<2x16x125x16xf32, #tpu.memory_space<vmem>> -> memref<1x1x125x16xf32, #tpu.memory_space<vmem>>
      %dma_start3A_895 = tpu.memref_squeeze %dma_start3A_894 : memref<1x1x125x16xf32, #tpu.memory_space<vmem>> -> memref<125x16xf32, #tpu.memory_space<vmem>>
      %dma_start3A_896 = arith.constant 0 : i32
      %dma_start3A_897 = tpu.memref_slice %arg7[%add3A_890, %dma_start3A_896] : memref<80x125xi32, #tpu.memory_space<vmem>> -> memref<1x125xi32, #tpu.memory_space<vmem>>
      %dma_start3A_898 = tpu.memref_squeeze %dma_start3A_897 : memref<1x125xi32, #tpu.memory_space<vmem>> -> memref<125xi32, #tpu.memory_space<vmem>>
      %dma_start3A_899 = arith.constant 0 : i32
      %dma_start3A_900 = arith.constant 0 : i32
      %dma_start3A_901 = tpu.memref_slice %arg10[%dma_start3A_899, %dma_start3A_900] : memref<10000x16xf32, #tpu.memory_space<vmem_shared>> -> memref<10000x16xf32, #tpu.memory_space<vmem_shared>>
      tpu.enqueue_indirect_dma source(%dma_start3A_895 : memref<125x16xf32, #tpu.memory_space<vmem>>) target(%dma_start3A_901 : memref<10000x16xf32, #tpu.memory_space<vmem_shared>>) offsets(%dma_start3A_898 : memref<125xi32, #tpu.memory_space<vmem>>) semaphore(%arg12 : memref<!tpu.dma_semaphore, #tpu.memory_space<semaphore_mem>>) {add = true}
    }
    %scan3A_225 = arith.constant 5 : i32
    %dma_wait3A = arith.constant 0 : i32
    %dma_wait3A_226 = arith.constant 0 : i32
    %dma_wait3A_227 = arith.constant 0 : i32
    %dma_wait3A_228 = arith.constant 0 : i32
    %dma_wait3A_229 = arith.constant 0 : i32
    %dma_wait3A_230 = tpu.memref_slice %arg9[%dma_wait3A, %dma_wait3A_226, %dma_wait3A_228, %dma_wait3A_229] : memref<2x16x125x16xf32, #tpu.memory_space<vmem>> -> memref<1x1x125x16xf32, #tpu.memory_space<vmem>>
    %dma_wait3A_231 = tpu.memref_squeeze %dma_wait3A_230 : memref<1x1x125x16xf32, #tpu.memory_space<vmem>> -> memref<125x16xf32, #tpu.memory_space<vmem>>
    %dma_wait3A_232 = arith.constant 0 : i32
    %dma_wait3A_233 = tpu.memref_slice %arg7[%dma_wait3A_227, %dma_wait3A_232] : memref<80x125xi32, #tpu.memory_space<vmem>> -> memref<1x125xi32, #tpu.memory_space<vmem>>
    %dma_wait3A_234 = tpu.memref_squeeze %dma_wait3A_233 : memref<1x125xi32, #tpu.memory_space<vmem>> -> memref<125xi32, #tpu.memory_space<vmem>>
    %dma_wait3A_235 = arith.constant 0 : i32
    %dma_wait3A_236 = arith.constant 0 : i32
    %dma_wait3A_237 = tpu.memref_slice %arg10[%dma_wait3A_235, %dma_wait3A_236] : memref<10000x16xf32, #tpu.memory_space<vmem_shared>> -> memref<10000x16xf32, #tpu.memory_space<vmem_shared>>
    tpu.wait_indirect_dma semaphore(%arg12 : memref<!tpu.dma_semaphore, #tpu.memory_space<semaphore_mem>>) src(%dma_wait3A_231 : memref<125x16xf32, #tpu.memory_space<vmem>>) dst(%dma_wait3A_237 : memref<10000x16xf32, #tpu.memory_space<vmem_shared>>)
    %dma_wait3A_238 = arith.constant 0 : i32
    %dma_wait3A_239 = arith.constant 1 : i32
    %dma_wait3A_240 = arith.constant 0 : i32
    %dma_wait3A_241 = arith.constant 0 : i32
    %dma_wait3A_242 = arith.constant 0 : i32
    %dma_wait3A_243 = tpu.memref_slice %arg9[%dma_wait3A_238, %dma_wait3A_239, %dma_wait3A_241, %dma_wait3A_242] : memref<2x16x125x16xf32, #tpu.memory_space<vmem>> -> memref<1x1x125x16xf32, #tpu.memory_space<vmem>>
    %dma_wait3A_244 = tpu.memref_squeeze %dma_wait3A_243 : memref<1x1x125x16xf32, #tpu.memory_space<vmem>> -> memref<125x16xf32, #tpu.memory_space<vmem>>
    %dma_wait3A_245 = arith.constant 0 : i32
    %dma_wait3A_246 = tpu.memref_slice %arg7[%dma_wait3A_240, %dma_wait3A_245] : memref<80x125xi32, #tpu.memory_space<vmem>> -> memref<1x125xi32, #tpu.memory_space<vmem>>
    %dma_wait3A_247 = tpu.memref_squeeze %dma_wait3A_246 : memref<1x125xi32, #tpu.memory_space<vmem>> -> memref<125xi32, #tpu.memory_space<vmem>>
    %dma_wait3A_248 = arith.constant 0 : i32
    %dma_wait3A_249 = arith.constant 0 : i32
    %dma_wait3A_250 = tpu.memref_slice %arg10[%dma_wait3A_248, %dma_wait3A_249] : memref<10000x16xf32, #tpu.memory_space<vmem_shared>> -> memref<10000x16xf32, #tpu.memory_space<vmem_shared>>
    tpu.wait_indirect_dma semaphore(%arg12 : memref<!tpu.dma_semaphore, #tpu.memory_space<semaphore_mem>>) src(%dma_wait3A_244 : memref<125x16xf32, #tpu.memory_space<vmem>>) dst(%dma_wait3A_250 : memref<10000x16xf32, #tpu.memory_space<vmem_shared>>)
    %dma_wait3A_251 = arith.constant 0 : i32
    %dma_wait3A_252 = arith.constant 2 : i32
    %dma_wait3A_253 = arith.constant 0 : i32
    %dma_wait3A_254 = arith.constant 0 : i32
    %dma_wait3A_255 = arith.constant 0 : i32
    %dma_wait3A_256 = tpu.memref_slice %arg9[%dma_wait3A_251, %dma_wait3A_252, %dma_wait3A_254, %dma_wait3A_255] : memref<2x16x125x16xf32, #tpu.memory_space<vmem>> -> memref<1x1x125x16xf32, #tpu.memory_space<vmem>>
    %dma_wait3A_257 = tpu.memref_squeeze %dma_wait3A_256 : memref<1x1x125x16xf32, #tpu.memory_space<vmem>> -> memref<125x16xf32, #tpu.memory_space<vmem>>
    %dma_wait3A_258 = arith.constant 0 : i32
    %dma_wait3A_259 = tpu.memref_slice %arg7[%dma_wait3A_253, %dma_wait3A_258] : memref<80x125xi32, #tpu.memory_space<vmem>> -> memref<1x125xi32, #tpu.memory_space<vmem>>
    %dma_wait3A_260 = tpu.memref_squeeze %dma_wait3A_259 : memref<1x125xi32, #tpu.memory_space<vmem>> -> memref<125xi32, #tpu.memory_space<vmem>>
    %dma_wait3A_261 = arith.constant 0 : i32
    %dma_wait3A_262 = arith.constant 0 : i32
    %dma_wait3A_263 = tpu.memref_slice %arg10[%dma_wait3A_261, %dma_wait3A_262] : memref<10000x16xf32, #tpu.memory_space<vmem_shared>> -> memref<10000x16xf32, #tpu.memory_space<vmem_shared>>
    tpu.wait_indirect_dma semaphore(%arg12 : memref<!tpu.dma_semaphore, #tpu.memory_space<semaphore_mem>>) src(%dma_wait3A_257 : memref<125x16xf32, #tpu.memory_space<vmem>>) dst(%dma_wait3A_263 : memref<10000x16xf32, #tpu.memory_space<vmem_shared>>)
    %dma_wait3A_264 = arith.constant 0 : i32
    %dma_wait3A_265 = arith.constant 3 : i32
    %dma_wait3A_266 = arith.constant 0 : i32
    %dma_wait3A_267 = arith.constant 0 : i32
    %dma_wait3A_268 = arith.constant 0 : i32
    %dma_wait3A_269 = tpu.memref_slice %arg9[%dma_wait3A_264, %dma_wait3A_265, %dma_wait3A_267, %dma_wait3A_268] : memref<2x16x125x16xf32, #tpu.memory_space<vmem>> -> memref<1x1x125x16xf32, #tpu.memory_space<vmem>>
    %dma_wait3A_270 = tpu.memref_squeeze %dma_wait3A_269 : memref<1x1x125x16xf32, #tpu.memory_space<vmem>> -> memref<125x16xf32, #tpu.memory_space<vmem>>
    %dma_wait3A_271 = arith.constant 0 : i32
    %dma_wait3A_272 = tpu.memref_slice %arg7[%dma_wait3A_266, %dma_wait3A_271] : memref<80x125xi32, #tpu.memory_space<vmem>> -> memref<1x125xi32, #tpu.memory_space<vmem>>
    %dma_wait3A_273 = tpu.memref_squeeze %dma_wait3A_272 : memref<1x125xi32, #tpu.memory_space<vmem>> -> memref<125xi32, #tpu.memory_space<vmem>>
    %dma_wait3A_274 = arith.constant 0 : i32
    %dma_wait3A_275 = arith.constant 0 : i32
    %dma_wait3A_276 = tpu.memref_slice %arg10[%dma_wait3A_274, %dma_wait3A_275] : memref<10000x16xf32, #tpu.memory_space<vmem_shared>> -> memref<10000x16xf32, #tpu.memory_space<vmem_shared>>
    tpu.wait_indirect_dma semaphore(%arg12 : memref<!tpu.dma_semaphore, #tpu.memory_space<semaphore_mem>>) src(%dma_wait3A_270 : memref<125x16xf32, #tpu.memory_space<vmem>>) dst(%dma_wait3A_276 : memref<10000x16xf32, #tpu.memory_space<vmem_shared>>)
    %dma_wait3A_277 = arith.constant 0 : i32
    %dma_wait3A_278 = arith.constant 4 : i32
    %dma_wait3A_279 = arith.constant 0 : i32
    %dma_wait3A_280 = arith.constant 0 : i32
    %dma_wait3A_281 = arith.constant 0 : i32
    %dma_wait3A_282 = tpu.memref_slice %arg9[%dma_wait3A_277, %dma_wait3A_278, %dma_wait3A_280, %dma_wait3A_281] : memref<2x16x125x16xf32, #tpu.memory_space<vmem>> -> memref<1x1x125x16xf32, #tpu.memory_space<vmem>>
    %dma_wait3A_283 = tpu.memref_squeeze %dma_wait3A_282 : memref<1x1x125x16xf32, #tpu.memory_space<vmem>> -> memref<125x16xf32, #tpu.memory_space<vmem>>
    %dma_wait3A_284 = arith.constant 0 : i32
    %dma_wait3A_285 = tpu.memref_slice %arg7[%dma_wait3A_279, %dma_wait3A_284] : memref<80x125xi32, #tpu.memory_space<vmem>> -> memref<1x125xi32, #tpu.memory_space<vmem>>
    %dma_wait3A_286 = tpu.memref_squeeze %dma_wait3A_285 : memref<1x125xi32, #tpu.memory_space<vmem>> -> memref<125xi32, #tpu.memory_space<vmem>>
    %dma_wait3A_287 = arith.constant 0 : i32
    %dma_wait3A_288 = arith.constant 0 : i32
    %dma_wait3A_289 = tpu.memref_slice %arg10[%dma_wait3A_287, %dma_wait3A_288] : memref<10000x16xf32, #tpu.memory_space<vmem_shared>> -> memref<10000x16xf32, #tpu.memory_space<vmem_shared>>
    tpu.wait_indirect_dma semaphore(%arg12 : memref<!tpu.dma_semaphore, #tpu.memory_space<semaphore_mem>>) src(%dma_wait3A_283 : memref<125x16xf32, #tpu.memory_space<vmem>>) dst(%dma_wait3A_289 : memref<10000x16xf32, #tpu.memory_space<vmem_shared>>)
    %dma_wait3A_290 = arith.constant 0 : i32
    %dma_wait3A_291 = arith.constant 5 : i32
    %dma_wait3A_292 = arith.constant 0 : i32
    %dma_wait3A_293 = arith.constant 0 : i32
    %dma_wait3A_294 = arith.constant 0 : i32
    %dma_wait3A_295 = tpu.memref_slice %arg9[%dma_wait3A_290, %dma_wait3A_291, %dma_wait3A_293, %dma_wait3A_294] : memref<2x16x125x16xf32, #tpu.memory_space<vmem>> -> memref<1x1x125x16xf32, #tpu.memory_space<vmem>>
    %dma_wait3A_296 = tpu.memref_squeeze %dma_wait3A_295 : memref<1x1x125x16xf32, #tpu.memory_space<vmem>> -> memref<125x16xf32, #tpu.memory_space<vmem>>
    %dma_wait3A_297 = arith.constant 0 : i32
    %dma_wait3A_298 = tpu.memref_slice %arg7[%dma_wait3A_292, %dma_wait3A_297] : memref<80x125xi32, #tpu.memory_space<vmem>> -> memref<1x125xi32, #tpu.memory_space<vmem>>
    %dma_wait3A_299 = tpu.memref_squeeze %dma_wait3A_298 : memref<1x125xi32, #tpu.memory_space<vmem>> -> memref<125xi32, #tpu.memory_space<vmem>>
    %dma_wait3A_300 = arith.constant 0 : i32
    %dma_wait3A_301 = arith.constant 0 : i32
    %dma_wait3A_302 = tpu.memref_slice %arg10[%dma_wait3A_300, %dma_wait3A_301] : memref<10000x16xf32, #tpu.memory_space<vmem_shared>> -> memref<10000x16xf32, #tpu.memory_space<vmem_shared>>
    tpu.wait_indirect_dma semaphore(%arg12 : memref<!tpu.dma_semaphore, #tpu.memory_space<semaphore_mem>>) src(%dma_wait3A_296 : memref<125x16xf32, #tpu.memory_space<vmem>>) dst(%dma_wait3A_302 : memref<10000x16xf32, #tpu.memory_space<vmem_shared>>)
    %dma_wait3A_303 = arith.constant 0 : i32
    %dma_wait3A_304 = arith.constant 6 : i32
    %dma_wait3A_305 = arith.constant 0 : i32
    %dma_wait3A_306 = arith.constant 0 : i32
    %dma_wait3A_307 = arith.constant 0 : i32
    %dma_wait3A_308 = tpu.memref_slice %arg9[%dma_wait3A_303, %dma_wait3A_304, %dma_wait3A_306, %dma_wait3A_307] : memref<2x16x125x16xf32, #tpu.memory_space<vmem>> -> memref<1x1x125x16xf32, #tpu.memory_space<vmem>>
    %dma_wait3A_309 = tpu.memref_squeeze %dma_wait3A_308 : memref<1x1x125x16xf32, #tpu.memory_space<vmem>> -> memref<125x16xf32, #tpu.memory_space<vmem>>
    %dma_wait3A_310 = arith.constant 0 : i32
    %dma_wait3A_311 = tpu.memref_slice %arg7[%dma_wait3A_305, %dma_wait3A_310] : memref<80x125xi32, #tpu.memory_space<vmem>> -> memref<1x125xi32, #tpu.memory_space<vmem>>
    %dma_wait3A_312 = tpu.memref_squeeze %dma_wait3A_311 : memref<1x125xi32, #tpu.memory_space<vmem>> -> memref<125xi32, #tpu.memory_space<vmem>>
    %dma_wait3A_313 = arith.constant 0 : i32
    %dma_wait3A_314 = arith.constant 0 : i32
    %dma_wait3A_315 = tpu.memref_slice %arg10[%dma_wait3A_313, %dma_wait3A_314] : memref<10000x16xf32, #tpu.memory_space<vmem_shared>> -> memref<10000x16xf32, #tpu.memory_space<vmem_shared>>
    tpu.wait_indirect_dma semaphore(%arg12 : memref<!tpu.dma_semaphore, #tpu.memory_space<semaphore_mem>>) src(%dma_wait3A_309 : memref<125x16xf32, #tpu.memory_space<vmem>>) dst(%dma_wait3A_315 : memref<10000x16xf32, #tpu.memory_space<vmem_shared>>)
    %dma_wait3A_316 = arith.constant 0 : i32
    %dma_wait3A_317 = arith.constant 7 : i32
    %dma_wait3A_318 = arith.constant 0 : i32
    %dma_wait3A_319 = arith.constant 0 : i32
    %dma_wait3A_320 = arith.constant 0 : i32
    %dma_wait3A_321 = tpu.memref_slice %arg9[%dma_wait3A_316, %dma_wait3A_317, %dma_wait3A_319, %dma_wait3A_320] : memref<2x16x125x16xf32, #tpu.memory_space<vmem>> -> memref<1x1x125x16xf32, #tpu.memory_space<vmem>>
    %dma_wait3A_322 = tpu.memref_squeeze %dma_wait3A_321 : memref<1x1x125x16xf32, #tpu.memory_space<vmem>> -> memref<125x16xf32, #tpu.memory_space<vmem>>
    %dma_wait3A_323 = arith.constant 0 : i32
    %dma_wait3A_324 = tpu.memref_slice %arg7[%dma_wait3A_318, %dma_wait3A_323] : memref<80x125xi32, #tpu.memory_space<vmem>> -> memref<1x125xi32, #tpu.memory_space<vmem>>
    %dma_wait3A_325 = tpu.memref_squeeze %dma_wait3A_324 : memref<1x125xi32, #tpu.memory_space<vmem>> -> memref<125xi32, #tpu.memory_space<vmem>>
    %dma_wait3A_326 = arith.constant 0 : i32
    %dma_wait3A_327 = arith.constant 0 : i32
    %dma_wait3A_328 = tpu.memref_slice %arg10[%dma_wait3A_326, %dma_wait3A_327] : memref<10000x16xf32, #tpu.memory_space<vmem_shared>> -> memref<10000x16xf32, #tpu.memory_space<vmem_shared>>
    tpu.wait_indirect_dma semaphore(%arg12 : memref<!tpu.dma_semaphore, #tpu.memory_space<semaphore_mem>>) src(%dma_wait3A_322 : memref<125x16xf32, #tpu.memory_space<vmem>>) dst(%dma_wait3A_328 : memref<10000x16xf32, #tpu.memory_space<vmem_shared>>)
    %dma_wait3A_329 = arith.constant 0 : i32
    %dma_wait3A_330 = arith.constant 8 : i32
    %dma_wait3A_331 = arith.constant 0 : i32
    %dma_wait3A_332 = arith.constant 0 : i32
    %dma_wait3A_333 = arith.constant 0 : i32
    %dma_wait3A_334 = tpu.memref_slice %arg9[%dma_wait3A_329, %dma_wait3A_330, %dma_wait3A_332, %dma_wait3A_333] : memref<2x16x125x16xf32, #tpu.memory_space<vmem>> -> memref<1x1x125x16xf32, #tpu.memory_space<vmem>>
    %dma_wait3A_335 = tpu.memref_squeeze %dma_wait3A_334 : memref<1x1x125x16xf32, #tpu.memory_space<vmem>> -> memref<125x16xf32, #tpu.memory_space<vmem>>
    %dma_wait3A_336 = arith.constant 0 : i32
    %dma_wait3A_337 = tpu.memref_slice %arg7[%dma_wait3A_331, %dma_wait3A_336] : memref<80x125xi32, #tpu.memory_space<vmem>> -> memref<1x125xi32, #tpu.memory_space<vmem>>
    %dma_wait3A_338 = tpu.memref_squeeze %dma_wait3A_337 : memref<1x125xi32, #tpu.memory_space<vmem>> -> memref<125xi32, #tpu.memory_space<vmem>>
    %dma_wait3A_339 = arith.constant 0 : i32
    %dma_wait3A_340 = arith.constant 0 : i32
    %dma_wait3A_341 = tpu.memref_slice %arg10[%dma_wait3A_339, %dma_wait3A_340] : memref<10000x16xf32, #tpu.memory_space<vmem_shared>> -> memref<10000x16xf32, #tpu.memory_space<vmem_shared>>
    tpu.wait_indirect_dma semaphore(%arg12 : memref<!tpu.dma_semaphore, #tpu.memory_space<semaphore_mem>>) src(%dma_wait3A_335 : memref<125x16xf32, #tpu.memory_space<vmem>>) dst(%dma_wait3A_341 : memref<10000x16xf32, #tpu.memory_space<vmem_shared>>)
    %dma_wait3A_342 = arith.constant 0 : i32
    %dma_wait3A_343 = arith.constant 9 : i32
    %dma_wait3A_344 = arith.constant 0 : i32
    %dma_wait3A_345 = arith.constant 0 : i32
    %dma_wait3A_346 = arith.constant 0 : i32
    %dma_wait3A_347 = tpu.memref_slice %arg9[%dma_wait3A_342, %dma_wait3A_343, %dma_wait3A_345, %dma_wait3A_346] : memref<2x16x125x16xf32, #tpu.memory_space<vmem>> -> memref<1x1x125x16xf32, #tpu.memory_space<vmem>>
    %dma_wait3A_348 = tpu.memref_squeeze %dma_wait3A_347 : memref<1x1x125x16xf32, #tpu.memory_space<vmem>> -> memref<125x16xf32, #tpu.memory_space<vmem>>
    %dma_wait3A_349 = arith.constant 0 : i32
    %dma_wait3A_350 = tpu.memref_slice %arg7[%dma_wait3A_344, %dma_wait3A_349] : memref<80x125xi32, #tpu.memory_space<vmem>> -> memref<1x125xi32, #tpu.memory_space<vmem>>
    %dma_wait3A_351 = tpu.memref_squeeze %dma_wait3A_350 : memref<1x125xi32, #tpu.memory_space<vmem>> -> memref<125xi32, #tpu.memory_space<vmem>>
    %dma_wait3A_352 = arith.constant 0 : i32
    %dma_wait3A_353 = arith.constant 0 : i32
    %dma_wait3A_354 = tpu.memref_slice %arg10[%dma_wait3A_352, %dma_wait3A_353] : memref<10000x16xf32, #tpu.memory_space<vmem_shared>> -> memref<10000x16xf32, #tpu.memory_space<vmem_shared>>
    tpu.wait_indirect_dma semaphore(%arg12 : memref<!tpu.dma_semaphore, #tpu.memory_space<semaphore_mem>>) src(%dma_wait3A_348 : memref<125x16xf32, #tpu.memory_space<vmem>>) dst(%dma_wait3A_354 : memref<10000x16xf32, #tpu.memory_space<vmem_shared>>)
    %dma_wait3A_355 = arith.constant 0 : i32
    %dma_wait3A_356 = arith.constant 10 : i32
    %dma_wait3A_357 = arith.constant 0 : i32
    %dma_wait3A_358 = arith.constant 0 : i32
    %dma_wait3A_359 = arith.constant 0 : i32
    %dma_wait3A_360 = tpu.memref_slice %arg9[%dma_wait3A_355, %dma_wait3A_356, %dma_wait3A_358, %dma_wait3A_359] : memref<2x16x125x16xf32, #tpu.memory_space<vmem>> -> memref<1x1x125x16xf32, #tpu.memory_space<vmem>>
    %dma_wait3A_361 = tpu.memref_squeeze %dma_wait3A_360 : memref<1x1x125x16xf32, #tpu.memory_space<vmem>> -> memref<125x16xf32, #tpu.memory_space<vmem>>
    %dma_wait3A_362 = arith.constant 0 : i32
    %dma_wait3A_363 = tpu.memref_slice %arg7[%dma_wait3A_357, %dma_wait3A_362] : memref<80x125xi32, #tpu.memory_space<vmem>> -> memref<1x125xi32, #tpu.memory_space<vmem>>
    %dma_wait3A_364 = tpu.memref_squeeze %dma_wait3A_363 : memref<1x125xi32, #tpu.memory_space<vmem>> -> memref<125xi32, #tpu.memory_space<vmem>>
    %dma_wait3A_365 = arith.constant 0 : i32
    %dma_wait3A_366 = arith.constant 0 : i32
    %dma_wait3A_367 = tpu.memref_slice %arg10[%dma_wait3A_365, %dma_wait3A_366] : memref<10000x16xf32, #tpu.memory_space<vmem_shared>> -> memref<10000x16xf32, #tpu.memory_space<vmem_shared>>
    tpu.wait_indirect_dma semaphore(%arg12 : memref<!tpu.dma_semaphore, #tpu.memory_space<semaphore_mem>>) src(%dma_wait3A_361 : memref<125x16xf32, #tpu.memory_space<vmem>>) dst(%dma_wait3A_367 : memref<10000x16xf32, #tpu.memory_space<vmem_shared>>)
    %dma_wait3A_368 = arith.constant 0 : i32
    %dma_wait3A_369 = arith.constant 11 : i32
    %dma_wait3A_370 = arith.constant 0 : i32
    %dma_wait3A_371 = arith.constant 0 : i32
    %dma_wait3A_372 = arith.constant 0 : i32
    %dma_wait3A_373 = tpu.memref_slice %arg9[%dma_wait3A_368, %dma_wait3A_369, %dma_wait3A_371, %dma_wait3A_372] : memref<2x16x125x16xf32, #tpu.memory_space<vmem>> -> memref<1x1x125x16xf32, #tpu.memory_space<vmem>>
    %dma_wait3A_374 = tpu.memref_squeeze %dma_wait3A_373 : memref<1x1x125x16xf32, #tpu.memory_space<vmem>> -> memref<125x16xf32, #tpu.memory_space<vmem>>
    %dma_wait3A_375 = arith.constant 0 : i32
    %dma_wait3A_376 = tpu.memref_slice %arg7[%dma_wait3A_370, %dma_wait3A_375] : memref<80x125xi32, #tpu.memory_space<vmem>> -> memref<1x125xi32, #tpu.memory_space<vmem>>
    %dma_wait3A_377 = tpu.memref_squeeze %dma_wait3A_376 : memref<1x125xi32, #tpu.memory_space<vmem>> -> memref<125xi32, #tpu.memory_space<vmem>>
    %dma_wait3A_378 = arith.constant 0 : i32
    %dma_wait3A_379 = arith.constant 0 : i32
    %dma_wait3A_380 = tpu.memref_slice %arg10[%dma_wait3A_378, %dma_wait3A_379] : memref<10000x16xf32, #tpu.memory_space<vmem_shared>> -> memref<10000x16xf32, #tpu.memory_space<vmem_shared>>
    tpu.wait_indirect_dma semaphore(%arg12 : memref<!tpu.dma_semaphore, #tpu.memory_space<semaphore_mem>>) src(%dma_wait3A_374 : memref<125x16xf32, #tpu.memory_space<vmem>>) dst(%dma_wait3A_380 : memref<10000x16xf32, #tpu.memory_space<vmem_shared>>)
    %dma_wait3A_381 = arith.constant 0 : i32
    %dma_wait3A_382 = arith.constant 12 : i32
    %dma_wait3A_383 = arith.constant 0 : i32
    %dma_wait3A_384 = arith.constant 0 : i32
    %dma_wait3A_385 = arith.constant 0 : i32
    %dma_wait3A_386 = tpu.memref_slice %arg9[%dma_wait3A_381, %dma_wait3A_382, %dma_wait3A_384, %dma_wait3A_385] : memref<2x16x125x16xf32, #tpu.memory_space<vmem>> -> memref<1x1x125x16xf32, #tpu.memory_space<vmem>>
    %dma_wait3A_387 = tpu.memref_squeeze %dma_wait3A_386 : memref<1x1x125x16xf32, #tpu.memory_space<vmem>> -> memref<125x16xf32, #tpu.memory_space<vmem>>
    %dma_wait3A_388 = arith.constant 0 : i32
    %dma_wait3A_389 = tpu.memref_slice %arg7[%dma_wait3A_383, %dma_wait3A_388] : memref<80x125xi32, #tpu.memory_space<vmem>> -> memref<1x125xi32, #tpu.memory_space<vmem>>
    %dma_wait3A_390 = tpu.memref_squeeze %dma_wait3A_389 : memref<1x125xi32, #tpu.memory_space<vmem>> -> memref<125xi32, #tpu.memory_space<vmem>>
    %dma_wait3A_391 = arith.constant 0 : i32
    %dma_wait3A_392 = arith.constant 0 : i32
    %dma_wait3A_393 = tpu.memref_slice %arg10[%dma_wait3A_391, %dma_wait3A_392] : memref<10000x16xf32, #tpu.memory_space<vmem_shared>> -> memref<10000x16xf32, #tpu.memory_space<vmem_shared>>
    tpu.wait_indirect_dma semaphore(%arg12 : memref<!tpu.dma_semaphore, #tpu.memory_space<semaphore_mem>>) src(%dma_wait3A_387 : memref<125x16xf32, #tpu.memory_space<vmem>>) dst(%dma_wait3A_393 : memref<10000x16xf32, #tpu.memory_space<vmem_shared>>)
    %dma_wait3A_394 = arith.constant 0 : i32
    %dma_wait3A_395 = arith.constant 13 : i32
    %dma_wait3A_396 = arith.constant 0 : i32
    %dma_wait3A_397 = arith.constant 0 : i32
    %dma_wait3A_398 = arith.constant 0 : i32
    %dma_wait3A_399 = tpu.memref_slice %arg9[%dma_wait3A_394, %dma_wait3A_395, %dma_wait3A_397, %dma_wait3A_398] : memref<2x16x125x16xf32, #tpu.memory_space<vmem>> -> memref<1x1x125x16xf32, #tpu.memory_space<vmem>>
    %dma_wait3A_400 = tpu.memref_squeeze %dma_wait3A_399 : memref<1x1x125x16xf32, #tpu.memory_space<vmem>> -> memref<125x16xf32, #tpu.memory_space<vmem>>
    %dma_wait3A_401 = arith.constant 0 : i32
    %dma_wait3A_402 = tpu.memref_slice %arg7[%dma_wait3A_396, %dma_wait3A_401] : memref<80x125xi32, #tpu.memory_space<vmem>> -> memref<1x125xi32, #tpu.memory_space<vmem>>
    %dma_wait3A_403 = tpu.memref_squeeze %dma_wait3A_402 : memref<1x125xi32, #tpu.memory_space<vmem>> -> memref<125xi32, #tpu.memory_space<vmem>>
    %dma_wait3A_404 = arith.constant 0 : i32
    %dma_wait3A_405 = arith.constant 0 : i32
    %dma_wait3A_406 = tpu.memref_slice %arg10[%dma_wait3A_404, %dma_wait3A_405] : memref<10000x16xf32, #tpu.memory_space<vmem_shared>> -> memref<10000x16xf32, #tpu.memory_space<vmem_shared>>
    tpu.wait_indirect_dma semaphore(%arg12 : memref<!tpu.dma_semaphore, #tpu.memory_space<semaphore_mem>>) src(%dma_wait3A_400 : memref<125x16xf32, #tpu.memory_space<vmem>>) dst(%dma_wait3A_406 : memref<10000x16xf32, #tpu.memory_space<vmem_shared>>)
    %dma_wait3A_407 = arith.constant 0 : i32
    %dma_wait3A_408 = arith.constant 14 : i32
    %dma_wait3A_409 = arith.constant 0 : i32
    %dma_wait3A_410 = arith.constant 0 : i32
    %dma_wait3A_411 = arith.constant 0 : i32
    %dma_wait3A_412 = tpu.memref_slice %arg9[%dma_wait3A_407, %dma_wait3A_408, %dma_wait3A_410, %dma_wait3A_411] : memref<2x16x125x16xf32, #tpu.memory_space<vmem>> -> memref<1x1x125x16xf32, #tpu.memory_space<vmem>>
    %dma_wait3A_413 = tpu.memref_squeeze %dma_wait3A_412 : memref<1x1x125x16xf32, #tpu.memory_space<vmem>> -> memref<125x16xf32, #tpu.memory_space<vmem>>
    %dma_wait3A_414 = arith.constant 0 : i32
    %dma_wait3A_415 = tpu.memref_slice %arg7[%dma_wait3A_409, %dma_wait3A_414] : memref<80x125xi32, #tpu.memory_space<vmem>> -> memref<1x125xi32, #tpu.memory_space<vmem>>
    %dma_wait3A_416 = tpu.memref_squeeze %dma_wait3A_415 : memref<1x125xi32, #tpu.memory_space<vmem>> -> memref<125xi32, #tpu.memory_space<vmem>>
    %dma_wait3A_417 = arith.constant 0 : i32
    %dma_wait3A_418 = arith.constant 0 : i32
    %dma_wait3A_419 = tpu.memref_slice %arg10[%dma_wait3A_417, %dma_wait3A_418] : memref<10000x16xf32, #tpu.memory_space<vmem_shared>> -> memref<10000x16xf32, #tpu.memory_space<vmem_shared>>
    tpu.wait_indirect_dma semaphore(%arg12 : memref<!tpu.dma_semaphore, #tpu.memory_space<semaphore_mem>>) src(%dma_wait3A_413 : memref<125x16xf32, #tpu.memory_space<vmem>>) dst(%dma_wait3A_419 : memref<10000x16xf32, #tpu.memory_space<vmem_shared>>)
    %dma_wait3A_420 = arith.constant 0 : i32
    %dma_wait3A_421 = arith.constant 15 : i32
    %dma_wait3A_422 = arith.constant 0 : i32
    %dma_wait3A_423 = arith.constant 0 : i32
    %dma_wait3A_424 = arith.constant 0 : i32
    %dma_wait3A_425 = tpu.memref_slice %arg9[%dma_wait3A_420, %dma_wait3A_421, %dma_wait3A_423, %dma_wait3A_424] : memref<2x16x125x16xf32, #tpu.memory_space<vmem>> -> memref<1x1x125x16xf32, #tpu.memory_space<vmem>>
    %dma_wait3A_426 = tpu.memref_squeeze %dma_wait3A_425 : memref<1x1x125x16xf32, #tpu.memory_space<vmem>> -> memref<125x16xf32, #tpu.memory_space<vmem>>
    %dma_wait3A_427 = arith.constant 0 : i32
    %dma_wait3A_428 = tpu.memref_slice %arg7[%dma_wait3A_422, %dma_wait3A_427] : memref<80x125xi32, #tpu.memory_space<vmem>> -> memref<1x125xi32, #tpu.memory_space<vmem>>
    %dma_wait3A_429 = tpu.memref_squeeze %dma_wait3A_428 : memref<1x125xi32, #tpu.memory_space<vmem>> -> memref<125xi32, #tpu.memory_space<vmem>>
    %dma_wait3A_430 = arith.constant 0 : i32
    %dma_wait3A_431 = arith.constant 0 : i32
    %dma_wait3A_432 = tpu.memref_slice %arg10[%dma_wait3A_430, %dma_wait3A_431] : memref<10000x16xf32, #tpu.memory_space<vmem_shared>> -> memref<10000x16xf32, #tpu.memory_space<vmem_shared>>
    tpu.wait_indirect_dma semaphore(%arg12 : memref<!tpu.dma_semaphore, #tpu.memory_space<semaphore_mem>>) src(%dma_wait3A_426 : memref<125x16xf32, #tpu.memory_space<vmem>>) dst(%dma_wait3A_432 : memref<10000x16xf32, #tpu.memory_space<vmem_shared>>)
    %barrier3A_433 = arith.constant 0 : index
    tpu.barrier barrier_id(%barrier3A_433)
    %mul3A_434 = arith.constant 624 : i32
    %mul3A_435 = arith.muli %arg1, %mul3A_434 : i32
    %mul3A_436 = arith.constant 624 : i32
    %mul3A_437 = arith.muli %arg1, %mul3A_436 : i32
    "tpu.region"() ({
      %run_scoped3A = tpu.sem_alloc : memref<!tpu.dma_semaphore, #tpu.memory_space<semaphore_mem>>
      %dma_start3A_443 = arith.constant 0 : i32
      %dma_start3A_444 = tpu.memref_slice %arg6[%arg0, %mul3A_437, %dma_start3A_443] : memref<2x10000x16xf32, #tpu.memory_space<hbm>> -> memref<1x624x16xf32, #tpu.memory_space<hbm>>
      %dma_start3A_445 = tpu.memref_squeeze %dma_start3A_444 : memref<1x624x16xf32, #tpu.memory_space<hbm>> -> memref<624x16xf32, #tpu.memory_space<hbm>>
      %dma_start3A_446 = arith.constant 0 : i32
      %dma_start3A_447 = tpu.memref_slice %arg10[%mul3A_435, %dma_start3A_446] : memref<10000x16xf32, #tpu.memory_space<vmem_shared>> -> memref<624x16xf32, #tpu.memory_space<vmem_shared>>
      tpu.enqueue_dma source(%dma_start3A_447 : memref<624x16xf32, #tpu.memory_space<vmem_shared>>) target(%dma_start3A_445 : memref<624x16xf32, #tpu.memory_space<hbm>>) target_semaphore(%run_scoped3A : memref<!tpu.dma_semaphore, #tpu.memory_space<semaphore_mem>>)
      %dma_wait3A_448 = arith.constant 0 : i32
      %dma_wait3A_449 = tpu.memref_slice %arg6[%arg0, %mul3A_437, %dma_wait3A_448] : memref<2x10000x16xf32, #tpu.memory_space<hbm>> -> memref<1x624x16xf32, #tpu.memory_space<hbm>>
      %dma_wait3A_450 = tpu.memref_squeeze %dma_wait3A_449 : memref<1x624x16xf32, #tpu.memory_space<hbm>> -> memref<624x16xf32, #tpu.memory_space<hbm>>
      %dma_wait3A_451 = arith.constant 0 : i32
      %dma_wait3A_452 = tpu.memref_slice %arg10[%mul3A_435, %dma_wait3A_451] : memref<10000x16xf32, #tpu.memory_space<vmem_shared>> -> memref<624x16xf32, #tpu.memory_space<vmem_shared>>
      tpu.wait_dma2 semaphore(%run_scoped3A : memref<!tpu.dma_semaphore, #tpu.memory_space<semaphore_mem>>) src(%dma_wait3A_452 : memref<624x16xf32, #tpu.memory_space<vmem_shared>>) dst(%dma_wait3A_450 : memref<624x16xf32, #tpu.memory_space<hbm>>)
      tpu.yield
    }) : () -> ()
    %eq3A_438 = arith.constant 15 : i32
    %eq3A_439 = arith.cmpi eq, %arg1, %eq3A_438 : i32
    %convert_element_type3A_440 = arith.extui %eq3A_439 : i1 to i32
    %cond3A_441 = arith.constant 0 : i32
    %cond3A_442 = arith.cmpi ne, %convert_element_type3A_440, %cond3A_441 : i32
    scf.if %cond3A_442 {
      "tpu.region"() ({
        %run_scoped3A = tpu.sem_alloc : memref<!tpu.dma_semaphore, #tpu.memory_space<semaphore_mem>>
        %dma_start3A_443 = arith.constant 9984 : i32
        %dma_start3A_444 = arith.constant 0 : i32
        %dma_start3A_445 = tpu.memref_slice %arg6[%arg0, %dma_start3A_443, %dma_start3A_444] : memref<2x10000x16xf32, #tpu.memory_space<hbm>> -> memref<1x16x16xf32, #tpu.memory_space<hbm>>
        %dma_start3A_446 = tpu.memref_squeeze %dma_start3A_445 : memref<1x16x16xf32, #tpu.memory_space<hbm>> -> memref<16x16xf32, #tpu.memory_space<hbm>>
        %dma_start3A_447 = arith.constant 9984 : i32
        %dma_start3A_448 = arith.constant 0 : i32
        %dma_start3A_449 = tpu.memref_slice %arg10[%dma_start3A_447, %dma_start3A_448] : memref<10000x16xf32, #tpu.memory_space<vmem_shared>> -> memref<16x16xf32, #tpu.memory_space<vmem_shared>>
        tpu.enqueue_dma source(%dma_start3A_449 : memref<16x16xf32, #tpu.memory_space<vmem_shared>>) target(%dma_start3A_446 : memref<16x16xf32, #tpu.memory_space<hbm>>) target_semaphore(%run_scoped3A : memref<!tpu.dma_semaphore, #tpu.memory_space<semaphore_mem>>)
        %dma_wait3A_450 = arith.constant 9984 : i32
        %dma_wait3A_451 = arith.constant 0 : i32
        %dma_wait3A_452 = tpu.memref_slice %arg6[%arg0, %dma_wait3A_450, %dma_wait3A_451] : memref<2x10000x16xf32, #tpu.memory_space<hbm>> -> memref<1x16x16xf32, #tpu.memory_space<hbm>>
        %dma_wait3A_453 = tpu.memref_squeeze %dma_wait3A_452 : memref<1x16x16xf32, #tpu.memory_space<hbm>> -> memref<16x16xf32, #tpu.memory_space<hbm>>
        %dma_wait3A_454 = arith.constant 9984 : i32
        %dma_wait3A_455 = arith.constant 0 : i32
        %dma_wait3A_456 = tpu.memref_slice %arg10[%dma_wait3A_454, %dma_wait3A_455] : memref<10000x16xf32, #tpu.memory_space<vmem_shared>> -> memref<16x16xf32, #tpu.memory_space<vmem_shared>>
        tpu.wait_dma2 semaphore(%run_scoped3A : memref<!tpu.dma_semaphore, #tpu.memory_space<semaphore_mem>>) src(%dma_wait3A_456 : memref<16x16xf32, #tpu.memory_space<vmem_shared>>) dst(%dma_wait3A_453 : memref<16x16xf32, #tpu.memory_space<hbm>>)
        tpu.yield
      }) : () -> ()
    } else {
    }
    return
  }
}

module attributes {stable_mosaic.version = 14 : i64} {
  func.func @_tca_body(%arg0: memref<10000x128xf32, #tpu.memory_space<vmem>>, %arg1: memref<128x64xf32, #tpu.memory_space<vmem>>, %arg2: memref<10000x64xf32, #tpu.memory_space<vmem>>) attributes {dimension_semantics = [], scalar_prefetch = 0 : i64, scratch_operands = 0 : i64, tpu.core_type = #tpu.core_type<tc>} {
    %get3A = arith.constant 0 : index
    %get3A_0 = arith.constant 0 : index
    %get3A_1 = vector.load %arg0[%get3A, %get3A_0] : memref<10000x128xf32, #tpu.memory_space<vmem>>, vector<10000x128xf32>
    %get3A_2 = arith.constant 0 : index
    %get3A_3 = arith.constant 0 : index
    %get3A_4 = vector.load %arg1[%get3A_2, %get3A_3] : memref<128x64xf32, #tpu.memory_space<vmem>>, vector<128x64xf32>
    %dot_general3A = arith.constant dense<0.000000e+00> : vector<10000x64xf32>
    %dot_general3A_5 = tpu.matmul %get3A_1, %get3A_4, %dot_general3A {dimension_numbers = #tpu.dot_dimension_numbers<[1], [0], [0], [1], [0, 0, 1, 1], [], []>, transpose_lhs_hint = false} : vector<10000x128xf32>, vector<128x64xf32>, vector<10000x64xf32> -> vector<10000x64xf32>
    %swap3A = arith.constant 0 : index
    %swap3A_6 = arith.constant 0 : index
    %swap3A_7 = vector.load %arg2[%swap3A, %swap3A_6] : memref<10000x64xf32, #tpu.memory_space<vmem>>, vector<10000x64xf32>
    tpu.vector_store %arg2[%swap3A, %swap3A_6], %dot_general3A_5 {strides = array<i32>} : memref<10000x64xf32, #tpu.memory_space<vmem>>, vector<10000x64xf32>,
    return
  }
}

module attributes {stable_mosaic.version = 14 : i64} {
  func.func @_tc1_body(%arg0: memref<10000x64xf32, #tpu.memory_space<vmem>>, %arg1: memref<2x10000x16xf32, #tpu.memory_space<vmem>>, %arg2: memref<10000x1xi32, #tpu.memory_space<vmem>>, %arg3: memref<10000x64xf32, #tpu.memory_space<vmem>>, %arg4: memref<10000x64xf32, #tpu.memory_space<vmem>>, %arg5: memref<10000x16xf32, #tpu.memory_space<vmem>>, %arg6: memref<16x1xf32, #tpu.memory_space<vmem>>) attributes {dimension_semantics = [], scalar_prefetch = 0 : i64, scratch_operands = 0 : i64, tpu.core_type = #tpu.core_type<tc>} {
    %get3A = arith.constant 0 : index
    %get3A_0 = arith.constant 0 : index
    %get3A_1 = arith.constant 0 : index
    %get3A_2 = vector.load %arg1[%get3A, %get3A_0, %get3A_1] : memref<2x10000x16xf32, #tpu.memory_space<vmem>>, vector<1x10000x1xf32>
    %get3A_3 = vector.shape_cast %get3A_2 : vector<1x10000x1xf32> to vector<10000x1xf32>
    %get3A_4 = arith.constant 1 : index
    %get3A_5 = arith.constant 0 : index
    %get3A_6 = arith.constant 0 : index
    %get3A_7 = vector.load %arg1[%get3A_4, %get3A_5, %get3A_6] : memref<2x10000x16xf32, #tpu.memory_space<vmem>>, vector<1x10000x1xf32>
    %get3A_8 = vector.shape_cast %get3A_7 : vector<1x10000x1xf32> to vector<10000x1xf32>
    %add3A = arith.addf %get3A_3, %get3A_8 : vector<10000x1xf32>
    %add3A_9 = arith.constant 1.000000e+00 : f32
    %add3A_10 = vector.broadcast %add3A_9 : f32 to vector<10000x1xf32>
    %add3A_11 = arith.addf %add3A, %add3A_10 : vector<10000x1xf32>
    %rsqrt3A = math.rsqrt %add3A_11 : vector<10000x1xf32>
    %get3A_12 = arith.constant 0 : index
    %get3A_13 = arith.constant 0 : index
    %get3A_14 = vector.load %arg0[%get3A_12, %get3A_13] : memref<10000x64xf32, #tpu.memory_space<vmem>>, vector<10000x64xf32>
    %mul3A = vector.broadcast %rsqrt3A : vector<10000x1xf32> to vector<10000x64xf32>
    %mul3A_15 = arith.mulf %get3A_14, %mul3A : vector<10000x64xf32>
    %swap3A = arith.constant 0 : index
    %swap3A_16 = arith.constant 0 : index
    %swap3A_17 = vector.load %arg3[%swap3A, %swap3A_16] : memref<10000x64xf32, #tpu.memory_space<vmem>>, vector<10000x64xf32>
    tpu.vector_store %arg3[%swap3A, %swap3A_16], %mul3A_15 {strides = array<i32>} : memref<10000x64xf32, #tpu.memory_space<vmem>>, vector<10000x64xf32>,
    %broadcast_in_dim3A = vector.shape_cast %rsqrt3A : vector<10000x1xf32> to vector<10000x1xf32>
    %broadcast_in_dim3A_18 = vector.broadcast %broadcast_in_dim3A : vector<10000x1xf32> to vector<10000x64xf32>
    %swap3A_19 = arith.constant 0 : index
    %swap3A_20 = arith.constant 0 : index
    %swap3A_21 = vector.load %arg4[%swap3A_19, %swap3A_20] : memref<10000x64xf32, #tpu.memory_space<vmem>>, vector<10000x64xf32>
    tpu.vector_store %arg4[%swap3A_19, %swap3A_20], %broadcast_in_dim3A_18 {strides = array<i32>} : memref<10000x64xf32, #tpu.memory_space<vmem>>, vector<10000x64xf32>,
    %iota3A = tpu.iota {dimensions = array<i32: 1>} : vector<10000x16xi32>
    %get3A_22 = arith.constant 0 : index
    %get3A_23 = arith.constant 0 : index
    %get3A_24 = vector.load %arg2[%get3A_22, %get3A_23] : memref<10000x1xi32, #tpu.memory_space<vmem>>, vector<10000x1xi32>
    %eq3A = vector.broadcast %get3A_24 : vector<10000x1xi32> to vector<10000x16xi32>
    %eq3A_25 = arith.cmpi eq, %eq3A, %iota3A : vector<10000x16xi32>
    %convert_element_type3A = arith.extui %eq3A_25 : vector<10000x16xi1> to vector<10000x16xi32>
    %convert_element_type3A_26 = arith.sitofp %convert_element_type3A : vector<10000x16xi32> to vector<10000x16xf32>
    %mul3A_27 = vector.broadcast %rsqrt3A : vector<10000x1xf32> to vector<10000x16xf32>
    %mul3A_28 = arith.mulf %convert_element_type3A_26, %mul3A_27 : vector<10000x16xf32>
    %swap3A_29 = arith.constant 0 : index
    %swap3A_30 = arith.constant 0 : index
    %swap3A_31 = vector.load %arg5[%swap3A_29, %swap3A_30] : memref<10000x16xf32, #tpu.memory_space<vmem>>, vector<10000x16xf32>
    tpu.vector_store %arg5[%swap3A_29, %swap3A_30], %mul3A_28 {strides = array<i32>} : memref<10000x16xf32, #tpu.memory_space<vmem>>, vector<10000x16xf32>,
    %broadcast_in_dim3A_32 = arith.constant 1.000000e+00 : f32
    %broadcast_in_dim3A_33 = vector.broadcast %broadcast_in_dim3A_32 : f32 to vector<10000x1xf32>
    %dot_general3A = arith.constant dense<0.000000e+00> : vector<16x1xf32>
    %dot_general3A_34 = tpu.matmul %convert_element_type3A_26, %broadcast_in_dim3A_33, %dot_general3A {dimension_numbers = #tpu.dot_dimension_numbers<[0], [0], [1], [1], [0, 1, 1, 1], [], []>, transpose_lhs_hint = false} : vector<10000x16xf32>, vector<10000x1xf32>, vector<16x1xf32> -> vector<16x1xf32>
    %swap3A_35 = arith.constant 0 : index
    %swap3A_36 = arith.constant 0 : index
    %swap3A_37 = vector.load %arg6[%swap3A_35, %swap3A_36] : memref<16x1xf32, #tpu.memory_space<vmem>>, vector<16x1xf32>
    tpu.vector_store %arg6[%swap3A_35, %swap3A_36], %dot_general3A_34 {strides = array<i32>} : memref<16x1xf32, #tpu.memory_space<vmem>>, vector<16x1xf32>,
    return
  }
}

module attributes {stable_mosaic.version = 14 : i64} {
  func.func @_tc2_body(%arg0: memref<2x10000x64xf32, #tpu.memory_space<vmem>>, %arg1: memref<10000x64xf32, #tpu.memory_space<vmem>>, %arg2: memref<10000x64xf32, #tpu.memory_space<vmem>>, %arg3: memref<2x10000x16xf32, #tpu.memory_space<vmem>>, %arg4: memref<16x1xf32, #tpu.memory_space<vmem>>, %arg5: memref<16x2xf32, #tpu.memory_space<vmem>>, %arg6: memref<1x64xf32, #tpu.memory_space<vmem>>, %arg7: memref<64x32xf32, #tpu.memory_space<vmem>>, %arg8: memref<1x32xf32, #tpu.memory_space<vmem>>, %arg9: memref<34x64xf32, #tpu.memory_space<vmem>>, %arg10: memref<1x64xf32, #tpu.memory_space<vmem>>, %arg11: memref<64x1xf32, #tpu.memory_space<vmem>>, %arg12: memref<1x1xf32, #tpu.memory_space<vmem>>, %arg13: memref<16x1xf32, #tpu.memory_space<vmem>>) attributes {dimension_semantics = [], scalar_prefetch = 0 : i64, scratch_operands = 0 : i64, tpu.core_type = #tpu.core_type<tc>} {
    %get3A = arith.constant 0 : index
    %get3A_0 = arith.constant 0 : index
    %get3A_1 = arith.constant 0 : index
    %get3A_2 = vector.load %arg0[%get3A, %get3A_0, %get3A_1] : memref<2x10000x64xf32, #tpu.memory_space<vmem>>, vector<1x10000x64xf32>
    %get3A_3 = vector.shape_cast %get3A_2 : vector<1x10000x64xf32> to vector<10000x64xf32>
    %get3A_4 = arith.constant 1 : index
    %get3A_5 = arith.constant 0 : index
    %get3A_6 = arith.constant 0 : index
    %get3A_7 = vector.load %arg0[%get3A_4, %get3A_5, %get3A_6] : memref<2x10000x64xf32, #tpu.memory_space<vmem>>, vector<1x10000x64xf32>
    %get3A_8 = vector.shape_cast %get3A_7 : vector<1x10000x64xf32> to vector<10000x64xf32>
    %add3A = arith.addf %get3A_3, %get3A_8 : vector<10000x64xf32>
    %get3A_9 = arith.constant 0 : index
    %get3A_10 = arith.constant 0 : index
    %get3A_11 = vector.load %arg1[%get3A_9, %get3A_10] : memref<10000x64xf32, #tpu.memory_space<vmem>>, vector<10000x64xf32>
    %add3A_12 = arith.addf %add3A, %get3A_11 : vector<10000x64xf32>
    %get3A_13 = arith.constant 0 : index
    %get3A_14 = arith.constant 0 : index
    %get3A_15 = vector.load %arg2[%get3A_13, %get3A_14] : memref<10000x64xf32, #tpu.memory_space<vmem>>, vector<10000x64xf32>
    %mul3A = arith.mulf %get3A_15, %add3A_12 : vector<10000x64xf32>
    %get3A_16 = arith.constant 0 : index
    %get3A_17 = arith.constant 0 : index
    %get3A_18 = vector.load %arg6[%get3A_16, %get3A_17] : memref<1x64xf32, #tpu.memory_space<vmem>>, vector<1x64xf32>
    %add3A_19 = vector.broadcast %get3A_18 : vector<1x64xf32> to vector<10000x64xf32>
    %add3A_20 = arith.addf %mul3A, %add3A_19 : vector<10000x64xf32>
    %max3A = arith.constant 0.000000e+00 : f32
    %max3A_21 = vector.broadcast %max3A : f32 to vector<10000x64xf32>
    %max3A_22 = arith.maximumf %add3A_20, %max3A_21 : vector<10000x64xf32>
    %get3A_23 = arith.constant 0 : index
    %get3A_24 = arith.constant 0 : index
    %get3A_25 = vector.load %arg7[%get3A_23, %get3A_24] : memref<64x32xf32, #tpu.memory_space<vmem>>, vector<64x32xf32>
    %dot_general3A = arith.constant dense<0.000000e+00> : vector<10000x32xf32>
    %dot_general3A_26 = tpu.matmul %max3A_22, %get3A_25, %dot_general3A {dimension_numbers = #tpu.dot_dimension_numbers<[1], [0], [0], [1], [0, 0, 1, 1], [], []>, transpose_lhs_hint = false} : vector<10000x64xf32>, vector<64x32xf32>, vector<10000x32xf32> -> vector<10000x32xf32>
    %get3A_27 = arith.constant 0 : index
    %get3A_28 = arith.constant 0 : index
    %get3A_29 = vector.load %arg2[%get3A_27, %get3A_28] : memref<10000x64xf32, #tpu.memory_space<vmem>>, vector<10000x32xf32>
    %mul3A_30 = arith.mulf %dot_general3A_26, %get3A_29 : vector<10000x32xf32>
    %get3A_31 = arith.constant 0 : index
    %get3A_32 = arith.constant 0 : index
    %get3A_33 = arith.constant 0 : index
    %get3A_34 = vector.load %arg3[%get3A_31, %get3A_32, %get3A_33] : memref<2x10000x16xf32, #tpu.memory_space<vmem>>, vector<1x10000x16xf32>
    %get3A_35 = vector.shape_cast %get3A_34 : vector<1x10000x16xf32> to vector<10000x16xf32>
    %get3A_36 = arith.constant 1 : index
    %get3A_37 = arith.constant 0 : index
    %get3A_38 = arith.constant 0 : index
    %get3A_39 = vector.load %arg3[%get3A_36, %get3A_37, %get3A_38] : memref<2x10000x16xf32, #tpu.memory_space<vmem>>, vector<1x10000x16xf32>
    %get3A_40 = vector.shape_cast %get3A_39 : vector<1x10000x16xf32> to vector<10000x16xf32>
    %add3A_41 = arith.addf %get3A_35, %get3A_40 : vector<10000x16xf32>
    %dot_general3A_42 = arith.constant dense<0.000000e+00> : vector<16x32xf32>
    %dot_general3A_43 = tpu.matmul %add3A_41, %mul3A_30, %dot_general3A_42 {dimension_numbers = #tpu.dot_dimension_numbers<[0], [0], [1], [1], [0, 1, 1, 1], [], []>, transpose_lhs_hint = false} : vector<10000x16xf32>, vector<10000x32xf32>, vector<16x32xf32> -> vector<16x32xf32>
    %get3A_44 = arith.constant 0 : index
    %get3A_45 = arith.constant 0 : index
    %get3A_46 = vector.load %arg4[%get3A_44, %get3A_45] : memref<16x1xf32, #tpu.memory_space<vmem>>, vector<16x1xf32>
    %get3A_47 = arith.constant 0 : index
    %get3A_48 = arith.constant 0 : index
    %get3A_49 = vector.load %arg8[%get3A_47, %get3A_48] : memref<1x32xf32, #tpu.memory_space<vmem>>, vector<1x32xf32>
    %mul3A_50 = vector.broadcast %get3A_46 : vector<16x1xf32> to vector<16x32xf32>
    %mul3A_51 = vector.broadcast %get3A_49 : vector<1x32xf32> to vector<16x32xf32>
    %mul3A_52 = arith.mulf %mul3A_50, %mul3A_51 : vector<16x32xf32>
    %add3A_53 = arith.addf %dot_general3A_43, %mul3A_52 : vector<16x32xf32>
    %max3A_54 = arith.constant 1.000000e+00 : f32
    %max3A_55 = vector.broadcast %max3A_54 : f32 to vector<16x1xf32>
    %max3A_56 = arith.maximumf %get3A_46, %max3A_55 : vector<16x1xf32>
    %div3A = vector.broadcast %max3A_56 : vector<16x1xf32> to vector<16x32xf32>
    %div3A_57 = arith.divf %add3A_53, %div3A : vector<16x32xf32>
    %get3A_58 = arith.constant 0 : index
    %get3A_59 = arith.constant 0 : index
    %get3A_60 = vector.load %arg5[%get3A_58, %get3A_59] : memref<16x2xf32, #tpu.memory_space<vmem>>, vector<16x2xf32>
    %concatenate3A = tpu.concatenate %div3A_57, %get3A_60 in 1 : vector<16x32xf32>, vector<16x2xf32> -> vector<16x34xf32>
    %get3A_61 = arith.constant 0 : index
    %get3A_62 = arith.constant 0 : index
    %get3A_63 = vector.load %arg9[%get3A_61, %get3A_62] : memref<34x64xf32, #tpu.memory_space<vmem>>, vector<34x64xf32>
    %dot_general3A_64 = arith.constant dense<0.000000e+00> : vector<16x64xf32>
    %dot_general3A_65 = tpu.matmul %concatenate3A, %get3A_63, %dot_general3A_64 {dimension_numbers = #tpu.dot_dimension_numbers<[1], [0], [0], [1], [0, 0, 1, 1], [], []>, transpose_lhs_hint = false} : vector<16x34xf32>, vector<34x64xf32>, vector<16x64xf32> -> vector<16x64xf32>
    %get3A_66 = arith.constant 0 : index
    %get3A_67 = arith.constant 0 : index
    %get3A_68 = vector.load %arg10[%get3A_66, %get3A_67] : memref<1x64xf32, #tpu.memory_space<vmem>>, vector<1x64xf32>
    %add3A_69 = vector.broadcast %get3A_68 : vector<1x64xf32> to vector<16x64xf32>
    %add3A_70 = arith.addf %dot_general3A_65, %add3A_69 : vector<16x64xf32>
    %max3A_71 = arith.constant 0.000000e+00 : f32
    %max3A_72 = vector.broadcast %max3A_71 : f32 to vector<16x64xf32>
    %max3A_73 = arith.maximumf %add3A_70, %max3A_72 : vector<16x64xf32>
    %get3A_74 = arith.constant 0 : index
    %get3A_75 = arith.constant 0 : index
    %get3A_76 = vector.load %arg11[%get3A_74, %get3A_75] : memref<64x1xf32, #tpu.memory_space<vmem>>, vector<64x1xf32>
    %dot_general3A_77 = arith.constant dense<0.000000e+00> : vector<16x1xf32>
    %dot_general3A_78 = tpu.matmul %max3A_73, %get3A_76, %dot_general3A_77 {dimension_numbers = #tpu.dot_dimension_numbers<[1], [0], [0], [1], [0, 0, 1, 1], [], []>, transpose_lhs_hint = false} : vector<16x64xf32>, vector<64x1xf32>, vector<16x1xf32> -> vector<16x1xf32>
    %get3A_79 = arith.constant 0 : index
    %get3A_80 = arith.constant 0 : index
    %get3A_81 = vector.load %arg12[%get3A_79, %get3A_80] : memref<1x1xf32, #tpu.memory_space<vmem>>, vector<1x1xf32>
    %add3A_82 = vector.broadcast %get3A_81 : vector<1x1xf32> to vector<16x1xf32>
    %add3A_83 = arith.addf %dot_general3A_78, %add3A_82 : vector<16x1xf32>
    %neg3A = arith.constant 0.000000e+00 : f32
    %neg3A_84 = vector.broadcast %neg3A : f32 to vector<16x1xf32>
    %neg3A_85 = arith.subf %neg3A_84, %add3A_83 : vector<16x1xf32>
    %exp3A = math.exp %neg3A_85 : vector<16x1xf32>
    %add3A_86 = arith.constant 1.000000e+00 : f32
    %add3A_87 = vector.broadcast %add3A_86 : f32 to vector<16x1xf32>
    %add3A_88 = arith.addf %add3A_87, %exp3A : vector<16x1xf32>
    %div3A_89 = arith.constant 1.000000e+00 : f32
    %div3A_90 = vector.broadcast %div3A_89 : f32 to vector<16x1xf32>
    %div3A_91 = arith.divf %div3A_90, %add3A_88 : vector<16x1xf32>
    %swap3A = arith.constant 0 : index
    %swap3A_92 = arith.constant 0 : index
    %swap3A_93 = vector.load %arg13[%swap3A, %swap3A_92] : memref<16x1xf32, #tpu.memory_space<vmem>>, vector<16x1xf32>
    tpu.vector_store %arg13[%swap3A, %swap3A_92], %div3A_91 {strides = array<i32>} : memref<16x1xf32, #tpu.memory_space<vmem>>, vector<16x1xf32>,
    return
  }
}

</mosaic_0001>

<sc_bundles>
// kernel: kernel.11.cloned.1.call-start
scs
__scs_entry_jumppad:
0x0: {  	(pc) =	sbr.rel $0x88, $3  }
0x1: {  	(tag) =	ssettag $0x0;
	lr =	simm.s32 $0x1  }
0x2: {  	[smem:$0x3F95] =	sst lr;
	_ =	strace $0xD0000000  }
0x3: {  	_ = 	snop  }
0x4: {  	_ = 	snop  }
0x5: {  	_ = 	snop  }
0x6: {  	_ = 	snop  }
0x7: {  	_ = 	snop  }
__scs_overlays_trampoline_lowered:
0x8: {  	[smem:$0x3FA4] =	sst s0  }
0x9: {  	[smem:$0x3FA5] =	sst s1  }
0xa: {  	[smem:$0x3FA6] =	sst s2  }
0xb: {  	[smem:$0x3FA7] =	sst s3  }
0xc: {  	[smem:$0x3FA8] =	sst s4  }
0xd: {  	[smem:$0x3FA9] =	sst s5  }
0xe: {  	[smem:$0x3FAA] =	sst s6  }
0xf: {  	[smem:$0x3FAB] =	sst s7  }
0x10: {  	[smem:$0x3FAC] =	sst s8  }
0x11: {  	[smem:$0x3FAD] =	sst s9;
	s0 =	simm.s32 @!p0 $0x0  }
0x12: {  	s1 =	sld [smem:$0x3F93];
	s0 =	simm.s32 @p0 $0x1  }
0x13: {  	[smem:$0x3FAE] =	sst s0;
	s0 =	simm.s32 @!p1 $0x0  }
0x14: {  	s2 =	sld [smem:$0x3F92];
	s0 =	simm.s32 @p1 $0x1  }
0x15: {  	[smem:$0x3FAF] =	sst s0;
	s0 =	simm.s32 @!p2 $0x0  }
0x16: {  	s3 =	sld [smem:$0x3FDB];
	s0 =	simm.s32 @p2 $0x1  }
0x17: {  	s4 =	simm.s32 $0x1BF5;
	[smem:$0x3FB1] =	sst s0  }
0x18: {  	s0 =	sld [smem:$0x3F94];
	_ =	swait.ge [sflag:s4], $0x0  }
0x19: {  	s7 =	sld [smem:$0x3F95]  }
0x1a: {  	s8 =	sadd.s32 $0xFFFFE003, lr  }
0x1b: {  	s9 =	sadd.s32 $0xFFFFFEF7, lr;
	s5 =	simm.s32 $0xFFFFFFFF;
	p2 =	slt.u32 s8, $0xFFFFF086  }
0x1c: {  	p1 =	slt.u32 s9, $0xF7A;
	s5 =	simm.s32 @!p2 $0x0  }
0x1d: {  	s5 =	simm.s32 @p1 $0x1;
	p0 =	seq.s32 s7, s2  }
0x1e: {  	s7 =	smul.u32 @!p0 $0xF7A, s2;
	p2 =	seq.s32 @!p0 s5, $0x0  }
0x1f: {  	s9 =	smul.u32 $0xF7A, s1;
	s8 =	simm.s32 @!p0 $0x1BF5;
	p2 =	por !p2, p0  }
0x20: {  	[sflag:s8] =	ssyncset.s32 @!p0 $0xFFFFF086;
	s6 =	sadd.s32 @!p0 s3, s7;
	s7 =	simm.s32 @!p0 $0x108  }
0x21: {  	s3 =	sadd.s32 s3, s9;
	s6 =	sadd.s32 @!p0 $0x88, s6;
	s7 =	simm.s32 @p2 $0x1082  }
0x22: {  	[simem:s7], [sflag:s8] =	dma.local @!p0 [hbm:s6], $0xF7A  }
0x23: {  	s9 =	sor.u32 $0xD0000000, s2;
	s6 =	simm.s32 $0x108;
	_ =	swait.ge @!p0 [sflag:s8], $0x0  }
0x24: {  	s3 =	sadd.s32 $0x88, s3;
	s6 =	simm.s32 @!p1 $0x1082;
	[sflag:s4] =	ssyncset.s32 $0xFFFFF086  }
0x25: {  	[simem:s6], [sflag:s4] =	dma.local [hbm:s3], $0xF7A  }
0x26: {  	[smem:$0x3F95] =	sst s1;
	(tag) =	ssettag s2;
	_ =	strace s9  }
0x27: {  	s1 =	sld [smem:$0x3FA5]  }
0x28: {  	s2 =	sld [smem:$0x3FA6]  }
0x29: {  	s4 =	sld [smem:$0x3FA8]  }
0x2a: {  	p0 =	seq.s32 s5, $0x0;
	s5 =	sld [smem:$0x3FA9]  }
0x2b: {  	s6 =	sld [smem:$0x3FAA]  }
0x2c: {  	s7 =	sld [smem:$0x3FAB]  }
0x2d: {  	s3 =	simm.s32 $0x108;
	s8 =	sld [smem:$0x3FAC]  }
0x2e: {  	s3 =	simm.s32 @!p0 $0x1082;
	s9 =	sld [smem:$0x3FAD]  }
0x2f: {  	lr =	sadd.s32 s0, s3;
	s0 =	sld [smem:$0x3FA4]  }
0x30: {  	s3 =	sld [smem:$0x3FA7]  }
0x31: {  	[smem:$0x3FB0] =	sst s10  }
0x32: {  	s10 =	sld [smem:$0x3FAE];
	_ =	sdelay $0x3  }
0x33: {  	p0 =	seq.s32 s10, $0x1;
	s10 =	sld [smem:$0x3FB0];
	_ =	sdelay $0x3  }
0x34: {  	[smem:$0x3FB0] =	sst s10  }
0x35: {  	s10 =	sld [smem:$0x3FAF];
	_ =	sdelay $0x3  }
0x36: {  	p1 =	seq.s32 s10, $0x1;
	s10 =	sld [smem:$0x3FB0];
	_ =	sdelay $0x3  }
0x37: {  	[smem:$0x3FB0] =	sst s10  }
0x38: {  	s10 =	sld [smem:$0x3FB1]  }
0x39: {  	_ = 	snop;
	(pc) =	sbr.ind lr, $3  }
0x3a: {  	_ = 	snop  }
0x3b: {  	_ = 	snop  }
0x3c: {  	p2 =	seq.s32 s10, $0x1;
	s10 =	sld [smem:$0x3FB0]  }
0x3d: {  	_ =	shalt  }
0x3e: {  	_ =	shalt  }
0x3f: {  	_ =	shalt  }
0x40: {  	_ =	shalt  }
0x41: {  	_ =	shalt  }
0x42: {  	_ =	shalt  }
0x43: {  	_ =	shalt  }
0x44: {  	_ =	shalt  }
0x45: {  	_ =	shalt  }
0x46: {  	_ =	shalt  }
0x47: {  	_ =	shalt  }
0x48: {  	_ =	shalt  }
0x49: {  	_ =	shalt  }
0x4a: {  	_ =	shalt  }
0x4b: {  	_ =	shalt  }
0x4c: {  	_ =	shalt  }
0x4d: {  	_ =	shalt  }
0x4e: {  	_ =	shalt  }
0x4f: {  	_ =	shalt  }
0x50: {  	_ =	shalt  }
0x51: {  	_ =	shalt  }
0x52: {  	_ =	shalt  }
0x53: {  	_ =	shalt  }
0x54: {  	_ =	shalt  }
0x55: {  	_ =	shalt  }
0x56: {  	_ =	shalt  }
0x57: {  	_ =	shalt  }
0x58: {  	_ =	shalt  }
0x59: {  	_ =	shalt  }
0x5a: {  	_ =	shalt  }
0x5b: {  	_ =	shalt  }
0x5c: {  	_ =	shalt  }
0x5d: {  	_ =	shalt  }
0x5e: {  	_ =	shalt  }
0x5f: {  	_ =	shalt  }
0x60: {  	_ =	shalt  }
0x61: {  	_ =	shalt  }
0x62: {  	_ =	shalt  }
0x63: {  	_ =	shalt  }
0x64: {  	_ =	shalt  }
0x65: {  	_ =	shalt  }
0x66: {  	_ =	shalt  }
0x67: {  	_ =	shalt  }
0x68: {  	_ =	shalt  }
0x69: {  	_ =	shalt  }
0x6a: {  	_ =	shalt  }
0x6b: {  	_ =	shalt  }
0x6c: {  	_ =	shalt  }
0x6d: {  	_ =	shalt  }
0x6e: {  	_ =	shalt  }
0x6f: {  	_ =	shalt  }
0x70: {  	_ =	shalt  }
0x71: {  	_ =	shalt  }
0x72: {  	_ =	shalt  }
0x73: {  	_ =	shalt  }
0x74: {  	_ =	shalt  }
0x75: {  	_ =	shalt  }
0x76: {  	_ =	shalt  }
0x77: {  	_ =	shalt  }
0x78: {  	_ =	shalt  }
0x79: {  	_ =	shalt  }
0x7a: {  	_ =	shalt  }
0x7b: {  	_ =	shalt  }
0x7c: {  	_ =	shalt  }
0x7d: {  	_ =	shalt  }
0x7e: {  	_ =	shalt  }
0x7f: {  	_ =	shalt  }
0x80: {  	_ =	shalt  }
0x81: {  	_ =	shalt  }
0x82: {  	_ =	shalt  }
0x83: {  	_ =	shalt  }
0x84: {  	_ =	shalt  }
0x85: {  	_ =	shalt  }
0x86: {  	_ =	shalt  }
0x87: {  	_ =	shalt  }
.Lfunc_end0:
.L_simem_size_0:
called_computation.1_lowered:
.L_overlay_start_0:
0x88: {  	s2 =	sld [smem:$0x3FD9]  }
0x89: {  	s3 =	sld [smem:$0x3FFE];
	_ =	sdelay $0x1  }
0x8a: {  	s1 =	srdreg.scid  }
0x8b: {  	s0 =	sand.u32 $0x1, s1  }
0x8c: {  	s17 =	sshll.u32 s0, $0xA;
	s2 =	sadd.s32 s3, s2  }
0x8d: {  	s2 =	sadd.s32 s2, s17  }
0x8e: {  	[smem:$0x3FBC] =	sst s2  }
0x8f: {  	_ = 	snop  }
0x90: {  	(tm) =	ssettm $0x1  }
0x91: {  	s18 =	sld [smem:$0x3FFB];
	_ =	sdelay $0x3  }
0x92: {  	_ =	strace s18  }
0x93: {  	s2 =	sld [smem:$0x3FFC];
	_ =	sdelay $0x3  }
0x94: {  	_ =	strace s2  }
0x95: {  	s2 =	sld [smem:$0x3FFD];
	_ =	sdelay $0x3  }
0x96: {  	_ =	strace s2  }
0x97: {  	_ =	strace $0x8FFFFFFF  }
0x98: {  	s19 =	sld [smem:$0x3FDB];
	_ =	sdelay $0x1  }
0x99: {  	s20 =	simm.s32 $_scs_section_size  }
0x9a: {  	s4 =	simm.s32 $_size__tile_overlayer_lowered;
	s5 =	simm.s32 $_tile_overlayer_lowered  }
0x9b: {  	s6 =	simm.s32 $0x1BFF;
	s21 =	sshll.u32 s5, $0x1;
	s3 =	sadd.s32 s20, s19  }
0x9c: {  	s22 =	simm.s32 $0x0;
	s4 =	sshll.u32 s4, $0x1;
	s5 =	sadd.s32 s21, s3  }
0x9d: {  	[timem:s22], [sflag:s6] =	dma.local [hbm:s5], s4  }
0x9e: {  	_ =	swait.ge [sflag:s6], s4  }
0x9f: {  	s4 =	ssub.s32 $0x0, s4;
	[sflag:s6] =	ssyncset.done $0x0  }
0xa0: {  	[sflag:s6] =	ssyncadd.s32 s4;
	_ =	sdelay $0x1  }
0xa1: {  	s23 =	simm.s32 $0x1B8B  }
0xa2: {  	_ =	swait.ge [sflag:s23], $0x1  }
0xa3: {  	[sflag:s23] =	ssyncset.done $0x0  }
0xa4: {  	[sflag:s23] =	ssyncadd.s32 $0xFFFFFFFF  }
0xa5: {  	s4 =	sld [smem:$0x0]  }
0xa6: {  	s5 =	sand.u32 $0xFFFFFFFE, s1  }
0xa7: {  	p0 =	sne.s32 s1, s5  }
0xa8: {  	s5 =	sshll.u32 @p0 s5, $0xE  }
0xa9: {  	s5 =	sadd.s32 @p0 $0x11B8D, s5;
	s6 =	sshll.u32 @p0 s4, $0x11  }
0xaa: {  	s5 =	sor.u32 @p0 s6, s5  }
0xab: {  	[sflag:s5] =	ssyncadd.remote.s32 @p0 $0x1;
	_ =	sdelay $0x1  }
0xac: {  	s5 =	simm.s32 @p0 $0x1B8D  }
0xad: {  	_ =	swait.eq @p0 [sflag:s5], $0x1  }
0xae: {  	[sflag:s5] =	ssyncadd.s32 @p0 $0xFFFFFFFF  }
0xaf: {  	s6 =	sshll.u32 @!p0 s1, $0xE  }
0xb0: {  	s6 =	sor.u32 @!p0 $0x4000, s6;
	s5 =	simm.s32 @!p0 $0x1B8D  }
0xb1: {  	s4 =	sshll.u32 @!p0 s4, $0x11;
	s6 =	sadd.s32 @!p0 $0x11B8D, s6;
	_ =	swait.eq @!p0 [sflag:s5], $0x1  }
0xb2: {  	s4 =	sor.u32 @!p0 s4, s6;
	[sflag:s5] =	ssyncadd.s32 @!p0 $0xFFFFFFFF  }
0xb3: {  	s25 =	simm.s32 $0x1B8E;
	s24 =	sld [smem:$0x3FFE];
	[sflag:s4] =	ssyncadd.remote.s32 @!p0 $0x1  }
0xb4: {  	s26 =	simm.s32 $execute0_lowered;
	[smem:$0x3FD2] =	sst s25  }
0xb5: {  	s5 =	sshll.u32 s26, $0x1;
	_ =	strace $0x8000004C;
	[dreg:$0x1] =	wrdreg $0xFFFFFFFF  }
0xb6: {  	s28 =	simm.s32 $_size_execute0_lowered;
	s3 =	sadd.s32 s3, s5;
	[dreg:$0x0] =	wrdreg $0x0  }
0xb7: {  	s5 =	sshll.u32 s28, $0x1;
	[dreg:$0x2] =	wrdreg s3  }
0xb8: {  	[dreg:$0x3] =	wrdreg s5  }
0xb9: {  	[dreg:$0x4] =	wrdreg $0xC0  }
0xba: {  	_ =	task [dreg:s22], $0x5FFFF  }
0xbb: {  	[dreg:$0x1] =	wrdreg $0xFFFFFFFF  }
0xbc: {  	[dreg:$0x0] =	wrdreg $0x60  }
0xbd: {  	[dreg:$0x2] =	wrdreg s24  }
0xbe: {  	[dreg:$0x3] =	wrdreg $0x14A000  }
0xbf: {  	[dreg:$0x4] =	wrdreg $0x9  }
0xc0: {  	_ =	task.clear_ibuf [dreg:s22], $0x5FFFF;
	_ =	strace $0x9000004C  }
0xc1: {  	s29 =	simm.s32 $0x9;
	_ =	strace $0x8000004E  }
0xc2: {  	_ =	swait.ge [sflag:s29], $0x1  }
0xc3: {  	[sflag:s29] =	ssyncadd.s32 $0xFFFFFFFF  }
0xc4: {  	_ =	strace $0x9000004E  }
0xc5: {  	_ =	sfence  }
0xc6: {  	s30 =	sld [smem:$0x0];
	_ =	sdelay $0x2  }
0xc7: {  	s31 =	sshll.u32 s1, $0xD;
	s1 =	sshrl.u32 s1, $0x2  }
0xc8: {  	s4 =	sand.u32 $0x4000, s31;
	s1 =	sadd.s32 s1, s30  }
0xc9: {  	s0 =	sor.u32 s4, s0;
	s1 =	sshll.u32 s1, $0x11  }
0xca: {  	s0 =	sor.u32 s1, s0  }
0xcb: {  	s0 =	sadd.s32 $0x8F2B, s0  }
0xcc: {  	[sflag:s0] =	ssyncadd.remote.s32 $0x1  }
0xcd: {  	_ =	sfence.sel $0xFFFF  }
0xce: {  	[dreg:$0x0] =	wrdreg $0xFFFFFFFF;
	(pc) =	sbr.abs _section_cstart, $3  }
0xcf: {  	[dreg:$0x1] =	wrdreg $0xFFFFFFFF  }
0xd0: {  	_ =	task.clear_ibuf [dreg:s22], $0x2FFFF;
	_ =	strace $0x9FFFFFFF  }
0xd1: {  	(tm) =	ssettm $0x7FFFFFFF  }
tec
execute0_lowered:
.L_overlay_start_1:
0x0: {  	(tag) =	ssettag $0x1  }
0x1: {  	s0 =	srdreg.scid;
	s1 =	rddreg [dreg:$0x0]  }
0x2: {  	s12 =	stileid.u32;
	s2 =	rddreg [dreg:$0x1]  }
0x3: {  	s11 =	simm.s32 $0x3;
	s16 =	simm.s32 $0x7D;
	s17 =	simm.s32 $0x5000  }
0x4: {  	s19 =	simm.s32 $0x6F40;
	s21 =	simm.s32 $0x8E80;
	s23 =	simm.s32 $0xADC0  }
0x5: {  	s25 =	simm.s32 $0xCD00;
	s28 =	simm.s32 $0xEC40;
	s30 =	simm.s32 $0x10B80  }
0x6: {  	s22 =	simm.s32 $0x2;
	s24 =	simm.s32 $0x1;
	s18 =	simm.s32 $0x0  }
0x7: {  	s0 =	sand.u32 $0x1, s0;
	s5 =	sadd.s32 $0x2EE00, s1;
	s8 =	smul.u32 $0x9C00, s12  }
0x8: {  	s15 =	sadd.s32 $0x9C000, s2;
	p0 =	sne.s32 s12, $0xF;
	s31 =	sshll.u32 s12, $0x6  }
0x9: {  	s3 =	sshll.u32 s0, $0x4;
	s6 =	ssub.s32 $0x2, s0;
	s0 =	smul.u32 $0x9C400, s0  }
0xa: {  	s13 =	sor.u32 $0x1C03, s31;
	s15 =	sshrl.u32 @!p0 s15, $0x3;
	s4 =	sor.u32 s12, s3  }
0xb: {  	s3 =	simm.s32 $0x0;
	s9 =	sshrl.u32 s6, $0x1;
	s14 =	sadd.s32 s8, s2  }
0xc: {  	s12 =	simm.s32 $0x2800;
	s4 =	smul.u32 $0x500, s4;
	[smem:$0x7FF] =	sst s3  }
0xd: {  	s10 =	ssub.s32 s6, s9;
	s8 =	sadd.s32 s8, s0;
	s0 =	sshrl.u32 s0, $0x3  }
0xe: {  	s14 =	sshrl.u32 s14, $0x3;
	_ =	strace $0x8000004D;
	s8 =	sshrl.u32 s8, $0x3  }
0xf: {  	s10 =	smax.u32 s10, $0x1;
	s7 =	sadd.s32 s4, s1;
	s4 =	sadd.s32 $0x1B400, s1  }
0x10: {  	s1 =	sadd.s32 $0x47800, s1;
	s26 =	sadd.s32 $0x3D800, s7;
	s29 =	sadd.s32 $0x2000, s7  }
0x11: {  	s0 =	sadd.s32 s1, s0;
	s8 =	sadd.s32 s1, s8;
	[dreg:$0x3] =	wrdreg s26  }
0x12: {  	s1 =	simm.s32 $0x12AC0;
	[dreg:$0x4] =	wrdreg s29;
	s9 =	sadd.s32 $0x13800, s0  }
.LBB2_1:
0x13: {  	s0 =	rddreg [dreg:$0x3]  }
0x14: {  	[tilespmem:s3], [sflag:$0x3] =	stream.linear.gather [hbm4b:s0+s3], $0x2800, $0x38;
	[tilespmem:$0x1E640] =	vst v63  }
0x15: {  	_ =	swait.ge [sflag:s11], $0x2800  }
0x16: {  	[sflag:s11] =	ssyncset.done $0x0  }
0x17: {  	s20 =	rddreg [dreg:$0x4];
	[sflag:s11] =	ssyncadd.s32 $0xFFFFD800  }
0x18: {  	[tilespmem:s12], [sflag:$0x3] =	stream.linear.gather [hbm4b:s20+s3], $0x2800, $0x38;
	[tilespmem:$0x1E640] =	vst v63  }
0x19: {  	_ =	swait.ge [sflag:s11], $0x2800  }
0x1a: {  	[sflag:s11] =	ssyncset.done $0x0  }
0x1b: {  	[sflag:s11] =	ssyncadd.s32 $0xFFFFD800  }
0x1c: {  	[spmem:s14], [sflag:s13] =	dma.local [hbm:s5], $0x1380  }
0x1d: {  	_ =	swait.ge [sflag:s11], $0x1380  }
0x1e: {  	[sflag:s11] =	ssyncset.done $0x0  }
0x1f: {  	s20 =	simm.s32 @!p0 $0x3;
	[sflag:s11] =	ssyncadd.s32 $0xFFFFEC80  }
0x20: {  	[spmem:s15], [sflag:s13] =	dma.local @!p0 [hbm:s5], $0x80  }
0x21: {  	_ =	swait.ge @!p0 [sflag:s20], $0x80  }
0x22: {  	[sflag:s20] =	ssyncset.done @!p0 $0x0  }
0x23: {  	[sflag:s20] =	ssyncadd.s32 @!p0 $0xFFFFFF80  }
0x24: {  	[bflag:$0x0] =	sbarrier.arrive $0xFFFF  }
0x25: {  	[tilespmem:s17], [sflag:$0x1] =	stream.indirect.gather [hbm4b:s4+s16], $0x40, s3, s16, $0xb8;
	[tilespmem:$0x1E640] =	vst v63  }
0x26: {  	s26 =	simm.s32 $0x80  }
0x27: {  	[tilespmem:s19], [sflag:$0x1] =	stream.indirect.gather [hbm4b:s4+s16], $0x40, s26, s16, $0xb8;
	[tilespmem:$0x1E640] =	vst v63  }
0x28: {  	s6 =	simm.s32 $0x100  }
0x29: {  	[tilespmem:s21], [sflag:$0x1] =	stream.indirect.gather [hbm4b:s4+s16], $0x40, s6, s16, $0xb8;
	[tilespmem:$0x1E640] =	vst v63  }
0x2a: {  	s7 =	simm.s32 $0x180  }
0x2b: {  	[tilespmem:s23], [sflag:$0x1] =	stream.indirect.gather [hbm4b:s4+s16], $0x40, s7, s16, $0xb8;
	[tilespmem:$0x1E640] =	vst v63  }
0x2c: {  	s20 =	simm.s32 $0x200  }
0x2d: {  	[tilespmem:s25], [sflag:$0x1] =	stream.indirect.gather [hbm4b:s4+s16], $0x40, s20, s16, $0xb8;
	[tilespmem:$0x1E640] =	vst v63  }
0x2e: {  	s26 =	simm.s32 $0x280  }
0x2f: {  	[tilespmem:s28], [sflag:$0x1] =	stream.indirect.gather [hbm4b:s4+s16], $0x40, s26, s16, $0xb8;
	[tilespmem:$0x1E640] =	vst v63  }
0x30: {  	s6 =	simm.s32 $0x300  }
0x31: {  	[tilespmem:s30], [sflag:$0x1] =	stream.indirect.gather [hbm4b:s4+s16], $0x40, s6, s16, $0xb8;
	[tilespmem:$0x1E640] =	vst v63  }
0x32: {  	s7 =	simm.s32 $0x380  }
0x33: {  	[tilespmem:s1], [sflag:$0x1] =	stream.indirect.gather [hbm4b:s4+s16], $0x40, s7, s16, $0xb8;
	[tilespmem:$0x1E640] =	vst v63  }
0x34: {  	_ =	swait.ge [sflag:s24], $0x1F40  }
0x35: {  	[sflag:s24] =	ssyncset.done $0x0  }
0x36: {  	[sflag:s24] =	ssyncadd.s32 $0xFFFFE0C0  }
0x37: {  	_ =	swait.ge [sflag:s24], $0x1F40  }
0x38: {  	[sflag:s24] =	ssyncset.done $0x0  }
0x39: {  	[sflag:s24] =	ssyncadd.s32 $0xFFFFE0C0  }
0x3a: {  	_ =	swait.ge [sflag:s24], $0x1F40  }
0x3b: {  	[sflag:s24] =	ssyncset.done $0x0  }
0x3c: {  	[sflag:s24] =	ssyncadd.s32 $0xFFFFE0C0  }
0x3d: {  	_ =	swait.ge [sflag:s24], $0x1F40  }
0x3e: {  	[sflag:s24] =	ssyncset.done $0x0  }
0x3f: {  	[sflag:s24] =	ssyncadd.s32 $0xFFFFE0C0  }
0x40: {  	[spmem:s2] =	stream.indirect.scatter.add.f32 [tilespmem:s17], [sflag:$0x2], $0x40, s12, s16, $0xb8;
	[tilespmem:$0x1E640] =	vst v63  }
0x41: {  	s20 =	simm.s32 $0x2880  }
0x42: {  	[spmem:s2] =	stream.indirect.scatter.add.f32 [tilespmem:s19], [sflag:$0x2], $0x40, s20, s16, $0xb8;
	[tilespmem:$0x1E640] =	vst v63  }
0x43: {  	s26 =	simm.s32 $0x2900  }
0x44: {  	[spmem:s2] =	stream.indirect.scatter.add.f32 [tilespmem:s21], [sflag:$0x2], $0x40, s26, s16, $0xb8;
	[tilespmem:$0x1E640] =	vst v63  }
0x45: {  	s6 =	simm.s32 $0x2980  }
0x46: {  	[spmem:s2] =	stream.indirect.scatter.add.f32 [tilespmem:s23], [sflag:$0x2], $0x40, s6, s16, $0xb8;
	[tilespmem:$0x1E640] =	vst v63  }
0x47: {  	_ =	swait.ge [sflag:s22], $0x1F40  }
0x48: {  	[sflag:s22] =	ssyncset.done $0x0  }
0x49: {  	[sflag:s22] =	ssyncadd.s32 $0xFFFFE0C0  }
0x4a: {  	_ =	swait.ge [sflag:s22], $0x1F40  }
0x4b: {  	[sflag:s22] =	ssyncset.done $0x0  }
0x4c: {  	[sflag:s22] =	ssyncadd.s32 $0xFFFFE0C0  }
0x4d: {  	s7 =	sand.u32 $0x1, s24;
	_ =	swait.ge [sflag:s22], $0x1F40  }
0x4e: {  	s26 =	sxor.u32 $0x1, s7;
	[sflag:s22] =	ssyncset.done $0x0  }
0x4f: {  	s26 =	smul.u32 $0x1F400, s26;
	[sflag:s22] =	ssyncadd.s32 $0xFFFFE0C0  }
0x50: {  	_ =	swait.ge [sflag:s22], $0x1F40  }
0x51: {  	s26 =	sshrl.u32 s26, $0x2;
	[sflag:s22] =	ssyncset.done $0x0  }
0x52: {  	s31 =	simm.s32 $0x400;
	s29 =	sadd.s32 $0x5000, s26;
	[sflag:s22] =	ssyncadd.s32 $0xFFFFE0C0  }
0x53: {  	[tilespmem:s29], [sflag:$0x1] =	stream.indirect.gather [hbm4b:s4+s16], $0x40, s31, s16, $0xb8;
	[tilespmem:$0x1E640] =	vst v63  }
0x54: {  	s29 =	sadd.s32 $0x6F40, s26;
	s31 =	simm.s32 $0x480  }
0x55: {  	[tilespmem:s29], [sflag:$0x1] =	stream.indirect.gather [hbm4b:s4+s16], $0x40, s31, s16, $0xb8;
	[tilespmem:$0x1E640] =	vst v63  }
0x56: {  	s29 =	sadd.s32 $0x8E80, s26;
	s31 =	simm.s32 $0x500  }
0x57: {  	[tilespmem:s29], [sflag:$0x1] =	stream.indirect.gather [hbm4b:s4+s16], $0x40, s31, s16, $0xb8;
	[tilespmem:$0x1E640] =	vst v63  }
0x58: {  	s26 =	sadd.s32 $0xADC0, s26;
	s29 =	simm.s32 $0x580  }
0x59: {  	[tilespmem:s26], [sflag:$0x1] =	stream.indirect.gather [hbm4b:s4+s16], $0x40, s29, s16, $0xb8;
	[tilespmem:$0x1E640] =	vst v63  }
0x5a: {  	_ =	swait.ge [sflag:s24], $0x1F40  }
0x5b: {  	[sflag:s24] =	ssyncset.done $0x0  }
0x5c: {  	[sflag:s24] =	ssyncadd.s32 $0xFFFFE0C0  }
0x5d: {  	_ =	swait.ge [sflag:s24], $0x1F40  }
0x5e: {  	[sflag:s24] =	ssyncset.done $0x0  }
0x5f: {  	[sflag:s24] =	ssyncadd.s32 $0xFFFFE0C0  }
0x60: {  	_ =	swait.ge [sflag:s24], $0x1F40  }
0x61: {  	[sflag:s24] =	ssyncset.done $0x0  }
0x62: {  	s20 =	smul.u32 $0x1F400, s7;
	[sflag:s24] =	ssyncadd.s32 $0xFFFFE0C0  }
0x63: {  	_ =	swait.ge [sflag:s24], $0x1F40  }
0x64: {  	s0 =	sshrl.u32 s20, $0x2;
	[sflag:s24] =	ssyncset.done $0x0  }
0x65: {  	s20 =	sadd.s32 $0x5000, s0;
	s29 =	simm.s32 $0x2A00;
	[sflag:s24] =	ssyncadd.s32 $0xFFFFE0C0  }
0x66: {  	[spmem:s2] =	stream.indirect.scatter.add.f32 [tilespmem:s20], [sflag:$0x2], $0x40, s29, s16, $0xb8;
	[tilespmem:$0x1E640] =	vst v63  }
0x67: {  	s6 =	sadd.s32 $0x6F40, s0;
	s29 =	simm.s32 $0x2A80  }
0x68: {  	[spmem:s2] =	stream.indirect.scatter.add.f32 [tilespmem:s6], [sflag:$0x2], $0x40, s29, s16, $0xb8;
	[tilespmem:$0x1E640] =	vst v63  }
0x69: {  	s7 =	sadd.s32 $0x8E80, s0;
	s31 =	simm.s32 $0x2B80;
	s29 =	simm.s32 $0x2B00  }
0x6a: {  	[spmem:s2] =	stream.indirect.scatter.add.f32 [tilespmem:s7], [sflag:$0x2], $0x40, s29, s16, $0xb8;
	[tilespmem:$0x1E640] =	vst v63  }
0x6b: {  	s26 =	simm.s32 $0x2;
	s20 =	simm.s32 $0x800;
	s29 =	sadd.s32 $0xADC0, s0  }
.LBB2_2:
0x6c: {  	[spmem:s2] =	stream.indirect.scatter.add.f32 [tilespmem:s29], [sflag:$0x2], $0x40, s31, s16, $0xb8;
	[tilespmem:$0x1E640] =	vst v63  }
0x6d: {  	s31 =	smov.u32 s20  }
0x6e: {  	p1 =	sne.s32 s20, $0x8800;
	s20 =	sadd.s32 $0x800, s20;
	_ =	swait.ge [sflag:s22], $0x1F40  }
0x6f: {  	[sflag:s22] =	ssyncset.done $0x0  }
0x70: {  	[sflag:s22] =	ssyncadd.s32 $0xFFFFE0C0  }
0x71: {  	_ =	swait.ge [sflag:s22], $0x1F40  }
0x72: {  	[sflag:s22] =	ssyncset.done $0x0  }
0x73: {  	[sflag:s22] =	ssyncadd.s32 $0xFFFFE0C0  }
0x74: {  	s29 =	sand.u32 $0x1, s26;
	_ =	swait.ge [sflag:s22], $0x1F40  }
0x75: {  	s0 =	sxor.u32 $0x1, s29;
	s29 =	smul.u32 $0x1F400, s29;
	[sflag:s22] =	ssyncset.done $0x0  }
0x76: {  	s0 =	smul.u32 $0x1F400, s0;
	[sflag:s22] =	ssyncadd.s32 $0xFFFFE0C0  }
0x77: {  	s29 =	sshrl.u32 s29, $0x2;
	_ =	swait.ge [sflag:s22], $0x1F40  }
0x78: {  	s31 =	sshra.s32 s31, $0x2;
	s0 =	sshrl.u32 s0, $0x2;
	[sflag:s22] =	ssyncset.done $0x0  }
0x79: {  	s7 =	sadd.s32 $0x400, s31;
	s6 =	sadd.s32 $0x5000, s0;
	[sflag:s22] =	ssyncadd.s32 $0xFFFFE0C0  }
0x7a: {  	[tilespmem:s6], [sflag:$0x1] =	stream.indirect.gather [hbm4b:s4+s16], $0x40, s7, s16, $0xb8;
	[tilespmem:$0x1E640] =	vst v63  }
0x7b: {  	s6 =	sadd.s32 $0x6F40, s0;
	s7 =	sadd.s32 $0x480, s31  }
0x7c: {  	[tilespmem:s6], [sflag:$0x1] =	stream.indirect.gather [hbm4b:s4+s16], $0x40, s7, s16, $0xb8;
	[tilespmem:$0x1E640] =	vst v63  }
0x7d: {  	s6 =	sadd.s32 $0x8E80, s0;
	s7 =	sadd.s32 $0x500, s31  }
0x7e: {  	[tilespmem:s6], [sflag:$0x1] =	stream.indirect.gather [hbm4b:s4+s16], $0x40, s7, s16, $0xb8;
	[tilespmem:$0x1E640] =	vst v63  }
0x7f: {  	s0 =	sadd.s32 $0xADC0, s0;
	s6 =	sadd.s32 $0x580, s31  }
0x80: {  	[tilespmem:s0], [sflag:$0x1] =	stream.indirect.gather [hbm4b:s4+s16], $0x40, s6, s16, $0xb8;
	[tilespmem:$0x1E640] =	vst v63  }
0x81: {  	_ =	swait.ge [sflag:s24], $0x1F40  }
0x82: {  	[sflag:s24] =	ssyncset.done $0x0  }
0x83: {  	[sflag:s24] =	ssyncadd.s32 $0xFFFFE0C0  }
0x84: {  	_ =	swait.ge [sflag:s24], $0x1F40  }
0x85: {  	[sflag:s24] =	ssyncset.done $0x0  }
0x86: {  	[sflag:s24] =	ssyncadd.s32 $0xFFFFE0C0  }
0x87: {  	_ =	swait.ge [sflag:s24], $0x1F40  }
0x88: {  	[sflag:s24] =	ssyncset.done $0x0  }
0x89: {  	[sflag:s24] =	ssyncadd.s32 $0xFFFFE0C0  }
0x8a: {  	_ =	swait.ge [sflag:s24], $0x1F40  }
0x8b: {  	[sflag:s24] =	ssyncset.done $0x0  }
0x8c: {  	s0 =	sadd.s32 $0x5000, s29;
	s6 =	sadd.s32 $0x2A00, s31;
	[sflag:s24] =	ssyncadd.s32 $0xFFFFE0C0  }
0x8d: {  	[spmem:s2] =	stream.indirect.scatter.add.f32 [tilespmem:s0], [sflag:$0x2], $0x40, s6, s16, $0xb8;
	[tilespmem:$0x1E640] =	vst v63  }
.Ltmp0:
0x8e: {  	s0 =	sadd.s32 $0x6F40, s29;
	s6 =	sadd.s32 $0x2A80, s31;
	(pc) =	sbr.rel @p1 .LBB2_2-.Ltmp0, $4  }
0x8f: {  	[spmem:s2] =	stream.indirect.scatter.add.f32 [tilespmem:s0], [sflag:$0x2], $0x40, s6, s16, $0xb8;
	[tilespmem:$0x1E640] =	vst v63  }
0x90: {  	s0 =	sadd.s32 $0x8E80, s29;
	s6 =	sadd.s32 $0x2B00, s31  }
0x91: {  	[spmem:s2] =	stream.indirect.scatter.add.f32 [tilespmem:s0], [sflag:$0x2], $0x40, s6, s16, $0xb8;
	[tilespmem:$0x1E640] =	vst v63  }
0x92: {  	s26 =	sadd.s32 $0x1, s26;
	s29 =	sadd.s32 $0xADC0, s29;
	s31 =	sadd.s32 $0x2B80, s31  }
0x93: {  	[spmem:s2] =	stream.indirect.scatter.add.f32 [tilespmem:s29], [sflag:$0x2], $0x40, s31, s16, $0xb8;
	[tilespmem:$0x1E640] =	vst v63  }
0x94: {  	_ =	swait.ge [sflag:s22], $0x1F40  }
0x95: {  	[sflag:s22] =	ssyncset.done $0x0  }
0x96: {  	[sflag:s22] =	ssyncadd.s32 $0xFFFFE0C0  }
0x97: {  	_ =	swait.ge [sflag:s22], $0x1F40  }
0x98: {  	[sflag:s22] =	ssyncset.done $0x0  }
0x99: {  	[sflag:s22] =	ssyncadd.s32 $0xFFFFE0C0  }
0x9a: {  	_ =	swait.ge [sflag:s22], $0x1F40  }
0x9b: {  	[sflag:s22] =	ssyncset.done $0x0  }
0x9c: {  	[sflag:s22] =	ssyncadd.s32 $0xFFFFE0C0  }
0x9d: {  	_ =	swait.ge [sflag:s22], $0x1F40  }
0x9e: {  	[sflag:s22] =	ssyncset.done $0x0  }
0x9f: {  	[sflag:s22] =	ssyncadd.s32 $0xFFFFE0C0  }
0xa0: {  	_ =	swait.ge [sflag:s24], $0x1F40  }
0xa1: {  	[sflag:s24] =	ssyncset.done $0x0  }
0xa2: {  	[sflag:s24] =	ssyncadd.s32 $0xFFFFE0C0  }
0xa3: {  	_ =	swait.ge [sflag:s24], $0x1F40  }
0xa4: {  	[sflag:s24] =	ssyncset.done $0x0  }
0xa5: {  	[sflag:s24] =	ssyncadd.s32 $0xFFFFE0C0  }
0xa6: {  	_ =	swait.ge [sflag:s24], $0x1F40  }
0xa7: {  	[sflag:s24] =	ssyncset.done $0x0  }
0xa8: {  	[sflag:s24] =	ssyncadd.s32 $0xFFFFE0C0  }
0xa9: {  	_ =	swait.ge [sflag:s24], $0x1F40  }
0xaa: {  	[sflag:s24] =	ssyncset.done $0x0  }
0xab: {  	s0 =	simm.s32 $0x4E00;
	[sflag:s24] =	ssyncadd.s32 $0xFFFFE0C0  }
0xac: {  	[spmem:s2] =	stream.indirect.scatter.add.f32 [tilespmem:s25], [sflag:$0x2], $0x40, s0, s16, $0xb8;
	[tilespmem:$0x1E640] =	vst v63  }
0xad: {  	s26 =	simm.s32 $0x4E80  }
0xae: {  	[spmem:s2] =	stream.indirect.scatter.add.f32 [tilespmem:s28], [sflag:$0x2], $0x40, s26, s16, $0xb8;
	[tilespmem:$0x1E640] =	vst v63  }
0xaf: {  	s29 =	simm.s32 $0x4F00  }
0xb0: {  	[spmem:s2] =	stream.indirect.scatter.add.f32 [tilespmem:s30], [sflag:$0x2], $0x40, s29, s16, $0xb8;
	[tilespmem:$0x1E640] =	vst v63  }
0xb1: {  	s31 =	simm.s32 $0x4F80  }
0xb2: {  	[spmem:s2] =	stream.indirect.scatter.add.f32 [tilespmem:s1], [sflag:$0x2], $0x40, s31, s16, $0xb8;
	[tilespmem:$0x1E640] =	vst v63  }
0xb3: {  	_ =	swait.ge [sflag:s22], $0x1F40  }
0xb4: {  	[sflag:s22] =	ssyncset.done $0x0  }
0xb5: {  	[sflag:s22] =	ssyncadd.s32 $0xFFFFE0C0  }
0xb6: {  	_ =	swait.ge [sflag:s22], $0x1F40  }
0xb7: {  	[sflag:s22] =	ssyncset.done $0x0  }
0xb8: {  	[sflag:s22] =	ssyncadd.s32 $0xFFFFE0C0  }
0xb9: {  	_ =	swait.ge [sflag:s22], $0x1F40  }
0xba: {  	[sflag:s22] =	ssyncset.done $0x0  }
0xbb: {  	[sflag:s22] =	ssyncadd.s32 $0xFFFFE0C0  }
0xbc: {  	_ =	swait.ge [sflag:s22], $0x1F40  }
0xbd: {  	[sflag:s22] =	ssyncset.done $0x0  }
0xbe: {  	[sflag:s22] =	ssyncadd.s32 $0xFFFFE0C0  }
0xbf: {  	[bflag:$0x0] =	sbarrier.arrive $0xFFFF  }
0xc0: {  	[hbm:s8], [sflag:s13] =	dma.local [spmem:s14], $0x1380  }
0xc1: {  	s18 =	sadd.s32 $0x1, s18;
	_ =	swait.ge [sflag:s11], $0x1380  }
0xc2: {  	p1 =	sne.s32 s18, s10;
	[sflag:s11] =	ssyncset.done $0x0  }
.Ltmp1:
0xc3: {  	s0 =	simm.s32 @!p0 $0x3;
	[sflag:s11] =	ssyncadd.s32 $0xFFFFEC80;
	(pc) =	sbr.rel @p1 .LBB2_1-.Ltmp1, $4  }
0xc4: {  	[hbm:s9], [sflag:s13] =	dma.local @!p0 [spmem:s15], $0x80  }
0xc5: {  	_ =	swait.ge @!p0 [sflag:s0], $0x80  }
0xc6: {  	[sflag:s0] =	ssyncset.done @!p0 $0x0  }
0xc7: {  	[sflag:s0] =	ssyncadd.s32 @!p0 $0xFFFFFF80  }
0xc8: {  	_ =	sfence.sel $0x180000  }
0xc9: {  	[bflag:$0x0] =	sbarrier.arrive $0xFFFF  }
0xca: {  	_ =	strace $0x9000004D  }
0xcb: {  	s0 =	stileid.u32;
	[bflag:$0x2] =	sbarrier.arrive $0xFFFF  }
0xcc: {  	p0 =	sne.s32 s0, $0x0;
	s0 =	rddreg [dreg:$0x2]  }
0xcd: {  	s0 =	sadd.s32 @!p0 $0x100000, s0  }
0xce: {  	[sflag:s0] =	ssyncadd.tile.s32 @!p0 $0x1;
	_ =	shalt  }
.Lfunc_end2:
_tile_overlayer_lowered:
.L_overlay_start_2:
0xcf: {  	(tag) =	ssettag $0x2  }
0xd0: {  	s0 =	rddreg [dreg:$0x0];
	s2 =	stileid.u32  }
0xd1: {  	s1 =	rddreg [dreg:$0x1];
	p0 =	sne.s32 s2, $0x0  }
0xd2: {  	s3 =	rddreg [dreg:$0x2];
	[bflag:$0x3] =	sbarrier.arrive $0xFFFF;
	s2 =	simm.s32 @!p0 $0x1C03  }
0xd3: {  	[timem:s3], [sflag:s2] =	dma.local @!p0 [hbm:s0], s1  }
0xd4: {  	s0 =	simm.s32 @!p0 $0x3  }
0xd5: {  	_ =	swait.ge @!p0 [sflag:s0], s1  }
0xd6: {  	s1 =	ssub.s32 @!p0 $0x0, s1;
	[sflag:s0] =	ssyncset.done @!p0 $0x0  }
0xd7: {  	[sflag:s0] =	ssyncadd.s32 @!p0 s1  }
0xd8: {  	[bflag:$0x3] =	sbarrier.arrive $0xFFFF  }
0xd9: {  	_ =	shalt  }

// kernel: kernel.14.cloned.1.call-start
scs
__scs_entry_jumppad:
0x0: {  	(pc) =	sbr.rel $0x88, $3  }
0x1: {  	(tag) =	ssettag $0x0;
	lr =	simm.s32 $0x1  }
0x2: {  	[smem:$0x3F95] =	sst lr;
	_ =	strace $0xD0000000  }
0x3: {  	_ = 	snop  }
0x4: {  	_ = 	snop  }
0x5: {  	_ = 	snop  }
0x6: {  	_ = 	snop  }
0x7: {  	_ = 	snop  }
__scs_overlays_trampoline_lowered:
0x8: {  	[smem:$0x3FA4] =	sst s0  }
0x9: {  	[smem:$0x3FA5] =	sst s1  }
0xa: {  	[smem:$0x3FA6] =	sst s2  }
0xb: {  	[smem:$0x3FA7] =	sst s3  }
0xc: {  	[smem:$0x3FA8] =	sst s4  }
0xd: {  	[smem:$0x3FA9] =	sst s5  }
0xe: {  	[smem:$0x3FAA] =	sst s6  }
0xf: {  	[smem:$0x3FAB] =	sst s7  }
0x10: {  	[smem:$0x3FAC] =	sst s8  }
0x11: {  	[smem:$0x3FAD] =	sst s9;
	s0 =	simm.s32 @!p0 $0x0  }
0x12: {  	s1 =	sld [smem:$0x3F93];
	s0 =	simm.s32 @p0 $0x1  }
0x13: {  	[smem:$0x3FAE] =	sst s0;
	s0 =	simm.s32 @!p1 $0x0  }
0x14: {  	s2 =	sld [smem:$0x3F92];
	s0 =	simm.s32 @p1 $0x1  }
0x15: {  	[smem:$0x3FAF] =	sst s0;
	s0 =	simm.s32 @!p2 $0x0  }
0x16: {  	s3 =	sld [smem:$0x3FDB];
	s0 =	simm.s32 @p2 $0x1  }
0x17: {  	s4 =	simm.s32 $0x1BF5;
	[smem:$0x3FB1] =	sst s0  }
0x18: {  	s0 =	sld [smem:$0x3F94];
	_ =	swait.ge [sflag:s4], $0x0  }
0x19: {  	s7 =	sld [smem:$0x3F95]  }
0x1a: {  	s8 =	sadd.s32 $0xFFFFE003, lr  }
0x1b: {  	s9 =	sadd.s32 $0xFFFFFEF7, lr;
	s5 =	simm.s32 $0xFFFFFFFF;
	p2 =	slt.u32 s8, $0xFFFFF086  }
0x1c: {  	p1 =	slt.u32 s9, $0xF7A;
	s5 =	simm.s32 @!p2 $0x0  }
0x1d: {  	s5 =	simm.s32 @p1 $0x1;
	p0 =	seq.s32 s7, s2  }
0x1e: {  	s7 =	smul.u32 @!p0 $0xF7A, s2;
	p2 =	seq.s32 @!p0 s5, $0x0  }
0x1f: {  	s9 =	smul.u32 $0xF7A, s1;
	s8 =	simm.s32 @!p0 $0x1BF5;
	p2 =	por !p2, p0  }
0x20: {  	[sflag:s8] =	ssyncset.s32 @!p0 $0xFFFFF086;
	s6 =	sadd.s32 @!p0 s3, s7;
	s7 =	simm.s32 @!p0 $0x108  }
0x21: {  	s3 =	sadd.s32 s3, s9;
	s6 =	sadd.s32 @!p0 $0x88, s6;
	s7 =	simm.s32 @p2 $0x1082  }
0x22: {  	[simem:s7], [sflag:s8] =	dma.local @!p0 [hbm:s6], $0xF7A  }
0x23: {  	s9 =	sor.u32 $0xD0000000, s2;
	s6 =	simm.s32 $0x108;
	_ =	swait.ge @!p0 [sflag:s8], $0x0  }
0x24: {  	s3 =	sadd.s32 $0x88, s3;
	s6 =	simm.s32 @!p1 $0x1082;
	[sflag:s4] =	ssyncset.s32 $0xFFFFF086  }
0x25: {  	[simem:s6], [sflag:s4] =	dma.local [hbm:s3], $0xF7A  }
0x26: {  	[smem:$0x3F95] =	sst s1;
	(tag) =	ssettag s2;
	_ =	strace s9  }
0x27: {  	s1 =	sld [smem:$0x3FA5]  }
0x28: {  	s2 =	sld [smem:$0x3FA6]  }
0x29: {  	s4 =	sld [smem:$0x3FA8]  }
0x2a: {  	p0 =	seq.s32 s5, $0x0;
	s5 =	sld [smem:$0x3FA9]  }
0x2b: {  	s6 =	sld [smem:$0x3FAA]  }
0x2c: {  	s7 =	sld [smem:$0x3FAB]  }
0x2d: {  	s3 =	simm.s32 $0x108;
	s8 =	sld [smem:$0x3FAC]  }
0x2e: {  	s3 =	simm.s32 @!p0 $0x1082;
	s9 =	sld [smem:$0x3FAD]  }
0x2f: {  	lr =	sadd.s32 s0, s3;
	s0 =	sld [smem:$0x3FA4]  }
0x30: {  	s3 =	sld [smem:$0x3FA7]  }
0x31: {  	[smem:$0x3FB0] =	sst s10  }
0x32: {  	s10 =	sld [smem:$0x3FAE];
	_ =	sdelay $0x3  }
0x33: {  	p0 =	seq.s32 s10, $0x1;
	s10 =	sld [smem:$0x3FB0];
	_ =	sdelay $0x3  }
0x34: {  	[smem:$0x3FB0] =	sst s10  }
0x35: {  	s10 =	sld [smem:$0x3FAF];
	_ =	sdelay $0x3  }
0x36: {  	p1 =	seq.s32 s10, $0x1;
	s10 =	sld [smem:$0x3FB0];
	_ =	sdelay $0x3  }
0x37: {  	[smem:$0x3FB0] =	sst s10  }
0x38: {  	s10 =	sld [smem:$0x3FB1]  }
0x39: {  	_ = 	snop;
	(pc) =	sbr.ind lr, $3  }
0x3a: {  	_ = 	snop  }
0x3b: {  	_ = 	snop  }
0x3c: {  	p2 =	seq.s32 s10, $0x1;
	s10 =	sld [smem:$0x3FB0]  }
0x3d: {  	_ =	shalt  }
0x3e: {  	_ =	shalt  }
0x3f: {  	_ =	shalt  }
0x40: {  	_ =	shalt  }
0x41: {  	_ =	shalt  }
0x42: {  	_ =	shalt  }
0x43: {  	_ =	shalt  }
0x44: {  	_ =	shalt  }
0x45: {  	_ =	shalt  }
0x46: {  	_ =	shalt  }
0x47: {  	_ =	shalt  }
0x48: {  	_ =	shalt  }
0x49: {  	_ =	shalt  }
0x4a: {  	_ =	shalt  }
0x4b: {  	_ =	shalt  }
0x4c: {  	_ =	shalt  }
0x4d: {  	_ =	shalt  }
0x4e: {  	_ =	shalt  }
0x4f: {  	_ =	shalt  }
0x50: {  	_ =	shalt  }
0x51: {  	_ =	shalt  }
0x52: {  	_ =	shalt  }
0x53: {  	_ =	shalt  }
0x54: {  	_ =	shalt  }
0x55: {  	_ =	shalt  }
0x56: {  	_ =	shalt  }
0x57: {  	_ =	shalt  }
0x58: {  	_ =	shalt  }
0x59: {  	_ =	shalt  }
0x5a: {  	_ =	shalt  }
0x5b: {  	_ =	shalt  }
0x5c: {  	_ =	shalt  }
0x5d: {  	_ =	shalt  }
0x5e: {  	_ =	shalt  }
0x5f: {  	_ =	shalt  }
0x60: {  	_ =	shalt  }
0x61: {  	_ =	shalt  }
0x62: {  	_ =	shalt  }
0x63: {  	_ =	shalt  }
0x64: {  	_ =	shalt  }
0x65: {  	_ =	shalt  }
0x66: {  	_ =	shalt  }
0x67: {  	_ =	shalt  }
0x68: {  	_ =	shalt  }
0x69: {  	_ =	shalt  }
0x6a: {  	_ =	shalt  }
0x6b: {  	_ =	shalt  }
0x6c: {  	_ =	shalt  }
0x6d: {  	_ =	shalt  }
0x6e: {  	_ =	shalt  }
0x6f: {  	_ =	shalt  }
0x70: {  	_ =	shalt  }
0x71: {  	_ =	shalt  }
0x72: {  	_ =	shalt  }
0x73: {  	_ =	shalt  }
0x74: {  	_ =	shalt  }
0x75: {  	_ =	shalt  }
0x76: {  	_ =	shalt  }
0x77: {  	_ =	shalt  }
0x78: {  	_ =	shalt  }
0x79: {  	_ =	shalt  }
0x7a: {  	_ =	shalt  }
0x7b: {  	_ =	shalt  }
0x7c: {  	_ =	shalt  }
0x7d: {  	_ =	shalt  }
0x7e: {  	_ =	shalt  }
0x7f: {  	_ =	shalt  }
0x80: {  	_ =	shalt  }
0x81: {  	_ =	shalt  }
0x82: {  	_ =	shalt  }
0x83: {  	_ =	shalt  }
0x84: {  	_ =	shalt  }
0x85: {  	_ =	shalt  }
0x86: {  	_ =	shalt  }
0x87: {  	_ =	shalt  }
.Lfunc_end0:
.L_simem_size_0:
called_computation.2_lowered:
.L_overlay_start_0:
0x88: {  	s2 =	sld [smem:$0x3FD9]  }
0x89: {  	s3 =	sld [smem:$0x3FFE];
	_ =	sdelay $0x1  }
0x8a: {  	s1 =	srdreg.scid  }
0x8b: {  	s0 =	sand.u32 $0x1, s1  }
0x8c: {  	s16 =	sshll.u32 s0, $0xA;
	s2 =	sadd.s32 s3, s2  }
0x8d: {  	s2 =	sadd.s32 s2, s16  }
0x8e: {  	[smem:$0x3FBC] =	sst s2  }
0x8f: {  	_ = 	snop  }
0x90: {  	(tm) =	ssettm $0x1  }
0x91: {  	s17 =	sld [smem:$0x3FFB];
	_ =	sdelay $0x3  }
0x92: {  	_ =	strace s17  }
0x93: {  	s2 =	sld [smem:$0x3FFC];
	_ =	sdelay $0x3  }
0x94: {  	_ =	strace s2  }
0x95: {  	s2 =	sld [smem:$0x3FFD];
	_ =	sdelay $0x3  }
0x96: {  	_ =	strace s2  }
0x97: {  	_ =	strace $0x8FFFFFFF  }
0x98: {  	s18 =	sld [smem:$0x3FDB];
	_ =	sdelay $0x1  }
0x99: {  	s19 =	simm.s32 $_scs_section_size  }
0x9a: {  	s4 =	simm.s32 $_size__tile_overlayer_lowered;
	s5 =	simm.s32 $_tile_overlayer_lowered  }
0x9b: {  	s22 =	simm.s32 $0x1BFF;
	s21 =	sshll.u32 s5, $0x1;
	s2 =	sadd.s32 s19, s18  }
0x9c: {  	s6 =	simm.s32 $0x0;
	s20 =	sshll.u32 s4, $0x1;
	s4 =	sadd.s32 s21, s2  }
0x9d: {  	[timem:s6], [sflag:s22] =	dma.local [hbm:s4], s20  }
0x9e: {  	_ =	swait.ge [sflag:s22], s20  }
0x9f: {  	s3 =	ssub.s32 $0x0, s20;
	[sflag:s22] =	ssyncset.done $0x0  }
0xa0: {  	[sflag:s22] =	ssyncadd.s32 s3;
	_ =	sdelay $0x1  }
0xa1: {  	s23 =	simm.s32 $0x1B8B  }
0xa2: {  	_ =	swait.ge [sflag:s23], $0x1  }
0xa3: {  	[sflag:s23] =	ssyncset.done $0x0  }
0xa4: {  	s25 =	simm.s32 $0x1B8E;
	s24 =	sld [smem:$0x3FFE];
	[sflag:s23] =	ssyncadd.s32 $0xFFFFFFFF  }
0xa5: {  	s26 =	simm.s32 $execute0_lowered;
	[smem:$0x3FD2] =	sst s25  }
0xa6: {  	s4 =	sshll.u32 s26, $0x1;
	_ =	strace $0x80000049;
	[dreg:$0x1] =	wrdreg $0xFFFFFFFF  }
0xa7: {  	s28 =	simm.s32 $_size_execute0_lowered;
	s2 =	sadd.s32 s2, s4;
	[dreg:$0x0] =	wrdreg $0x0  }
0xa8: {  	s4 =	sshll.u32 s28, $0x1;
	[dreg:$0x2] =	wrdreg s2  }
0xa9: {  	[dreg:$0x3] =	wrdreg s4  }
0xaa: {  	[dreg:$0x4] =	wrdreg $0xC0  }
0xab: {  	_ =	task [dreg:s6], $0x5FFFF  }
0xac: {  	[dreg:$0x1] =	wrdreg $0xFFFFFFFF  }
0xad: {  	[dreg:$0x0] =	wrdreg $0x60  }
0xae: {  	[dreg:$0x2] =	wrdreg s24  }
0xaf: {  	[dreg:$0x3] =	wrdreg $0x14A000  }
0xb0: {  	[dreg:$0x4] =	wrdreg $0xA  }
0xb1: {  	_ =	task.clear_ibuf [dreg:s6], $0x5FFFF;
	_ =	strace $0x90000049  }
0xb2: {  	s29 =	simm.s32 $0xA;
	_ =	strace $0x8000004B  }
0xb3: {  	_ =	swait.ge [sflag:s29], $0x1  }
0xb4: {  	[sflag:s29] =	ssyncadd.s32 $0xFFFFFFFF  }
0xb5: {  	_ =	strace $0x9000004B  }
0xb6: {  	_ =	sfence  }
0xb7: {  	s30 =	sld [smem:$0x0];
	_ =	sdelay $0x2  }
0xb8: {  	s31 =	sshll.u32 s1, $0xD;
	s1 =	sshrl.u32 s1, $0x2  }
0xb9: {  	s3 =	sand.u32 $0x4000, s31;
	s1 =	sadd.s32 s1, s30  }
0xba: {  	s0 =	sor.u32 s3, s0;
	s1 =	sshll.u32 s1, $0x11  }
0xbb: {  	s0 =	sor.u32 s1, s0  }
0xbc: {  	s0 =	sadd.s32 $0x8F2B, s0  }
0xbd: {  	[sflag:s0] =	ssyncadd.remote.s32 $0x1  }
0xbe: {  	_ =	sfence.sel $0xFFFF  }
0xbf: {  	[dreg:$0x0] =	wrdreg $0xFFFFFFFF;
	(pc) =	sbr.abs _section_cstart, $3  }
0xc0: {  	[dreg:$0x1] =	wrdreg $0xFFFFFFFF  }
0xc1: {  	_ =	task.clear_ibuf [dreg:s6], $0x2FFFF;
	_ =	strace $0x9FFFFFFF  }
0xc2: {  	(tm) =	ssettm $0x7FFFFFFF  }
0xc3: {  	_ =	shalt  }
tec
execute0_lowered:
.L_overlay_start_1:
0x0: {  	(tag) =	ssettag $0x1  }
0x1: {  	s0 =	srdreg.scid;
	s1 =	rddreg [dreg:$0x0]  }
0x2: {  	s16 =	stileid.u32;
	s2 =	rddreg [dreg:$0x1]  }
0x3: {  	s14 =	simm.s32 $0x3;
	s15 =	simm.s32 $0x2800;
	s20 =	simm.s32 $0x7D  }
0x4: {  	s19 =	simm.s32 $0xB590;
	s21 =	simm.s32 $0x2F80;
	s22 =	simm.s32 $0x1  }
0x5: {  	s23 =	simm.s32 $0x2;
	s0 =	sand.u32 $0x1, s0;
	s9 =	smul.u32 $0x9C00, s16  }
0x6: {  	s5 =	sadd.s32 $0xC000, s1;
	s10 =	sadd.s32 $0x11600, s1;
	s25 =	smul.u32 $0x2700, s16  }
0x7: {  	s29 =	sshll.u32 s16, $0x6;
	p1 =	seq.s32 s16, $0xF;
	s3 =	sshll.u32 s0, $0x4  }
0x8: {  	s6 =	ssub.s32 $0x2, s0;
	s11 =	smul.u32 $0x27100, s0;
	p0 =	sne.s32 s0, $0x0  }
0x9: {  	s0 =	simm.s32 $0x2E80;
	s4 =	sor.u32 s16, s3;
	s3 =	simm.s32 $0x0  }
0xa: {  	s8 =	sshrl.u32 s6, $0x1;
	s24 =	sshrl.u32 s9, $0x2;
	s17 =	sadd.s32 s25, s2  }
0xb: {  	s12 =	sshrl.u32 s25, $0x3;
	s16 =	sor.u32 $0x1C03, s29;
	s4 =	smul.u32 $0x500, s4  }
0xc: {  	[smem:$0x7FF] =	sst s3;
	s13 =	ssub.s32 s6, s8;
	s18 =	sadd.s32 s24, s2  }
0xd: {  	s8 =	sadd.s32 $0x27000, s2;
	s9 =	sadd.s32 s25, s11;
	s11 =	sshrl.u32 s11, $0x3  }
0xe: {  	s17 =	sshrl.u32 s17, $0x3;
	s25 =	simm.s32 $0xC530;
	s24 =	simm.s32 $0x0  }
0xf: {  	_ =	strace $0x8000004A;
	s26 =	sshrl.u32 s9, $0x3;
	s28 =	sadd.s32 s10, s11  }
0x10: {  	s13 =	smax.u32 s13, $0x1;
	s30 =	sshrl.u32 s8, $0x3;
	s31 =	sshrl.u32 s18, $0x3  }
.Ltmp0:
0x11: {  	s9 =	simm.s32 $0xBD60;
	s7 =	sadd.s32 s4, s1;
	(pc) =	sbr.rel .LBB2_1-.Ltmp0, $4  }
0x12: {  	s4 =	sadd.s32 $0xC600, s1;
	s1 =	sadd.s32 $0x11400, s1;
	[dreg:$0x5] =	wrdreg s30  }
0x13: {  	s11 =	sadd.s32 s10, s26;
	[dreg:$0x6] =	wrdreg s31;
	s10 =	simm.s32 $0x2F00  }
0x14: {  	s6 =	sadd.s32 $0x3D800, s7;
	s12 =	sadd.s32 s4, s12;
	[dreg:$0x4] =	wrdreg s1  }
0x15: {  	s7 =	sadd.s32 $0x2000, s7;
	[dreg:$0x3] =	wrdreg s12;
	s12 =	sadd.s32 $0x4E00, s28  }
.LBB2_9:
0x16: {  	_ =	swait.ge [sflag:s23], $0x7D0  }
0x17: {  	[sflag:s23] =	ssyncset.done $0x0  }
0x18: {  	[sflag:s23] =	ssyncadd.s32 $0xFFFFF830  }
0x19: {  	_ =	swait.ge [sflag:s23], $0x7D0  }
0x1a: {  	[sflag:s23] =	ssyncset.done $0x0  }
0x1b: {  	[sflag:s23] =	ssyncadd.s32 $0xFFFFF830  }
0x1c: {  	_ =	swait.ge [sflag:s23], $0x7D0  }
0x1d: {  	[sflag:s23] =	ssyncset.done $0x0  }
0x1e: {  	[sflag:s23] =	ssyncadd.s32 $0xFFFFF830  }
0x1f: {  	_ =	swait.ge [sflag:s23], $0x7D0  }
0x20: {  	[sflag:s23] =	ssyncset.done $0x0  }
0x21: {  	[sflag:s23] =	ssyncadd.s32 $0xFFFFF830  }
0x22: {  	_ =	swait.ge [sflag:s23], $0x7D0  }
0x23: {  	[sflag:s23] =	ssyncset.done $0x0  }
0x24: {  	[sflag:s23] =	ssyncadd.s32 $0xFFFFF830  }
0x25: {  	_ =	swait.ge [sflag:s23], $0x7D0  }
0x26: {  	[sflag:s23] =	ssyncset.done $0x0  }
0x27: {  	[sflag:s23] =	ssyncadd.s32 $0xFFFFF830  }
0x28: {  	_ =	swait.ge [sflag:s23], $0x7D0  }
0x29: {  	[sflag:s23] =	ssyncset.done $0x0  }
0x2a: {  	[sflag:s23] =	ssyncadd.s32 $0xFFFFF830  }
0x2b: {  	_ =	swait.ge [sflag:s23], $0x7D0  }
0x2c: {  	[sflag:s23] =	ssyncset.done $0x0  }
0x2d: {  	[sflag:s23] =	ssyncadd.s32 $0xFFFFF830  }
0x2e: {  	_ =	swait.ge [sflag:s23], $0x7D0  }
0x2f: {  	[sflag:s23] =	ssyncset.done $0x0  }
0x30: {  	[sflag:s23] =	ssyncadd.s32 $0xFFFFF830  }
0x31: {  	_ =	swait.ge [sflag:s23], $0x7D0  }
0x32: {  	[sflag:s23] =	ssyncset.done $0x0  }
0x33: {  	[sflag:s23] =	ssyncadd.s32 $0xFFFFF830  }
0x34: {  	_ =	swait.ge [sflag:s23], $0x7D0  }
0x35: {  	[sflag:s23] =	ssyncset.done $0x0  }
0x36: {  	[sflag:s23] =	ssyncadd.s32 $0xFFFFF830  }
0x37: {  	_ =	swait.ge [sflag:s23], $0x7D0  }
0x38: {  	[sflag:s23] =	ssyncset.done $0x0  }
0x39: {  	[sflag:s23] =	ssyncadd.s32 $0xFFFFF830  }
0x3a: {  	_ =	swait.ge [sflag:s23], $0x7D0  }
0x3b: {  	[sflag:s23] =	ssyncset.done $0x0  }
0x3c: {  	[sflag:s23] =	ssyncadd.s32 $0xFFFFF830  }
0x3d: {  	_ =	swait.ge [sflag:s23], $0x7D0  }
0x3e: {  	[sflag:s23] =	ssyncset.done $0x0  }
0x3f: {  	[sflag:s23] =	ssyncadd.s32 $0xFFFFF830  }
0x40: {  	_ =	swait.ge [sflag:s23], $0x7D0  }
0x41: {  	[sflag:s23] =	ssyncset.done $0x0  }
0x42: {  	[sflag:s23] =	ssyncadd.s32 $0xFFFFF830  }
0x43: {  	_ =	swait.ge [sflag:s23], $0x7D0  }
0x44: {  	[sflag:s23] =	ssyncset.done $0x0  }
0x45: {  	[sflag:s23] =	ssyncadd.s32 $0xFFFFF830  }
0x46: {  	[bflag:$0x0] =	sbarrier.arrive $0xFFFF  }
0x47: {  	[hbm:s11], [sflag:s16] =	dma.local [spmem:s17], $0x4E0  }
0x48: {  	_ =	swait.ge [sflag:s14], $0x4E0  }
0x49: {  	s24 =	sadd.s32 $0x1, s24;
	[sflag:s14] =	ssyncset.done $0x0  }
0x4a: {  	s1 =	sshrl.u32 @p2 s8, $0x3;
	p3 =	sne.s32 s24, s13;
	[sflag:s14] =	ssyncadd.s32 $0xFFFFFB20  }
0x4b: {  	[hbm:s12], [sflag:s16] =	dma.local @p2 [spmem:s1], $0x20  }
.Ltmp1:
0x4c: {  	_ = 	snop;
	(pc) =	sbr.rel @!p3 .LBB2_10-.Ltmp1, $4  }
0x4d: {  	s1 =	simm.s32 @p2 $0x3  }
0x4e: {  	_ =	swait.ge @p2 [sflag:s1], $0x20  }
0x4f: {  	[sflag:s1] =	ssyncset.done @p2 $0x0  }
0x50: {  	[sflag:s1] =	ssyncadd.s32 @p2 $0xFFFFFFE0  }
.LBB2_1:
0x51: {  	[tilespmem:s3], [sflag:$0x3] =	stream.linear.gather [hbm4b:s6+s3], $0x2800, $0x38;
	[tilespmem:$0x17110] =	vst v63  }
0x52: {  	_ =	swait.ge [sflag:s14], $0x2800  }
0x53: {  	[sflag:s14] =	ssyncset.done $0x0  }
.Ltmp2:
0x54: {  	[sflag:s14] =	ssyncadd.s32 $0xFFFFD800;
	(pc) =	sbr.rel @p0 .LBB2_11-.Ltmp2, $4  }
0x55: {  	[tilespmem:s15], [sflag:$0x3] =	stream.linear.gather [hbm4b:s7+s3], $0x2800, $0x38;
	[tilespmem:$0x17110] =	vst v63  }
0x56: {  	_ =	swait.ge [sflag:s14], $0x2800  }
0x57: {  	[sflag:s14] =	ssyncset.done $0x0  }
0x58: {  	[sflag:s14] =	ssyncadd.s32 $0xFFFFD800  }
.Ltmp3:
0x59: {  	s1 =	rddreg [dreg:$0x3];
	(pc) =	sbr.rel @!p1 .LBB2_5-.Ltmp3, $4  }
0x5a: {  	[spmem:s17], [sflag:s16] =	dma.local [hbm:s1], $0x4E0  }
0x5b: {  	_ =	swait.ge [sflag:s14], $0x4E0  }
0x5c: {  	[sflag:s14] =	ssyncset.done $0x0  }
0x5d: {  	p2 =	por $0x0, $0x0;
	[sflag:s14] =	ssyncadd.s32 $0xFFFFFB20  }
.Ltmp4:
0x5e: {  	(pc) =	sbr.rel .LBB2_4-.Ltmp4, $2  }
0x5f: {  	_ =	sdelay $0x2  }
0x60: {  	s26 =	rddreg [dreg:$0x4]  }
.LBB2_11:
.Ltmp5:
0x61: {  	s1 =	rddreg [dreg:$0x6];
	(pc) =	sbr.rel @!p1 .LBB2_5-.Ltmp5, $4  }
0x62: {  	[spmem:s1], [sflag:s16] =	dma.local [hbm:s5], $0x4E0  }
0x63: {  	_ =	swait.ge [sflag:s14], $0x4E0  }
0x64: {  	[sflag:s14] =	ssyncset.done $0x0  }
0x65: {  	p2 =	por $0x0, $0x0;
	s26 =	smov.u32 s5;
	[sflag:s14] =	ssyncadd.s32 $0xFFFFFB20  }
.LBB2_4:
0x66: {  	s1 =	rddreg [dreg:$0x5];
	s18 =	simm.s32 $0x1FC3  }
0x67: {  	[spmem:s1], [sflag:s18] =	dma.local [hbm:s26], $0x20  }
0x68: {  	_ =	swait.ge [sflag:s14], $0x20  }
0x69: {  	[sflag:s14] =	ssyncset.done $0x0  }
0x6a: {  	p2 =	por $0x1, $0x1;
	[sflag:s14] =	ssyncadd.s32 $0xFFFFFFE0  }
.LBB2_5:
0x6b: {  	[bflag:$0x0] =	sbarrier.arrive $0xFFFF;
	s1 =	simm.s32 $0x5000  }
0x6c: {  	[tilespmem:s1], [sflag:$0x1] =	stream.indirect.gather [hbm4b:s4+s20], $0x10, s15, s20, $0xb8;
	[tilespmem:$0x17110] =	vst v63  }
0x6d: {  	s29 =	simm.s32 $0x2880;
	s18 =	simm.s32 $0x57D0  }
0x6e: {  	[tilespmem:s18], [sflag:$0x1] =	stream.indirect.gather [hbm4b:s4+s20], $0x10, s29, s20, $0xb8;
	[tilespmem:$0x17110] =	vst v63  }
0x6f: {  	s30 =	simm.s32 $0x2900;
	s31 =	simm.s32 $0x5FA0  }
0x70: {  	[tilespmem:s31], [sflag:$0x1] =	stream.indirect.gather [hbm4b:s4+s20], $0x10, s30, s20, $0xb8;
	[tilespmem:$0x17110] =	vst v63  }
0x71: {  	s26 =	simm.s32 $0x2980;
	s29 =	simm.s32 $0x6770  }
0x72: {  	[tilespmem:s29], [sflag:$0x1] =	stream.indirect.gather [hbm4b:s4+s20], $0x10, s26, s20, $0xb8;
	[tilespmem:$0x17110] =	vst v63  }
0x73: {  	s30 =	simm.s32 $0x2A00;
	s31 =	simm.s32 $0x6F40  }
0x74: {  	[tilespmem:s31], [sflag:$0x1] =	stream.indirect.gather [hbm4b:s4+s20], $0x10, s30, s20, $0xb8;
	[tilespmem:$0x17110] =	vst v63  }
0x75: {  	s26 =	simm.s32 $0x2A80;
	s29 =	simm.s32 $0x7710  }
0x76: {  	[tilespmem:s29], [sflag:$0x1] =	stream.indirect.gather [hbm4b:s4+s20], $0x10, s26, s20, $0xb8;
	[tilespmem:$0x17110] =	vst v63  }
0x77: {  	s30 =	simm.s32 $0x2B00;
	s31 =	simm.s32 $0x7EE0  }
0x78: {  	[tilespmem:s31], [sflag:$0x1] =	stream.indirect.gather [hbm4b:s4+s20], $0x10, s30, s20, $0xb8;
	[tilespmem:$0x17110] =	vst v63  }
0x79: {  	s26 =	simm.s32 $0x2B80;
	s29 =	simm.s32 $0x86B0  }
0x7a: {  	[tilespmem:s29], [sflag:$0x1] =	stream.indirect.gather [hbm4b:s4+s20], $0x10, s26, s20, $0xb8;
	[tilespmem:$0x17110] =	vst v63  }
0x7b: {  	s30 =	simm.s32 $0x2C00;
	s31 =	simm.s32 $0x8E80  }
0x7c: {  	[tilespmem:s31], [sflag:$0x1] =	stream.indirect.gather [hbm4b:s4+s20], $0x10, s30, s20, $0xb8;
	[tilespmem:$0x17110] =	vst v63  }
0x7d: {  	s26 =	simm.s32 $0x2C80;
	s29 =	simm.s32 $0x9650  }
0x7e: {  	[tilespmem:s29], [sflag:$0x1] =	stream.indirect.gather [hbm4b:s4+s20], $0x10, s26, s20, $0xb8;
	[tilespmem:$0x17110] =	vst v63  }
0x7f: {  	s30 =	simm.s32 $0x2D00;
	s31 =	simm.s32 $0x9E20  }
0x80: {  	[tilespmem:s31], [sflag:$0x1] =	stream.indirect.gather [hbm4b:s4+s20], $0x10, s30, s20, $0xb8;
	[tilespmem:$0x17110] =	vst v63  }
0x81: {  	s26 =	simm.s32 $0x2D80;
	s29 =	simm.s32 $0xA5F0  }
0x82: {  	[tilespmem:s29], [sflag:$0x1] =	stream.indirect.gather [hbm4b:s4+s20], $0x10, s26, s20, $0xb8;
	[tilespmem:$0x17110] =	vst v63  }
0x83: {  	s30 =	simm.s32 $0x2E00;
	s31 =	simm.s32 $0xADC0  }
0x84: {  	[tilespmem:s31], [sflag:$0x1] =	stream.indirect.gather [hbm4b:s4+s20], $0x10, s30, s20, $0xb8;
	[tilespmem:$0x17110] =	vst v63  }
0x85: {  	_ = 	snop  }
0x86: {  	[tilespmem:s19], [sflag:$0x1] =	stream.indirect.gather [hbm4b:s4+s20], $0x10, s0, s20, $0xb8;
	[tilespmem:$0x17110] =	vst v63  }
.Ltmp6:
0x87: {  	_ = 	snop;
	(pc) =	sbr.rel .LBB2_6-.Ltmp6, $4  }
0x88: {  	_ = 	snop  }
0x89: {  	[tilespmem:s9], [sflag:$0x1] =	stream.indirect.gather [hbm4b:s4+s20], $0x10, s10, s20, $0xb8;
	[tilespmem:$0x17110] =	vst v63  }
0x8a: {  	s28 =	simm.s32 $0x0;
	s26 =	simm.s32 $0x0  }
0x8b: {  	[tilespmem:s25], [sflag:$0x1] =	stream.indirect.gather [hbm4b:s4+s20], $0x10, s21, s20, $0xb8;
	[tilespmem:$0x17110] =	vst v63  }
.LBB2_8:
0x8c: {  	_ =	swait.ge [sflag:s22], $0x7D0  }
0x8d: {  	[sflag:s22] =	ssyncset.done $0x0  }
0x8e: {  	[sflag:s22] =	ssyncadd.s32 $0xFFFFF830  }
0x8f: {  	_ =	swait.ge [sflag:s22], $0x7D0  }
0x90: {  	[sflag:s22] =	ssyncset.done $0x0  }
0x91: {  	[sflag:s22] =	ssyncadd.s32 $0xFFFFF830  }
0x92: {  	_ =	swait.ge [sflag:s22], $0x7D0  }
0x93: {  	[sflag:s22] =	ssyncset.done $0x0  }
0x94: {  	[sflag:s22] =	ssyncadd.s32 $0xFFFFF830  }
0x95: {  	_ =	swait.ge [sflag:s22], $0x7D0  }
0x96: {  	[sflag:s22] =	ssyncset.done $0x0  }
0x97: {  	[sflag:s22] =	ssyncadd.s32 $0xFFFFF830  }
0x98: {  	_ =	swait.ge [sflag:s22], $0x7D0  }
0x99: {  	[sflag:s22] =	ssyncset.done $0x0  }
0x9a: {  	[sflag:s22] =	ssyncadd.s32 $0xFFFFF830  }
0x9b: {  	_ =	swait.ge [sflag:s22], $0x7D0  }
0x9c: {  	[sflag:s22] =	ssyncset.done $0x0  }
0x9d: {  	[sflag:s22] =	ssyncadd.s32 $0xFFFFF830  }
0x9e: {  	_ =	swait.ge [sflag:s22], $0x7D0  }
0x9f: {  	[sflag:s22] =	ssyncset.done $0x0  }
0xa0: {  	[sflag:s22] =	ssyncadd.s32 $0xFFFFF830  }
0xa1: {  	_ =	swait.ge [sflag:s22], $0x7D0  }
0xa2: {  	[sflag:s22] =	ssyncset.done $0x0  }
0xa3: {  	[sflag:s22] =	ssyncadd.s32 $0xFFFFF830  }
0xa4: {  	_ =	swait.ge [sflag:s22], $0x7D0  }
0xa5: {  	[sflag:s22] =	ssyncset.done $0x0  }
0xa6: {  	[sflag:s22] =	ssyncadd.s32 $0xFFFFF830  }
0xa7: {  	_ =	swait.ge [sflag:s22], $0x7D0  }
0xa8: {  	[sflag:s22] =	ssyncset.done $0x0  }
0xa9: {  	[sflag:s22] =	ssyncadd.s32 $0xFFFFF830  }
0xaa: {  	_ =	swait.ge [sflag:s22], $0x7D0  }
0xab: {  	[sflag:s22] =	ssyncset.done $0x0  }
0xac: {  	[sflag:s22] =	ssyncadd.s32 $0xFFFFF830  }
0xad: {  	_ =	swait.ge [sflag:s22], $0x7D0  }
0xae: {  	[sflag:s22] =	ssyncset.done $0x0  }
0xaf: {  	[sflag:s22] =	ssyncadd.s32 $0xFFFFF830  }
0xb0: {  	_ =	swait.ge [sflag:s22], $0x7D0  }
0xb1: {  	[sflag:s22] =	ssyncset.done $0x0  }
0xb2: {  	[sflag:s22] =	ssyncadd.s32 $0xFFFFF830  }
0xb3: {  	_ =	swait.ge [sflag:s22], $0x7D0  }
0xb4: {  	[sflag:s22] =	ssyncset.done $0x0  }
0xb5: {  	[sflag:s22] =	ssyncadd.s32 $0xFFFFF830  }
0xb6: {  	_ =	swait.ge [sflag:s22], $0x7D0  }
0xb7: {  	[sflag:s22] =	ssyncset.done $0x0  }
0xb8: {  	s1 =	smul.u32 $0x1F400, s29;
	[sflag:s22] =	ssyncadd.s32 $0xFFFFF830  }
0xb9: {  	_ =	swait.ge [sflag:s22], $0x7D0  }
0xba: {  	s1 =	sshrl.u32 s1, $0x2;
	[sflag:s22] =	ssyncset.done $0x0  }
0xbb: {  	s29 =	sshra.s32 s30, $0x2;
	s18 =	sadd.s32 $0x5000, s1;
	[sflag:s22] =	ssyncadd.s32 $0xFFFFF830  }
0xbc: {  	[spmem:s2] =	stream.indirect.scatter.add.f32 [tilespmem:s18], [sflag:$0x2], $0x10, s29, s20, $0xb8;
	[tilespmem:$0x17110] =	vst v63  }
0xbd: {  	s30 =	sadd.s32 $0x80, s29;
	s31 =	sadd.s32 $0x57D0, s1  }
0xbe: {  	[spmem:s2] =	stream.indirect.scatter.add.f32 [tilespmem:s31], [sflag:$0x2], $0x10, s30, s20, $0xb8;
	[tilespmem:$0x17110] =	vst v63  }
0xbf: {  	s18 =	sadd.s32 $0x5FA0, s1;
	s31 =	sadd.s32 $0x100, s29  }
0xc0: {  	[spmem:s2] =	stream.indirect.scatter.add.f32 [tilespmem:s18], [sflag:$0x2], $0x10, s31, s20, $0xb8;
	[tilespmem:$0x17110] =	vst v63  }
0xc1: {  	s18 =	sadd.s32 $0x6770, s1;
	s31 =	sadd.s32 $0x180, s29  }
0xc2: {  	[spmem:s2] =	stream.indirect.scatter.add.f32 [tilespmem:s18], [sflag:$0x2], $0x10, s31, s20, $0xb8;
	[tilespmem:$0x17110] =	vst v63  }
0xc3: {  	s18 =	sadd.s32 $0x6F40, s1;
	s31 =	sadd.s32 $0x200, s29  }
0xc4: {  	[spmem:s2] =	stream.indirect.scatter.add.f32 [tilespmem:s18], [sflag:$0x2], $0x10, s31, s20, $0xb8;
	[tilespmem:$0x17110] =	vst v63  }
0xc5: {  	s18 =	sadd.s32 $0x7710, s1;
	s31 =	sadd.s32 $0x280, s29  }
0xc6: {  	[spmem:s2] =	stream.indirect.scatter.add.f32 [tilespmem:s18], [sflag:$0x2], $0x10, s31, s20, $0xb8;
	[tilespmem:$0x17110] =	vst v63  }
0xc7: {  	s18 =	sadd.s32 $0x7EE0, s1;
	s31 =	sadd.s32 $0x300, s29  }
0xc8: {  	[spmem:s2] =	stream.indirect.scatter.add.f32 [tilespmem:s18], [sflag:$0x2], $0x10, s31, s20, $0xb8;
	[tilespmem:$0x17110] =	vst v63  }
0xc9: {  	s18 =	sadd.s32 $0x86B0, s1;
	s31 =	sadd.s32 $0x380, s29  }
0xca: {  	[spmem:s2] =	stream.indirect.scatter.add.f32 [tilespmem:s18], [sflag:$0x2], $0x10, s31, s20, $0xb8;
	[tilespmem:$0x17110] =	vst v63  }
0xcb: {  	s18 =	sadd.s32 $0x8E80, s1;
	s31 =	sadd.s32 $0x400, s29  }
0xcc: {  	[spmem:s2] =	stream.indirect.scatter.add.f32 [tilespmem:s18], [sflag:$0x2], $0x10, s31, s20, $0xb8;
	[tilespmem:$0x17110] =	vst v63  }
0xcd: {  	s18 =	sadd.s32 $0x9650, s1;
	s31 =	sadd.s32 $0x480, s29  }
0xce: {  	[spmem:s2] =	stream.indirect.scatter.add.f32 [tilespmem:s18], [sflag:$0x2], $0x10, s31, s20, $0xb8;
	[tilespmem:$0x17110] =	vst v63  }
0xcf: {  	s18 =	sadd.s32 $0x9E20, s1;
	s31 =	sadd.s32 $0x500, s29  }
0xd0: {  	[spmem:s2] =	stream.indirect.scatter.add.f32 [tilespmem:s18], [sflag:$0x2], $0x10, s31, s20, $0xb8;
	[tilespmem:$0x17110] =	vst v63  }
0xd1: {  	s18 =	sadd.s32 $0xA5F0, s1;
	s31 =	sadd.s32 $0x580, s29  }
0xd2: {  	[spmem:s2] =	stream.indirect.scatter.add.f32 [tilespmem:s18], [sflag:$0x2], $0x10, s31, s20, $0xb8;
	[tilespmem:$0x17110] =	vst v63  }
0xd3: {  	s26 =	sadd.s32 $0x2000, s26;
	s18 =	sadd.s32 $0xADC0, s1;
	s31 =	sadd.s32 $0x600, s29  }
0xd4: {  	[spmem:s2] =	stream.indirect.scatter.add.f32 [tilespmem:s18], [sflag:$0x2], $0x10, s31, s20, $0xb8;
	[tilespmem:$0x17110] =	vst v63  }
0xd5: {  	p3 =	sne.s32 s26, $0xA000;
	s18 =	sadd.s32 $0xB590, s1;
	s31 =	sadd.s32 $0x680, s29  }
0xd6: {  	[spmem:s2] =	stream.indirect.scatter.add.f32 [tilespmem:s18], [sflag:$0x2], $0x10, s31, s20, $0xb8;
	[tilespmem:$0x17110] =	vst v63  }
.Ltmp7:
0xd7: {  	_ = 	snop;
	(pc) =	sbr.rel @!p3 .LBB2_9-.Ltmp7, $4  }
0xd8: {  	s18 =	sadd.s32 $0xBD60, s1;
	s31 =	sadd.s32 $0x700, s29  }
0xd9: {  	[spmem:s2] =	stream.indirect.scatter.add.f32 [tilespmem:s18], [sflag:$0x2], $0x10, s31, s20, $0xb8;
	[tilespmem:$0x17110] =	vst v63  }
0xda: {  	s28 =	sadd.s32 $0x1, s28;
	s1 =	sadd.s32 $0xC530, s1;
	s31 =	sadd.s32 $0x780, s29  }
0xdb: {  	[spmem:s2] =	stream.indirect.scatter.add.f32 [tilespmem:s1], [sflag:$0x2], $0x10, s31, s20, $0xb8;
	[tilespmem:$0x17110] =	vst v63  }
.LBB2_6:
0xdc: {  	p3 =	seq.s32 s26, $0x0  }
0xdd: {  	s30 =	simm.s32 @!p3 $0x2  }
0xde: {  	_ =	swait.ge @!p3 [sflag:s30], $0x7D0  }
0xdf: {  	[sflag:s30] =	ssyncset.done @!p3 $0x0  }
0xe0: {  	[sflag:s30] =	ssyncadd.s32 @!p3 $0xFFFFF830  }
0xe1: {  	_ =	swait.ge @!p3 [sflag:s30], $0x7D0  }
0xe2: {  	[sflag:s30] =	ssyncset.done @!p3 $0x0  }
0xe3: {  	[sflag:s30] =	ssyncadd.s32 @!p3 $0xFFFFF830  }
0xe4: {  	_ =	swait.ge @!p3 [sflag:s30], $0x7D0  }
0xe5: {  	[sflag:s30] =	ssyncset.done @!p3 $0x0  }
0xe6: {  	[sflag:s30] =	ssyncadd.s32 @!p3 $0xFFFFF830  }
0xe7: {  	_ =	swait.ge @!p3 [sflag:s30], $0x7D0  }
0xe8: {  	[sflag:s30] =	ssyncset.done @!p3 $0x0  }
0xe9: {  	[sflag:s30] =	ssyncadd.s32 @!p3 $0xFFFFF830  }
0xea: {  	_ =	swait.ge @!p3 [sflag:s30], $0x7D0  }
0xeb: {  	[sflag:s30] =	ssyncset.done @!p3 $0x0  }
0xec: {  	[sflag:s30] =	ssyncadd.s32 @!p3 $0xFFFFF830  }
0xed: {  	_ =	swait.ge @!p3 [sflag:s30], $0x7D0  }
0xee: {  	[sflag:s30] =	ssyncset.done @!p3 $0x0  }
0xef: {  	[sflag:s30] =	ssyncadd.s32 @!p3 $0xFFFFF830  }
0xf0: {  	_ =	swait.ge @!p3 [sflag:s30], $0x7D0  }
0xf1: {  	[sflag:s30] =	ssyncset.done @!p3 $0x0  }
0xf2: {  	[sflag:s30] =	ssyncadd.s32 @!p3 $0xFFFFF830  }
0xf3: {  	_ =	swait.ge @!p3 [sflag:s30], $0x7D0  }
0xf4: {  	[sflag:s30] =	ssyncset.done @!p3 $0x0  }
0xf5: {  	[sflag:s30] =	ssyncadd.s32 @!p3 $0xFFFFF830  }
0xf6: {  	_ =	swait.ge @!p3 [sflag:s30], $0x7D0  }
0xf7: {  	[sflag:s30] =	ssyncset.done @!p3 $0x0  }
0xf8: {  	[sflag:s30] =	ssyncadd.s32 @!p3 $0xFFFFF830  }
0xf9: {  	_ =	swait.ge @!p3 [sflag:s30], $0x7D0  }
0xfa: {  	[sflag:s30] =	ssyncset.done @!p3 $0x0  }
0xfb: {  	[sflag:s30] =	ssyncadd.s32 @!p3 $0xFFFFF830  }
0xfc: {  	_ =	swait.ge @!p3 [sflag:s30], $0x7D0  }
0xfd: {  	[sflag:s30] =	ssyncset.done @!p3 $0x0  }
0xfe: {  	[sflag:s30] =	ssyncadd.s32 @!p3 $0xFFFFF830  }
0xff: {  	_ =	swait.ge @!p3 [sflag:s30], $0x7D0  }
0x100: {  	[sflag:s30] =	ssyncset.done @!p3 $0x0  }
0x101: {  	[sflag:s30] =	ssyncadd.s32 @!p3 $0xFFFFF830  }
0x102: {  	_ =	swait.ge @!p3 [sflag:s30], $0x7D0  }
0x103: {  	[sflag:s30] =	ssyncset.done @!p3 $0x0  }
0x104: {  	[sflag:s30] =	ssyncadd.s32 @!p3 $0xFFFFF830  }
0x105: {  	_ =	swait.ge @!p3 [sflag:s30], $0x7D0  }
0x106: {  	[sflag:s30] =	ssyncset.done @!p3 $0x0  }
0x107: {  	p4 =	seq.s32 @!p3 s26, $0x8000;
	[sflag:s30] =	ssyncadd.s32 @!p3 $0xFFFFF830  }
0x108: {  	p4 =	por p3, !p4;
	_ =	swait.ge @!p3 [sflag:s30], $0x7D0  }
.Ltmp8:
0x109: {  	[sflag:s30] =	ssyncset.done @!p3 $0x0;
	(pc) =	sbr.rel @!p4 .LBB2_8-.Ltmp8, $4  }
0x10a: {  	[sflag:s30] =	ssyncadd.s32 @!p3 $0xFFFFF830  }
0x10b: {  	_ =	swait.ge @!p3 [sflag:s30], $0x7D0  }
0x10c: {  	[sflag:s30] =	ssyncset.done @!p3 $0x0  }
0x10d: {  	s29 =	sand.u32 $0x1, s28;
	[sflag:s30] =	ssyncadd.s32 @!p3 $0xFFFFF830;
	s30 =	simm.s32 @!p3 $0x8000  }
0x10e: {  	s30 =	sxor.u32 $0x1, s29  }
0x10f: {  	s30 =	smul.u32 $0x1F400, s30;
	_ =	sdelay $0x1  }
0x110: {  	s18 =	sshra.s32 s26, $0x2;
	s30 =	sshrl.u32 s30, $0x2  }
0x111: {  	s1 =	sadd.s32 $0x3000, s18;
	s31 =	sadd.s32 $0x5000, s30  }
0x112: {  	[tilespmem:s31], [sflag:$0x1] =	stream.indirect.gather [hbm4b:s4+s20], $0x10, s1, s20, $0xb8;
	[tilespmem:$0x17110] =	vst v63  }
0x113: {  	s1 =	sadd.s32 $0x57D0, s30;
	s31 =	sadd.s32 $0x3080, s18  }
0x114: {  	[tilespmem:s1], [sflag:$0x1] =	stream.indirect.gather [hbm4b:s4+s20], $0x10, s31, s20, $0xb8;
	[tilespmem:$0x17110] =	vst v63  }
0x115: {  	s1 =	sadd.s32 $0x5FA0, s30;
	s31 =	sadd.s32 $0x3100, s18  }
0x116: {  	[tilespmem:s1], [sflag:$0x1] =	stream.indirect.gather [hbm4b:s4+s20], $0x10, s31, s20, $0xb8;
	[tilespmem:$0x17110] =	vst v63  }
0x117: {  	s1 =	sadd.s32 $0x6770, s30;
	s31 =	sadd.s32 $0x3180, s18  }
0x118: {  	[tilespmem:s1], [sflag:$0x1] =	stream.indirect.gather [hbm4b:s4+s20], $0x10, s31, s20, $0xb8;
	[tilespmem:$0x17110] =	vst v63  }
0x119: {  	s1 =	sadd.s32 $0x6F40, s30;
	s31 =	sadd.s32 $0x3200, s18  }
0x11a: {  	[tilespmem:s1], [sflag:$0x1] =	stream.indirect.gather [hbm4b:s4+s20], $0x10, s31, s20, $0xb8;
	[tilespmem:$0x17110] =	vst v63  }
0x11b: {  	s1 =	sadd.s32 $0x7710, s30;
	s31 =	sadd.s32 $0x3280, s18  }
0x11c: {  	[tilespmem:s1], [sflag:$0x1] =	stream.indirect.gather [hbm4b:s4+s20], $0x10, s31, s20, $0xb8;
	[tilespmem:$0x17110] =	vst v63  }
0x11d: {  	s1 =	sadd.s32 $0x7EE0, s30;
	s31 =	sadd.s32 $0x3300, s18  }
0x11e: {  	[tilespmem:s1], [sflag:$0x1] =	stream.indirect.gather [hbm4b:s4+s20], $0x10, s31, s20, $0xb8;
	[tilespmem:$0x17110] =	vst v63  }
0x11f: {  	s1 =	sadd.s32 $0x86B0, s30;
	s31 =	sadd.s32 $0x3380, s18  }
0x120: {  	[tilespmem:s1], [sflag:$0x1] =	stream.indirect.gather [hbm4b:s4+s20], $0x10, s31, s20, $0xb8;
	[tilespmem:$0x17110] =	vst v63  }
0x121: {  	s1 =	sadd.s32 $0x8E80, s30;
	s31 =	sadd.s32 $0x3400, s18  }
0x122: {  	[tilespmem:s1], [sflag:$0x1] =	stream.indirect.gather [hbm4b:s4+s20], $0x10, s31, s20, $0xb8;
	[tilespmem:$0x17110] =	vst v63  }
0x123: {  	s1 =	sadd.s32 $0x9650, s30;
	s31 =	sadd.s32 $0x3480, s18  }
0x124: {  	[tilespmem:s1], [sflag:$0x1] =	stream.indirect.gather [hbm4b:s4+s20], $0x10, s31, s20, $0xb8;
	[tilespmem:$0x17110] =	vst v63  }
0x125: {  	s1 =	sadd.s32 $0x9E20, s30;
	s31 =	sadd.s32 $0x3500, s18  }
0x126: {  	[tilespmem:s1], [sflag:$0x1] =	stream.indirect.gather [hbm4b:s4+s20], $0x10, s31, s20, $0xb8;
	[tilespmem:$0x17110] =	vst v63  }
0x127: {  	s1 =	sadd.s32 $0xA5F0, s30;
	s31 =	sadd.s32 $0x3580, s18  }
0x128: {  	[tilespmem:s1], [sflag:$0x1] =	stream.indirect.gather [hbm4b:s4+s20], $0x10, s31, s20, $0xb8;
	[tilespmem:$0x17110] =	vst v63  }
0x129: {  	s1 =	sadd.s32 $0xADC0, s30;
	s31 =	sadd.s32 $0x3600, s18  }
0x12a: {  	[tilespmem:s1], [sflag:$0x1] =	stream.indirect.gather [hbm4b:s4+s20], $0x10, s31, s20, $0xb8;
	[tilespmem:$0x17110] =	vst v63  }
0x12b: {  	s1 =	sadd.s32 $0xB590, s30;
	s31 =	sadd.s32 $0x3680, s18  }
0x12c: {  	[tilespmem:s1], [sflag:$0x1] =	stream.indirect.gather [hbm4b:s4+s20], $0x10, s31, s20, $0xb8;
	[tilespmem:$0x17110] =	vst v63  }
.Ltmp9:
0x12d: {  	_ = 	snop;
	(pc) =	sbr.rel .LBB2_8-.Ltmp9, $4  }
0x12e: {  	s1 =	sadd.s32 $0xBD60, s30;
	s31 =	sadd.s32 $0x3700, s18  }
0x12f: {  	[tilespmem:s1], [sflag:$0x1] =	stream.indirect.gather [hbm4b:s4+s20], $0x10, s31, s20, $0xb8;
	[tilespmem:$0x17110] =	vst v63  }
0x130: {  	s18 =	sadd.s32 $0x3780, s18;
	s31 =	sadd.s32 $0xC530, s30;
	s30 =	smov.u32 s26  }
0x131: {  	[tilespmem:s31], [sflag:$0x1] =	stream.indirect.gather [hbm4b:s4+s20], $0x10, s18, s20, $0xb8;
	[tilespmem:$0x17110] =	vst v63  }
.LBB2_10:
0x132: {  	_ =	sfence.sel $0x180000  }
0x133: {  	[bflag:$0x0] =	sbarrier.arrive $0xFFFF  }
0x134: {  	_ =	strace $0x9000004A  }
0x135: {  	s0 =	stileid.u32;
	[bflag:$0x2] =	sbarrier.arrive $0xFFFF  }
0x136: {  	p0 =	sne.s32 s0, $0x0;
	s0 =	rddreg [dreg:$0x2]  }
0x137: {  	s0 =	sadd.s32 @!p0 $0x100000, s0  }
0x138: {  	[sflag:s0] =	ssyncadd.tile.s32 @!p0 $0x1;
	_ =	shalt  }
.Lfunc_end2:
_tile_overlayer_lowered:
.L_overlay_start_2:
0x139: {  	(tag) =	ssettag $0x2  }
0x13a: {  	s0 =	rddreg [dreg:$0x0];
	s2 =	stileid.u32  }
0x13b: {  	s1 =	rddreg [dreg:$0x1];
	p0 =	sne.s32 s2, $0x0  }
0x13c: {  	s3 =	rddreg [dreg:$0x2];
	[bflag:$0x3] =	sbarrier.arrive $0xFFFF;
	s2 =	simm.s32 @!p0 $0x1C03  }
0x13d: {  	[timem:s3], [sflag:s2] =	dma.local @!p0 [hbm:s0], s1  }
0x13e: {  	s0 =	simm.s32 @!p0 $0x3  }
0x13f: {  	_ =	swait.ge @!p0 [sflag:s0], s1  }
0x140: {  	s1 =	ssub.s32 @!p0 $0x0, s1;
	[sflag:s0] =	ssyncset.done @!p0 $0x0  }
0x141: {  	[sflag:s0] =	ssyncadd.s32 @!p0 s1  }
0x142: {  	[bflag:$0x3] =	sbarrier.arrive $0xFFFF  }
0x143: {  	_ =	shalt  }

// kernel: kernel.8.cloned.1.call-start
scs
__scs_entry_jumppad:
0x0: {  	(pc) =	sbr.rel $0x88, $3  }
0x1: {  	(tag) =	ssettag $0x0;
	lr =	simm.s32 $0x1  }
0x2: {  	[smem:$0x3F95] =	sst lr;
	_ =	strace $0xD0000000  }
0x3: {  	_ = 	snop  }
0x4: {  	_ = 	snop  }
0x5: {  	_ = 	snop  }
0x6: {  	_ = 	snop  }
0x7: {  	_ = 	snop  }
__scs_overlays_trampoline_lowered:
0x8: {  	[smem:$0x3FA4] =	sst s0  }
0x9: {  	[smem:$0x3FA5] =	sst s1  }
0xa: {  	[smem:$0x3FA6] =	sst s2  }
0xb: {  	[smem:$0x3FA7] =	sst s3  }
0xc: {  	[smem:$0x3FA8] =	sst s4  }
0xd: {  	[smem:$0x3FA9] =	sst s5  }
0xe: {  	[smem:$0x3FAA] =	sst s6  }
0xf: {  	[smem:$0x3FAB] =	sst s7  }
0x10: {  	[smem:$0x3FAC] =	sst s8  }
0x11: {  	[smem:$0x3FAD] =	sst s9;
	s0 =	simm.s32 @!p0 $0x0  }
0x12: {  	s1 =	sld [smem:$0x3F93];
	s0 =	simm.s32 @p0 $0x1  }
0x13: {  	[smem:$0x3FAE] =	sst s0;
	s0 =	simm.s32 @!p1 $0x0  }
0x14: {  	s2 =	sld [smem:$0x3F92];
	s0 =	simm.s32 @p1 $0x1  }
0x15: {  	[smem:$0x3FAF] =	sst s0;
	s0 =	simm.s32 @!p2 $0x0  }
0x16: {  	s3 =	sld [smem:$0x3FDB];
	s0 =	simm.s32 @p2 $0x1  }
0x17: {  	s4 =	simm.s32 $0x1BF5;
	[smem:$0x3FB1] =	sst s0  }
0x18: {  	s0 =	sld [smem:$0x3F94];
	_ =	swait.ge [sflag:s4], $0x0  }
0x19: {  	s7 =	sld [smem:$0x3F95]  }
0x1a: {  	s8 =	sadd.s32 $0xFFFFE003, lr  }
0x1b: {  	s9 =	sadd.s32 $0xFFFFFEF7, lr;
	s5 =	simm.s32 $0xFFFFFFFF;
	p2 =	slt.u32 s8, $0xFFFFF086  }
0x1c: {  	p1 =	slt.u32 s9, $0xF7A;
	s5 =	simm.s32 @!p2 $0x0  }
0x1d: {  	s5 =	simm.s32 @p1 $0x1;
	p0 =	seq.s32 s7, s2  }
0x1e: {  	s7 =	smul.u32 @!p0 $0xF7A, s2;
	p2 =	seq.s32 @!p0 s5, $0x0  }
0x1f: {  	s9 =	smul.u32 $0xF7A, s1;
	s8 =	simm.s32 @!p0 $0x1BF5;
	p2 =	por !p2, p0  }
0x20: {  	[sflag:s8] =	ssyncset.s32 @!p0 $0xFFFFF086;
	s6 =	sadd.s32 @!p0 s3, s7;
	s7 =	simm.s32 @!p0 $0x108  }
0x21: {  	s3 =	sadd.s32 s3, s9;
	s6 =	sadd.s32 @!p0 $0x88, s6;
	s7 =	simm.s32 @p2 $0x1082  }
0x22: {  	[simem:s7], [sflag:s8] =	dma.local @!p0 [hbm:s6], $0xF7A  }
0x23: {  	s9 =	sor.u32 $0xD0000000, s2;
	s6 =	simm.s32 $0x108;
	_ =	swait.ge @!p0 [sflag:s8], $0x0  }
0x24: {  	s3 =	sadd.s32 $0x88, s3;
	s6 =	simm.s32 @!p1 $0x1082;
	[sflag:s4] =	ssyncset.s32 $0xFFFFF086  }
0x25: {  	[simem:s6], [sflag:s4] =	dma.local [hbm:s3], $0xF7A  }
0x26: {  	[smem:$0x3F95] =	sst s1;
	(tag) =	ssettag s2;
	_ =	strace s9  }
0x27: {  	s1 =	sld [smem:$0x3FA5]  }
0x28: {  	s2 =	sld [smem:$0x3FA6]  }
0x29: {  	s4 =	sld [smem:$0x3FA8]  }
0x2a: {  	p0 =	seq.s32 s5, $0x0;
	s5 =	sld [smem:$0x3FA9]  }
0x2b: {  	s6 =	sld [smem:$0x3FAA]  }
0x2c: {  	s7 =	sld [smem:$0x3FAB]  }
0x2d: {  	s3 =	simm.s32 $0x108;
	s8 =	sld [smem:$0x3FAC]  }
0x2e: {  	s3 =	simm.s32 @!p0 $0x1082;
	s9 =	sld [smem:$0x3FAD]  }
0x2f: {  	lr =	sadd.s32 s0, s3;
	s0 =	sld [smem:$0x3FA4]  }
0x30: {  	s3 =	sld [smem:$0x3FA7]  }
0x31: {  	[smem:$0x3FB0] =	sst s10  }
0x32: {  	s10 =	sld [smem:$0x3FAE];
	_ =	sdelay $0x3  }
0x33: {  	p0 =	seq.s32 s10, $0x1;
	s10 =	sld [smem:$0x3FB0];
	_ =	sdelay $0x3  }
0x34: {  	[smem:$0x3FB0] =	sst s10  }
0x35: {  	s10 =	sld [smem:$0x3FAF];
	_ =	sdelay $0x3  }
0x36: {  	p1 =	seq.s32 s10, $0x1;
	s10 =	sld [smem:$0x3FB0];
	_ =	sdelay $0x3  }
0x37: {  	[smem:$0x3FB0] =	sst s10  }
0x38: {  	s10 =	sld [smem:$0x3FB1]  }
0x39: {  	_ = 	snop;
	(pc) =	sbr.ind lr, $3  }
0x3a: {  	_ = 	snop  }
0x3b: {  	_ = 	snop  }
0x3c: {  	p2 =	seq.s32 s10, $0x1;
	s10 =	sld [smem:$0x3FB0]  }
0x3d: {  	_ =	shalt  }
0x3e: {  	_ =	shalt  }
0x3f: {  	_ =	shalt  }
0x40: {  	_ =	shalt  }
0x41: {  	_ =	shalt  }
0x42: {  	_ =	shalt  }
0x43: {  	_ =	shalt  }
0x44: {  	_ =	shalt  }
0x45: {  	_ =	shalt  }
0x46: {  	_ =	shalt  }
0x47: {  	_ =	shalt  }
0x48: {  	_ =	shalt  }
0x49: {  	_ =	shalt  }
0x4a: {  	_ =	shalt  }
0x4b: {  	_ =	shalt  }
0x4c: {  	_ =	shalt  }
0x4d: {  	_ =	shalt  }
0x4e: {  	_ =	shalt  }
0x4f: {  	_ =	shalt  }
0x50: {  	_ =	shalt  }
0x51: {  	_ =	shalt  }
0x52: {  	_ =	shalt  }
0x53: {  	_ =	shalt  }
0x54: {  	_ =	shalt  }
0x55: {  	_ =	shalt  }
0x56: {  	_ =	shalt  }
0x57: {  	_ =	shalt  }
0x58: {  	_ =	shalt  }
0x59: {  	_ =	shalt  }
0x5a: {  	_ =	shalt  }
0x5b: {  	_ =	shalt  }
0x5c: {  	_ =	shalt  }
0x5d: {  	_ =	shalt  }
0x5e: {  	_ =	shalt  }
0x5f: {  	_ =	shalt  }
0x60: {  	_ =	shalt  }
0x61: {  	_ =	shalt  }
0x62: {  	_ =	shalt  }
0x63: {  	_ =	shalt  }
0x64: {  	_ =	shalt  }
0x65: {  	_ =	shalt  }
0x66: {  	_ =	shalt  }
0x67: {  	_ =	shalt  }
0x68: {  	_ =	shalt  }
0x69: {  	_ =	shalt  }
0x6a: {  	_ =	shalt  }
0x6b: {  	_ =	shalt  }
0x6c: {  	_ =	shalt  }
0x6d: {  	_ =	shalt  }
0x6e: {  	_ =	shalt  }
0x6f: {  	_ =	shalt  }
0x70: {  	_ =	shalt  }
0x71: {  	_ =	shalt  }
0x72: {  	_ =	shalt  }
0x73: {  	_ =	shalt  }
0x74: {  	_ =	shalt  }
0x75: {  	_ =	shalt  }
0x76: {  	_ =	shalt  }
0x77: {  	_ =	shalt  }
0x78: {  	_ =	shalt  }
0x79: {  	_ =	shalt  }
0x7a: {  	_ =	shalt  }
0x7b: {  	_ =	shalt  }
0x7c: {  	_ =	shalt  }
0x7d: {  	_ =	shalt  }
0x7e: {  	_ =	shalt  }
0x7f: {  	_ =	shalt  }
0x80: {  	_ =	shalt  }
0x81: {  	_ =	shalt  }
0x82: {  	_ =	shalt  }
0x83: {  	_ =	shalt  }
0x84: {  	_ =	shalt  }
0x85: {  	_ =	shalt  }
0x86: {  	_ =	shalt  }
0x87: {  	_ =	shalt  }
.Lfunc_end0:
.L_simem_size_0:
called_computation_lowered:
.L_overlay_start_0:
0x88: {  	s2 =	sld [smem:$0x3FD9]  }
0x89: {  	s3 =	sld [smem:$0x3FFE];
	_ =	sdelay $0x1  }
0x8a: {  	s1 =	srdreg.scid  }
0x8b: {  	s0 =	sand.u32 $0x1, s1  }
0x8c: {  	s16 =	sshll.u32 s0, $0xA;
	s2 =	sadd.s32 s3, s2  }
0x8d: {  	s2 =	sadd.s32 s2, s16  }
0x8e: {  	[smem:$0x3FBC] =	sst s2  }
0x8f: {  	_ = 	snop  }
0x90: {  	(tm) =	ssettm $0x1  }
0x91: {  	s17 =	sld [smem:$0x3FFB];
	_ =	sdelay $0x3  }
0x92: {  	_ =	strace s17  }
0x93: {  	s2 =	sld [smem:$0x3FFC];
	_ =	sdelay $0x3  }
0x94: {  	_ =	strace s2  }
0x95: {  	s2 =	sld [smem:$0x3FFD];
	_ =	sdelay $0x3  }
0x96: {  	_ =	strace s2  }
0x97: {  	_ =	strace $0x8FFFFFFF  }
0x98: {  	s18 =	sld [smem:$0x3FDB];
	_ =	sdelay $0x1  }
0x99: {  	s19 =	simm.s32 $_scs_section_size  }
0x9a: {  	s4 =	simm.s32 $_size__tile_overlayer_lowered;
	s5 =	simm.s32 $_tile_overlayer_lowered  }
0x9b: {  	s22 =	simm.s32 $0x1BFF;
	s21 =	sshll.u32 s5, $0x1;
	s2 =	sadd.s32 s19, s18  }
0x9c: {  	s6 =	simm.s32 $0x0;
	s20 =	sshll.u32 s4, $0x1;
	s4 =	sadd.s32 s21, s2  }
0x9d: {  	[timem:s6], [sflag:s22] =	dma.local [hbm:s4], s20  }
0x9e: {  	_ =	swait.ge [sflag:s22], s20  }
0x9f: {  	s3 =	ssub.s32 $0x0, s20;
	[sflag:s22] =	ssyncset.done $0x0  }
0xa0: {  	[sflag:s22] =	ssyncadd.s32 s3;
	_ =	sdelay $0x1  }
0xa1: {  	s23 =	simm.s32 $0x1B8B  }
0xa2: {  	_ =	swait.ge [sflag:s23], $0x1  }
0xa3: {  	[sflag:s23] =	ssyncset.done $0x0  }
0xa4: {  	s25 =	simm.s32 $0x1B8E;
	s24 =	sld [smem:$0x3FFE];
	[sflag:s23] =	ssyncadd.s32 $0xFFFFFFFF  }
0xa5: {  	s26 =	simm.s32 $execute0_lowered;
	[smem:$0x3FD2] =	sst s25  }
0xa6: {  	s4 =	sshll.u32 s26, $0x1;
	_ =	strace $0x80000046;
	[dreg:$0x1] =	wrdreg $0xFFFFFFFF  }
0xa7: {  	s28 =	simm.s32 $_size_execute0_lowered;
	s2 =	sadd.s32 s2, s4;
	[dreg:$0x0] =	wrdreg $0x0  }
0xa8: {  	s4 =	sshll.u32 s28, $0x1;
	[dreg:$0x2] =	wrdreg s2  }
0xa9: {  	[dreg:$0x3] =	wrdreg s4  }
0xaa: {  	[dreg:$0x4] =	wrdreg $0xC0  }
0xab: {  	_ =	task [dreg:s6], $0x5FFFF  }
0xac: {  	[dreg:$0x1] =	wrdreg $0xFFFFFFFF  }
0xad: {  	[dreg:$0x0] =	wrdreg $0x60  }
0xae: {  	[dreg:$0x2] =	wrdreg s24  }
0xaf: {  	[dreg:$0x3] =	wrdreg $0x2FD00  }
0xb0: {  	[dreg:$0x4] =	wrdreg $0x9  }
0xb1: {  	_ =	task.clear_ibuf [dreg:s6], $0x5FFFF;
	_ =	strace $0x90000046  }
0xb2: {  	s29 =	simm.s32 $0x9;
	_ =	strace $0x80000048  }
0xb3: {  	_ =	swait.ge [sflag:s29], $0x1  }
0xb4: {  	[sflag:s29] =	ssyncadd.s32 $0xFFFFFFFF  }
0xb5: {  	_ =	strace $0x90000048  }
0xb6: {  	_ =	sfence  }
0xb7: {  	s30 =	sld [smem:$0x0];
	_ =	sdelay $0x2  }
0xb8: {  	s31 =	sshll.u32 s1, $0xD;
	s1 =	sshrl.u32 s1, $0x2  }
0xb9: {  	s3 =	sand.u32 $0x4000, s31;
	s1 =	sadd.s32 s1, s30  }
0xba: {  	s0 =	sor.u32 s3, s0;
	s1 =	sshll.u32 s1, $0x11  }
0xbb: {  	s0 =	sor.u32 s1, s0  }
0xbc: {  	s0 =	sadd.s32 $0x8F2B, s0  }
0xbd: {  	[sflag:s0] =	ssyncadd.remote.s32 $0x1  }
0xbe: {  	_ =	sfence.sel $0xFFFF  }
0xbf: {  	[dreg:$0x0] =	wrdreg $0xFFFFFFFF;
	(pc) =	sbr.abs _section_cstart, $3  }
0xc0: {  	[dreg:$0x1] =	wrdreg $0xFFFFFFFF  }
0xc1: {  	_ =	task.clear_ibuf [dreg:s6], $0x2FFFF;
	_ =	strace $0x9FFFFFFF  }
0xc2: {  	(tm) =	ssettm $0x7FFFFFFF  }
0xc3: {  	_ =	shalt  }
tec
execute0_lowered:
.L_overlay_start_1:
0x0: {  	(tag) =	ssettag $0x1  }
0x1: {  	s0 =	srdreg.scid;
	s1 =	rddreg [dreg:$0x0]  }
0x2: {  	s12 =	stileid.u32;
	s2 =	rddreg [dreg:$0x1]  }
0x3: {  	s10 =	simm.s32 $0x2800;
	s11 =	simm.s32 $0x2;
	s15 =	simm.s32 $0x7D  }
0x4: {  	s19 =	simm.s32 $0x200;
	s20 =	simm.s32 $0x280;
	s21 =	simm.s32 $0x300  }
0x5: {  	s22 =	simm.s32 $0x380;
	s23 =	simm.s32 $0x400;
	s28 =	simm.s32 $0x600  }
0x6: {  	s29 =	simm.s32 $0x680;
	s30 =	simm.s32 $0x700;
	s31 =	simm.s32 $0x780  }
0x7: {  	s0 =	sand.u32 $0x1, s0;
	s7 =	smul.u32 $0x2700, s12;
	s5 =	sadd.s32 $0xC000, s1  }
0x8: {  	s14 =	sadd.s32 $0x27000, s2;
	p0 =	sne.s32 s12, $0xF;
	s26 =	sshll.u32 s12, $0x6  }
0x9: {  	s3 =	sshll.u32 s0, $0x4;
	s8 =	ssub.s32 $0x2, s0;
	s0 =	smul.u32 $0x27100, s0  }
0xa: {  	s14 =	sshrl.u32 @!p0 s14, $0x3;
	s4 =	sor.u32 s12, s3;
	s3 =	simm.s32 $0x0  }
0xb: {  	s9 =	sshrl.u32 s8, $0x1;
	s13 =	sadd.s32 s7, s2;
	s12 =	sor.u32 $0x1C02, s26  }
0xc: {  	s26 =	simm.s32 $0x580;
	s4 =	smul.u32 $0x500, s4;
	[smem:$0x7FF] =	sst s3  }
0xd: {  	s9 =	ssub.s32 s8, s9;
	s24 =	sadd.s32 s7, s0;
	s0 =	sshrl.u32 s0, $0x3  }
0xe: {  	s13 =	sshrl.u32 s13, $0x3;
	_ =	strace $0x80000047;
	s25 =	sshrl.u32 s24, $0x3  }
0xf: {  	s9 =	smax.u32 s9, $0x1;
	s24 =	simm.s32 $0x480;
	s6 =	sadd.s32 s4, s1  }
0x10: {  	s4 =	sadd.s32 $0xC600, s1;
	s1 =	sadd.s32 $0xC800, s1;
	s6 =	sadd.s32 $0x2000, s6  }
0x11: {  	s7 =	sadd.s32 s1, s25;
	s0 =	sadd.s32 s1, s0;
	s25 =	simm.s32 $0x500  }
0x12: {  	s1 =	simm.s32 $0x1;
	s8 =	sadd.s32 $0x4E00, s0;
	s0 =	simm.s32 $0x0  }
.LBB2_1:
0x13: {  	[tilespmem:s10], [sflag:$0x2] =	stream.linear.gather [hbm4b:s4+s3], $0x7D0, $0x38;
	[tilespmem:$0x56E0] =	vst v63  }
0x14: {  	_ =	swait.ge [sflag:s11], $0x7D0  }
0x15: {  	[sflag:s11] =	ssyncset.done $0x0  }
0x16: {  	[sflag:s11] =	ssyncadd.s32 $0xFFFFF830  }
0x17: {  	[tilespmem:s3], [sflag:$0x2] =	stream.linear.gather [hbm4b:s6+s3], $0x2800, $0x38;
	[tilespmem:$0x56E0] =	vst v63  }
0x18: {  	_ =	swait.ge [sflag:s11], $0x2800  }
0x19: {  	[sflag:s11] =	ssyncset.done $0x0  }
0x1a: {  	[sflag:s11] =	ssyncadd.s32 $0xFFFFD800  }
0x1b: {  	[spmem:s13], [sflag:s12] =	dma.local [hbm:s5], $0x4E0  }
0x1c: {  	_ =	swait.ge [sflag:s11], $0x4E0  }
0x1d: {  	[sflag:s11] =	ssyncset.done $0x0  }
0x1e: {  	s16 =	simm.s32 @!p0 $0x2;
	[sflag:s11] =	ssyncadd.s32 $0xFFFFFB20  }
0x1f: {  	[spmem:s14], [sflag:s12] =	dma.local @!p0 [hbm:s5], $0x20  }
0x20: {  	_ =	swait.ge @!p0 [sflag:s16], $0x20  }
0x21: {  	[sflag:s16] =	ssyncset.done @!p0 $0x0  }
0x22: {  	[sflag:s16] =	ssyncadd.s32 @!p0 $0xFFFFFFE0  }
0x23: {  	[bflag:$0x0] =	sbarrier.arrive $0xFFFF  }
0x24: {  	[spmem:s2] =	stream.indirect.scatter.add.f32 [tilespmem:s10], [sflag:$0x1], $0x10, s3, s15, $0xb8;
	[tilespmem:$0x56E0] =	vst v63  }
0x25: {  	s17 =	simm.s32 $0x80  }
0x26: {  	[spmem:s2] =	stream.indirect.scatter.add.f32 [tilespmem:s10], [sflag:$0x1], $0x10, s17, s15, $0xb8;
	[tilespmem:$0x56E0] =	vst v63  }
0x27: {  	s18 =	simm.s32 $0x100  }
0x28: {  	[spmem:s2] =	stream.indirect.scatter.add.f32 [tilespmem:s10], [sflag:$0x1], $0x10, s18, s15, $0xb8;
	[tilespmem:$0x56E0] =	vst v63  }
0x29: {  	s17 =	simm.s32 $0x180  }
0x2a: {  	[spmem:s2] =	stream.indirect.scatter.add.f32 [tilespmem:s10], [sflag:$0x1], $0x10, s17, s15, $0xb8;
	[tilespmem:$0x56E0] =	vst v63  }
0x2b: {  	_ = 	snop  }
0x2c: {  	[spmem:s2] =	stream.indirect.scatter.add.f32 [tilespmem:s10], [sflag:$0x1], $0x10, s19, s15, $0xb8;
	[tilespmem:$0x56E0] =	vst v63  }
0x2d: {  	_ = 	snop  }
0x2e: {  	[spmem:s2] =	stream.indirect.scatter.add.f32 [tilespmem:s10], [sflag:$0x1], $0x10, s20, s15, $0xb8;
	[tilespmem:$0x56E0] =	vst v63  }
0x2f: {  	_ = 	snop  }
0x30: {  	[spmem:s2] =	stream.indirect.scatter.add.f32 [tilespmem:s10], [sflag:$0x1], $0x10, s21, s15, $0xb8;
	[tilespmem:$0x56E0] =	vst v63  }
0x31: {  	_ = 	snop  }
0x32: {  	[spmem:s2] =	stream.indirect.scatter.add.f32 [tilespmem:s10], [sflag:$0x1], $0x10, s22, s15, $0xb8;
	[tilespmem:$0x56E0] =	vst v63  }
0x33: {  	_ = 	snop  }
0x34: {  	[spmem:s2] =	stream.indirect.scatter.add.f32 [tilespmem:s10], [sflag:$0x1], $0x10, s23, s15, $0xb8;
	[tilespmem:$0x56E0] =	vst v63  }
0x35: {  	_ = 	snop  }
0x36: {  	[spmem:s2] =	stream.indirect.scatter.add.f32 [tilespmem:s10], [sflag:$0x1], $0x10, s24, s15, $0xb8;
	[tilespmem:$0x56E0] =	vst v63  }
0x37: {  	_ = 	snop  }
0x38: {  	[spmem:s2] =	stream.indirect.scatter.add.f32 [tilespmem:s10], [sflag:$0x1], $0x10, s25, s15, $0xb8;
	[tilespmem:$0x56E0] =	vst v63  }
0x39: {  	_ = 	snop  }
0x3a: {  	[spmem:s2] =	stream.indirect.scatter.add.f32 [tilespmem:s10], [sflag:$0x1], $0x10, s26, s15, $0xb8;
	[tilespmem:$0x56E0] =	vst v63  }
0x3b: {  	_ = 	snop  }
0x3c: {  	[spmem:s2] =	stream.indirect.scatter.add.f32 [tilespmem:s10], [sflag:$0x1], $0x10, s28, s15, $0xb8;
	[tilespmem:$0x56E0] =	vst v63  }
0x3d: {  	_ = 	snop  }
0x3e: {  	[spmem:s2] =	stream.indirect.scatter.add.f32 [tilespmem:s10], [sflag:$0x1], $0x10, s29, s15, $0xb8;
	[tilespmem:$0x56E0] =	vst v63  }
0x3f: {  	_ = 	snop  }
0x40: {  	[spmem:s2] =	stream.indirect.scatter.add.f32 [tilespmem:s10], [sflag:$0x1], $0x10, s30, s15, $0xb8;
	[tilespmem:$0x56E0] =	vst v63  }
0x41: {  	_ = 	snop  }
0x42: {  	[spmem:s2] =	stream.indirect.scatter.add.f32 [tilespmem:s10], [sflag:$0x1], $0x10, s31, s15, $0xb8;
	[tilespmem:$0x56E0] =	vst v63  }
0x43: {  	_ =	swait.ge [sflag:s1], $0x7D0  }
0x44: {  	[sflag:s1] =	ssyncset.done $0x0  }
0x45: {  	[sflag:s1] =	ssyncadd.s32 $0xFFFFF830  }
0x46: {  	_ =	swait.ge [sflag:s1], $0x7D0  }
0x47: {  	[sflag:s1] =	ssyncset.done $0x0  }
0x48: {  	[sflag:s1] =	ssyncadd.s32 $0xFFFFF830  }
0x49: {  	_ =	swait.ge [sflag:s1], $0x7D0  }
0x4a: {  	[sflag:s1] =	ssyncset.done $0x0  }
0x4b: {  	[sflag:s1] =	ssyncadd.s32 $0xFFFFF830  }
0x4c: {  	_ =	swait.ge [sflag:s1], $0x7D0  }
0x4d: {  	[sflag:s1] =	ssyncset.done $0x0  }
0x4e: {  	[sflag:s1] =	ssyncadd.s32 $0xFFFFF830  }
0x4f: {  	_ =	swait.ge [sflag:s1], $0x7D0  }
0x50: {  	[sflag:s1] =	ssyncset.done $0x0  }
0x51: {  	[sflag:s1] =	ssyncadd.s32 $0xFFFFF830  }
0x52: {  	_ =	swait.ge [sflag:s1], $0x7D0  }
0x53: {  	[sflag:s1] =	ssyncset.done $0x0  }
0x54: {  	[sflag:s1] =	ssyncadd.s32 $0xFFFFF830  }
0x55: {  	_ =	swait.ge [sflag:s1], $0x7D0  }
0x56: {  	[sflag:s1] =	ssyncset.done $0x0  }
0x57: {  	[sflag:s1] =	ssyncadd.s32 $0xFFFFF830  }
0x58: {  	_ =	swait.ge [sflag:s1], $0x7D0  }
0x59: {  	[sflag:s1] =	ssyncset.done $0x0  }
0x5a: {  	[sflag:s1] =	ssyncadd.s32 $0xFFFFF830  }
0x5b: {  	_ =	swait.ge [sflag:s1], $0x7D0  }
0x5c: {  	[sflag:s1] =	ssyncset.done $0x0  }
0x5d: {  	[sflag:s1] =	ssyncadd.s32 $0xFFFFF830  }
0x5e: {  	_ =	swait.ge [sflag:s1], $0x7D0  }
0x5f: {  	[sflag:s1] =	ssyncset.done $0x0  }
0x60: {  	[sflag:s1] =	ssyncadd.s32 $0xFFFFF830  }
0x61: {  	_ =	swait.ge [sflag:s1], $0x7D0  }
0x62: {  	[sflag:s1] =	ssyncset.done $0x0  }
0x63: {  	[sflag:s1] =	ssyncadd.s32 $0xFFFFF830  }
0x64: {  	_ =	swait.ge [sflag:s1], $0x7D0  }
0x65: {  	[sflag:s1] =	ssyncset.done $0x0  }
0x66: {  	[sflag:s1] =	ssyncadd.s32 $0xFFFFF830  }
0x67: {  	_ =	swait.ge [sflag:s1], $0x7D0  }
0x68: {  	[sflag:s1] =	ssyncset.done $0x0  }
0x69: {  	[sflag:s1] =	ssyncadd.s32 $0xFFFFF830  }
0x6a: {  	_ =	swait.ge [sflag:s1], $0x7D0  }
0x6b: {  	[sflag:s1] =	ssyncset.done $0x0  }
0x6c: {  	[sflag:s1] =	ssyncadd.s32 $0xFFFFF830  }
0x6d: {  	_ =	swait.ge [sflag:s1], $0x7D0  }
0x6e: {  	[sflag:s1] =	ssyncset.done $0x0  }
0x6f: {  	[sflag:s1] =	ssyncadd.s32 $0xFFFFF830  }
0x70: {  	_ =	swait.ge [sflag:s1], $0x7D0  }
0x71: {  	[sflag:s1] =	ssyncset.done $0x0  }
0x72: {  	s18 =	simm.s32 $0x800;
	[sflag:s1] =	ssyncadd.s32 $0xFFFFF830  }
0x73: {  	[spmem:s2] =	stream.indirect.scatter.add.f32 [tilespmem:s10], [sflag:$0x1], $0x10, s18, s15, $0xb8;
	[tilespmem:$0x56E0] =	vst v63  }
0x74: {  	s17 =	simm.s32 $0x880  }
0x75: {  	[spmem:s2] =	stream.indirect.scatter.add.f32 [tilespmem:s10], [sflag:$0x1], $0x10, s17, s15, $0xb8;
	[tilespmem:$0x56E0] =	vst v63  }
0x76: {  	s18 =	simm.s32 $0x900  }
0x77: {  	[spmem:s2] =	stream.indirect.scatter.add.f32 [tilespmem:s10], [sflag:$0x1], $0x10, s18, s15, $0xb8;
	[tilespmem:$0x56E0] =	vst v63  }
0x78: {  	s17 =	simm.s32 $0x980  }
0x79: {  	[spmem:s2] =	stream.indirect.scatter.add.f32 [tilespmem:s10], [sflag:$0x1], $0x10, s17, s15, $0xb8;
	[tilespmem:$0x56E0] =	vst v63  }
0x7a: {  	s18 =	simm.s32 $0xA00  }
0x7b: {  	[spmem:s2] =	stream.indirect.scatter.add.f32 [tilespmem:s10], [sflag:$0x1], $0x10, s18, s15, $0xb8;
	[tilespmem:$0x56E0] =	vst v63  }
0x7c: {  	s17 =	simm.s32 $0xA80  }
0x7d: {  	[spmem:s2] =	stream.indirect.scatter.add.f32 [tilespmem:s10], [sflag:$0x1], $0x10, s17, s15, $0xb8;
	[tilespmem:$0x56E0] =	vst v63  }
0x7e: {  	s18 =	simm.s32 $0xB00  }
0x7f: {  	[spmem:s2] =	stream.indirect.scatter.add.f32 [tilespmem:s10], [sflag:$0x1], $0x10, s18, s15, $0xb8;
	[tilespmem:$0x56E0] =	vst v63  }
0x80: {  	s17 =	simm.s32 $0xB80  }
0x81: {  	[spmem:s2] =	stream.indirect.scatter.add.f32 [tilespmem:s10], [sflag:$0x1], $0x10, s17, s15, $0xb8;
	[tilespmem:$0x56E0] =	vst v63  }
0x82: {  	s18 =	simm.s32 $0xC00  }
0x83: {  	[spmem:s2] =	stream.indirect.scatter.add.f32 [tilespmem:s10], [sflag:$0x1], $0x10, s18, s15, $0xb8;
	[tilespmem:$0x56E0] =	vst v63  }
0x84: {  	s17 =	simm.s32 $0xC80  }
0x85: {  	[spmem:s2] =	stream.indirect.scatter.add.f32 [tilespmem:s10], [sflag:$0x1], $0x10, s17, s15, $0xb8;
	[tilespmem:$0x56E0] =	vst v63  }
0x86: {  	s18 =	simm.s32 $0xD00  }
0x87: {  	[spmem:s2] =	stream.indirect.scatter.add.f32 [tilespmem:s10], [sflag:$0x1], $0x10, s18, s15, $0xb8;
	[tilespmem:$0x56E0] =	vst v63  }
0x88: {  	s17 =	simm.s32 $0xD80  }
0x89: {  	[spmem:s2] =	stream.indirect.scatter.add.f32 [tilespmem:s10], [sflag:$0x1], $0x10, s17, s15, $0xb8;
	[tilespmem:$0x56E0] =	vst v63  }
0x8a: {  	s18 =	simm.s32 $0xE00  }
0x8b: {  	[spmem:s2] =	stream.indirect.scatter.add.f32 [tilespmem:s10], [sflag:$0x1], $0x10, s18, s15, $0xb8;
	[tilespmem:$0x56E0] =	vst v63  }
0x8c: {  	s17 =	simm.s32 $0xE80  }
0x8d: {  	[spmem:s2] =	stream.indirect.scatter.add.f32 [tilespmem:s10], [sflag:$0x1], $0x10, s17, s15, $0xb8;
	[tilespmem:$0x56E0] =	vst v63  }
0x8e: {  	s16 =	simm.s32 $0x2000;
	s18 =	simm.s32 $0xF00;
	s17 =	simm.s32 $0xF80  }
0x8f: {  	[spmem:s2] =	stream.indirect.scatter.add.f32 [tilespmem:s10], [sflag:$0x1], $0x10, s18, s15, $0xb8;
	[tilespmem:$0x56E0] =	vst v63  }
.LBB2_2:
0x90: {  	[spmem:s2] =	stream.indirect.scatter.add.f32 [tilespmem:s10], [sflag:$0x1], $0x10, s17, s15, $0xb8;
	[tilespmem:$0x56E0] =	vst v63  }
0x91: {  	s17 =	smov.u32 s16  }
0x92: {  	p1 =	sne.s32 s16, $0x6000;
	s16 =	sadd.s32 $0x2000, s16;
	_ =	swait.ge [sflag:s1], $0x7D0  }
0x93: {  	[sflag:s1] =	ssyncset.done $0x0  }
0x94: {  	[sflag:s1] =	ssyncadd.s32 $0xFFFFF830  }
0x95: {  	_ =	swait.ge [sflag:s1], $0x7D0  }
0x96: {  	[sflag:s1] =	ssyncset.done $0x0  }
0x97: {  	[sflag:s1] =	ssyncadd.s32 $0xFFFFF830  }
0x98: {  	_ =	swait.ge [sflag:s1], $0x7D0  }
0x99: {  	[sflag:s1] =	ssyncset.done $0x0  }
0x9a: {  	[sflag:s1] =	ssyncadd.s32 $0xFFFFF830  }
0x9b: {  	_ =	swait.ge [sflag:s1], $0x7D0  }
0x9c: {  	[sflag:s1] =	ssyncset.done $0x0  }
0x9d: {  	[sflag:s1] =	ssyncadd.s32 $0xFFFFF830  }
0x9e: {  	_ =	swait.ge [sflag:s1], $0x7D0  }
0x9f: {  	[sflag:s1] =	ssyncset.done $0x0  }
0xa0: {  	[sflag:s1] =	ssyncadd.s32 $0xFFFFF830  }
0xa1: {  	_ =	swait.ge [sflag:s1], $0x7D0  }
0xa2: {  	[sflag:s1] =	ssyncset.done $0x0  }
0xa3: {  	[sflag:s1] =	ssyncadd.s32 $0xFFFFF830  }
0xa4: {  	_ =	swait.ge [sflag:s1], $0x7D0  }
0xa5: {  	[sflag:s1] =	ssyncset.done $0x0  }
0xa6: {  	[sflag:s1] =	ssyncadd.s32 $0xFFFFF830  }
0xa7: {  	_ =	swait.ge [sflag:s1], $0x7D0  }
0xa8: {  	[sflag:s1] =	ssyncset.done $0x0  }
0xa9: {  	[sflag:s1] =	ssyncadd.s32 $0xFFFFF830  }
0xaa: {  	_ =	swait.ge [sflag:s1], $0x7D0  }
0xab: {  	[sflag:s1] =	ssyncset.done $0x0  }
0xac: {  	[sflag:s1] =	ssyncadd.s32 $0xFFFFF830  }
0xad: {  	_ =	swait.ge [sflag:s1], $0x7D0  }
0xae: {  	[sflag:s1] =	ssyncset.done $0x0  }
0xaf: {  	[sflag:s1] =	ssyncadd.s32 $0xFFFFF830  }
0xb0: {  	_ =	swait.ge [sflag:s1], $0x7D0  }
0xb1: {  	[sflag:s1] =	ssyncset.done $0x0  }
0xb2: {  	[sflag:s1] =	ssyncadd.s32 $0xFFFFF830  }
0xb3: {  	_ =	swait.ge [sflag:s1], $0x7D0  }
0xb4: {  	[sflag:s1] =	ssyncset.done $0x0  }
0xb5: {  	[sflag:s1] =	ssyncadd.s32 $0xFFFFF830  }
0xb6: {  	_ =	swait.ge [sflag:s1], $0x7D0  }
0xb7: {  	[sflag:s1] =	ssyncset.done $0x0  }
0xb8: {  	[sflag:s1] =	ssyncadd.s32 $0xFFFFF830  }
0xb9: {  	_ =	swait.ge [sflag:s1], $0x7D0  }
0xba: {  	[sflag:s1] =	ssyncset.done $0x0  }
0xbb: {  	[sflag:s1] =	ssyncadd.s32 $0xFFFFF830  }
0xbc: {  	_ =	swait.ge [sflag:s1], $0x7D0  }
0xbd: {  	[sflag:s1] =	ssyncset.done $0x0  }
0xbe: {  	[sflag:s1] =	ssyncadd.s32 $0xFFFFF830  }
0xbf: {  	_ =	swait.ge [sflag:s1], $0x7D0  }
0xc0: {  	s17 =	sshra.s32 s17, $0x2;
	[sflag:s1] =	ssyncset.done $0x0  }
0xc1: {  	s18 =	sadd.s32 $0x800, s17;
	[sflag:s1] =	ssyncadd.s32 $0xFFFFF830  }
0xc2: {  	[spmem:s2] =	stream.indirect.scatter.add.f32 [tilespmem:s10], [sflag:$0x1], $0x10, s18, s15, $0xb8;
	[tilespmem:$0x56E0] =	vst v63  }
0xc3: {  	s18 =	sadd.s32 $0x880, s17  }
0xc4: {  	[spmem:s2] =	stream.indirect.scatter.add.f32 [tilespmem:s10], [sflag:$0x1], $0x10, s18, s15, $0xb8;
	[tilespmem:$0x56E0] =	vst v63  }
0xc5: {  	s18 =	sadd.s32 $0x900, s17  }
0xc6: {  	[spmem:s2] =	stream.indirect.scatter.add.f32 [tilespmem:s10], [sflag:$0x1], $0x10, s18, s15, $0xb8;
	[tilespmem:$0x56E0] =	vst v63  }
0xc7: {  	s18 =	sadd.s32 $0x980, s17  }
0xc8: {  	[spmem:s2] =	stream.indirect.scatter.add.f32 [tilespmem:s10], [sflag:$0x1], $0x10, s18, s15, $0xb8;
	[tilespmem:$0x56E0] =	vst v63  }
0xc9: {  	s18 =	sadd.s32 $0xA00, s17  }
0xca: {  	[spmem:s2] =	stream.indirect.scatter.add.f32 [tilespmem:s10], [sflag:$0x1], $0x10, s18, s15, $0xb8;
	[tilespmem:$0x56E0] =	vst v63  }
0xcb: {  	s18 =	sadd.s32 $0xA80, s17  }
0xcc: {  	[spmem:s2] =	stream.indirect.scatter.add.f32 [tilespmem:s10], [sflag:$0x1], $0x10, s18, s15, $0xb8;
	[tilespmem:$0x56E0] =	vst v63  }
0xcd: {  	s18 =	sadd.s32 $0xB00, s17  }
0xce: {  	[spmem:s2] =	stream.indirect.scatter.add.f32 [tilespmem:s10], [sflag:$0x1], $0x10, s18, s15, $0xb8;
	[tilespmem:$0x56E0] =	vst v63  }
0xcf: {  	s18 =	sadd.s32 $0xB80, s17  }
0xd0: {  	[spmem:s2] =	stream.indirect.scatter.add.f32 [tilespmem:s10], [sflag:$0x1], $0x10, s18, s15, $0xb8;
	[tilespmem:$0x56E0] =	vst v63  }
0xd1: {  	s18 =	sadd.s32 $0xC00, s17  }
0xd2: {  	[spmem:s2] =	stream.indirect.scatter.add.f32 [tilespmem:s10], [sflag:$0x1], $0x10, s18, s15, $0xb8;
	[tilespmem:$0x56E0] =	vst v63  }
0xd3: {  	s18 =	sadd.s32 $0xC80, s17  }
0xd4: {  	[spmem:s2] =	stream.indirect.scatter.add.f32 [tilespmem:s10], [sflag:$0x1], $0x10, s18, s15, $0xb8;
	[tilespmem:$0x56E0] =	vst v63  }
0xd5: {  	s18 =	sadd.s32 $0xD00, s17  }
0xd6: {  	[spmem:s2] =	stream.indirect.scatter.add.f32 [tilespmem:s10], [sflag:$0x1], $0x10, s18, s15, $0xb8;
	[tilespmem:$0x56E0] =	vst v63  }
0xd7: {  	s18 =	sadd.s32 $0xD80, s17  }
0xd8: {  	[spmem:s2] =	stream.indirect.scatter.add.f32 [tilespmem:s10], [sflag:$0x1], $0x10, s18, s15, $0xb8;
	[tilespmem:$0x56E0] =	vst v63  }
0xd9: {  	s18 =	sadd.s32 $0xE00, s17  }
0xda: {  	[spmem:s2] =	stream.indirect.scatter.add.f32 [tilespmem:s10], [sflag:$0x1], $0x10, s18, s15, $0xb8;
	[tilespmem:$0x56E0] =	vst v63  }
.Ltmp0:
0xdb: {  	s18 =	sadd.s32 $0xE80, s17;
	(pc) =	sbr.rel @p1 .LBB2_2-.Ltmp0, $4  }
0xdc: {  	[spmem:s2] =	stream.indirect.scatter.add.f32 [tilespmem:s10], [sflag:$0x1], $0x10, s18, s15, $0xb8;
	[tilespmem:$0x56E0] =	vst v63  }
0xdd: {  	s18 =	sadd.s32 $0xF00, s17  }
0xde: {  	[spmem:s2] =	stream.indirect.scatter.add.f32 [tilespmem:s10], [sflag:$0x1], $0x10, s18, s15, $0xb8;
	[tilespmem:$0x56E0] =	vst v63  }
0xdf: {  	s17 =	sadd.s32 $0xF80, s17  }
0xe0: {  	[spmem:s2] =	stream.indirect.scatter.add.f32 [tilespmem:s10], [sflag:$0x1], $0x10, s17, s15, $0xb8;
	[tilespmem:$0x56E0] =	vst v63  }
0xe1: {  	_ =	swait.ge [sflag:s1], $0x7D0  }
0xe2: {  	[sflag:s1] =	ssyncset.done $0x0  }
0xe3: {  	[sflag:s1] =	ssyncadd.s32 $0xFFFFF830  }
0xe4: {  	_ =	swait.ge [sflag:s1], $0x7D0  }
0xe5: {  	[sflag:s1] =	ssyncset.done $0x0  }
0xe6: {  	[sflag:s1] =	ssyncadd.s32 $0xFFFFF830  }
0xe7: {  	_ =	swait.ge [sflag:s1], $0x7D0  }
0xe8: {  	[sflag:s1] =	ssyncset.done $0x0  }
0xe9: {  	[sflag:s1] =	ssyncadd.s32 $0xFFFFF830  }
0xea: {  	_ =	swait.ge [sflag:s1], $0x7D0  }
0xeb: {  	[sflag:s1] =	ssyncset.done $0x0  }
0xec: {  	[sflag:s1] =	ssyncadd.s32 $0xFFFFF830  }
0xed: {  	_ =	swait.ge [sflag:s1], $0x7D0  }
0xee: {  	[sflag:s1] =	ssyncset.done $0x0  }
0xef: {  	[sflag:s1] =	ssyncadd.s32 $0xFFFFF830  }
0xf0: {  	_ =	swait.ge [sflag:s1], $0x7D0  }
0xf1: {  	[sflag:s1] =	ssyncset.done $0x0  }
0xf2: {  	[sflag:s1] =	ssyncadd.s32 $0xFFFFF830  }
0xf3: {  	_ =	swait.ge [sflag:s1], $0x7D0  }
0xf4: {  	[sflag:s1] =	ssyncset.done $0x0  }
0xf5: {  	[sflag:s1] =	ssyncadd.s32 $0xFFFFF830  }
0xf6: {  	_ =	swait.ge [sflag:s1], $0x7D0  }
0xf7: {  	[sflag:s1] =	ssyncset.done $0x0  }
0xf8: {  	[sflag:s1] =	ssyncadd.s32 $0xFFFFF830  }
0xf9: {  	_ =	swait.ge [sflag:s1], $0x7D0  }
0xfa: {  	[sflag:s1] =	ssyncset.done $0x0  }
0xfb: {  	[sflag:s1] =	ssyncadd.s32 $0xFFFFF830  }
0xfc: {  	_ =	swait.ge [sflag:s1], $0x7D0  }
0xfd: {  	[sflag:s1] =	ssyncset.done $0x0  }
0xfe: {  	[sflag:s1] =	ssyncadd.s32 $0xFFFFF830  }
0xff: {  	_ =	swait.ge [sflag:s1], $0x7D0  }
0x100: {  	[sflag:s1] =	ssyncset.done $0x0  }
0x101: {  	[sflag:s1] =	ssyncadd.s32 $0xFFFFF830  }
0x102: {  	_ =	swait.ge [sflag:s1], $0x7D0  }
0x103: {  	[sflag:s1] =	ssyncset.done $0x0  }
0x104: {  	[sflag:s1] =	ssyncadd.s32 $0xFFFFF830  }
0x105: {  	_ =	swait.ge [sflag:s1], $0x7D0  }
0x106: {  	[sflag:s1] =	ssyncset.done $0x0  }
0x107: {  	[sflag:s1] =	ssyncadd.s32 $0xFFFFF830  }
0x108: {  	_ =	swait.ge [sflag:s1], $0x7D0  }
0x109: {  	[sflag:s1] =	ssyncset.done $0x0  }
0x10a: {  	[sflag:s1] =	ssyncadd.s32 $0xFFFFF830  }
0x10b: {  	_ =	swait.ge [sflag:s1], $0x7D0  }
0x10c: {  	[sflag:s1] =	ssyncset.done $0x0  }
0x10d: {  	[sflag:s1] =	ssyncadd.s32 $0xFFFFF830  }
0x10e: {  	_ =	swait.ge [sflag:s1], $0x7D0  }
0x10f: {  	[sflag:s1] =	ssyncset.done $0x0  }
0x110: {  	[sflag:s1] =	ssyncadd.s32 $0xFFFFF830  }
0x111: {  	[bflag:$0x0] =	sbarrier.arrive $0xFFFF  }
0x112: {  	[hbm:s7], [sflag:s12] =	dma.local [spmem:s13], $0x4E0  }
0x113: {  	s0 =	sadd.s32 $0x1, s0;
	_ =	swait.ge [sflag:s11], $0x4E0  }
0x114: {  	p1 =	sne.s32 s0, s9;
	[sflag:s11] =	ssyncset.done $0x0  }
.Ltmp1:
0x115: {  	s16 =	simm.s32 @!p0 $0x2;
	[sflag:s11] =	ssyncadd.s32 $0xFFFFFB20;
	(pc) =	sbr.rel @p1 .LBB2_1-.Ltmp1, $4  }
0x116: {  	[hbm:s8], [sflag:s12] =	dma.local @!p0 [spmem:s14], $0x20  }
0x117: {  	_ =	swait.ge @!p0 [sflag:s16], $0x20  }
0x118: {  	[sflag:s16] =	ssyncset.done @!p0 $0x0  }
0x119: {  	[sflag:s16] =	ssyncadd.s32 @!p0 $0xFFFFFFE0  }
0x11a: {  	_ =	sfence.sel $0x180000  }
0x11b: {  	[bflag:$0x0] =	sbarrier.arrive $0xFFFF  }
0x11c: {  	_ =	strace $0x90000047  }
0x11d: {  	s0 =	stileid.u32;
	[bflag:$0x2] =	sbarrier.arrive $0xFFFF  }
0x11e: {  	p0 =	sne.s32 s0, $0x0;
	s0 =	rddreg [dreg:$0x2]  }
0x11f: {  	s0 =	sadd.s32 @!p0 $0x100000, s0  }
0x120: {  	[sflag:s0] =	ssyncadd.tile.s32 @!p0 $0x1;
	_ =	shalt  }
.Lfunc_end2:
_tile_overlayer_lowered:
.L_overlay_start_2:
0x121: {  	(tag) =	ssettag $0x2  }
0x122: {  	s0 =	rddreg [dreg:$0x0];
	s2 =	stileid.u32  }
0x123: {  	s1 =	rddreg [dreg:$0x1];
	p0 =	sne.s32 s2, $0x0  }
0x124: {  	s3 =	rddreg [dreg:$0x2];
	[bflag:$0x3] =	sbarrier.arrive $0xFFFF;
	s2 =	simm.s32 @!p0 $0x1C02  }
0x125: {  	[timem:s3], [sflag:s2] =	dma.local @!p0 [hbm:s0], s1  }
0x126: {  	s0 =	simm.s32 @!p0 $0x2  }
0x127: {  	_ =	swait.ge @!p0 [sflag:s0], s1  }
0x128: {  	s1 =	ssub.s32 @!p0 $0x0, s1;
	[sflag:s0] =	ssyncset.done @!p0 $0x0  }
0x129: {  	[sflag:s0] =	ssyncadd.s32 @!p0 s1  }
0x12a: {  	[bflag:$0x3] =	sbarrier.arrive $0xFFFF  }
0x12b: {  	_ =	shalt  }

</sc_bundles>
